<compile_context>
chip_gen: v7x
topology: tpu7x:2x2x1
jax: 0.10.2.dev20260603
libtpu: 0.0.44.dev20260713+nightly
codegen_flags: <defaults>
</compile_context>

<pallas_src>
import jax
import jax.numpy as jnp
from jax import lax
from jax.experimental import pallas as pl
from jax.experimental.pallas import tpu as pltpu
from jax.experimental.pallas import tpu_sc as plsc

NC, NS, L = 2, 16, 16
NW = NC * NS
B, SEQ, T, D = 1024, 50, 26, 32
PLANES = SEQ * T
PPW = (PLANES + NW - 1) // NW
PLANE = D * B
NBUF = 3


def _body(xt_hbm, tab_hbm, out_hbm, xs_v, t2_v, rep_v, stg_v, sem, sem_x):
    wid = lax.axis_index("s") * NC + lax.axis_index("c")

    pltpu.sync_copy(tab_hbm.at[pl.ds(0, 2 * D)], t2_v)
    halves = [t2_v[pl.ds(h * L, L)] for h in range(4)]

    for i in range(D):
        rep_v[pl.ds(i * L, L)] = jnp.full((L,), halves[i // L][i % L])
        rep_v[pl.ds((D + i) * L, L)] = jnp.full((L,), halves[2 + i // L][i % L])

    def build_plane(t, bo, xo):
        for dth in range(2):
            r0 = [rep_v[pl.ds((dth * 16 + j) * L, L)] for j in range(16)]
            r1 = [rep_v[pl.ds((D + dth * 16 + j) * L, L)] for j in range(16)]

            def chunk(k, _, dth=dth, r0=r0, r1=r1):
                xv = xs_v[pl.ds(xo + k * L, L)]
                mk = xv == t
                base = bo + (k // 8) * B + (k % 8) * L
                for j in range(16):
                    off = base + (dth * 16 + (j // 8) * 8) * B + (j % 8) * 128
                    stg_v[pl.ds(off, L)] = jnp.where(mk, r1[j], r0[j])
                return _
            lax.fori_loop(0, B // L, chunk, None, unroll=8)

    nP = jnp.where(wid < PLANES - (PPW - 1) * NW, PPW, PPW - 1)

    pltpu.async_copy(xt_hbm.at[pl.ds((wid // T) * B, B)],
                     xs_v.at[pl.ds(0, B)], sem_x)

    def step(i, _):
        p = wid + i * NW

        @pl.when(jnp.logical_and(i >= NBUF, i - NBUF < nP))
        def _wait():
            pltpu.make_async_copy(
                stg_v.at[pl.ds(0, PLANE)],
                out_hbm.at[pl.ds(0, PLANE)],
                sem).wait()

        @pl.when(i < nP)
        def _work():
            xo = lax.rem(i, 2) * B
            pltpu.make_async_copy(
                xt_hbm.at[pl.ds(0, B)], xs_v.at[pl.ds(0, B)], sem_x).wait()

            @pl.when(i + 1 < nP)
            def _prefetch():
                s_next = (p + NW) // T
                pltpu.async_copy(
                    xt_hbm.at[pl.ds(s_next * B, B)],
                    xs_v.at[pl.ds((B - xo) % (2 * B), B)], sem_x)

            t = p % T
            b = lax.rem(i, NBUF)
            build_plane(t, b * PLANE, xo)
            pltpu.async_copy(
                stg_v.at[pl.ds(b * PLANE, PLANE)],
                out_hbm.at[pl.ds(p * PLANE, PLANE)],
                sem)
        return _
    lax.fori_loop(0, PPW + NBUF, step, None)


@jax.jit
def _run(xt_flat, tab_flat):
    mesh = plsc.VectorSubcoreMesh(
        core_axis_name="c", subcore_axis_name="s",
        num_cores=NC, num_subcores=NS)
    return pl.kernel(
        _body,
        out_type=jax.ShapeDtypeStruct((PLANES * PLANE,), jnp.float32),
        mesh=mesh,
        scratch_types=[
            pltpu.VMEM((2 * B,), jnp.int32),
            pltpu.VMEM((2 * D,), jnp.float32),
            pltpu.VMEM((2 * D * L,), jnp.float32),
            pltpu.VMEM((NBUF * PLANE,), jnp.float32),
            pltpu.SemaphoreType.DMA,
            pltpu.SemaphoreType.DMA,
        ],
    )(xt_flat, tab_flat)


def kernel(x, table):
    xt = x.T.reshape(-1)
    flat = _run(xt, table.reshape(-1))
    o6 = flat.reshape(SEQ, T, 4, 8, 8, 128)
    z = o6.transpose(3, 5, 0, 1, 2, 4)
    return z.reshape(B, SEQ, T, D)

# --- scband reference (transcript-rebuilt; emitter-appended) ---
"""Pipeline reference for scband-type-embedding-60876866454015 (READ-ONLY COPY).

The authoritative reference and input builder live on the scoring server;
editing this copy changes nothing except your own understanding.
"""

import jax, jax.numpy as jnp
import numpy as np


def setup_inputs(seed: int = 0) -> dict:
    key = jax.random.key(seed)
    k1, k2 = jax.random.split(key)
    x = jax.random.randint(k1, (1024, 50), 0, 26, dtype=jnp.int32)
    # nn.Embedding(num_type, embedding_dim) weight, default N(0,1) init
    table = jax.random.normal(k2, (26, 32), dtype=jnp.float32)
    return {"x": x, "table": table}


def reference(x, table):
    # Faithful translation of TypeEmbedding.forward:
    #   Y = F.one_hot(x, num_type)              -> int one-hot [B, L, num_type]
    #   event_embedding = self.embedding(Y)     -> table[Y] -> [B, L, num_type, embedding_dim]
    # Note the quirk: the embedding is indexed by the 0/1 one-hot values, so only
    # rows 0 and 1 of the table are ever gathered, but the output retains the
    # full [.., num_type, embedding_dim] trailing shape.
    num_type = table.shape[0]
    Y = (x[..., None] == jnp.arange(num_type, dtype=x.dtype)).astype(jnp.int32)
    event_embedding = jnp.take(table, Y, axis=0)
    return event_embedding

if __name__ == "__main__":
    import jax
    _d = setup_inputs()
    print(jax.jit(kernel)(*tuple(_d.values())))

</pallas_src>

<mosaic_0001>
#map = affine_map<(d0, d1) -> (0)>
module attributes {stable_mosaic.version = 14 : i64} {
  func.func @_body(%arg0: i32, %arg1: i32, %arg2: memref<51200xi32, #tpu.memory_space<hbm>>, %arg3: memref<832xf32, #tpu.memory_space<hbm>>, %arg4: memref<42598400xf32, #tpu.memory_space<hbm>>, %arg5: memref<2048xi32, #tpu.memory_space<vmem>>, %arg6: memref<64xf32, #tpu.memory_space<vmem>>, %arg7: memref<1024xf32, #tpu.memory_space<vmem>>, %arg8: memref<98304xf32, #tpu.memory_space<vmem>>, %arg9: memref<!tpu.dma_semaphore, #tpu.memory_space<semaphore_mem>>, %arg10: memref<!tpu.dma_semaphore, #tpu.memory_space<semaphore_mem>>) attributes {dimension_semantics = [#tpu.dimension_semantics<core_parallel>, #tpu.dimension_semantics<subcore_parallel>], iteration_bounds = array<i64: 2, 16>, scalar_prefetch = 0 : i64, scratch_operands = 6 : i64, tpu.core_type = #tpu.core_type<sc_vector_subcore>, window_params = [{transform_indices = #map}, {transform_indices = #map}, {transform_indices = #map}]} {
    %mul3A = arith.constant 2 : i32
    %mul3A_0 = arith.muli %arg1, %mul3A : i32
    %add3A = arith.addi %mul3A_0, %arg0 : i32
    "tpu.region"() ({
      %run_scoped3A = tpu.sem_alloc : memref<!tpu.dma_semaphore, #tpu.memory_space<semaphore_mem>>
      %dma_start3A_487 = arith.constant 0 : i32
      %dma_start3A_488 = tpu.memref_slice %arg3[%dma_start3A_487] : memref<832xf32, #tpu.memory_space<hbm>> -> memref<64xf32, #tpu.memory_space<hbm>>
      %dma_start3A_489 = arith.constant 0 : i32
      %dma_start3A_490 = tpu.memref_slice %arg3[%dma_start3A_489] : memref<832xf32, #tpu.memory_space<hbm>> -> memref<64xf32, #tpu.memory_space<hbm>>
      tpu.enqueue_dma source(%dma_start3A_490 : memref<64xf32, #tpu.memory_space<hbm>>) target(%arg6 : memref<64xf32, #tpu.memory_space<vmem>>) target_semaphore(%run_scoped3A : memref<!tpu.dma_semaphore, #tpu.memory_space<semaphore_mem>>)
      %dma_wait3A = arith.constant 0 : i32
      %dma_wait3A_491 = tpu.memref_slice %arg3[%dma_wait3A] : memref<832xf32, #tpu.memory_space<hbm>> -> memref<64xf32, #tpu.memory_space<hbm>>
      %dma_wait3A_492 = arith.constant 0 : i32
      %dma_wait3A_493 = tpu.memref_slice %arg3[%dma_wait3A_492] : memref<832xf32, #tpu.memory_space<hbm>> -> memref<64xf32, #tpu.memory_space<hbm>>
      tpu.wait_dma2 semaphore(%run_scoped3A : memref<!tpu.dma_semaphore, #tpu.memory_space<semaphore_mem>>) src(%dma_wait3A_493 : memref<64xf32, #tpu.memory_space<hbm>>) dst(%arg6 : memref<64xf32, #tpu.memory_space<vmem>>)
      tpu.yield
    }) : () -> ()
    %get3A = arith.constant 0 : index
    %get3A_1 = tpu.vector_load %arg6[%get3A] {strides = array<i32>} : memref<64xf32, #tpu.memory_space<vmem>>, vector<16xf32>,
    %get3A_2 = vector.shape_cast %get3A_1 : vector<16xf32> to vector<16xf32>
    %get3A_3 = arith.constant 16 : index
    %get3A_4 = tpu.vector_load %arg6[%get3A_3] {strides = array<i32>} : memref<64xf32, #tpu.memory_space<vmem>>, vector<16xf32>,
    %get3A_5 = vector.shape_cast %get3A_4 : vector<16xf32> to vector<16xf32>
    %get3A_6 = arith.constant 32 : index
    %get3A_7 = tpu.vector_load %arg6[%get3A_6] {strides = array<i32>} : memref<64xf32, #tpu.memory_space<vmem>>, vector<16xf32>,
    %get3A_8 = vector.shape_cast %get3A_7 : vector<16xf32> to vector<16xf32>
    %get3A_9 = arith.constant 48 : index
    %get3A_10 = tpu.vector_load %arg6[%get3A_9] {strides = array<i32>} : memref<64xf32, #tpu.memory_space<vmem>>, vector<16xf32>,
    %get3A_11 = vector.shape_cast %get3A_10 : vector<16xf32> to vector<16xf32>
    %slice3A = vector.extract_strided_slice %get3A_2 {offsets = [0], sizes = [1], strides = [1]} : vector<16xf32> to vector<1xf32>
    %squeeze3A = vector.extract %slice3A[0] : f32 from vector<1xf32>
    %broadcast_in_dim3A = vector.broadcast %squeeze3A : f32 to vector<16xf32>
    %swap3A = arith.constant 0 : index
    %swap3A_12 = tpu.vector_load %arg7[%swap3A] {strides = array<i32>} : memref<1024xf32, #tpu.memory_space<vmem>>, vector<16xf32>,
    %swap3A_13 = vector.shape_cast %swap3A_12 : vector<16xf32> to vector<16xf32>
    %swap3A_14 = vector.shape_cast %broadcast_in_dim3A : vector<16xf32> to vector<16xf32>
    tpu.vector_store %arg7[%swap3A], %swap3A_14 {strides = array<i32>} : memref<1024xf32, #tpu.memory_space<vmem>>, vector<16xf32>,
    %slice3A_15 = vector.extract_strided_slice %get3A_8 {offsets = [0], sizes = [1], strides = [1]} : vector<16xf32> to vector<1xf32>
    %squeeze3A_16 = vector.extract %slice3A_15[0] : f32 from vector<1xf32>
    %broadcast_in_dim3A_17 = vector.broadcast %squeeze3A_16 : f32 to vector<16xf32>
    %swap3A_18 = arith.constant 512 : index
    %swap3A_19 = tpu.vector_load %arg7[%swap3A_18] {strides = array<i32>} : memref<1024xf32, #tpu.memory_space<vmem>>, vector<16xf32>,
    %swap3A_20 = vector.shape_cast %swap3A_19 : vector<16xf32> to vector<16xf32>
    %swap3A_21 = vector.shape_cast %broadcast_in_dim3A_17 : vector<16xf32> to vector<16xf32>
    tpu.vector_store %arg7[%swap3A_18], %swap3A_21 {strides = array<i32>} : memref<1024xf32, #tpu.memory_space<vmem>>, vector<16xf32>,
    %slice3A_22 = vector.extract_strided_slice %get3A_2 {offsets = [1], sizes = [1], strides = [1]} : vector<16xf32> to vector<1xf32>
    %squeeze3A_23 = vector.extract %slice3A_22[0] : f32 from vector<1xf32>
    %broadcast_in_dim3A_24 = vector.broadcast %squeeze3A_23 : f32 to vector<16xf32>
    %swap3A_25 = arith.constant 16 : index
    %swap3A_26 = tpu.vector_load %arg7[%swap3A_25] {strides = array<i32>} : memref<1024xf32, #tpu.memory_space<vmem>>, vector<16xf32>,
    %swap3A_27 = vector.shape_cast %swap3A_26 : vector<16xf32> to vector<16xf32>
    %swap3A_28 = vector.shape_cast %broadcast_in_dim3A_24 : vector<16xf32> to vector<16xf32>
    tpu.vector_store %arg7[%swap3A_25], %swap3A_28 {strides = array<i32>} : memref<1024xf32, #tpu.memory_space<vmem>>, vector<16xf32>,
    %slice3A_29 = vector.extract_strided_slice %get3A_8 {offsets = [1], sizes = [1], strides = [1]} : vector<16xf32> to vector<1xf32>
    %squeeze3A_30 = vector.extract %slice3A_29[0] : f32 from vector<1xf32>
    %broadcast_in_dim3A_31 = vector.broadcast %squeeze3A_30 : f32 to vector<16xf32>
    %swap3A_32 = arith.constant 528 : index
    %swap3A_33 = tpu.vector_load %arg7[%swap3A_32] {strides = array<i32>} : memref<1024xf32, #tpu.memory_space<vmem>>, vector<16xf32>,
    %swap3A_34 = vector.shape_cast %swap3A_33 : vector<16xf32> to vector<16xf32>
    %swap3A_35 = vector.shape_cast %broadcast_in_dim3A_31 : vector<16xf32> to vector<16xf32>
    tpu.vector_store %arg7[%swap3A_32], %swap3A_35 {strides = array<i32>} : memref<1024xf32, #tpu.memory_space<vmem>>, vector<16xf32>,
    %slice3A_36 = vector.extract_strided_slice %get3A_2 {offsets = [2], sizes = [1], strides = [1]} : vector<16xf32> to vector<1xf32>
    %squeeze3A_37 = vector.extract %slice3A_36[0] : f32 from vector<1xf32>
    %broadcast_in_dim3A_38 = vector.broadcast %squeeze3A_37 : f32 to vector<16xf32>
    %swap3A_39 = arith.constant 32 : index
    %swap3A_40 = tpu.vector_load %arg7[%swap3A_39] {strides = array<i32>} : memref<1024xf32, #tpu.memory_space<vmem>>, vector<16xf32>,
    %swap3A_41 = vector.shape_cast %swap3A_40 : vector<16xf32> to vector<16xf32>
    %swap3A_42 = vector.shape_cast %broadcast_in_dim3A_38 : vector<16xf32> to vector<16xf32>
    tpu.vector_store %arg7[%swap3A_39], %swap3A_42 {strides = array<i32>} : memref<1024xf32, #tpu.memory_space<vmem>>, vector<16xf32>,
    %slice3A_43 = vector.extract_strided_slice %get3A_8 {offsets = [2], sizes = [1], strides = [1]} : vector<16xf32> to vector<1xf32>
    %squeeze3A_44 = vector.extract %slice3A_43[0] : f32 from vector<1xf32>
    %broadcast_in_dim3A_45 = vector.broadcast %squeeze3A_44 : f32 to vector<16xf32>
    %swap3A_46 = arith.constant 544 : index
    %swap3A_47 = tpu.vector_load %arg7[%swap3A_46] {strides = array<i32>} : memref<1024xf32, #tpu.memory_space<vmem>>, vector<16xf32>,
    %swap3A_48 = vector.shape_cast %swap3A_47 : vector<16xf32> to vector<16xf32>
    %swap3A_49 = vector.shape_cast %broadcast_in_dim3A_45 : vector<16xf32> to vector<16xf32>
    tpu.vector_store %arg7[%swap3A_46], %swap3A_49 {strides = array<i32>} : memref<1024xf32, #tpu.memory_space<vmem>>, vector<16xf32>,
    %slice3A_50 = vector.extract_strided_slice %get3A_2 {offsets = [3], sizes = [1], strides = [1]} : vector<16xf32> to vector<1xf32>
    %squeeze3A_51 = vector.extract %slice3A_50[0] : f32 from vector<1xf32>
    %broadcast_in_dim3A_52 = vector.broadcast %squeeze3A_51 : f32 to vector<16xf32>
    %swap3A_53 = arith.constant 48 : index
    %swap3A_54 = tpu.vector_load %arg7[%swap3A_53] {strides = array<i32>} : memref<1024xf32, #tpu.memory_space<vmem>>, vector<16xf32>,
    %swap3A_55 = vector.shape_cast %swap3A_54 : vector<16xf32> to vector<16xf32>
    %swap3A_56 = vector.shape_cast %broadcast_in_dim3A_52 : vector<16xf32> to vector<16xf32>
    tpu.vector_store %arg7[%swap3A_53], %swap3A_56 {strides = array<i32>} : memref<1024xf32, #tpu.memory_space<vmem>>, vector<16xf32>,
    %slice3A_57 = vector.extract_strided_slice %get3A_8 {offsets = [3], sizes = [1], strides = [1]} : vector<16xf32> to vector<1xf32>
    %squeeze3A_58 = vector.extract %slice3A_57[0] : f32 from vector<1xf32>
    %broadcast_in_dim3A_59 = vector.broadcast %squeeze3A_58 : f32 to vector<16xf32>
    %swap3A_60 = arith.constant 560 : index
    %swap3A_61 = tpu.vector_load %arg7[%swap3A_60] {strides = array<i32>} : memref<1024xf32, #tpu.memory_space<vmem>>, vector<16xf32>,
    %swap3A_62 = vector.shape_cast %swap3A_61 : vector<16xf32> to vector<16xf32>
    %swap3A_63 = vector.shape_cast %broadcast_in_dim3A_59 : vector<16xf32> to vector<16xf32>
    tpu.vector_store %arg7[%swap3A_60], %swap3A_63 {strides = array<i32>} : memref<1024xf32, #tpu.memory_space<vmem>>, vector<16xf32>,
    %slice3A_64 = vector.extract_strided_slice %get3A_2 {offsets = [4], sizes = [1], strides = [1]} : vector<16xf32> to vector<1xf32>
    %squeeze3A_65 = vector.extract %slice3A_64[0] : f32 from vector<1xf32>
    %broadcast_in_dim3A_66 = vector.broadcast %squeeze3A_65 : f32 to vector<16xf32>
    %swap3A_67 = arith.constant 64 : index
    %swap3A_68 = tpu.vector_load %arg7[%swap3A_67] {strides = array<i32>} : memref<1024xf32, #tpu.memory_space<vmem>>, vector<16xf32>,
    %swap3A_69 = vector.shape_cast %swap3A_68 : vector<16xf32> to vector<16xf32>
    %swap3A_70 = vector.shape_cast %broadcast_in_dim3A_66 : vector<16xf32> to vector<16xf32>
    tpu.vector_store %arg7[%swap3A_67], %swap3A_70 {strides = array<i32>} : memref<1024xf32, #tpu.memory_space<vmem>>, vector<16xf32>,
    %slice3A_71 = vector.extract_strided_slice %get3A_8 {offsets = [4], sizes = [1], strides = [1]} : vector<16xf32> to vector<1xf32>
    %squeeze3A_72 = vector.extract %slice3A_71[0] : f32 from vector<1xf32>
    %broadcast_in_dim3A_73 = vector.broadcast %squeeze3A_72 : f32 to vector<16xf32>
    %swap3A_74 = arith.constant 576 : index
    %swap3A_75 = tpu.vector_load %arg7[%swap3A_74] {strides = array<i32>} : memref<1024xf32, #tpu.memory_space<vmem>>, vector<16xf32>,
    %swap3A_76 = vector.shape_cast %swap3A_75 : vector<16xf32> to vector<16xf32>
    %swap3A_77 = vector.shape_cast %broadcast_in_dim3A_73 : vector<16xf32> to vector<16xf32>
    tpu.vector_store %arg7[%swap3A_74], %swap3A_77 {strides = array<i32>} : memref<1024xf32, #tpu.memory_space<vmem>>, vector<16xf32>,
    %slice3A_78 = vector.extract_strided_slice %get3A_2 {offsets = [5], sizes = [1], strides = [1]} : vector<16xf32> to vector<1xf32>
    %squeeze3A_79 = vector.extract %slice3A_78[0] : f32 from vector<1xf32>
    %broadcast_in_dim3A_80 = vector.broadcast %squeeze3A_79 : f32 to vector<16xf32>
    %swap3A_81 = arith.constant 80 : index
    %swap3A_82 = tpu.vector_load %arg7[%swap3A_81] {strides = array<i32>} : memref<1024xf32, #tpu.memory_space<vmem>>, vector<16xf32>,
    %swap3A_83 = vector.shape_cast %swap3A_82 : vector<16xf32> to vector<16xf32>
    %swap3A_84 = vector.shape_cast %broadcast_in_dim3A_80 : vector<16xf32> to vector<16xf32>
    tpu.vector_store %arg7[%swap3A_81], %swap3A_84 {strides = array<i32>} : memref<1024xf32, #tpu.memory_space<vmem>>, vector<16xf32>,
    %slice3A_85 = vector.extract_strided_slice %get3A_8 {offsets = [5], sizes = [1], strides = [1]} : vector<16xf32> to vector<1xf32>
    %squeeze3A_86 = vector.extract %slice3A_85[0] : f32 from vector<1xf32>
    %broadcast_in_dim3A_87 = vector.broadcast %squeeze3A_86 : f32 to vector<16xf32>
    %swap3A_88 = arith.constant 592 : index
    %swap3A_89 = tpu.vector_load %arg7[%swap3A_88] {strides = array<i32>} : memref<1024xf32, #tpu.memory_space<vmem>>, vector<16xf32>,
    %swap3A_90 = vector.shape_cast %swap3A_89 : vector<16xf32> to vector<16xf32>
    %swap3A_91 = vector.shape_cast %broadcast_in_dim3A_87 : vector<16xf32> to vector<16xf32>
    tpu.vector_store %arg7[%swap3A_88], %swap3A_91 {strides = array<i32>} : memref<1024xf32, #tpu.memory_space<vmem>>, vector<16xf32>,
    %slice3A_92 = vector.extract_strided_slice %get3A_2 {offsets = [6], sizes = [1], strides = [1]} : vector<16xf32> to vector<1xf32>
    %squeeze3A_93 = vector.extract %slice3A_92[0] : f32 from vector<1xf32>
    %broadcast_in_dim3A_94 = vector.broadcast %squeeze3A_93 : f32 to vector<16xf32>
    %swap3A_95 = arith.constant 96 : index
    %swap3A_96 = tpu.vector_load %arg7[%swap3A_95] {strides = array<i32>} : memref<1024xf32, #tpu.memory_space<vmem>>, vector<16xf32>,
    %swap3A_97 = vector.shape_cast %swap3A_96 : vector<16xf32> to vector<16xf32>
    %swap3A_98 = vector.shape_cast %broadcast_in_dim3A_94 : vector<16xf32> to vector<16xf32>
    tpu.vector_store %arg7[%swap3A_95], %swap3A_98 {strides = array<i32>} : memref<1024xf32, #tpu.memory_space<vmem>>, vector<16xf32>,
    %slice3A_99 = vector.extract_strided_slice %get3A_8 {offsets = [6], sizes = [1], strides = [1]} : vector<16xf32> to vector<1xf32>
    %squeeze3A_100 = vector.extract %slice3A_99[0] : f32 from vector<1xf32>
    %broadcast_in_dim3A_101 = vector.broadcast %squeeze3A_100 : f32 to vector<16xf32>
    %swap3A_102 = arith.constant 608 : index
    %swap3A_103 = tpu.vector_load %arg7[%swap3A_102] {strides = array<i32>} : memref<1024xf32, #tpu.memory_space<vmem>>, vector<16xf32>,
    %swap3A_104 = vector.shape_cast %swap3A_103 : vector<16xf32> to vector<16xf32>
    %swap3A_105 = vector.shape_cast %broadcast_in_dim3A_101 : vector<16xf32> to vector<16xf32>
    tpu.vector_store %arg7[%swap3A_102], %swap3A_105 {strides = array<i32>} : memref<1024xf32, #tpu.memory_space<vmem>>, vector<16xf32>,
    %slice3A_106 = vector.extract_strided_slice %get3A_2 {offsets = [7], sizes = [1], strides = [1]} : vector<16xf32> to vector<1xf32>
    %squeeze3A_107 = vector.extract %slice3A_106[0] : f32 from vector<1xf32>
    %broadcast_in_dim3A_108 = vector.broadcast %squeeze3A_107 : f32 to vector<16xf32>
    %swap3A_109 = arith.constant 112 : index
    %swap3A_110 = tpu.vector_load %arg7[%swap3A_109] {strides = array<i32>} : memref<1024xf32, #tpu.memory_space<vmem>>, vector<16xf32>,
    %swap3A_111 = vector.shape_cast %swap3A_110 : vector<16xf32> to vector<16xf32>
    %swap3A_112 = vector.shape_cast %broadcast_in_dim3A_108 : vector<16xf32> to vector<16xf32>
    tpu.vector_store %arg7[%swap3A_109], %swap3A_112 {strides = array<i32>} : memref<1024xf32, #tpu.memory_space<vmem>>, vector<16xf32>,
    %slice3A_113 = vector.extract_strided_slice %get3A_8 {offsets = [7], sizes = [1], strides = [1]} : vector<16xf32> to vector<1xf32>
    %squeeze3A_114 = vector.extract %slice3A_113[0] : f32 from vector<1xf32>
    %broadcast_in_dim3A_115 = vector.broadcast %squeeze3A_114 : f32 to vector<16xf32>
    %swap3A_116 = arith.constant 624 : index
    %swap3A_117 = tpu.vector_load %arg7[%swap3A_116] {strides = array<i32>} : memref<1024xf32, #tpu.memory_space<vmem>>, vector<16xf32>,
    %swap3A_118 = vector.shape_cast %swap3A_117 : vector<16xf32> to vector<16xf32>
    %swap3A_119 = vector.shape_cast %broadcast_in_dim3A_115 : vector<16xf32> to vector<16xf32>
    tpu.vector_store %arg7[%swap3A_116], %swap3A_119 {strides = array<i32>} : memref<1024xf32, #tpu.memory_space<vmem>>, vector<16xf32>,
    %slice3A_120 = vector.extract_strided_slice %get3A_2 {offsets = [8], sizes = [1], strides = [1]} : vector<16xf32> to vector<1xf32>
    %squeeze3A_121 = vector.extract %slice3A_120[0] : f32 from vector<1xf32>
    %broadcast_in_dim3A_122 = vector.broadcast %squeeze3A_121 : f32 to vector<16xf32>
    %swap3A_123 = arith.constant 128 : index
    %swap3A_124 = tpu.vector_load %arg7[%swap3A_123] {strides = array<i32>} : memref<1024xf32, #tpu.memory_space<vmem>>, vector<16xf32>,
    %swap3A_125 = vector.shape_cast %swap3A_124 : vector<16xf32> to vector<16xf32>
    %swap3A_126 = vector.shape_cast %broadcast_in_dim3A_122 : vector<16xf32> to vector<16xf32>
    tpu.vector_store %arg7[%swap3A_123], %swap3A_126 {strides = array<i32>} : memref<1024xf32, #tpu.memory_space<vmem>>, vector<16xf32>,
    %slice3A_127 = vector.extract_strided_slice %get3A_8 {offsets = [8], sizes = [1], strides = [1]} : vector<16xf32> to vector<1xf32>
    %squeeze3A_128 = vector.extract %slice3A_127[0] : f32 from vector<1xf32>
    %broadcast_in_dim3A_129 = vector.broadcast %squeeze3A_128 : f32 to vector<16xf32>
    %swap3A_130 = arith.constant 640 : index
    %swap3A_131 = tpu.vector_load %arg7[%swap3A_130] {strides = array<i32>} : memref<1024xf32, #tpu.memory_space<vmem>>, vector<16xf32>,
    %swap3A_132 = vector.shape_cast %swap3A_131 : vector<16xf32> to vector<16xf32>
    %swap3A_133 = vector.shape_cast %broadcast_in_dim3A_129 : vector<16xf32> to vector<16xf32>
    tpu.vector_store %arg7[%swap3A_130], %swap3A_133 {strides = array<i32>} : memref<1024xf32, #tpu.memory_space<vmem>>, vector<16xf32>,
    %slice3A_134 = vector.extract_strided_slice %get3A_2 {offsets = [9], sizes = [1], strides = [1]} : vector<16xf32> to vector<1xf32>
    %squeeze3A_135 = vector.extract %slice3A_134[0] : f32 from vector<1xf32>
    %broadcast_in_dim3A_136 = vector.broadcast %squeeze3A_135 : f32 to vector<16xf32>
    %swap3A_137 = arith.constant 144 : index
    %swap3A_138 = tpu.vector_load %arg7[%swap3A_137] {strides = array<i32>} : memref<1024xf32, #tpu.memory_space<vmem>>, vector<16xf32>,
    %swap3A_139 = vector.shape_cast %swap3A_138 : vector<16xf32> to vector<16xf32>
    %swap3A_140 = vector.shape_cast %broadcast_in_dim3A_136 : vector<16xf32> to vector<16xf32>
    tpu.vector_store %arg7[%swap3A_137], %swap3A_140 {strides = array<i32>} : memref<1024xf32, #tpu.memory_space<vmem>>, vector<16xf32>,
    %slice3A_141 = vector.extract_strided_slice %get3A_8 {offsets = [9], sizes = [1], strides = [1]} : vector<16xf32> to vector<1xf32>
    %squeeze3A_142 = vector.extract %slice3A_141[0] : f32 from vector<1xf32>
    %broadcast_in_dim3A_143 = vector.broadcast %squeeze3A_142 : f32 to vector<16xf32>
    %swap3A_144 = arith.constant 656 : index
    %swap3A_145 = tpu.vector_load %arg7[%swap3A_144] {strides = array<i32>} : memref<1024xf32, #tpu.memory_space<vmem>>, vector<16xf32>,
    %swap3A_146 = vector.shape_cast %swap3A_145 : vector<16xf32> to vector<16xf32>
    %swap3A_147 = vector.shape_cast %broadcast_in_dim3A_143 : vector<16xf32> to vector<16xf32>
    tpu.vector_store %arg7[%swap3A_144], %swap3A_147 {strides = array<i32>} : memref<1024xf32, #tpu.memory_space<vmem>>, vector<16xf32>,
    %slice3A_148 = vector.extract_strided_slice %get3A_2 {offsets = [10], sizes = [1], strides = [1]} : vector<16xf32> to vector<1xf32>
    %squeeze3A_149 = vector.extract %slice3A_148[0] : f32 from vector<1xf32>
    %broadcast_in_dim3A_150 = vector.broadcast %squeeze3A_149 : f32 to vector<16xf32>
    %swap3A_151 = arith.constant 160 : index
    %swap3A_152 = tpu.vector_load %arg7[%swap3A_151] {strides = array<i32>} : memref<1024xf32, #tpu.memory_space<vmem>>, vector<16xf32>,
    %swap3A_153 = vector.shape_cast %swap3A_152 : vector<16xf32> to vector<16xf32>
    %swap3A_154 = vector.shape_cast %broadcast_in_dim3A_150 : vector<16xf32> to vector<16xf32>
    tpu.vector_store %arg7[%swap3A_151], %swap3A_154 {strides = array<i32>} : memref<1024xf32, #tpu.memory_space<vmem>>, vector<16xf32>,
    %slice3A_155 = vector.extract_strided_slice %get3A_8 {offsets = [10], sizes = [1], strides = [1]} : vector<16xf32> to vector<1xf32>
    %squeeze3A_156 = vector.extract %slice3A_155[0] : f32 from vector<1xf32>
    %broadcast_in_dim3A_157 = vector.broadcast %squeeze3A_156 : f32 to vector<16xf32>
    %swap3A_158 = arith.constant 672 : index
    %swap3A_159 = tpu.vector_load %arg7[%swap3A_158] {strides = array<i32>} : memref<1024xf32, #tpu.memory_space<vmem>>, vector<16xf32>,
    %swap3A_160 = vector.shape_cast %swap3A_159 : vector<16xf32> to vector<16xf32>
    %swap3A_161 = vector.shape_cast %broadcast_in_dim3A_157 : vector<16xf32> to vector<16xf32>
    tpu.vector_store %arg7[%swap3A_158], %swap3A_161 {strides = array<i32>} : memref<1024xf32, #tpu.memory_space<vmem>>, vector<16xf32>,
    %slice3A_162 = vector.extract_strided_slice %get3A_2 {offsets = [11], sizes = [1], strides = [1]} : vector<16xf32> to vector<1xf32>
    %squeeze3A_163 = vector.extract %slice3A_162[0] : f32 from vector<1xf32>
    %broadcast_in_dim3A_164 = vector.broadcast %squeeze3A_163 : f32 to vector<16xf32>
    %swap3A_165 = arith.constant 176 : index
    %swap3A_166 = tpu.vector_load %arg7[%swap3A_165] {strides = array<i32>} : memref<1024xf32, #tpu.memory_space<vmem>>, vector<16xf32>,
    %swap3A_167 = vector.shape_cast %swap3A_166 : vector<16xf32> to vector<16xf32>
    %swap3A_168 = vector.shape_cast %broadcast_in_dim3A_164 : vector<16xf32> to vector<16xf32>
    tpu.vector_store %arg7[%swap3A_165], %swap3A_168 {strides = array<i32>} : memref<1024xf32, #tpu.memory_space<vmem>>, vector<16xf32>,
    %slice3A_169 = vector.extract_strided_slice %get3A_8 {offsets = [11], sizes = [1], strides = [1]} : vector<16xf32> to vector<1xf32>
    %squeeze3A_170 = vector.extract %slice3A_169[0] : f32 from vector<1xf32>
    %broadcast_in_dim3A_171 = vector.broadcast %squeeze3A_170 : f32 to vector<16xf32>
    %swap3A_172 = arith.constant 688 : index
    %swap3A_173 = tpu.vector_load %arg7[%swap3A_172] {strides = array<i32>} : memref<1024xf32, #tpu.memory_space<vmem>>, vector<16xf32>,
    %swap3A_174 = vector.shape_cast %swap3A_173 : vector<16xf32> to vector<16xf32>
    %swap3A_175 = vector.shape_cast %broadcast_in_dim3A_171 : vector<16xf32> to vector<16xf32>
    tpu.vector_store %arg7[%swap3A_172], %swap3A_175 {strides = array<i32>} : memref<1024xf32, #tpu.memory_space<vmem>>, vector<16xf32>,
    %slice3A_176 = vector.extract_strided_slice %get3A_2 {offsets = [12], sizes = [1], strides = [1]} : vector<16xf32> to vector<1xf32>
    %squeeze3A_177 = vector.extract %slice3A_176[0] : f32 from vector<1xf32>
    %broadcast_in_dim3A_178 = vector.broadcast %squeeze3A_177 : f32 to vector<16xf32>
    %swap3A_179 = arith.constant 192 : index
    %swap3A_180 = tpu.vector_load %arg7[%swap3A_179] {strides = array<i32>} : memref<1024xf32, #tpu.memory_space<vmem>>, vector<16xf32>,
    %swap3A_181 = vector.shape_cast %swap3A_180 : vector<16xf32> to vector<16xf32>
    %swap3A_182 = vector.shape_cast %broadcast_in_dim3A_178 : vector<16xf32> to vector<16xf32>
    tpu.vector_store %arg7[%swap3A_179], %swap3A_182 {strides = array<i32>} : memref<1024xf32, #tpu.memory_space<vmem>>, vector<16xf32>,
    %slice3A_183 = vector.extract_strided_slice %get3A_8 {offsets = [12], sizes = [1], strides = [1]} : vector<16xf32> to vector<1xf32>
    %squeeze3A_184 = vector.extract %slice3A_183[0] : f32 from vector<1xf32>
    %broadcast_in_dim3A_185 = vector.broadcast %squeeze3A_184 : f32 to vector<16xf32>
    %swap3A_186 = arith.constant 704 : index
    %swap3A_187 = tpu.vector_load %arg7[%swap3A_186] {strides = array<i32>} : memref<1024xf32, #tpu.memory_space<vmem>>, vector<16xf32>,
    %swap3A_188 = vector.shape_cast %swap3A_187 : vector<16xf32> to vector<16xf32>
    %swap3A_189 = vector.shape_cast %broadcast_in_dim3A_185 : vector<16xf32> to vector<16xf32>
    tpu.vector_store %arg7[%swap3A_186], %swap3A_189 {strides = array<i32>} : memref<1024xf32, #tpu.memory_space<vmem>>, vector<16xf32>,
    %slice3A_190 = vector.extract_strided_slice %get3A_2 {offsets = [13], sizes = [1], strides = [1]} : vector<16xf32> to vector<1xf32>
    %squeeze3A_191 = vector.extract %slice3A_190[0] : f32 from vector<1xf32>
    %broadcast_in_dim3A_192 = vector.broadcast %squeeze3A_191 : f32 to vector<16xf32>
    %swap3A_193 = arith.constant 208 : index
    %swap3A_194 = tpu.vector_load %arg7[%swap3A_193] {strides = array<i32>} : memref<1024xf32, #tpu.memory_space<vmem>>, vector<16xf32>,
    %swap3A_195 = vector.shape_cast %swap3A_194 : vector<16xf32> to vector<16xf32>
    %swap3A_196 = vector.shape_cast %broadcast_in_dim3A_192 : vector<16xf32> to vector<16xf32>
    tpu.vector_store %arg7[%swap3A_193], %swap3A_196 {strides = array<i32>} : memref<1024xf32, #tpu.memory_space<vmem>>, vector<16xf32>,
    %slice3A_197 = vector.extract_strided_slice %get3A_8 {offsets = [13], sizes = [1], strides = [1]} : vector<16xf32> to vector<1xf32>
    %squeeze3A_198 = vector.extract %slice3A_197[0] : f32 from vector<1xf32>
    %broadcast_in_dim3A_199 = vector.broadcast %squeeze3A_198 : f32 to vector<16xf32>
    %swap3A_200 = arith.constant 720 : index
    %swap3A_201 = tpu.vector_load %arg7[%swap3A_200] {strides = array<i32>} : memref<1024xf32, #tpu.memory_space<vmem>>, vector<16xf32>,
    %swap3A_202 = vector.shape_cast %swap3A_201 : vector<16xf32> to vector<16xf32>
    %swap3A_203 = vector.shape_cast %broadcast_in_dim3A_199 : vector<16xf32> to vector<16xf32>
    tpu.vector_store %arg7[%swap3A_200], %swap3A_203 {strides = array<i32>} : memref<1024xf32, #tpu.memory_space<vmem>>, vector<16xf32>,
    %slice3A_204 = vector.extract_strided_slice %get3A_2 {offsets = [14], sizes = [1], strides = [1]} : vector<16xf32> to vector<1xf32>
    %squeeze3A_205 = vector.extract %slice3A_204[0] : f32 from vector<1xf32>
    %broadcast_in_dim3A_206 = vector.broadcast %squeeze3A_205 : f32 to vector<16xf32>
    %swap3A_207 = arith.constant 224 : index
    %swap3A_208 = tpu.vector_load %arg7[%swap3A_207] {strides = array<i32>} : memref<1024xf32, #tpu.memory_space<vmem>>, vector<16xf32>,
    %swap3A_209 = vector.shape_cast %swap3A_208 : vector<16xf32> to vector<16xf32>
    %swap3A_210 = vector.shape_cast %broadcast_in_dim3A_206 : vector<16xf32> to vector<16xf32>
    tpu.vector_store %arg7[%swap3A_207], %swap3A_210 {strides = array<i32>} : memref<1024xf32, #tpu.memory_space<vmem>>, vector<16xf32>,
    %slice3A_211 = vector.extract_strided_slice %get3A_8 {offsets = [14], sizes = [1], strides = [1]} : vector<16xf32> to vector<1xf32>
    %squeeze3A_212 = vector.extract %slice3A_211[0] : f32 from vector<1xf32>
    %broadcast_in_dim3A_213 = vector.broadcast %squeeze3A_212 : f32 to vector<16xf32>
    %swap3A_214 = arith.constant 736 : index
    %swap3A_215 = tpu.vector_load %arg7[%swap3A_214] {strides = array<i32>} : memref<1024xf32, #tpu.memory_space<vmem>>, vector<16xf32>,
    %swap3A_216 = vector.shape_cast %swap3A_215 : vector<16xf32> to vector<16xf32>
    %swap3A_217 = vector.shape_cast %broadcast_in_dim3A_213 : vector<16xf32> to vector<16xf32>
    tpu.vector_store %arg7[%swap3A_214], %swap3A_217 {strides = array<i32>} : memref<1024xf32, #tpu.memory_space<vmem>>, vector<16xf32>,
    %slice3A_218 = vector.extract_strided_slice %get3A_2 {offsets = [15], sizes = [1], strides = [1]} : vector<16xf32> to vector<1xf32>
    %squeeze3A_219 = vector.extract %slice3A_218[0] : f32 from vector<1xf32>
    %broadcast_in_dim3A_220 = vector.broadcast %squeeze3A_219 : f32 to vector<16xf32>
    %swap3A_221 = arith.constant 240 : index
    %swap3A_222 = tpu.vector_load %arg7[%swap3A_221] {strides = array<i32>} : memref<1024xf32, #tpu.memory_space<vmem>>, vector<16xf32>,
    %swap3A_223 = vector.shape_cast %swap3A_222 : vector<16xf32> to vector<16xf32>
    %swap3A_224 = vector.shape_cast %broadcast_in_dim3A_220 : vector<16xf32> to vector<16xf32>
    tpu.vector_store %arg7[%swap3A_221], %swap3A_224 {strides = array<i32>} : memref<1024xf32, #tpu.memory_space<vmem>>, vector<16xf32>,
    %slice3A_225 = vector.extract_strided_slice %get3A_8 {offsets = [15], sizes = [1], strides = [1]} : vector<16xf32> to vector<1xf32>
    %squeeze3A_226 = vector.extract %slice3A_225[0] : f32 from vector<1xf32>
    %broadcast_in_dim3A_227 = vector.broadcast %squeeze3A_226 : f32 to vector<16xf32>
    %swap3A_228 = arith.constant 752 : index
    %swap3A_229 = tpu.vector_load %arg7[%swap3A_228] {strides = array<i32>} : memref<1024xf32, #tpu.memory_space<vmem>>, vector<16xf32>,
    %swap3A_230 = vector.shape_cast %swap3A_229 : vector<16xf32> to vector<16xf32>
    %swap3A_231 = vector.shape_cast %broadcast_in_dim3A_227 : vector<16xf32> to vector<16xf32>
    tpu.vector_store %arg7[%swap3A_228], %swap3A_231 {strides = array<i32>} : memref<1024xf32, #tpu.memory_space<vmem>>, vector<16xf32>,
    %slice3A_232 = vector.extract_strided_slice %get3A_5 {offsets = [0], sizes = [1], strides = [1]} : vector<16xf32> to vector<1xf32>
    %squeeze3A_233 = vector.extract %slice3A_232[0] : f32 from vector<1xf32>
    %broadcast_in_dim3A_234 = vector.broadcast %squeeze3A_233 : f32 to vector<16xf32>
    %swap3A_235 = arith.constant 256 : index
    %swap3A_236 = tpu.vector_load %arg7[%swap3A_235] {strides = array<i32>} : memref<1024xf32, #tpu.memory_space<vmem>>, vector<16xf32>,
    %swap3A_237 = vector.shape_cast %swap3A_236 : vector<16xf32> to vector<16xf32>
    %swap3A_238 = vector.shape_cast %broadcast_in_dim3A_234 : vector<16xf32> to vector<16xf32>
    tpu.vector_store %arg7[%swap3A_235], %swap3A_238 {strides = array<i32>} : memref<1024xf32, #tpu.memory_space<vmem>>, vector<16xf32>,
    %slice3A_239 = vector.extract_strided_slice %get3A_11 {offsets = [0], sizes = [1], strides = [1]} : vector<16xf32> to vector<1xf32>
    %squeeze3A_240 = vector.extract %slice3A_239[0] : f32 from vector<1xf32>
    %broadcast_in_dim3A_241 = vector.broadcast %squeeze3A_240 : f32 to vector<16xf32>
    %swap3A_242 = arith.constant 768 : index
    %swap3A_243 = tpu.vector_load %arg7[%swap3A_242] {strides = array<i32>} : memref<1024xf32, #tpu.memory_space<vmem>>, vector<16xf32>,
    %swap3A_244 = vector.shape_cast %swap3A_243 : vector<16xf32> to vector<16xf32>
    %swap3A_245 = vector.shape_cast %broadcast_in_dim3A_241 : vector<16xf32> to vector<16xf32>
    tpu.vector_store %arg7[%swap3A_242], %swap3A_245 {strides = array<i32>} : memref<1024xf32, #tpu.memory_space<vmem>>, vector<16xf32>,
    %slice3A_246 = vector.extract_strided_slice %get3A_5 {offsets = [1], sizes = [1], strides = [1]} : vector<16xf32> to vector<1xf32>
    %squeeze3A_247 = vector.extract %slice3A_246[0] : f32 from vector<1xf32>
    %broadcast_in_dim3A_248 = vector.broadcast %squeeze3A_247 : f32 to vector<16xf32>
    %swap3A_249 = arith.constant 272 : index
    %swap3A_250 = tpu.vector_load %arg7[%swap3A_249] {strides = array<i32>} : memref<1024xf32, #tpu.memory_space<vmem>>, vector<16xf32>,
    %swap3A_251 = vector.shape_cast %swap3A_250 : vector<16xf32> to vector<16xf32>
    %swap3A_252 = vector.shape_cast %broadcast_in_dim3A_248 : vector<16xf32> to vector<16xf32>
    tpu.vector_store %arg7[%swap3A_249], %swap3A_252 {strides = array<i32>} : memref<1024xf32, #tpu.memory_space<vmem>>, vector<16xf32>,
    %slice3A_253 = vector.extract_strided_slice %get3A_11 {offsets = [1], sizes = [1], strides = [1]} : vector<16xf32> to vector<1xf32>
    %squeeze3A_254 = vector.extract %slice3A_253[0] : f32 from vector<1xf32>
    %broadcast_in_dim3A_255 = vector.broadcast %squeeze3A_254 : f32 to vector<16xf32>
    %swap3A_256 = arith.constant 784 : index
    %swap3A_257 = tpu.vector_load %arg7[%swap3A_256] {strides = array<i32>} : memref<1024xf32, #tpu.memory_space<vmem>>, vector<16xf32>,
    %swap3A_258 = vector.shape_cast %swap3A_257 : vector<16xf32> to vector<16xf32>
    %swap3A_259 = vector.shape_cast %broadcast_in_dim3A_255 : vector<16xf32> to vector<16xf32>
    tpu.vector_store %arg7[%swap3A_256], %swap3A_259 {strides = array<i32>} : memref<1024xf32, #tpu.memory_space<vmem>>, vector<16xf32>,
    %slice3A_260 = vector.extract_strided_slice %get3A_5 {offsets = [2], sizes = [1], strides = [1]} : vector<16xf32> to vector<1xf32>
    %squeeze3A_261 = vector.extract %slice3A_260[0] : f32 from vector<1xf32>
    %broadcast_in_dim3A_262 = vector.broadcast %squeeze3A_261 : f32 to vector<16xf32>
    %swap3A_263 = arith.constant 288 : index
    %swap3A_264 = tpu.vector_load %arg7[%swap3A_263] {strides = array<i32>} : memref<1024xf32, #tpu.memory_space<vmem>>, vector<16xf32>,
    %swap3A_265 = vector.shape_cast %swap3A_264 : vector<16xf32> to vector<16xf32>
    %swap3A_266 = vector.shape_cast %broadcast_in_dim3A_262 : vector<16xf32> to vector<16xf32>
    tpu.vector_store %arg7[%swap3A_263], %swap3A_266 {strides = array<i32>} : memref<1024xf32, #tpu.memory_space<vmem>>, vector<16xf32>,
    %slice3A_267 = vector.extract_strided_slice %get3A_11 {offsets = [2], sizes = [1], strides = [1]} : vector<16xf32> to vector<1xf32>
    %squeeze3A_268 = vector.extract %slice3A_267[0] : f32 from vector<1xf32>
    %broadcast_in_dim3A_269 = vector.broadcast %squeeze3A_268 : f32 to vector<16xf32>
    %swap3A_270 = arith.constant 800 : index
    %swap3A_271 = tpu.vector_load %arg7[%swap3A_270] {strides = array<i32>} : memref<1024xf32, #tpu.memory_space<vmem>>, vector<16xf32>,
    %swap3A_272 = vector.shape_cast %swap3A_271 : vector<16xf32> to vector<16xf32>
    %swap3A_273 = vector.shape_cast %broadcast_in_dim3A_269 : vector<16xf32> to vector<16xf32>
    tpu.vector_store %arg7[%swap3A_270], %swap3A_273 {strides = array<i32>} : memref<1024xf32, #tpu.memory_space<vmem>>, vector<16xf32>,
    %slice3A_274 = vector.extract_strided_slice %get3A_5 {offsets = [3], sizes = [1], strides = [1]} : vector<16xf32> to vector<1xf32>
    %squeeze3A_275 = vector.extract %slice3A_274[0] : f32 from vector<1xf32>
    %broadcast_in_dim3A_276 = vector.broadcast %squeeze3A_275 : f32 to vector<16xf32>
    %swap3A_277 = arith.constant 304 : index
    %swap3A_278 = tpu.vector_load %arg7[%swap3A_277] {strides = array<i32>} : memref<1024xf32, #tpu.memory_space<vmem>>, vector<16xf32>,
    %swap3A_279 = vector.shape_cast %swap3A_278 : vector<16xf32> to vector<16xf32>
    %swap3A_280 = vector.shape_cast %broadcast_in_dim3A_276 : vector<16xf32> to vector<16xf32>
    tpu.vector_store %arg7[%swap3A_277], %swap3A_280 {strides = array<i32>} : memref<1024xf32, #tpu.memory_space<vmem>>, vector<16xf32>,
    %slice3A_281 = vector.extract_strided_slice %get3A_11 {offsets = [3], sizes = [1], strides = [1]} : vector<16xf32> to vector<1xf32>
    %squeeze3A_282 = vector.extract %slice3A_281[0] : f32 from vector<1xf32>
    %broadcast_in_dim3A_283 = vector.broadcast %squeeze3A_282 : f32 to vector<16xf32>
    %swap3A_284 = arith.constant 816 : index
    %swap3A_285 = tpu.vector_load %arg7[%swap3A_284] {strides = array<i32>} : memref<1024xf32, #tpu.memory_space<vmem>>, vector<16xf32>,
    %swap3A_286 = vector.shape_cast %swap3A_285 : vector<16xf32> to vector<16xf32>
    %swap3A_287 = vector.shape_cast %broadcast_in_dim3A_283 : vector<16xf32> to vector<16xf32>
    tpu.vector_store %arg7[%swap3A_284], %swap3A_287 {strides = array<i32>} : memref<1024xf32, #tpu.memory_space<vmem>>, vector<16xf32>,
    %slice3A_288 = vector.extract_strided_slice %get3A_5 {offsets = [4], sizes = [1], strides = [1]} : vector<16xf32> to vector<1xf32>
    %squeeze3A_289 = vector.extract %slice3A_288[0] : f32 from vector<1xf32>
    %broadcast_in_dim3A_290 = vector.broadcast %squeeze3A_289 : f32 to vector<16xf32>
    %swap3A_291 = arith.constant 320 : index
    %swap3A_292 = tpu.vector_load %arg7[%swap3A_291] {strides = array<i32>} : memref<1024xf32, #tpu.memory_space<vmem>>, vector<16xf32>,
    %swap3A_293 = vector.shape_cast %swap3A_292 : vector<16xf32> to vector<16xf32>
    %swap3A_294 = vector.shape_cast %broadcast_in_dim3A_290 : vector<16xf32> to vector<16xf32>
    tpu.vector_store %arg7[%swap3A_291], %swap3A_294 {strides = array<i32>} : memref<1024xf32, #tpu.memory_space<vmem>>, vector<16xf32>,
    %slice3A_295 = vector.extract_strided_slice %get3A_11 {offsets = [4], sizes = [1], strides = [1]} : vector<16xf32> to vector<1xf32>
    %squeeze3A_296 = vector.extract %slice3A_295[0] : f32 from vector<1xf32>
    %broadcast_in_dim3A_297 = vector.broadcast %squeeze3A_296 : f32 to vector<16xf32>
    %swap3A_298 = arith.constant 832 : index
    %swap3A_299 = tpu.vector_load %arg7[%swap3A_298] {strides = array<i32>} : memref<1024xf32, #tpu.memory_space<vmem>>, vector<16xf32>,
    %swap3A_300 = vector.shape_cast %swap3A_299 : vector<16xf32> to vector<16xf32>
    %swap3A_301 = vector.shape_cast %broadcast_in_dim3A_297 : vector<16xf32> to vector<16xf32>
    tpu.vector_store %arg7[%swap3A_298], %swap3A_301 {strides = array<i32>} : memref<1024xf32, #tpu.memory_space<vmem>>, vector<16xf32>,
    %slice3A_302 = vector.extract_strided_slice %get3A_5 {offsets = [5], sizes = [1], strides = [1]} : vector<16xf32> to vector<1xf32>
    %squeeze3A_303 = vector.extract %slice3A_302[0] : f32 from vector<1xf32>
    %broadcast_in_dim3A_304 = vector.broadcast %squeeze3A_303 : f32 to vector<16xf32>
    %swap3A_305 = arith.constant 336 : index
    %swap3A_306 = tpu.vector_load %arg7[%swap3A_305] {strides = array<i32>} : memref<1024xf32, #tpu.memory_space<vmem>>, vector<16xf32>,
    %swap3A_307 = vector.shape_cast %swap3A_306 : vector<16xf32> to vector<16xf32>
    %swap3A_308 = vector.shape_cast %broadcast_in_dim3A_304 : vector<16xf32> to vector<16xf32>
    tpu.vector_store %arg7[%swap3A_305], %swap3A_308 {strides = array<i32>} : memref<1024xf32, #tpu.memory_space<vmem>>, vector<16xf32>,
    %slice3A_309 = vector.extract_strided_slice %get3A_11 {offsets = [5], sizes = [1], strides = [1]} : vector<16xf32> to vector<1xf32>
    %squeeze3A_310 = vector.extract %slice3A_309[0] : f32 from vector<1xf32>
    %broadcast_in_dim3A_311 = vector.broadcast %squeeze3A_310 : f32 to vector<16xf32>
    %swap3A_312 = arith.constant 848 : index
    %swap3A_313 = tpu.vector_load %arg7[%swap3A_312] {strides = array<i32>} : memref<1024xf32, #tpu.memory_space<vmem>>, vector<16xf32>,
    %swap3A_314 = vector.shape_cast %swap3A_313 : vector<16xf32> to vector<16xf32>
    %swap3A_315 = vector.shape_cast %broadcast_in_dim3A_311 : vector<16xf32> to vector<16xf32>
    tpu.vector_store %arg7[%swap3A_312], %swap3A_315 {strides = array<i32>} : memref<1024xf32, #tpu.memory_space<vmem>>, vector<16xf32>,
    %slice3A_316 = vector.extract_strided_slice %get3A_5 {offsets = [6], sizes = [1], strides = [1]} : vector<16xf32> to vector<1xf32>
    %squeeze3A_317 = vector.extract %slice3A_316[0] : f32 from vector<1xf32>
    %broadcast_in_dim3A_318 = vector.broadcast %squeeze3A_317 : f32 to vector<16xf32>
    %swap3A_319 = arith.constant 352 : index
    %swap3A_320 = tpu.vector_load %arg7[%swap3A_319] {strides = array<i32>} : memref<1024xf32, #tpu.memory_space<vmem>>, vector<16xf32>,
    %swap3A_321 = vector.shape_cast %swap3A_320 : vector<16xf32> to vector<16xf32>
    %swap3A_322 = vector.shape_cast %broadcast_in_dim3A_318 : vector<16xf32> to vector<16xf32>
    tpu.vector_store %arg7[%swap3A_319], %swap3A_322 {strides = array<i32>} : memref<1024xf32, #tpu.memory_space<vmem>>, vector<16xf32>,
    %slice3A_323 = vector.extract_strided_slice %get3A_11 {offsets = [6], sizes = [1], strides = [1]} : vector<16xf32> to vector<1xf32>
    %squeeze3A_324 = vector.extract %slice3A_323[0] : f32 from vector<1xf32>
    %broadcast_in_dim3A_325 = vector.broadcast %squeeze3A_324 : f32 to vector<16xf32>
    %swap3A_326 = arith.constant 864 : index
    %swap3A_327 = tpu.vector_load %arg7[%swap3A_326] {strides = array<i32>} : memref<1024xf32, #tpu.memory_space<vmem>>, vector<16xf32>,
    %swap3A_328 = vector.shape_cast %swap3A_327 : vector<16xf32> to vector<16xf32>
    %swap3A_329 = vector.shape_cast %broadcast_in_dim3A_325 : vector<16xf32> to vector<16xf32>
    tpu.vector_store %arg7[%swap3A_326], %swap3A_329 {strides = array<i32>} : memref<1024xf32, #tpu.memory_space<vmem>>, vector<16xf32>,
    %slice3A_330 = vector.extract_strided_slice %get3A_5 {offsets = [7], sizes = [1], strides = [1]} : vector<16xf32> to vector<1xf32>
    %squeeze3A_331 = vector.extract %slice3A_330[0] : f32 from vector<1xf32>
    %broadcast_in_dim3A_332 = vector.broadcast %squeeze3A_331 : f32 to vector<16xf32>
    %swap3A_333 = arith.constant 368 : index
    %swap3A_334 = tpu.vector_load %arg7[%swap3A_333] {strides = array<i32>} : memref<1024xf32, #tpu.memory_space<vmem>>, vector<16xf32>,
    %swap3A_335 = vector.shape_cast %swap3A_334 : vector<16xf32> to vector<16xf32>
    %swap3A_336 = vector.shape_cast %broadcast_in_dim3A_332 : vector<16xf32> to vector<16xf32>
    tpu.vector_store %arg7[%swap3A_333], %swap3A_336 {strides = array<i32>} : memref<1024xf32, #tpu.memory_space<vmem>>, vector<16xf32>,
    %slice3A_337 = vector.extract_strided_slice %get3A_11 {offsets = [7], sizes = [1], strides = [1]} : vector<16xf32> to vector<1xf32>
    %squeeze3A_338 = vector.extract %slice3A_337[0] : f32 from vector<1xf32>
    %broadcast_in_dim3A_339 = vector.broadcast %squeeze3A_338 : f32 to vector<16xf32>
    %swap3A_340 = arith.constant 880 : index
    %swap3A_341 = tpu.vector_load %arg7[%swap3A_340] {strides = array<i32>} : memref<1024xf32, #tpu.memory_space<vmem>>, vector<16xf32>,
    %swap3A_342 = vector.shape_cast %swap3A_341 : vector<16xf32> to vector<16xf32>
    %swap3A_343 = vector.shape_cast %broadcast_in_dim3A_339 : vector<16xf32> to vector<16xf32>
    tpu.vector_store %arg7[%swap3A_340], %swap3A_343 {strides = array<i32>} : memref<1024xf32, #tpu.memory_space<vmem>>, vector<16xf32>,
    %slice3A_344 = vector.extract_strided_slice %get3A_5 {offsets = [8], sizes = [1], strides = [1]} : vector<16xf32> to vector<1xf32>
    %squeeze3A_345 = vector.extract %slice3A_344[0] : f32 from vector<1xf32>
    %broadcast_in_dim3A_346 = vector.broadcast %squeeze3A_345 : f32 to vector<16xf32>
    %swap3A_347 = arith.constant 384 : index
    %swap3A_348 = tpu.vector_load %arg7[%swap3A_347] {strides = array<i32>} : memref<1024xf32, #tpu.memory_space<vmem>>, vector<16xf32>,
    %swap3A_349 = vector.shape_cast %swap3A_348 : vector<16xf32> to vector<16xf32>
    %swap3A_350 = vector.shape_cast %broadcast_in_dim3A_346 : vector<16xf32> to vector<16xf32>
    tpu.vector_store %arg7[%swap3A_347], %swap3A_350 {strides = array<i32>} : memref<1024xf32, #tpu.memory_space<vmem>>, vector<16xf32>,
    %slice3A_351 = vector.extract_strided_slice %get3A_11 {offsets = [8], sizes = [1], strides = [1]} : vector<16xf32> to vector<1xf32>
    %squeeze3A_352 = vector.extract %slice3A_351[0] : f32 from vector<1xf32>
    %broadcast_in_dim3A_353 = vector.broadcast %squeeze3A_352 : f32 to vector<16xf32>
    %swap3A_354 = arith.constant 896 : index
    %swap3A_355 = tpu.vector_load %arg7[%swap3A_354] {strides = array<i32>} : memref<1024xf32, #tpu.memory_space<vmem>>, vector<16xf32>,
    %swap3A_356 = vector.shape_cast %swap3A_355 : vector<16xf32> to vector<16xf32>
    %swap3A_357 = vector.shape_cast %broadcast_in_dim3A_353 : vector<16xf32> to vector<16xf32>
    tpu.vector_store %arg7[%swap3A_354], %swap3A_357 {strides = array<i32>} : memref<1024xf32, #tpu.memory_space<vmem>>, vector<16xf32>,
    %slice3A_358 = vector.extract_strided_slice %get3A_5 {offsets = [9], sizes = [1], strides = [1]} : vector<16xf32> to vector<1xf32>
    %squeeze3A_359 = vector.extract %slice3A_358[0] : f32 from vector<1xf32>
    %broadcast_in_dim3A_360 = vector.broadcast %squeeze3A_359 : f32 to vector<16xf32>
    %swap3A_361 = arith.constant 400 : index
    %swap3A_362 = tpu.vector_load %arg7[%swap3A_361] {strides = array<i32>} : memref<1024xf32, #tpu.memory_space<vmem>>, vector<16xf32>,
    %swap3A_363 = vector.shape_cast %swap3A_362 : vector<16xf32> to vector<16xf32>
    %swap3A_364 = vector.shape_cast %broadcast_in_dim3A_360 : vector<16xf32> to vector<16xf32>
    tpu.vector_store %arg7[%swap3A_361], %swap3A_364 {strides = array<i32>} : memref<1024xf32, #tpu.memory_space<vmem>>, vector<16xf32>,
    %slice3A_365 = vector.extract_strided_slice %get3A_11 {offsets = [9], sizes = [1], strides = [1]} : vector<16xf32> to vector<1xf32>
    %squeeze3A_366 = vector.extract %slice3A_365[0] : f32 from vector<1xf32>
    %broadcast_in_dim3A_367 = vector.broadcast %squeeze3A_366 : f32 to vector<16xf32>
    %swap3A_368 = arith.constant 912 : index
    %swap3A_369 = tpu.vector_load %arg7[%swap3A_368] {strides = array<i32>} : memref<1024xf32, #tpu.memory_space<vmem>>, vector<16xf32>,
    %swap3A_370 = vector.shape_cast %swap3A_369 : vector<16xf32> to vector<16xf32>
    %swap3A_371 = vector.shape_cast %broadcast_in_dim3A_367 : vector<16xf32> to vector<16xf32>
    tpu.vector_store %arg7[%swap3A_368], %swap3A_371 {strides = array<i32>} : memref<1024xf32, #tpu.memory_space<vmem>>, vector<16xf32>,
    %slice3A_372 = vector.extract_strided_slice %get3A_5 {offsets = [10], sizes = [1], strides = [1]} : vector<16xf32> to vector<1xf32>
    %squeeze3A_373 = vector.extract %slice3A_372[0] : f32 from vector<1xf32>
    %broadcast_in_dim3A_374 = vector.broadcast %squeeze3A_373 : f32 to vector<16xf32>
    %swap3A_375 = arith.constant 416 : index
    %swap3A_376 = tpu.vector_load %arg7[%swap3A_375] {strides = array<i32>} : memref<1024xf32, #tpu.memory_space<vmem>>, vector<16xf32>,
    %swap3A_377 = vector.shape_cast %swap3A_376 : vector<16xf32> to vector<16xf32>
    %swap3A_378 = vector.shape_cast %broadcast_in_dim3A_374 : vector<16xf32> to vector<16xf32>
    tpu.vector_store %arg7[%swap3A_375], %swap3A_378 {strides = array<i32>} : memref<1024xf32, #tpu.memory_space<vmem>>, vector<16xf32>,
    %slice3A_379 = vector.extract_strided_slice %get3A_11 {offsets = [10], sizes = [1], strides = [1]} : vector<16xf32> to vector<1xf32>
    %squeeze3A_380 = vector.extract %slice3A_379[0] : f32 from vector<1xf32>
    %broadcast_in_dim3A_381 = vector.broadcast %squeeze3A_380 : f32 to vector<16xf32>
    %swap3A_382 = arith.constant 928 : index
    %swap3A_383 = tpu.vector_load %arg7[%swap3A_382] {strides = array<i32>} : memref<1024xf32, #tpu.memory_space<vmem>>, vector<16xf32>,
    %swap3A_384 = vector.shape_cast %swap3A_383 : vector<16xf32> to vector<16xf32>
    %swap3A_385 = vector.shape_cast %broadcast_in_dim3A_381 : vector<16xf32> to vector<16xf32>
    tpu.vector_store %arg7[%swap3A_382], %swap3A_385 {strides = array<i32>} : memref<1024xf32, #tpu.memory_space<vmem>>, vector<16xf32>,
    %slice3A_386 = vector.extract_strided_slice %get3A_5 {offsets = [11], sizes = [1], strides = [1]} : vector<16xf32> to vector<1xf32>
    %squeeze3A_387 = vector.extract %slice3A_386[0] : f32 from vector<1xf32>
    %broadcast_in_dim3A_388 = vector.broadcast %squeeze3A_387 : f32 to vector<16xf32>
    %swap3A_389 = arith.constant 432 : index
    %swap3A_390 = tpu.vector_load %arg7[%swap3A_389] {strides = array<i32>} : memref<1024xf32, #tpu.memory_space<vmem>>, vector<16xf32>,
    %swap3A_391 = vector.shape_cast %swap3A_390 : vector<16xf32> to vector<16xf32>
    %swap3A_392 = vector.shape_cast %broadcast_in_dim3A_388 : vector<16xf32> to vector<16xf32>
    tpu.vector_store %arg7[%swap3A_389], %swap3A_392 {strides = array<i32>} : memref<1024xf32, #tpu.memory_space<vmem>>, vector<16xf32>,
    %slice3A_393 = vector.extract_strided_slice %get3A_11 {offsets = [11], sizes = [1], strides = [1]} : vector<16xf32> to vector<1xf32>
    %squeeze3A_394 = vector.extract %slice3A_393[0] : f32 from vector<1xf32>
    %broadcast_in_dim3A_395 = vector.broadcast %squeeze3A_394 : f32 to vector<16xf32>
    %swap3A_396 = arith.constant 944 : index
    %swap3A_397 = tpu.vector_load %arg7[%swap3A_396] {strides = array<i32>} : memref<1024xf32, #tpu.memory_space<vmem>>, vector<16xf32>,
    %swap3A_398 = vector.shape_cast %swap3A_397 : vector<16xf32> to vector<16xf32>
    %swap3A_399 = vector.shape_cast %broadcast_in_dim3A_395 : vector<16xf32> to vector<16xf32>
    tpu.vector_store %arg7[%swap3A_396], %swap3A_399 {strides = array<i32>} : memref<1024xf32, #tpu.memory_space<vmem>>, vector<16xf32>,
    %slice3A_400 = vector.extract_strided_slice %get3A_5 {offsets = [12], sizes = [1], strides = [1]} : vector<16xf32> to vector<1xf32>
    %squeeze3A_401 = vector.extract %slice3A_400[0] : f32 from vector<1xf32>
    %broadcast_in_dim3A_402 = vector.broadcast %squeeze3A_401 : f32 to vector<16xf32>
    %swap3A_403 = arith.constant 448 : index
    %swap3A_404 = tpu.vector_load %arg7[%swap3A_403] {strides = array<i32>} : memref<1024xf32, #tpu.memory_space<vmem>>, vector<16xf32>,
    %swap3A_405 = vector.shape_cast %swap3A_404 : vector<16xf32> to vector<16xf32>
    %swap3A_406 = vector.shape_cast %broadcast_in_dim3A_402 : vector<16xf32> to vector<16xf32>
    tpu.vector_store %arg7[%swap3A_403], %swap3A_406 {strides = array<i32>} : memref<1024xf32, #tpu.memory_space<vmem>>, vector<16xf32>,
    %slice3A_407 = vector.extract_strided_slice %get3A_11 {offsets = [12], sizes = [1], strides = [1]} : vector<16xf32> to vector<1xf32>
    %squeeze3A_408 = vector.extract %slice3A_407[0] : f32 from vector<1xf32>
    %broadcast_in_dim3A_409 = vector.broadcast %squeeze3A_408 : f32 to vector<16xf32>
    %swap3A_410 = arith.constant 960 : index
    %swap3A_411 = tpu.vector_load %arg7[%swap3A_410] {strides = array<i32>} : memref<1024xf32, #tpu.memory_space<vmem>>, vector<16xf32>,
    %swap3A_412 = vector.shape_cast %swap3A_411 : vector<16xf32> to vector<16xf32>
    %swap3A_413 = vector.shape_cast %broadcast_in_dim3A_409 : vector<16xf32> to vector<16xf32>
    tpu.vector_store %arg7[%swap3A_410], %swap3A_413 {strides = array<i32>} : memref<1024xf32, #tpu.memory_space<vmem>>, vector<16xf32>,
    %slice3A_414 = vector.extract_strided_slice %get3A_5 {offsets = [13], sizes = [1], strides = [1]} : vector<16xf32> to vector<1xf32>
    %squeeze3A_415 = vector.extract %slice3A_414[0] : f32 from vector<1xf32>
    %broadcast_in_dim3A_416 = vector.broadcast %squeeze3A_415 : f32 to vector<16xf32>
    %swap3A_417 = arith.constant 464 : index
    %swap3A_418 = tpu.vector_load %arg7[%swap3A_417] {strides = array<i32>} : memref<1024xf32, #tpu.memory_space<vmem>>, vector<16xf32>,
    %swap3A_419 = vector.shape_cast %swap3A_418 : vector<16xf32> to vector<16xf32>
    %swap3A_420 = vector.shape_cast %broadcast_in_dim3A_416 : vector<16xf32> to vector<16xf32>
    tpu.vector_store %arg7[%swap3A_417], %swap3A_420 {strides = array<i32>} : memref<1024xf32, #tpu.memory_space<vmem>>, vector<16xf32>,
    %slice3A_421 = vector.extract_strided_slice %get3A_11 {offsets = [13], sizes = [1], strides = [1]} : vector<16xf32> to vector<1xf32>
    %squeeze3A_422 = vector.extract %slice3A_421[0] : f32 from vector<1xf32>
    %broadcast_in_dim3A_423 = vector.broadcast %squeeze3A_422 : f32 to vector<16xf32>
    %swap3A_424 = arith.constant 976 : index
    %swap3A_425 = tpu.vector_load %arg7[%swap3A_424] {strides = array<i32>} : memref<1024xf32, #tpu.memory_space<vmem>>, vector<16xf32>,
    %swap3A_426 = vector.shape_cast %swap3A_425 : vector<16xf32> to vector<16xf32>
    %swap3A_427 = vector.shape_cast %broadcast_in_dim3A_423 : vector<16xf32> to vector<16xf32>
    tpu.vector_store %arg7[%swap3A_424], %swap3A_427 {strides = array<i32>} : memref<1024xf32, #tpu.memory_space<vmem>>, vector<16xf32>,
    %slice3A_428 = vector.extract_strided_slice %get3A_5 {offsets = [14], sizes = [1], strides = [1]} : vector<16xf32> to vector<1xf32>
    %squeeze3A_429 = vector.extract %slice3A_428[0] : f32 from vector<1xf32>
    %broadcast_in_dim3A_430 = vector.broadcast %squeeze3A_429 : f32 to vector<16xf32>
    %swap3A_431 = arith.constant 480 : index
    %swap3A_432 = tpu.vector_load %arg7[%swap3A_431] {strides = array<i32>} : memref<1024xf32, #tpu.memory_space<vmem>>, vector<16xf32>,
    %swap3A_433 = vector.shape_cast %swap3A_432 : vector<16xf32> to vector<16xf32>
    %swap3A_434 = vector.shape_cast %broadcast_in_dim3A_430 : vector<16xf32> to vector<16xf32>
    tpu.vector_store %arg7[%swap3A_431], %swap3A_434 {strides = array<i32>} : memref<1024xf32, #tpu.memory_space<vmem>>, vector<16xf32>,
    %slice3A_435 = vector.extract_strided_slice %get3A_11 {offsets = [14], sizes = [1], strides = [1]} : vector<16xf32> to vector<1xf32>
    %squeeze3A_436 = vector.extract %slice3A_435[0] : f32 from vector<1xf32>
    %broadcast_in_dim3A_437 = vector.broadcast %squeeze3A_436 : f32 to vector<16xf32>
    %swap3A_438 = arith.constant 992 : index
    %swap3A_439 = tpu.vector_load %arg7[%swap3A_438] {strides = array<i32>} : memref<1024xf32, #tpu.memory_space<vmem>>, vector<16xf32>,
    %swap3A_440 = vector.shape_cast %swap3A_439 : vector<16xf32> to vector<16xf32>
    %swap3A_441 = vector.shape_cast %broadcast_in_dim3A_437 : vector<16xf32> to vector<16xf32>
    tpu.vector_store %arg7[%swap3A_438], %swap3A_441 {strides = array<i32>} : memref<1024xf32, #tpu.memory_space<vmem>>, vector<16xf32>,
    %slice3A_442 = vector.extract_strided_slice %get3A_5 {offsets = [15], sizes = [1], strides = [1]} : vector<16xf32> to vector<1xf32>
    %squeeze3A_443 = vector.extract %slice3A_442[0] : f32 from vector<1xf32>
    %broadcast_in_dim3A_444 = vector.broadcast %squeeze3A_443 : f32 to vector<16xf32>
    %swap3A_445 = arith.constant 496 : index
    %swap3A_446 = tpu.vector_load %arg7[%swap3A_445] {strides = array<i32>} : memref<1024xf32, #tpu.memory_space<vmem>>, vector<16xf32>,
    %swap3A_447 = vector.shape_cast %swap3A_446 : vector<16xf32> to vector<16xf32>
    %swap3A_448 = vector.shape_cast %broadcast_in_dim3A_444 : vector<16xf32> to vector<16xf32>
    tpu.vector_store %arg7[%swap3A_445], %swap3A_448 {strides = array<i32>} : memref<1024xf32, #tpu.memory_space<vmem>>, vector<16xf32>,
    %slice3A_449 = vector.extract_strided_slice %get3A_11 {offsets = [15], sizes = [1], strides = [1]} : vector<16xf32> to vector<1xf32>
    %squeeze3A_450 = vector.extract %slice3A_449[0] : f32 from vector<1xf32>
    %broadcast_in_dim3A_451 = vector.broadcast %squeeze3A_450 : f32 to vector<16xf32>
    %swap3A_452 = arith.constant 1008 : index
    %swap3A_453 = tpu.vector_load %arg7[%swap3A_452] {strides = array<i32>} : memref<1024xf32, #tpu.memory_space<vmem>>, vector<16xf32>,
    %swap3A_454 = vector.shape_cast %swap3A_453 : vector<16xf32> to vector<16xf32>
    %swap3A_455 = vector.shape_cast %broadcast_in_dim3A_451 : vector<16xf32> to vector<16xf32>
    tpu.vector_store %arg7[%swap3A_452], %swap3A_455 {strides = array<i32>} : memref<1024xf32, #tpu.memory_space<vmem>>, vector<16xf32>,
    %lt3A = arith.constant 20 : i32
    %lt3A_456 = arith.cmpi slt, %add3A, %lt3A : i32
    %jit3A = arith.constant 41 : i32
    %jit3A_457 = arith.constant 40 : i32
    %select_n3A = arith.select %lt3A_456, %jit3A, %jit3A_457 : i32
    %jit3A_458 = arith.constant 26 : i32
    %div3A = arith.divsi %add3A, %jit3A_458 : i32
    %sign3A = arith.constant 0 : i32
    %sign3A_459 = arith.cmpi sgt, %add3A, %sign3A : i32
    %sign3A_460 = arith.extui %sign3A_459 : i1 to i32
    %sign3A_461 = arith.constant 0 : i32
    %sign3A_462 = arith.cmpi slt, %add3A, %sign3A_461 : i32
    %sign3A_463 = arith.extui %sign3A_462 : i1 to i32
    %sign3A_464 = arith.subi %sign3A_460, %sign3A_463 : i32
    %sign3A_465 = arith.constant 0 : i32
    %sign3A_466 = arith.cmpi sgt, %jit3A_458, %sign3A_465 : i32
    %sign3A_467 = arith.extui %sign3A_466 : i1 to i32
    %sign3A_468 = arith.constant 0 : i32
    %sign3A_469 = arith.cmpi slt, %jit3A_458, %sign3A_468 : i32
    %sign3A_470 = arith.extui %sign3A_469 : i1 to i32
    %sign3A_471 = arith.subi %sign3A_467, %sign3A_470 : i32
    %ne3A = arith.cmpi ne, %sign3A_464, %sign3A_471 : i32
    %rem3A = arith.remsi %add3A, %jit3A_458 : i32
    %ne3A_472 = arith.constant 0 : i32
    %ne3A_473 = arith.cmpi ne, %rem3A, %ne3A_472 : i32
    %and3A = arith.andi %ne3A, %ne3A_473 : i1
    %sub3A = arith.constant 1 : i32
    %sub3A_474 = arith.subi %div3A, %sub3A : i32
    %select_n3A_475 = arith.select %and3A, %sub3A_474, %div3A : i32
    %mul3A_476 = arith.constant 1024 : i32
    %mul3A_477 = arith.muli %select_n3A_475, %mul3A_476 : i32
    %dma_start3A = arith.constant 0 : i32
    %dma_start3A_478 = tpu.memref_slice %arg5[%dma_start3A] : memref<2048xi32, #tpu.memory_space<vmem>> -> memref<1024xi32, #tpu.memory_space<vmem>>
    %dma_start3A_479 = tpu.memref_slice %arg2[%mul3A_477] : memref<51200xi32, #tpu.memory_space<hbm>> -> memref<1024xi32, #tpu.memory_space<hbm>>
    %dma_start3A_480 = arith.constant 0 : i32
    %dma_start3A_481 = tpu.memref_slice %arg5[%dma_start3A_480] : memref<2048xi32, #tpu.memory_space<vmem>> -> memref<1024xi32, #tpu.memory_space<vmem>>
    %dma_start3A_482 = tpu.memref_slice %arg2[%mul3A_477] : memref<51200xi32, #tpu.memory_space<hbm>> -> memref<1024xi32, #tpu.memory_space<hbm>>
    tpu.enqueue_dma source(%dma_start3A_482 : memref<1024xi32, #tpu.memory_space<hbm>>) target(%dma_start3A_481 : memref<1024xi32, #tpu.memory_space<vmem>>) target_semaphore(%arg10 : memref<!tpu.dma_semaphore, #tpu.memory_space<semaphore_mem>>)
    %scan3A = arith.constant 0 : i32
    %scan3A_483 = arith.constant 44 : i32
    %scan3A_484 = arith.addi %scan3A, %scan3A_483 : i32
    %scan3A_485 = arith.constant 1 : i32
    scf.for %scan3A_487 = %scan3A to %scan3A_484 step %scan3A_485  : i32 {
      %mul3A_488 = arith.constant 32 : i32
      %mul3A_489 = arith.muli %scan3A_487, %mul3A_488 : i32
      %add3A_490 = arith.addi %add3A, %mul3A_489 : i32
      %ge3A = arith.constant 3 : i32
      %ge3A_491 = arith.cmpi sge, %scan3A_487, %ge3A : i32
      %sub3A_492 = arith.constant 3 : i32
      %sub3A_493 = arith.subi %scan3A_487, %sub3A_492 : i32
      %lt3A_494 = arith.cmpi slt, %sub3A_493, %select_n3A : i32
      %and3A_495 = arith.andi %ge3A_491, %lt3A_494 : i1
      %convert_element_type3A = arith.extui %and3A_495 : i1 to i32
      %cond3A = arith.constant 0 : i32
      %cond3A_496 = arith.cmpi ne, %convert_element_type3A, %cond3A : i32
      scf.if %cond3A_496 {
        %dma_wait3A = arith.constant 0 : i32
        %dma_wait3A_501 = tpu.memref_slice %arg8[%dma_wait3A] : memref<98304xf32, #tpu.memory_space<vmem>> -> memref<32768xf32, #tpu.memory_space<vmem>>
        %dma_wait3A_502 = arith.constant 0 : i32
        %dma_wait3A_503 = tpu.memref_slice %arg4[%dma_wait3A_502] : memref<42598400xf32, #tpu.memory_space<hbm>> -> memref<32768xf32, #tpu.memory_space<hbm>>
        %dma_wait3A_504 = arith.constant 0 : i32
        %dma_wait3A_505 = tpu.memref_slice %arg4[%dma_wait3A_504] : memref<42598400xf32, #tpu.memory_space<hbm>> -> memref<32768xf32, #tpu.memory_space<hbm>>
        %dma_wait3A_506 = arith.constant 0 : i32
        %dma_wait3A_507 = tpu.memref_slice %arg8[%dma_wait3A_506] : memref<98304xf32, #tpu.memory_space<vmem>> -> memref<32768xf32, #tpu.memory_space<vmem>>
        tpu.wait_dma2 semaphore(%arg9 : memref<!tpu.dma_semaphore, #tpu.memory_space<semaphore_mem>>) src(%dma_wait3A_507 : memref<32768xf32, #tpu.memory_space<vmem>>) dst(%dma_wait3A_505 : memref<32768xf32, #tpu.memory_space<hbm>>)
      } else {
      }
      %lt3A_497 = arith.cmpi slt, %scan3A_487, %select_n3A : i32
      %convert_element_type3A_498 = arith.extui %lt3A_497 : i1 to i32
      %cond3A_499 = arith.constant 0 : i32
      %cond3A_500 = arith.cmpi ne, %convert_element_type3A_498, %cond3A_499 : i32
      scf.if %cond3A_500 {
        %rem3A_501 = arith.constant 2 : i32
        %rem3A_502 = arith.remsi %scan3A_487, %rem3A_501 : i32
        %mul3A_503 = arith.constant 1024 : i32
        %mul3A_504 = arith.muli %rem3A_502, %mul3A_503 : i32
        %dma_wait3A = arith.constant 0 : i32
        %dma_wait3A_505 = tpu.memref_slice %arg5[%dma_wait3A] : memref<2048xi32, #tpu.memory_space<vmem>> -> memref<1024xi32, #tpu.memory_space<vmem>>
        %dma_wait3A_506 = arith.constant 0 : i32
        %dma_wait3A_507 = tpu.memref_slice %arg2[%dma_wait3A_506] : memref<51200xi32, #tpu.memory_space<hbm>> -> memref<1024xi32, #tpu.memory_space<hbm>>
        %dma_wait3A_508 = arith.constant 0 : i32
        %dma_wait3A_509 = tpu.memref_slice %arg5[%dma_wait3A_508] : memref<2048xi32, #tpu.memory_space<vmem>> -> memref<1024xi32, #tpu.memory_space<vmem>>
        %dma_wait3A_510 = arith.constant 0 : i32
        %dma_wait3A_511 = tpu.memref_slice %arg2[%dma_wait3A_510] : memref<51200xi32, #tpu.memory_space<hbm>> -> memref<1024xi32, #tpu.memory_space<hbm>>
        tpu.wait_dma2 semaphore(%arg10 : memref<!tpu.dma_semaphore, #tpu.memory_space<semaphore_mem>>) src(%dma_wait3A_511 : memref<1024xi32, #tpu.memory_space<hbm>>) dst(%dma_wait3A_509 : memref<1024xi32, #tpu.memory_space<vmem>>)
        %add3A_512 = arith.constant 1 : i32
        %add3A_513 = arith.addi %scan3A_487, %add3A_512 : i32
        %lt3A_514 = arith.cmpi slt, %add3A_513, %select_n3A : i32
        %convert_element_type3A_515 = arith.extui %lt3A_514 : i1 to i32
        %cond3A_516 = arith.constant 0 : i32
        %cond3A_517 = arith.cmpi ne, %convert_element_type3A_515, %cond3A_516 : i32
        scf.if %cond3A_517 {
          %add3A_747 = arith.constant 32 : i32
          %add3A_748 = arith.addi %add3A_490, %add3A_747 : i32
          %jit3A_749 = arith.constant 26 : i32
          %div3A_750 = arith.divsi %add3A_748, %jit3A_749 : i32
          %sign3A_751 = arith.constant 0 : i32
          %sign3A_752 = arith.cmpi sgt, %add3A_748, %sign3A_751 : i32
          %sign3A_753 = arith.extui %sign3A_752 : i1 to i32
          %sign3A_754 = arith.constant 0 : i32
          %sign3A_755 = arith.cmpi slt, %add3A_748, %sign3A_754 : i32
          %sign3A_756 = arith.extui %sign3A_755 : i1 to i32
          %sign3A_757 = arith.subi %sign3A_753, %sign3A_756 : i32
          %sign3A_758 = arith.constant 0 : i32
          %sign3A_759 = arith.cmpi sgt, %jit3A_749, %sign3A_758 : i32
          %sign3A_760 = arith.extui %sign3A_759 : i1 to i32
          %sign3A_761 = arith.constant 0 : i32
          %sign3A_762 = arith.cmpi slt, %jit3A_749, %sign3A_761 : i32
          %sign3A_763 = arith.extui %sign3A_762 : i1 to i32
          %sign3A_764 = arith.subi %sign3A_760, %sign3A_763 : i32
          %ne3A_765 = arith.cmpi ne, %sign3A_757, %sign3A_764 : i32
          %rem3A_766 = arith.remsi %add3A_748, %jit3A_749 : i32
          %ne3A_767 = arith.constant 0 : i32
          %ne3A_768 = arith.cmpi ne, %rem3A_766, %ne3A_767 : i32
          %and3A_769 = arith.andi %ne3A_765, %ne3A_768 : i1
          %sub3A_770 = arith.constant 1 : i32
          %sub3A_771 = arith.subi %div3A_750, %sub3A_770 : i32
          %select_n3A_772 = arith.select %and3A_769, %sub3A_771, %div3A_750 : i32
          %mul3A_773 = arith.constant 1024 : i32
          %mul3A_774 = arith.muli %select_n3A_772, %mul3A_773 : i32
          %sub3A_775 = arith.constant 1024 : i32
          %sub3A_776 = arith.subi %sub3A_775, %mul3A_504 : i32
          %jit3A_777 = arith.constant 2048 : i32
          %eq3A_778 = arith.constant 0 : i32
          %eq3A_779 = arith.cmpi eq, %jit3A_777, %eq3A_778 : i32
          %jit3A_780 = arith.constant 1 : i32
          %select_n3A_781 = arith.select %eq3A_779, %jit3A_780, %jit3A_777 : i32
          %rem3A_782 = arith.remsi %sub3A_776, %select_n3A_781 : i32
          %ne3A_783 = arith.constant 0 : i32
          %ne3A_784 = arith.cmpi ne, %rem3A_782, %ne3A_783 : i32
          %lt3A_785 = arith.constant 0 : i32
          %lt3A_786 = arith.cmpi slt, %rem3A_782, %lt3A_785 : i32
          %lt3A_787 = arith.constant 0 : i32
          %lt3A_788 = arith.cmpi slt, %select_n3A_781, %lt3A_787 : i32
          %ne3A_789 = arith.xori %lt3A_786, %lt3A_788 : i1
          %and3A_790 = arith.andi %ne3A_789, %ne3A_784 : i1
          %add3A_791 = arith.addi %rem3A_782, %select_n3A_781 : i32
          %select_n3A_792 = arith.select %and3A_790, %add3A_791, %rem3A_782 : i32
          %dma_start3A_793 = tpu.memref_slice %arg5[%select_n3A_792] : memref<2048xi32, #tpu.memory_space<vmem>> -> memref<1024xi32, #tpu.memory_space<vmem>>
          %dma_start3A_794 = tpu.memref_slice %arg2[%mul3A_774] : memref<51200xi32, #tpu.memory_space<hbm>> -> memref<1024xi32, #tpu.memory_space<hbm>>
          %dma_start3A_795 = tpu.memref_slice %arg5[%select_n3A_792] : memref<2048xi32, #tpu.memory_space<vmem>> -> memref<1024xi32, #tpu.memory_space<vmem>>
          %dma_start3A_796 = tpu.memref_slice %arg2[%mul3A_774] : memref<51200xi32, #tpu.memory_space<hbm>> -> memref<1024xi32, #tpu.memory_space<hbm>>
          tpu.enqueue_dma source(%dma_start3A_796 : memref<1024xi32, #tpu.memory_space<hbm>>) target(%dma_start3A_795 : memref<1024xi32, #tpu.memory_space<vmem>>) target_semaphore(%arg10 : memref<!tpu.dma_semaphore, #tpu.memory_space<semaphore_mem>>)
        } else {
        }
        %jit3A_518 = arith.constant 26 : i32
        %eq3A = arith.constant 0 : i32
        %eq3A_519 = arith.cmpi eq, %jit3A_518, %eq3A : i32
        %jit3A_520 = arith.constant 1 : i32
        %select_n3A_521 = arith.select %eq3A_519, %jit3A_520, %jit3A_518 : i32
        %rem3A_522 = arith.remsi %add3A_490, %select_n3A_521 : i32
        %ne3A_523 = arith.constant 0 : i32
        %ne3A_524 = arith.cmpi ne, %rem3A_522, %ne3A_523 : i32
        %lt3A_525 = arith.constant 0 : i32
        %lt3A_526 = arith.cmpi slt, %rem3A_522, %lt3A_525 : i32
        %lt3A_527 = arith.constant 0 : i32
        %lt3A_528 = arith.cmpi slt, %select_n3A_521, %lt3A_527 : i32
        %ne3A_529 = arith.xori %lt3A_526, %lt3A_528 : i1
        %and3A_530 = arith.andi %ne3A_529, %ne3A_524 : i1
        %add3A_531 = arith.addi %rem3A_522, %select_n3A_521 : i32
        %select_n3A_532 = arith.select %and3A_530, %add3A_531, %rem3A_522 : i32
        %rem3A_533 = arith.constant 3 : i32
        %rem3A_534 = arith.remsi %scan3A_487, %rem3A_533 : i32
        %mul3A_535 = arith.constant 32768 : i32
        %mul3A_536 = arith.muli %rem3A_534, %mul3A_535 : i32
        %get3A_537 = arith.constant 0 : index
        %get3A_538 = tpu.vector_load %arg7[%get3A_537] {strides = array<i32>} : memref<1024xf32, #tpu.memory_space<vmem>>, vector<16xf32>,
        %get3A_539 = vector.shape_cast %get3A_538 : vector<16xf32> to vector<16xf32>
        %get3A_540 = arith.constant 16 : index
        %get3A_541 = tpu.vector_load %arg7[%get3A_540] {strides = array<i32>} : memref<1024xf32, #tpu.memory_space<vmem>>, vector<16xf32>,
        %get3A_542 = vector.shape_cast %get3A_541 : vector<16xf32> to vector<16xf32>
        %get3A_543 = arith.constant 32 : index
        %get3A_544 = tpu.vector_load %arg7[%get3A_543] {strides = array<i32>} : memref<1024xf32, #tpu.memory_space<vmem>>, vector<16xf32>,
        %get3A_545 = vector.shape_cast %get3A_544 : vector<16xf32> to vector<16xf32>
        %get3A_546 = arith.constant 48 : index
        %get3A_547 = tpu.vector_load %arg7[%get3A_546] {strides = array<i32>} : memref<1024xf32, #tpu.memory_space<vmem>>, vector<16xf32>,
        %get3A_548 = vector.shape_cast %get3A_547 : vector<16xf32> to vector<16xf32>
        %get3A_549 = arith.constant 64 : index
        %get3A_550 = tpu.vector_load %arg7[%get3A_549] {strides = array<i32>} : memref<1024xf32, #tpu.memory_space<vmem>>, vector<16xf32>,
        %get3A_551 = vector.shape_cast %get3A_550 : vector<16xf32> to vector<16xf32>
        %get3A_552 = arith.constant 80 : index
        %get3A_553 = tpu.vector_load %arg7[%get3A_552] {strides = array<i32>} : memref<1024xf32, #tpu.memory_space<vmem>>, vector<16xf32>,
        %get3A_554 = vector.shape_cast %get3A_553 : vector<16xf32> to vector<16xf32>
        %get3A_555 = arith.constant 96 : index
        %get3A_556 = tpu.vector_load %arg7[%get3A_555] {strides = array<i32>} : memref<1024xf32, #tpu.memory_space<vmem>>, vector<16xf32>,
        %get3A_557 = vector.shape_cast %get3A_556 : vector<16xf32> to vector<16xf32>
        %get3A_558 = arith.constant 112 : index
        %get3A_559 = tpu.vector_load %arg7[%get3A_558] {strides = array<i32>} : memref<1024xf32, #tpu.memory_space<vmem>>, vector<16xf32>,
        %get3A_560 = vector.shape_cast %get3A_559 : vector<16xf32> to vector<16xf32>
        %get3A_561 = arith.constant 128 : index
        %get3A_562 = tpu.vector_load %arg7[%get3A_561] {strides = array<i32>} : memref<1024xf32, #tpu.memory_space<vmem>>, vector<16xf32>,
        %get3A_563 = vector.shape_cast %get3A_562 : vector<16xf32> to vector<16xf32>
        %get3A_564 = arith.constant 144 : index
        %get3A_565 = tpu.vector_load %arg7[%get3A_564] {strides = array<i32>} : memref<1024xf32, #tpu.memory_space<vmem>>, vector<16xf32>,
        %get3A_566 = vector.shape_cast %get3A_565 : vector<16xf32> to vector<16xf32>
        %get3A_567 = arith.constant 160 : index
        %get3A_568 = tpu.vector_load %arg7[%get3A_567] {strides = array<i32>} : memref<1024xf32, #tpu.memory_space<vmem>>, vector<16xf32>,
        %get3A_569 = vector.shape_cast %get3A_568 : vector<16xf32> to vector<16xf32>
        %get3A_570 = arith.constant 176 : index
        %get3A_571 = tpu.vector_load %arg7[%get3A_570] {strides = array<i32>} : memref<1024xf32, #tpu.memory_space<vmem>>, vector<16xf32>,
        %get3A_572 = vector.shape_cast %get3A_571 : vector<16xf32> to vector<16xf32>
        %get3A_573 = arith.constant 192 : index
        %get3A_574 = tpu.vector_load %arg7[%get3A_573] {strides = array<i32>} : memref<1024xf32, #tpu.memory_space<vmem>>, vector<16xf32>,
        %get3A_575 = vector.shape_cast %get3A_574 : vector<16xf32> to vector<16xf32>
        %get3A_576 = arith.constant 208 : index
        %get3A_577 = tpu.vector_load %arg7[%get3A_576] {strides = array<i32>} : memref<1024xf32, #tpu.memory_space<vmem>>, vector<16xf32>,
        %get3A_578 = vector.shape_cast %get3A_577 : vector<16xf32> to vector<16xf32>
        %get3A_579 = arith.constant 224 : index
        %get3A_580 = tpu.vector_load %arg7[%get3A_579] {strides = array<i32>} : memref<1024xf32, #tpu.memory_space<vmem>>, vector<16xf32>,
        %get3A_581 = vector.shape_cast %get3A_580 : vector<16xf32> to vector<16xf32>
        %get3A_582 = arith.constant 240 : index
        %get3A_583 = tpu.vector_load %arg7[%get3A_582] {strides = array<i32>} : memref<1024xf32, #tpu.memory_space<vmem>>, vector<16xf32>,
        %get3A_584 = vector.shape_cast %get3A_583 : vector<16xf32> to vector<16xf32>
        %get3A_585 = arith.constant 512 : index
        %get3A_586 = tpu.vector_load %arg7[%get3A_585] {strides = array<i32>} : memref<1024xf32, #tpu.memory_space<vmem>>, vector<16xf32>,
        %get3A_587 = vector.shape_cast %get3A_586 : vector<16xf32> to vector<16xf32>
        %get3A_588 = arith.constant 528 : index
        %get3A_589 = tpu.vector_load %arg7[%get3A_588] {strides = array<i32>} : memref<1024xf32, #tpu.memory_space<vmem>>, vector<16xf32>,
        %get3A_590 = vector.shape_cast %get3A_589 : vector<16xf32> to vector<16xf32>
        %get3A_591 = arith.constant 544 : index
        %get3A_592 = tpu.vector_load %arg7[%get3A_591] {strides = array<i32>} : memref<1024xf32, #tpu.memory_space<vmem>>, vector<16xf32>,
        %get3A_593 = vector.shape_cast %get3A_592 : vector<16xf32> to vector<16xf32>
        %get3A_594 = arith.constant 560 : index
        %get3A_595 = tpu.vector_load %arg7[%get3A_594] {strides = array<i32>} : memref<1024xf32, #tpu.memory_space<vmem>>, vector<16xf32>,
        %get3A_596 = vector.shape_cast %get3A_595 : vector<16xf32> to vector<16xf32>
        %get3A_597 = arith.constant 576 : index
        %get3A_598 = tpu.vector_load %arg7[%get3A_597] {strides = array<i32>} : memref<1024xf32, #tpu.memory_space<vmem>>, vector<16xf32>,
        %get3A_599 = vector.shape_cast %get3A_598 : vector<16xf32> to vector<16xf32>
        %get3A_600 = arith.constant 592 : index
        %get3A_601 = tpu.vector_load %arg7[%get3A_600] {strides = array<i32>} : memref<1024xf32, #tpu.memory_space<vmem>>, vector<16xf32>,
        %get3A_602 = vector.shape_cast %get3A_601 : vector<16xf32> to vector<16xf32>
        %get3A_603 = arith.constant 608 : index
        %get3A_604 = tpu.vector_load %arg7[%get3A_603] {strides = array<i32>} : memref<1024xf32, #tpu.memory_space<vmem>>, vector<16xf32>,
        %get3A_605 = vector.shape_cast %get3A_604 : vector<16xf32> to vector<16xf32>
        %get3A_606 = arith.constant 624 : index
        %get3A_607 = tpu.vector_load %arg7[%get3A_606] {strides = array<i32>} : memref<1024xf32, #tpu.memory_space<vmem>>, vector<16xf32>,
        %get3A_608 = vector.shape_cast %get3A_607 : vector<16xf32> to vector<16xf32>
        %get3A_609 = arith.constant 640 : index
        %get3A_610 = tpu.vector_load %arg7[%get3A_609] {strides = array<i32>} : memref<1024xf32, #tpu.memory_space<vmem>>, vector<16xf32>,
        %get3A_611 = vector.shape_cast %get3A_610 : vector<16xf32> to vector<16xf32>
        %get3A_612 = arith.constant 656 : index
        %get3A_613 = tpu.vector_load %arg7[%get3A_612] {strides = array<i32>} : memref<1024xf32, #tpu.memory_space<vmem>>, vector<16xf32>,
        %get3A_614 = vector.shape_cast %get3A_613 : vector<16xf32> to vector<16xf32>
        %get3A_615 = arith.constant 672 : index
        %get3A_616 = tpu.vector_load %arg7[%get3A_615] {strides = array<i32>} : memref<1024xf32, #tpu.memory_space<vmem>>, vector<16xf32>,
        %get3A_617 = vector.shape_cast %get3A_616 : vector<16xf32> to vector<16xf32>
        %get3A_618 = arith.constant 688 : index
        %get3A_619 = tpu.vector_load %arg7[%get3A_618] {strides = array<i32>} : memref<1024xf32, #tpu.memory_space<vmem>>, vector<16xf32>,
        %get3A_620 = vector.shape_cast %get3A_619 : vector<16xf32> to vector<16xf32>
        %get3A_621 = arith.constant 704 : index
        %get3A_622 = tpu.vector_load %arg7[%get3A_621] {strides = array<i32>} : memref<1024xf32, #tpu.memory_space<vmem>>, vector<16xf32>,
        %get3A_623 = vector.shape_cast %get3A_622 : vector<16xf32> to vector<16xf32>
        %get3A_624 = arith.constant 720 : index
        %get3A_625 = tpu.vector_load %arg7[%get3A_624] {strides = array<i32>} : memref<1024xf32, #tpu.memory_space<vmem>>, vector<16xf32>,
        %get3A_626 = vector.shape_cast %get3A_625 : vector<16xf32> to vector<16xf32>
        %get3A_627 = arith.constant 736 : index
        %get3A_628 = tpu.vector_load %arg7[%get3A_627] {strides = array<i32>} : memref<1024xf32, #tpu.memory_space<vmem>>, vector<16xf32>,
        %get3A_629 = vector.shape_cast %get3A_628 : vector<16xf32> to vector<16xf32>
        %get3A_630 = arith.constant 752 : index
        %get3A_631 = tpu.vector_load %arg7[%get3A_630] {strides = array<i32>} : memref<1024xf32, #tpu.memory_space<vmem>>, vector<16xf32>,
        %get3A_632 = vector.shape_cast %get3A_631 : vector<16xf32> to vector<16xf32>
        %scan3A_633 = arith.constant 0 : i32
        %scan3A_634 = arith.constant 64 : i32
        %scan3A_635 = arith.addi %scan3A_633, %scan3A_634 : i32
        %scan3A_636 = arith.constant 8 : i32
        scf.for %scan3A_747 = %scan3A_633 to %scan3A_635 step %scan3A_636  : i32 {
          %mul3A_748 = arith.constant 16 : i32
          %mul3A_749 = arith.muli %scan3A_747, %mul3A_748 : i32
          %add3A_750 = arith.addi %mul3A_504, %mul3A_749 : i32
          %get3A_751 = arith.index_cast %add3A_750 : i32 to index
          %get3A_752 = tpu.vector_load %arg5[%get3A_751] {strides = array<i32>} : memref<2048xi32, #tpu.memory_space<vmem>>, vector<16xi32>,
          %get3A_753 = vector.shape_cast %get3A_752 : vector<16xi32> to vector<16xi32>
          %eq3A_754 = vector.broadcast %select_n3A_532 : i32 to vector<16xi32>
          %eq3A_755 = arith.cmpi eq, %get3A_753, %eq3A_754 : vector<16xi32>
          %jit3A_756 = arith.constant 8 : i32
          %div3A_757 = arith.divsi %scan3A_747, %jit3A_756 : i32
          %sign3A_758 = arith.constant 0 : i32
          %sign3A_759 = arith.cmpi sgt, %scan3A_747, %sign3A_758 : i32
          %sign3A_760 = arith.extui %sign3A_759 : i1 to i32
          %sign3A_761 = arith.constant 0 : i32
          %sign3A_762 = arith.cmpi slt, %scan3A_747, %sign3A_761 : i32
          %sign3A_763 = arith.extui %sign3A_762 : i1 to i32
          %sign3A_764 = arith.subi %sign3A_760, %sign3A_763 : i32
          %sign3A_765 = arith.constant 0 : i32
          %sign3A_766 = arith.cmpi sgt, %jit3A_756, %sign3A_765 : i32
          %sign3A_767 = arith.extui %sign3A_766 : i1 to i32
          %sign3A_768 = arith.constant 0 : i32
          %sign3A_769 = arith.cmpi slt, %jit3A_756, %sign3A_768 : i32
          %sign3A_770 = arith.extui %sign3A_769 : i1 to i32
          %sign3A_771 = arith.subi %sign3A_767, %sign3A_770 : i32
          %ne3A_772 = arith.cmpi ne, %sign3A_764, %sign3A_771 : i32
          %rem3A_773 = arith.remsi %scan3A_747, %jit3A_756 : i32
          %ne3A_774 = arith.constant 0 : i32
          %ne3A_775 = arith.cmpi ne, %rem3A_773, %ne3A_774 : i32
          %and3A_776 = arith.andi %ne3A_772, %ne3A_775 : i1
          %sub3A_777 = arith.constant 1 : i32
          %sub3A_778 = arith.subi %div3A_757, %sub3A_777 : i32
          %select_n3A_779 = arith.select %and3A_776, %sub3A_778, %div3A_757 : i32
          %mul3A_780 = arith.constant 1024 : i32
          %mul3A_781 = arith.muli %select_n3A_779, %mul3A_780 : i32
          %add3A_782 = arith.addi %mul3A_536, %mul3A_781 : i32
          %jit3A_783 = arith.constant 8 : i32
          %eq3A_784 = arith.constant 0 : i32
          %eq3A_785 = arith.cmpi eq, %jit3A_783, %eq3A_784 : i32
          %jit3A_786 = arith.constant 1 : i32
          %select_n3A_787 = arith.select %eq3A_785, %jit3A_786, %jit3A_783 : i32
          %rem3A_788 = arith.remsi %scan3A_747, %select_n3A_787 : i32
          %ne3A_789 = arith.constant 0 : i32
          %ne3A_790 = arith.cmpi ne, %rem3A_788, %ne3A_789 : i32
          %lt3A_791 = arith.constant 0 : i32
          %lt3A_792 = arith.cmpi slt, %rem3A_788, %lt3A_791 : i32
          %lt3A_793 = arith.constant 0 : i32
          %lt3A_794 = arith.cmpi slt, %select_n3A_787, %lt3A_793 : i32
          %ne3A_795 = arith.xori %lt3A_792, %lt3A_794 : i1
          %and3A_796 = arith.andi %ne3A_795, %ne3A_790 : i1
          %add3A_797 = arith.addi %rem3A_788, %select_n3A_787 : i32
          %select_n3A_798 = arith.select %and3A_796, %add3A_797, %rem3A_788 : i32
          %mul3A_799 = arith.constant 16 : i32
          %mul3A_800 = arith.muli %select_n3A_798, %mul3A_799 : i32
          %add3A_801 = arith.addi %add3A_782, %mul3A_800 : i32
          %add3A_802 = arith.constant 0 : i32
          %add3A_803 = arith.addi %add3A_801, %add3A_802 : i32
          %add3A_804 = arith.constant 0 : i32
          %add3A_805 = arith.addi %add3A_803, %add3A_804 : i32
          %select_n3A_806 = arith.select %eq3A_755, %get3A_587, %get3A_539 : vector<16xi1>, vector<16xf32>
          %swap3A_807 = arith.index_cast %add3A_805 : i32 to index
          %swap3A_808 = tpu.vector_load %arg8[%swap3A_807] {strides = array<i32>} : memref<98304xf32, #tpu.memory_space<vmem>>, vector<16xf32>,
          %swap3A_809 = vector.shape_cast %swap3A_808 : vector<16xf32> to vector<16xf32>
          %swap3A_810 = vector.shape_cast %select_n3A_806 : vector<16xf32> to vector<16xf32>
          tpu.vector_store %arg8[%swap3A_807], %swap3A_810 {strides = array<i32>} : memref<98304xf32, #tpu.memory_space<vmem>>, vector<16xf32>,
          %add3A_811 = arith.constant 0 : i32
          %add3A_812 = arith.addi %add3A_801, %add3A_811 : i32
          %add3A_813 = arith.constant 128 : i32
          %add3A_814 = arith.addi %add3A_812, %add3A_813 : i32
          %select_n3A_815 = arith.select %eq3A_755, %get3A_590, %get3A_542 : vector<16xi1>, vector<16xf32>
          %swap3A_816 = arith.index_cast %add3A_814 : i32 to index
          %swap3A_817 = tpu.vector_load %arg8[%swap3A_816] {strides = array<i32>} : memref<98304xf32, #tpu.memory_space<vmem>>, vector<16xf32>,
          %swap3A_818 = vector.shape_cast %swap3A_817 : vector<16xf32> to vector<16xf32>
          %swap3A_819 = vector.shape_cast %select_n3A_815 : vector<16xf32> to vector<16xf32>
          tpu.vector_store %arg8[%swap3A_816], %swap3A_819 {strides = array<i32>} : memref<98304xf32, #tpu.memory_space<vmem>>, vector<16xf32>,
          %add3A_820 = arith.constant 0 : i32
          %add3A_821 = arith.addi %add3A_801, %add3A_820 : i32
          %add3A_822 = arith.constant 256 : i32
          %add3A_823 = arith.addi %add3A_821, %add3A_822 : i32
          %select_n3A_824 = arith.select %eq3A_755, %get3A_593, %get3A_545 : vector<16xi1>, vector<16xf32>
          %swap3A_825 = arith.index_cast %add3A_823 : i32 to index
          %swap3A_826 = tpu.vector_load %arg8[%swap3A_825] {strides = array<i32>} : memref<98304xf32, #tpu.memory_space<vmem>>, vector<16xf32>,
          %swap3A_827 = vector.shape_cast %swap3A_826 : vector<16xf32> to vector<16xf32>
          %swap3A_828 = vector.shape_cast %select_n3A_824 : vector<16xf32> to vector<16xf32>
          tpu.vector_store %arg8[%swap3A_825], %swap3A_828 {strides = array<i32>} : memref<98304xf32, #tpu.memory_space<vmem>>, vector<16xf32>,
          %add3A_829 = arith.constant 0 : i32
          %add3A_830 = arith.addi %add3A_801, %add3A_829 : i32
          %add3A_831 = arith.constant 384 : i32
          %add3A_832 = arith.addi %add3A_830, %add3A_831 : i32
          %select_n3A_833 = arith.select %eq3A_755, %get3A_596, %get3A_548 : vector<16xi1>, vector<16xf32>
          %swap3A_834 = arith.index_cast %add3A_832 : i32 to index
          %swap3A_835 = tpu.vector_load %arg8[%swap3A_834] {strides = array<i32>} : memref<98304xf32, #tpu.memory_space<vmem>>, vector<16xf32>,
          %swap3A_836 = vector.shape_cast %swap3A_835 : vector<16xf32> to vector<16xf32>
          %swap3A_837 = vector.shape_cast %select_n3A_833 : vector<16xf32> to vector<16xf32>
          tpu.vector_store %arg8[%swap3A_834], %swap3A_837 {strides = array<i32>} : memref<98304xf32, #tpu.memory_space<vmem>>, vector<16xf32>,
          %add3A_838 = arith.constant 0 : i32
          %add3A_839 = arith.addi %add3A_801, %add3A_838 : i32
          %add3A_840 = arith.constant 512 : i32
          %add3A_841 = arith.addi %add3A_839, %add3A_840 : i32
          %select_n3A_842 = arith.select %eq3A_755, %get3A_599, %get3A_551 : vector<16xi1>, vector<16xf32>
          %swap3A_843 = arith.index_cast %add3A_841 : i32 to index
          %swap3A_844 = tpu.vector_load %arg8[%swap3A_843] {strides = array<i32>} : memref<98304xf32, #tpu.memory_space<vmem>>, vector<16xf32>,
          %swap3A_845 = vector.shape_cast %swap3A_844 : vector<16xf32> to vector<16xf32>
          %swap3A_846 = vector.shape_cast %select_n3A_842 : vector<16xf32> to vector<16xf32>
          tpu.vector_store %arg8[%swap3A_843], %swap3A_846 {strides = array<i32>} : memref<98304xf32, #tpu.memory_space<vmem>>, vector<16xf32>,
          %add3A_847 = arith.constant 0 : i32
          %add3A_848 = arith.addi %add3A_801, %add3A_847 : i32
          %add3A_849 = arith.constant 640 : i32
          %add3A_850 = arith.addi %add3A_848, %add3A_849 : i32
          %select_n3A_851 = arith.select %eq3A_755, %get3A_602, %get3A_554 : vector<16xi1>, vector<16xf32>
          %swap3A_852 = arith.index_cast %add3A_850 : i32 to index
          %swap3A_853 = tpu.vector_load %arg8[%swap3A_852] {strides = array<i32>} : memref<98304xf32, #tpu.memory_space<vmem>>, vector<16xf32>,
          %swap3A_854 = vector.shape_cast %swap3A_853 : vector<16xf32> to vector<16xf32>
          %swap3A_855 = vector.shape_cast %select_n3A_851 : vector<16xf32> to vector<16xf32>
          tpu.vector_store %arg8[%swap3A_852], %swap3A_855 {strides = array<i32>} : memref<98304xf32, #tpu.memory_space<vmem>>, vector<16xf32>,
          %add3A_856 = arith.constant 0 : i32
          %add3A_857 = arith.addi %add3A_801, %add3A_856 : i32
          %add3A_858 = arith.constant 768 : i32
          %add3A_859 = arith.addi %add3A_857, %add3A_858 : i32
          %select_n3A_860 = arith.select %eq3A_755, %get3A_605, %get3A_557 : vector<16xi1>, vector<16xf32>
          %swap3A_861 = arith.index_cast %add3A_859 : i32 to index
          %swap3A_862 = tpu.vector_load %arg8[%swap3A_861] {strides = array<i32>} : memref<98304xf32, #tpu.memory_space<vmem>>, vector<16xf32>,
          %swap3A_863 = vector.shape_cast %swap3A_862 : vector<16xf32> to vector<16xf32>
          %swap3A_864 = vector.shape_cast %select_n3A_860 : vector<16xf32> to vector<16xf32>
          tpu.vector_store %arg8[%swap3A_861], %swap3A_864 {strides = array<i32>} : memref<98304xf32, #tpu.memory_space<vmem>>, vector<16xf32>,
          %add3A_865 = arith.constant 0 : i32
          %add3A_866 = arith.addi %add3A_801, %add3A_865 : i32
          %add3A_867 = arith.constant 896 : i32
          %add3A_868 = arith.addi %add3A_866, %add3A_867 : i32
          %select_n3A_869 = arith.select %eq3A_755, %get3A_608, %get3A_560 : vector<16xi1>, vector<16xf32>
          %swap3A_870 = arith.index_cast %add3A_868 : i32 to index
          %swap3A_871 = tpu.vector_load %arg8[%swap3A_870] {strides = array<i32>} : memref<98304xf32, #tpu.memory_space<vmem>>, vector<16xf32>,
          %swap3A_872 = vector.shape_cast %swap3A_871 : vector<16xf32> to vector<16xf32>
          %swap3A_873 = vector.shape_cast %select_n3A_869 : vector<16xf32> to vector<16xf32>
          tpu.vector_store %arg8[%swap3A_870], %swap3A_873 {strides = array<i32>} : memref<98304xf32, #tpu.memory_space<vmem>>, vector<16xf32>,
          %add3A_874 = arith.constant 8192 : i32
          %add3A_875 = arith.addi %add3A_801, %add3A_874 : i32
          %add3A_876 = arith.constant 0 : i32
          %add3A_877 = arith.addi %add3A_875, %add3A_876 : i32
          %select_n3A_878 = arith.select %eq3A_755, %get3A_611, %get3A_563 : vector<16xi1>, vector<16xf32>
          %swap3A_879 = arith.index_cast %add3A_877 : i32 to index
          %swap3A_880 = tpu.vector_load %arg8[%swap3A_879] {strides = array<i32>} : memref<98304xf32, #tpu.memory_space<vmem>>, vector<16xf32>,
          %swap3A_881 = vector.shape_cast %swap3A_880 : vector<16xf32> to vector<16xf32>
          %swap3A_882 = vector.shape_cast %select_n3A_878 : vector<16xf32> to vector<16xf32>
          tpu.vector_store %arg8[%swap3A_879], %swap3A_882 {strides = array<i32>} : memref<98304xf32, #tpu.memory_space<vmem>>, vector<16xf32>,
          %add3A_883 = arith.constant 8192 : i32
          %add3A_884 = arith.addi %add3A_801, %add3A_883 : i32
          %add3A_885 = arith.constant 128 : i32
          %add3A_886 = arith.addi %add3A_884, %add3A_885 : i32
          %select_n3A_887 = arith.select %eq3A_755, %get3A_614, %get3A_566 : vector<16xi1>, vector<16xf32>
          %swap3A_888 = arith.index_cast %add3A_886 : i32 to index
          %swap3A_889 = tpu.vector_load %arg8[%swap3A_888] {strides = array<i32>} : memref<98304xf32, #tpu.memory_space<vmem>>, vector<16xf32>,
          %swap3A_890 = vector.shape_cast %swap3A_889 : vector<16xf32> to vector<16xf32>
          %swap3A_891 = vector.shape_cast %select_n3A_887 : vector<16xf32> to vector<16xf32>
          tpu.vector_store %arg8[%swap3A_888], %swap3A_891 {strides = array<i32>} : memref<98304xf32, #tpu.memory_space<vmem>>, vector<16xf32>,
          %add3A_892 = arith.constant 8192 : i32
          %add3A_893 = arith.addi %add3A_801, %add3A_892 : i32
          %add3A_894 = arith.constant 256 : i32
          %add3A_895 = arith.addi %add3A_893, %add3A_894 : i32
          %select_n3A_896 = arith.select %eq3A_755, %get3A_617, %get3A_569 : vector<16xi1>, vector<16xf32>
          %swap3A_897 = arith.index_cast %add3A_895 : i32 to index
          %swap3A_898 = tpu.vector_load %arg8[%swap3A_897] {strides = array<i32>} : memref<98304xf32, #tpu.memory_space<vmem>>, vector<16xf32>,
          %swap3A_899 = vector.shape_cast %swap3A_898 : vector<16xf32> to vector<16xf32>
          %swap3A_900 = vector.shape_cast %select_n3A_896 : vector<16xf32> to vector<16xf32>
          tpu.vector_store %arg8[%swap3A_897], %swap3A_900 {strides = array<i32>} : memref<98304xf32, #tpu.memory_space<vmem>>, vector<16xf32>,
          %add3A_901 = arith.constant 8192 : i32
          %add3A_902 = arith.addi %add3A_801, %add3A_901 : i32
          %add3A_903 = arith.constant 384 : i32
          %add3A_904 = arith.addi %add3A_902, %add3A_903 : i32
          %select_n3A_905 = arith.select %eq3A_755, %get3A_620, %get3A_572 : vector<16xi1>, vector<16xf32>
          %swap3A_906 = arith.index_cast %add3A_904 : i32 to index
          %swap3A_907 = tpu.vector_load %arg8[%swap3A_906] {strides = array<i32>} : memref<98304xf32, #tpu.memory_space<vmem>>, vector<16xf32>,
          %swap3A_908 = vector.shape_cast %swap3A_907 : vector<16xf32> to vector<16xf32>
          %swap3A_909 = vector.shape_cast %select_n3A_905 : vector<16xf32> to vector<16xf32>
          tpu.vector_store %arg8[%swap3A_906], %swap3A_909 {strides = array<i32>} : memref<98304xf32, #tpu.memory_space<vmem>>, vector<16xf32>,
          %add3A_910 = arith.constant 8192 : i32
          %add3A_911 = arith.addi %add3A_801, %add3A_910 : i32
          %add3A_912 = arith.constant 512 : i32
          %add3A_913 = arith.addi %add3A_911, %add3A_912 : i32
          %select_n3A_914 = arith.select %eq3A_755, %get3A_623, %get3A_575 : vector<16xi1>, vector<16xf32>
          %swap3A_915 = arith.index_cast %add3A_913 : i32 to index
          %swap3A_916 = tpu.vector_load %arg8[%swap3A_915] {strides = array<i32>} : memref<98304xf32, #tpu.memory_space<vmem>>, vector<16xf32>,
          %swap3A_917 = vector.shape_cast %swap3A_916 : vector<16xf32> to vector<16xf32>
          %swap3A_918 = vector.shape_cast %select_n3A_914 : vector<16xf32> to vector<16xf32>
          tpu.vector_store %arg8[%swap3A_915], %swap3A_918 {strides = array<i32>} : memref<98304xf32, #tpu.memory_space<vmem>>, vector<16xf32>,
          %add3A_919 = arith.constant 8192 : i32
          %add3A_920 = arith.addi %add3A_801, %add3A_919 : i32
          %add3A_921 = arith.constant 640 : i32
          %add3A_922 = arith.addi %add3A_920, %add3A_921 : i32
          %select_n3A_923 = arith.select %eq3A_755, %get3A_626, %get3A_578 : vector<16xi1>, vector<16xf32>
          %swap3A_924 = arith.index_cast %add3A_922 : i32 to index
          %swap3A_925 = tpu.vector_load %arg8[%swap3A_924] {strides = array<i32>} : memref<98304xf32, #tpu.memory_space<vmem>>, vector<16xf32>,
          %swap3A_926 = vector.shape_cast %swap3A_925 : vector<16xf32> to vector<16xf32>
          %swap3A_927 = vector.shape_cast %select_n3A_923 : vector<16xf32> to vector<16xf32>
          tpu.vector_store %arg8[%swap3A_924], %swap3A_927 {strides = array<i32>} : memref<98304xf32, #tpu.memory_space<vmem>>, vector<16xf32>,
          %add3A_928 = arith.constant 8192 : i32
          %add3A_929 = arith.addi %add3A_801, %add3A_928 : i32
          %add3A_930 = arith.constant 768 : i32
          %add3A_931 = arith.addi %add3A_929, %add3A_930 : i32
          %select_n3A_932 = arith.select %eq3A_755, %get3A_629, %get3A_581 : vector<16xi1>, vector<16xf32>
          %swap3A_933 = arith.index_cast %add3A_931 : i32 to index
          %swap3A_934 = tpu.vector_load %arg8[%swap3A_933] {strides = array<i32>} : memref<98304xf32, #tpu.memory_space<vmem>>, vector<16xf32>,
          %swap3A_935 = vector.shape_cast %swap3A_934 : vector<16xf32> to vector<16xf32>
          %swap3A_936 = vector.shape_cast %select_n3A_932 : vector<16xf32> to vector<16xf32>
          tpu.vector_store %arg8[%swap3A_933], %swap3A_936 {strides = array<i32>} : memref<98304xf32, #tpu.memory_space<vmem>>, vector<16xf32>,
          %add3A_937 = arith.constant 8192 : i32
          %add3A_938 = arith.addi %add3A_801, %add3A_937 : i32
          %add3A_939 = arith.constant 896 : i32
          %add3A_940 = arith.addi %add3A_938, %add3A_939 : i32
          %select_n3A_941 = arith.select %eq3A_755, %get3A_632, %get3A_584 : vector<16xi1>, vector<16xf32>
          %swap3A_942 = arith.index_cast %add3A_940 : i32 to index
          %swap3A_943 = tpu.vector_load %arg8[%swap3A_942] {strides = array<i32>} : memref<98304xf32, #tpu.memory_space<vmem>>, vector<16xf32>,
          %swap3A_944 = vector.shape_cast %swap3A_943 : vector<16xf32> to vector<16xf32>
          %swap3A_945 = vector.shape_cast %select_n3A_941 : vector<16xf32> to vector<16xf32>
          tpu.vector_store %arg8[%swap3A_942], %swap3A_945 {strides = array<i32>} : memref<98304xf32, #tpu.memory_space<vmem>>, vector<16xf32>,
          %scan3A_946 = arith.constant 1 : i32
          %scan3A_947 = arith.addi %scan3A_747, %scan3A_946 : i32
          %mul3A_948 = arith.constant 16 : i32
          %mul3A_949 = arith.muli %scan3A_947, %mul3A_948 : i32
          %add3A_950 = arith.addi %mul3A_504, %mul3A_949 : i32
          %get3A_951 = arith.index_cast %add3A_950 : i32 to index
          %get3A_952 = tpu.vector_load %arg5[%get3A_951] {strides = array<i32>} : memref<2048xi32, #tpu.memory_space<vmem>>, vector<16xi32>,
          %get3A_953 = vector.shape_cast %get3A_952 : vector<16xi32> to vector<16xi32>
          %eq3A_954 = vector.broadcast %select_n3A_532 : i32 to vector<16xi32>
          %eq3A_955 = arith.cmpi eq, %get3A_953, %eq3A_954 : vector<16xi32>
          %jit3A_956 = arith.constant 8 : i32
          %div3A_957 = arith.divsi %scan3A_947, %jit3A_956 : i32
          %sign3A_958 = arith.constant 0 : i32
          %sign3A_959 = arith.cmpi sgt, %scan3A_947, %sign3A_958 : i32
          %sign3A_960 = arith.extui %sign3A_959 : i1 to i32
          %sign3A_961 = arith.constant 0 : i32
          %sign3A_962 = arith.cmpi slt, %scan3A_947, %sign3A_961 : i32
          %sign3A_963 = arith.extui %sign3A_962 : i1 to i32
          %sign3A_964 = arith.subi %sign3A_960, %sign3A_963 : i32
          %sign3A_965 = arith.constant 0 : i32
          %sign3A_966 = arith.cmpi sgt, %jit3A_956, %sign3A_965 : i32
          %sign3A_967 = arith.extui %sign3A_966 : i1 to i32
          %sign3A_968 = arith.constant 0 : i32
          %sign3A_969 = arith.cmpi slt, %jit3A_956, %sign3A_968 : i32
          %sign3A_970 = arith.extui %sign3A_969 : i1 to i32
          %sign3A_971 = arith.subi %sign3A_967, %sign3A_970 : i32
          %ne3A_972 = arith.cmpi ne, %sign3A_964, %sign3A_971 : i32
          %rem3A_973 = arith.remsi %scan3A_947, %jit3A_956 : i32
          %ne3A_974 = arith.constant 0 : i32
          %ne3A_975 = arith.cmpi ne, %rem3A_973, %ne3A_974 : i32
          %and3A_976 = arith.andi %ne3A_972, %ne3A_975 : i1
          %sub3A_977 = arith.constant 1 : i32
          %sub3A_978 = arith.subi %div3A_957, %sub3A_977 : i32
          %select_n3A_979 = arith.select %and3A_976, %sub3A_978, %div3A_957 : i32
          %mul3A_980 = arith.constant 1024 : i32
          %mul3A_981 = arith.muli %select_n3A_979, %mul3A_980 : i32
          %add3A_982 = arith.addi %mul3A_536, %mul3A_981 : i32
          %jit3A_983 = arith.constant 8 : i32
          %eq3A_984 = arith.constant 0 : i32
          %eq3A_985 = arith.cmpi eq, %jit3A_983, %eq3A_984 : i32
          %jit3A_986 = arith.constant 1 : i32
          %select_n3A_987 = arith.select %eq3A_985, %jit3A_986, %jit3A_983 : i32
          %rem3A_988 = arith.remsi %scan3A_947, %select_n3A_987 : i32
          %ne3A_989 = arith.constant 0 : i32
          %ne3A_990 = arith.cmpi ne, %rem3A_988, %ne3A_989 : i32
          %lt3A_991 = arith.constant 0 : i32
          %lt3A_992 = arith.cmpi slt, %rem3A_988, %lt3A_991 : i32
          %lt3A_993 = arith.constant 0 : i32
          %lt3A_994 = arith.cmpi slt, %select_n3A_987, %lt3A_993 : i32
          %ne3A_995 = arith.xori %lt3A_992, %lt3A_994 : i1
          %and3A_996 = arith.andi %ne3A_995, %ne3A_990 : i1
          %add3A_997 = arith.addi %rem3A_988, %select_n3A_987 : i32
          %select_n3A_998 = arith.select %and3A_996, %add3A_997, %rem3A_988 : i32
          %mul3A_999 = arith.constant 16 : i32
          %mul3A_1000 = arith.muli %select_n3A_998, %mul3A_999 : i32
          %add3A_1001 = arith.addi %add3A_982, %mul3A_1000 : i32
          %add3A_1002 = arith.constant 0 : i32
          %add3A_1003 = arith.addi %add3A_1001, %add3A_1002 : i32
          %add3A_1004 = arith.constant 0 : i32
          %add3A_1005 = arith.addi %add3A_1003, %add3A_1004 : i32
          %select_n3A_1006 = arith.select %eq3A_955, %get3A_587, %get3A_539 : vector<16xi1>, vector<16xf32>
          %swap3A_1007 = arith.index_cast %add3A_1005 : i32 to index
          %swap3A_1008 = tpu.vector_load %arg8[%swap3A_1007] {strides = array<i32>} : memref<98304xf32, #tpu.memory_space<vmem>>, vector<16xf32>,
          %swap3A_1009 = vector.shape_cast %swap3A_1008 : vector<16xf32> to vector<16xf32>
          %swap3A_1010 = vector.shape_cast %select_n3A_1006 : vector<16xf32> to vector<16xf32>
          tpu.vector_store %arg8[%swap3A_1007], %swap3A_1010 {strides = array<i32>} : memref<98304xf32, #tpu.memory_space<vmem>>, vector<16xf32>,
          %add3A_1011 = arith.constant 0 : i32
          %add3A_1012 = arith.addi %add3A_1001, %add3A_1011 : i32
          %add3A_1013 = arith.constant 128 : i32
          %add3A_1014 = arith.addi %add3A_1012, %add3A_1013 : i32
          %select_n3A_1015 = arith.select %eq3A_955, %get3A_590, %get3A_542 : vector<16xi1>, vector<16xf32>
          %swap3A_1016 = arith.index_cast %add3A_1014 : i32 to index
          %swap3A_1017 = tpu.vector_load %arg8[%swap3A_1016] {strides = array<i32>} : memref<98304xf32, #tpu.memory_space<vmem>>, vector<16xf32>,
          %swap3A_1018 = vector.shape_cast %swap3A_1017 : vector<16xf32> to vector<16xf32>
          %swap3A_1019 = vector.shape_cast %select_n3A_1015 : vector<16xf32> to vector<16xf32>
          tpu.vector_store %arg8[%swap3A_1016], %swap3A_1019 {strides = array<i32>} : memref<98304xf32, #tpu.memory_space<vmem>>, vector<16xf32>,
          %add3A_1020 = arith.constant 0 : i32
          %add3A_1021 = arith.addi %add3A_1001, %add3A_1020 : i32
          %add3A_1022 = arith.constant 256 : i32
          %add3A_1023 = arith.addi %add3A_1021, %add3A_1022 : i32
          %select_n3A_1024 = arith.select %eq3A_955, %get3A_593, %get3A_545 : vector<16xi1>, vector<16xf32>
          %swap3A_1025 = arith.index_cast %add3A_1023 : i32 to index
          %swap3A_1026 = tpu.vector_load %arg8[%swap3A_1025] {strides = array<i32>} : memref<98304xf32, #tpu.memory_space<vmem>>, vector<16xf32>,
          %swap3A_1027 = vector.shape_cast %swap3A_1026 : vector<16xf32> to vector<16xf32>
          %swap3A_1028 = vector.shape_cast %select_n3A_1024 : vector<16xf32> to vector<16xf32>
          tpu.vector_store %arg8[%swap3A_1025], %swap3A_1028 {strides = array<i32>} : memref<98304xf32, #tpu.memory_space<vmem>>, vector<16xf32>,
          %add3A_1029 = arith.constant 0 : i32
          %add3A_1030 = arith.addi %add3A_1001, %add3A_1029 : i32
          %add3A_1031 = arith.constant 384 : i32
          %add3A_1032 = arith.addi %add3A_1030, %add3A_1031 : i32
          %select_n3A_1033 = arith.select %eq3A_955, %get3A_596, %get3A_548 : vector<16xi1>, vector<16xf32>
          %swap3A_1034 = arith.index_cast %add3A_1032 : i32 to index
          %swap3A_1035 = tpu.vector_load %arg8[%swap3A_1034] {strides = array<i32>} : memref<98304xf32, #tpu.memory_space<vmem>>, vector<16xf32>,
          %swap3A_1036 = vector.shape_cast %swap3A_1035 : vector<16xf32> to vector<16xf32>
          %swap3A_1037 = vector.shape_cast %select_n3A_1033 : vector<16xf32> to vector<16xf32>
          tpu.vector_store %arg8[%swap3A_1034], %swap3A_1037 {strides = array<i32>} : memref<98304xf32, #tpu.memory_space<vmem>>, vector<16xf32>,
          %add3A_1038 = arith.constant 0 : i32
          %add3A_1039 = arith.addi %add3A_1001, %add3A_1038 : i32
          %add3A_1040 = arith.constant 512 : i32
          %add3A_1041 = arith.addi %add3A_1039, %add3A_1040 : i32
          %select_n3A_1042 = arith.select %eq3A_955, %get3A_599, %get3A_551 : vector<16xi1>, vector<16xf32>
          %swap3A_1043 = arith.index_cast %add3A_1041 : i32 to index
          %swap3A_1044 = tpu.vector_load %arg8[%swap3A_1043] {strides = array<i32>} : memref<98304xf32, #tpu.memory_space<vmem>>, vector<16xf32>,
          %swap3A_1045 = vector.shape_cast %swap3A_1044 : vector<16xf32> to vector<16xf32>
          %swap3A_1046 = vector.shape_cast %select_n3A_1042 : vector<16xf32> to vector<16xf32>
          tpu.vector_store %arg8[%swap3A_1043], %swap3A_1046 {strides = array<i32>} : memref<98304xf32, #tpu.memory_space<vmem>>, vector<16xf32>,
          %add3A_1047 = arith.constant 0 : i32
          %add3A_1048 = arith.addi %add3A_1001, %add3A_1047 : i32
          %add3A_1049 = arith.constant 640 : i32
          %add3A_1050 = arith.addi %add3A_1048, %add3A_1049 : i32
          %select_n3A_1051 = arith.select %eq3A_955, %get3A_602, %get3A_554 : vector<16xi1>, vector<16xf32>
          %swap3A_1052 = arith.index_cast %add3A_1050 : i32 to index
          %swap3A_1053 = tpu.vector_load %arg8[%swap3A_1052] {strides = array<i32>} : memref<98304xf32, #tpu.memory_space<vmem>>, vector<16xf32>,
          %swap3A_1054 = vector.shape_cast %swap3A_1053 : vector<16xf32> to vector<16xf32>
          %swap3A_1055 = vector.shape_cast %select_n3A_1051 : vector<16xf32> to vector<16xf32>
          tpu.vector_store %arg8[%swap3A_1052], %swap3A_1055 {strides = array<i32>} : memref<98304xf32, #tpu.memory_space<vmem>>, vector<16xf32>,
          %add3A_1056 = arith.constant 0 : i32
          %add3A_1057 = arith.addi %add3A_1001, %add3A_1056 : i32
          %add3A_1058 = arith.constant 768 : i32
          %add3A_1059 = arith.addi %add3A_1057, %add3A_1058 : i32
          %select_n3A_1060 = arith.select %eq3A_955, %get3A_605, %get3A_557 : vector<16xi1>, vector<16xf32>
          %swap3A_1061 = arith.index_cast %add3A_1059 : i32 to index
          %swap3A_1062 = tpu.vector_load %arg8[%swap3A_1061] {strides = array<i32>} : memref<98304xf32, #tpu.memory_space<vmem>>, vector<16xf32>,
          %swap3A_1063 = vector.shape_cast %swap3A_1062 : vector<16xf32> to vector<16xf32>
          %swap3A_1064 = vector.shape_cast %select_n3A_1060 : vector<16xf32> to vector<16xf32>
          tpu.vector_store %arg8[%swap3A_1061], %swap3A_1064 {strides = array<i32>} : memref<98304xf32, #tpu.memory_space<vmem>>, vector<16xf32>,
          %add3A_1065 = arith.constant 0 : i32
          %add3A_1066 = arith.addi %add3A_1001, %add3A_1065 : i32
          %add3A_1067 = arith.constant 896 : i32
          %add3A_1068 = arith.addi %add3A_1066, %add3A_1067 : i32
          %select_n3A_1069 = arith.select %eq3A_955, %get3A_608, %get3A_560 : vector<16xi1>, vector<16xf32>
          %swap3A_1070 = arith.index_cast %add3A_1068 : i32 to index
          %swap3A_1071 = tpu.vector_load %arg8[%swap3A_1070] {strides = array<i32>} : memref<98304xf32, #tpu.memory_space<vmem>>, vector<16xf32>,
          %swap3A_1072 = vector.shape_cast %swap3A_1071 : vector<16xf32> to vector<16xf32>
          %swap3A_1073 = vector.shape_cast %select_n3A_1069 : vector<16xf32> to vector<16xf32>
          tpu.vector_store %arg8[%swap3A_1070], %swap3A_1073 {strides = array<i32>} : memref<98304xf32, #tpu.memory_space<vmem>>, vector<16xf32>,
          %add3A_1074 = arith.constant 8192 : i32
          %add3A_1075 = arith.addi %add3A_1001, %add3A_1074 : i32
          %add3A_1076 = arith.constant 0 : i32
          %add3A_1077 = arith.addi %add3A_1075, %add3A_1076 : i32
          %select_n3A_1078 = arith.select %eq3A_955, %get3A_611, %get3A_563 : vector<16xi1>, vector<16xf32>
          %swap3A_1079 = arith.index_cast %add3A_1077 : i32 to index
          %swap3A_1080 = tpu.vector_load %arg8[%swap3A_1079] {strides = array<i32>} : memref<98304xf32, #tpu.memory_space<vmem>>, vector<16xf32>,
          %swap3A_1081 = vector.shape_cast %swap3A_1080 : vector<16xf32> to vector<16xf32>
          %swap3A_1082 = vector.shape_cast %select_n3A_1078 : vector<16xf32> to vector<16xf32>
          tpu.vector_store %arg8[%swap3A_1079], %swap3A_1082 {strides = array<i32>} : memref<98304xf32, #tpu.memory_space<vmem>>, vector<16xf32>,
          %add3A_1083 = arith.constant 8192 : i32
          %add3A_1084 = arith.addi %add3A_1001, %add3A_1083 : i32
          %add3A_1085 = arith.constant 128 : i32
          %add3A_1086 = arith.addi %add3A_1084, %add3A_1085 : i32
          %select_n3A_1087 = arith.select %eq3A_955, %get3A_614, %get3A_566 : vector<16xi1>, vector<16xf32>
          %swap3A_1088 = arith.index_cast %add3A_1086 : i32 to index
          %swap3A_1089 = tpu.vector_load %arg8[%swap3A_1088] {strides = array<i32>} : memref<98304xf32, #tpu.memory_space<vmem>>, vector<16xf32>,
          %swap3A_1090 = vector.shape_cast %swap3A_1089 : vector<16xf32> to vector<16xf32>
          %swap3A_1091 = vector.shape_cast %select_n3A_1087 : vector<16xf32> to vector<16xf32>
          tpu.vector_store %arg8[%swap3A_1088], %swap3A_1091 {strides = array<i32>} : memref<98304xf32, #tpu.memory_space<vmem>>, vector<16xf32>,
          %add3A_1092 = arith.constant 8192 : i32
          %add3A_1093 = arith.addi %add3A_1001, %add3A_1092 : i32
          %add3A_1094 = arith.constant 256 : i32
          %add3A_1095 = arith.addi %add3A_1093, %add3A_1094 : i32
          %select_n3A_1096 = arith.select %eq3A_955, %get3A_617, %get3A_569 : vector<16xi1>, vector<16xf32>
          %swap3A_1097 = arith.index_cast %add3A_1095 : i32 to index
          %swap3A_1098 = tpu.vector_load %arg8[%swap3A_1097] {strides = array<i32>} : memref<98304xf32, #tpu.memory_space<vmem>>, vector<16xf32>,
          %swap3A_1099 = vector.shape_cast %swap3A_1098 : vector<16xf32> to vector<16xf32>
          %swap3A_1100 = vector.shape_cast %select_n3A_1096 : vector<16xf32> to vector<16xf32>
          tpu.vector_store %arg8[%swap3A_1097], %swap3A_1100 {strides = array<i32>} : memref<98304xf32, #tpu.memory_space<vmem>>, vector<16xf32>,
          %add3A_1101 = arith.constant 8192 : i32
          %add3A_1102 = arith.addi %add3A_1001, %add3A_1101 : i32
          %add3A_1103 = arith.constant 384 : i32
          %add3A_1104 = arith.addi %add3A_1102, %add3A_1103 : i32
          %select_n3A_1105 = arith.select %eq3A_955, %get3A_620, %get3A_572 : vector<16xi1>, vector<16xf32>
          %swap3A_1106 = arith.index_cast %add3A_1104 : i32 to index
          %swap3A_1107 = tpu.vector_load %arg8[%swap3A_1106] {strides = array<i32>} : memref<98304xf32, #tpu.memory_space<vmem>>, vector<16xf32>,
          %swap3A_1108 = vector.shape_cast %swap3A_1107 : vector<16xf32> to vector<16xf32>
          %swap3A_1109 = vector.shape_cast %select_n3A_1105 : vector<16xf32> to vector<16xf32>
          tpu.vector_store %arg8[%swap3A_1106], %swap3A_1109 {strides = array<i32>} : memref<98304xf32, #tpu.memory_space<vmem>>, vector<16xf32>,
          %add3A_1110 = arith.constant 8192 : i32
          %add3A_1111 = arith.addi %add3A_1001, %add3A_1110 : i32
          %add3A_1112 = arith.constant 512 : i32
          %add3A_1113 = arith.addi %add3A_1111, %add3A_1112 : i32
          %select_n3A_1114 = arith.select %eq3A_955, %get3A_623, %get3A_575 : vector<16xi1>, vector<16xf32>
          %swap3A_1115 = arith.index_cast %add3A_1113 : i32 to index
          %swap3A_1116 = tpu.vector_load %arg8[%swap3A_1115] {strides = array<i32>} : memref<98304xf32, #tpu.memory_space<vmem>>, vector<16xf32>,
          %swap3A_1117 = vector.shape_cast %swap3A_1116 : vector<16xf32> to vector<16xf32>
          %swap3A_1118 = vector.shape_cast %select_n3A_1114 : vector<16xf32> to vector<16xf32>
          tpu.vector_store %arg8[%swap3A_1115], %swap3A_1118 {strides = array<i32>} : memref<98304xf32, #tpu.memory_space<vmem>>, vector<16xf32>,
          %add3A_1119 = arith.constant 8192 : i32
          %add3A_1120 = arith.addi %add3A_1001, %add3A_1119 : i32
          %add3A_1121 = arith.constant 640 : i32
          %add3A_1122 = arith.addi %add3A_1120, %add3A_1121 : i32
          %select_n3A_1123 = arith.select %eq3A_955, %get3A_626, %get3A_578 : vector<16xi1>, vector<16xf32>
          %swap3A_1124 = arith.index_cast %add3A_1122 : i32 to index
          %swap3A_1125 = tpu.vector_load %arg8[%swap3A_1124] {strides = array<i32>} : memref<98304xf32, #tpu.memory_space<vmem>>, vector<16xf32>,
          %swap3A_1126 = vector.shape_cast %swap3A_1125 : vector<16xf32> to vector<16xf32>
          %swap3A_1127 = vector.shape_cast %select_n3A_1123 : vector<16xf32> to vector<16xf32>
          tpu.vector_store %arg8[%swap3A_1124], %swap3A_1127 {strides = array<i32>} : memref<98304xf32, #tpu.memory_space<vmem>>, vector<16xf32>,
          %add3A_1128 = arith.constant 8192 : i32
          %add3A_1129 = arith.addi %add3A_1001, %add3A_1128 : i32
          %add3A_1130 = arith.constant 768 : i32
          %add3A_1131 = arith.addi %add3A_1129, %add3A_1130 : i32
          %select_n3A_1132 = arith.select %eq3A_955, %get3A_629, %get3A_581 : vector<16xi1>, vector<16xf32>
          %swap3A_1133 = arith.index_cast %add3A_1131 : i32 to index
          %swap3A_1134 = tpu.vector_load %arg8[%swap3A_1133] {strides = array<i32>} : memref<98304xf32, #tpu.memory_space<vmem>>, vector<16xf32>,
          %swap3A_1135 = vector.shape_cast %swap3A_1134 : vector<16xf32> to vector<16xf32>
          %swap3A_1136 = vector.shape_cast %select_n3A_1132 : vector<16xf32> to vector<16xf32>
          tpu.vector_store %arg8[%swap3A_1133], %swap3A_1136 {strides = array<i32>} : memref<98304xf32, #tpu.memory_space<vmem>>, vector<16xf32>,
          %add3A_1137 = arith.constant 8192 : i32
          %add3A_1138 = arith.addi %add3A_1001, %add3A_1137 : i32
          %add3A_1139 = arith.constant 896 : i32
          %add3A_1140 = arith.addi %add3A_1138, %add3A_1139 : i32
          %select_n3A_1141 = arith.select %eq3A_955, %get3A_632, %get3A_584 : vector<16xi1>, vector<16xf32>
          %swap3A_1142 = arith.index_cast %add3A_1140 : i32 to index
          %swap3A_1143 = tpu.vector_load %arg8[%swap3A_1142] {strides = array<i32>} : memref<98304xf32, #tpu.memory_space<vmem>>, vector<16xf32>,
          %swap3A_1144 = vector.shape_cast %swap3A_1143 : vector<16xf32> to vector<16xf32>
          %swap3A_1145 = vector.shape_cast %select_n3A_1141 : vector<16xf32> to vector<16xf32>
          tpu.vector_store %arg8[%swap3A_1142], %swap3A_1145 {strides = array<i32>} : memref<98304xf32, #tpu.memory_space<vmem>>, vector<16xf32>,
          %scan3A_1146 = arith.constant 2 : i32
          %scan3A_1147 = arith.addi %scan3A_747, %scan3A_1146 : i32
          %mul3A_1148 = arith.constant 16 : i32
          %mul3A_1149 = arith.muli %scan3A_1147, %mul3A_1148 : i32
          %add3A_1150 = arith.addi %mul3A_504, %mul3A_1149 : i32
          %get3A_1151 = arith.index_cast %add3A_1150 : i32 to index
          %get3A_1152 = tpu.vector_load %arg5[%get3A_1151] {strides = array<i32>} : memref<2048xi32, #tpu.memory_space<vmem>>, vector<16xi32>,
          %get3A_1153 = vector.shape_cast %get3A_1152 : vector<16xi32> to vector<16xi32>
          %eq3A_1154 = vector.broadcast %select_n3A_532 : i32 to vector<16xi32>
          %eq3A_1155 = arith.cmpi eq, %get3A_1153, %eq3A_1154 : vector<16xi32>
          %jit3A_1156 = arith.constant 8 : i32
          %div3A_1157 = arith.divsi %scan3A_1147, %jit3A_1156 : i32
          %sign3A_1158 = arith.constant 0 : i32
          %sign3A_1159 = arith.cmpi sgt, %scan3A_1147, %sign3A_1158 : i32
          %sign3A_1160 = arith.extui %sign3A_1159 : i1 to i32
          %sign3A_1161 = arith.constant 0 : i32
          %sign3A_1162 = arith.cmpi slt, %scan3A_1147, %sign3A_1161 : i32
          %sign3A_1163 = arith.extui %sign3A_1162 : i1 to i32
          %sign3A_1164 = arith.subi %sign3A_1160, %sign3A_1163 : i32
          %sign3A_1165 = arith.constant 0 : i32
          %sign3A_1166 = arith.cmpi sgt, %jit3A_1156, %sign3A_1165 : i32
          %sign3A_1167 = arith.extui %sign3A_1166 : i1 to i32
          %sign3A_1168 = arith.constant 0 : i32
          %sign3A_1169 = arith.cmpi slt, %jit3A_1156, %sign3A_1168 : i32
          %sign3A_1170 = arith.extui %sign3A_1169 : i1 to i32
          %sign3A_1171 = arith.subi %sign3A_1167, %sign3A_1170 : i32
          %ne3A_1172 = arith.cmpi ne, %sign3A_1164, %sign3A_1171 : i32
          %rem3A_1173 = arith.remsi %scan3A_1147, %jit3A_1156 : i32
          %ne3A_1174 = arith.constant 0 : i32
          %ne3A_1175 = arith.cmpi ne, %rem3A_1173, %ne3A_1174 : i32
          %and3A_1176 = arith.andi %ne3A_1172, %ne3A_1175 : i1
          %sub3A_1177 = arith.constant 1 : i32
          %sub3A_1178 = arith.subi %div3A_1157, %sub3A_1177 : i32
          %select_n3A_1179 = arith.select %and3A_1176, %sub3A_1178, %div3A_1157 : i32
          %mul3A_1180 = arith.constant 1024 : i32
          %mul3A_1181 = arith.muli %select_n3A_1179, %mul3A_1180 : i32
          %add3A_1182 = arith.addi %mul3A_536, %mul3A_1181 : i32
          %jit3A_1183 = arith.constant 8 : i32
          %eq3A_1184 = arith.constant 0 : i32
          %eq3A_1185 = arith.cmpi eq, %jit3A_1183, %eq3A_1184 : i32
          %jit3A_1186 = arith.constant 1 : i32
          %select_n3A_1187 = arith.select %eq3A_1185, %jit3A_1186, %jit3A_1183 : i32
          %rem3A_1188 = arith.remsi %scan3A_1147, %select_n3A_1187 : i32
          %ne3A_1189 = arith.constant 0 : i32
          %ne3A_1190 = arith.cmpi ne, %rem3A_1188, %ne3A_1189 : i32
          %lt3A_1191 = arith.constant 0 : i32
          %lt3A_1192 = arith.cmpi slt, %rem3A_1188, %lt3A_1191 : i32
          %lt3A_1193 = arith.constant 0 : i32
          %lt3A_1194 = arith.cmpi slt, %select_n3A_1187, %lt3A_1193 : i32
          %ne3A_1195 = arith.xori %lt3A_1192, %lt3A_1194 : i1
          %and3A_1196 = arith.andi %ne3A_1195, %ne3A_1190 : i1
          %add3A_1197 = arith.addi %rem3A_1188, %select_n3A_1187 : i32
          %select_n3A_1198 = arith.select %and3A_1196, %add3A_1197, %rem3A_1188 : i32
          %mul3A_1199 = arith.constant 16 : i32
          %mul3A_1200 = arith.muli %select_n3A_1198, %mul3A_1199 : i32
          %add3A_1201 = arith.addi %add3A_1182, %mul3A_1200 : i32
          %add3A_1202 = arith.constant 0 : i32
          %add3A_1203 = arith.addi %add3A_1201, %add3A_1202 : i32
          %add3A_1204 = arith.constant 0 : i32
          %add3A_1205 = arith.addi %add3A_1203, %add3A_1204 : i32
          %select_n3A_1206 = arith.select %eq3A_1155, %get3A_587, %get3A_539 : vector<16xi1>, vector<16xf32>
          %swap3A_1207 = arith.index_cast %add3A_1205 : i32 to index
          %swap3A_1208 = tpu.vector_load %arg8[%swap3A_1207] {strides = array<i32>} : memref<98304xf32, #tpu.memory_space<vmem>>, vector<16xf32>,
          %swap3A_1209 = vector.shape_cast %swap3A_1208 : vector<16xf32> to vector<16xf32>
          %swap3A_1210 = vector.shape_cast %select_n3A_1206 : vector<16xf32> to vector<16xf32>
          tpu.vector_store %arg8[%swap3A_1207], %swap3A_1210 {strides = array<i32>} : memref<98304xf32, #tpu.memory_space<vmem>>, vector<16xf32>,
          %add3A_1211 = arith.constant 0 : i32
          %add3A_1212 = arith.addi %add3A_1201, %add3A_1211 : i32
          %add3A_1213 = arith.constant 128 : i32
          %add3A_1214 = arith.addi %add3A_1212, %add3A_1213 : i32
          %select_n3A_1215 = arith.select %eq3A_1155, %get3A_590, %get3A_542 : vector<16xi1>, vector<16xf32>
          %swap3A_1216 = arith.index_cast %add3A_1214 : i32 to index
          %swap3A_1217 = tpu.vector_load %arg8[%swap3A_1216] {strides = array<i32>} : memref<98304xf32, #tpu.memory_space<vmem>>, vector<16xf32>,
          %swap3A_1218 = vector.shape_cast %swap3A_1217 : vector<16xf32> to vector<16xf32>
          %swap3A_1219 = vector.shape_cast %select_n3A_1215 : vector<16xf32> to vector<16xf32>
          tpu.vector_store %arg8[%swap3A_1216], %swap3A_1219 {strides = array<i32>} : memref<98304xf32, #tpu.memory_space<vmem>>, vector<16xf32>,
          %add3A_1220 = arith.constant 0 : i32
          %add3A_1221 = arith.addi %add3A_1201, %add3A_1220 : i32
          %add3A_1222 = arith.constant 256 : i32
          %add3A_1223 = arith.addi %add3A_1221, %add3A_1222 : i32
          %select_n3A_1224 = arith.select %eq3A_1155, %get3A_593, %get3A_545 : vector<16xi1>, vector<16xf32>
          %swap3A_1225 = arith.index_cast %add3A_1223 : i32 to index
          %swap3A_1226 = tpu.vector_load %arg8[%swap3A_1225] {strides = array<i32>} : memref<98304xf32, #tpu.memory_space<vmem>>, vector<16xf32>,
          %swap3A_1227 = vector.shape_cast %swap3A_1226 : vector<16xf32> to vector<16xf32>
          %swap3A_1228 = vector.shape_cast %select_n3A_1224 : vector<16xf32> to vector<16xf32>
          tpu.vector_store %arg8[%swap3A_1225], %swap3A_1228 {strides = array<i32>} : memref<98304xf32, #tpu.memory_space<vmem>>, vector<16xf32>,
          %add3A_1229 = arith.constant 0 : i32
          %add3A_1230 = arith.addi %add3A_1201, %add3A_1229 : i32
          %add3A_1231 = arith.constant 384 : i32
          %add3A_1232 = arith.addi %add3A_1230, %add3A_1231 : i32
          %select_n3A_1233 = arith.select %eq3A_1155, %get3A_596, %get3A_548 : vector<16xi1>, vector<16xf32>
          %swap3A_1234 = arith.index_cast %add3A_1232 : i32 to index
          %swap3A_1235 = tpu.vector_load %arg8[%swap3A_1234] {strides = array<i32>} : memref<98304xf32, #tpu.memory_space<vmem>>, vector<16xf32>,
          %swap3A_1236 = vector.shape_cast %swap3A_1235 : vector<16xf32> to vector<16xf32>
          %swap3A_1237 = vector.shape_cast %select_n3A_1233 : vector<16xf32> to vector<16xf32>
          tpu.vector_store %arg8[%swap3A_1234], %swap3A_1237 {strides = array<i32>} : memref<98304xf32, #tpu.memory_space<vmem>>, vector<16xf32>,
          %add3A_1238 = arith.constant 0 : i32
          %add3A_1239 = arith.addi %add3A_1201, %add3A_1238 : i32
          %add3A_1240 = arith.constant 512 : i32
          %add3A_1241 = arith.addi %add3A_1239, %add3A_1240 : i32
          %select_n3A_1242 = arith.select %eq3A_1155, %get3A_599, %get3A_551 : vector<16xi1>, vector<16xf32>
          %swap3A_1243 = arith.index_cast %add3A_1241 : i32 to index
          %swap3A_1244 = tpu.vector_load %arg8[%swap3A_1243] {strides = array<i32>} : memref<98304xf32, #tpu.memory_space<vmem>>, vector<16xf32>,
          %swap3A_1245 = vector.shape_cast %swap3A_1244 : vector<16xf32> to vector<16xf32>
          %swap3A_1246 = vector.shape_cast %select_n3A_1242 : vector<16xf32> to vector<16xf32>
          tpu.vector_store %arg8[%swap3A_1243], %swap3A_1246 {strides = array<i32>} : memref<98304xf32, #tpu.memory_space<vmem>>, vector<16xf32>,
          %add3A_1247 = arith.constant 0 : i32
          %add3A_1248 = arith.addi %add3A_1201, %add3A_1247 : i32
          %add3A_1249 = arith.constant 640 : i32
          %add3A_1250 = arith.addi %add3A_1248, %add3A_1249 : i32
          %select_n3A_1251 = arith.select %eq3A_1155, %get3A_602, %get3A_554 : vector<16xi1>, vector<16xf32>
          %swap3A_1252 = arith.index_cast %add3A_1250 : i32 to index
          %swap3A_1253 = tpu.vector_load %arg8[%swap3A_1252] {strides = array<i32>} : memref<98304xf32, #tpu.memory_space<vmem>>, vector<16xf32>,
          %swap3A_1254 = vector.shape_cast %swap3A_1253 : vector<16xf32> to vector<16xf32>
          %swap3A_1255 = vector.shape_cast %select_n3A_1251 : vector<16xf32> to vector<16xf32>
          tpu.vector_store %arg8[%swap3A_1252], %swap3A_1255 {strides = array<i32>} : memref<98304xf32, #tpu.memory_space<vmem>>, vector<16xf32>,
          %add3A_1256 = arith.constant 0 : i32
          %add3A_1257 = arith.addi %add3A_1201, %add3A_1256 : i32
          %add3A_1258 = arith.constant 768 : i32
          %add3A_1259 = arith.addi %add3A_1257, %add3A_1258 : i32
          %select_n3A_1260 = arith.select %eq3A_1155, %get3A_605, %get3A_557 : vector<16xi1>, vector<16xf32>
          %swap3A_1261 = arith.index_cast %add3A_1259 : i32 to index
          %swap3A_1262 = tpu.vector_load %arg8[%swap3A_1261] {strides = array<i32>} : memref<98304xf32, #tpu.memory_space<vmem>>, vector<16xf32>,
          %swap3A_1263 = vector.shape_cast %swap3A_1262 : vector<16xf32> to vector<16xf32>
          %swap3A_1264 = vector.shape_cast %select_n3A_1260 : vector<16xf32> to vector<16xf32>
          tpu.vector_store %arg8[%swap3A_1261], %swap3A_1264 {strides = array<i32>} : memref<98304xf32, #tpu.memory_space<vmem>>, vector<16xf32>,
          %add3A_1265 = arith.constant 0 : i32
          %add3A_1266 = arith.addi %add3A_1201, %add3A_1265 : i32
          %add3A_1267 = arith.constant 896 : i32
          %add3A_1268 = arith.addi %add3A_1266, %add3A_1267 : i32
          %select_n3A_1269 = arith.select %eq3A_1155, %get3A_608, %get3A_560 : vector<16xi1>, vector<16xf32>
          %swap3A_1270 = arith.index_cast %add3A_1268 : i32 to index
          %swap3A_1271 = tpu.vector_load %arg8[%swap3A_1270] {strides = array<i32>} : memref<98304xf32, #tpu.memory_space<vmem>>, vector<16xf32>,
          %swap3A_1272 = vector.shape_cast %swap3A_1271 : vector<16xf32> to vector<16xf32>
          %swap3A_1273 = vector.shape_cast %select_n3A_1269 : vector<16xf32> to vector<16xf32>
          tpu.vector_store %arg8[%swap3A_1270], %swap3A_1273 {strides = array<i32>} : memref<98304xf32, #tpu.memory_space<vmem>>, vector<16xf32>,
          %add3A_1274 = arith.constant 8192 : i32
          %add3A_1275 = arith.addi %add3A_1201, %add3A_1274 : i32
          %add3A_1276 = arith.constant 0 : i32
          %add3A_1277 = arith.addi %add3A_1275, %add3A_1276 : i32
          %select_n3A_1278 = arith.select %eq3A_1155, %get3A_611, %get3A_563 : vector<16xi1>, vector<16xf32>
          %swap3A_1279 = arith.index_cast %add3A_1277 : i32 to index
          %swap3A_1280 = tpu.vector_load %arg8[%swap3A_1279] {strides = array<i32>} : memref<98304xf32, #tpu.memory_space<vmem>>, vector<16xf32>,
          %swap3A_1281 = vector.shape_cast %swap3A_1280 : vector<16xf32> to vector<16xf32>
          %swap3A_1282 = vector.shape_cast %select_n3A_1278 : vector<16xf32> to vector<16xf32>
          tpu.vector_store %arg8[%swap3A_1279], %swap3A_1282 {strides = array<i32>} : memref<98304xf32, #tpu.memory_space<vmem>>, vector<16xf32>,
          %add3A_1283 = arith.constant 8192 : i32
          %add3A_1284 = arith.addi %add3A_1201, %add3A_1283 : i32
          %add3A_1285 = arith.constant 128 : i32
          %add3A_1286 = arith.addi %add3A_1284, %add3A_1285 : i32
          %select_n3A_1287 = arith.select %eq3A_1155, %get3A_614, %get3A_566 : vector<16xi1>, vector<16xf32>
          %swap3A_1288 = arith.index_cast %add3A_1286 : i32 to index
          %swap3A_1289 = tpu.vector_load %arg8[%swap3A_1288] {strides = array<i32>} : memref<98304xf32, #tpu.memory_space<vmem>>, vector<16xf32>,
          %swap3A_1290 = vector.shape_cast %swap3A_1289 : vector<16xf32> to vector<16xf32>
          %swap3A_1291 = vector.shape_cast %select_n3A_1287 : vector<16xf32> to vector<16xf32>
          tpu.vector_store %arg8[%swap3A_1288], %swap3A_1291 {strides = array<i32>} : memref<98304xf32, #tpu.memory_space<vmem>>, vector<16xf32>,
          %add3A_1292 = arith.constant 8192 : i32
          %add3A_1293 = arith.addi %add3A_1201, %add3A_1292 : i32
          %add3A_1294 = arith.constant 256 : i32
          %add3A_1295 = arith.addi %add3A_1293, %add3A_1294 : i32
          %select_n3A_1296 = arith.select %eq3A_1155, %get3A_617, %get3A_569 : vector<16xi1>, vector<16xf32>
          %swap3A_1297 = arith.index_cast %add3A_1295 : i32 to index
          %swap3A_1298 = tpu.vector_load %arg8[%swap3A_1297] {strides = array<i32>} : memref<98304xf32, #tpu.memory_space<vmem>>, vector<16xf32>,
          %swap3A_1299 = vector.shape_cast %swap3A_1298 : vector<16xf32> to vector<16xf32>
          %swap3A_1300 = vector.shape_cast %select_n3A_1296 : vector<16xf32> to vector<16xf32>
          tpu.vector_store %arg8[%swap3A_1297], %swap3A_1300 {strides = array<i32>} : memref<98304xf32, #tpu.memory_space<vmem>>, vector<16xf32>,
          %add3A_1301 = arith.constant 8192 : i32
          %add3A_1302 = arith.addi %add3A_1201, %add3A_1301 : i32
          %add3A_1303 = arith.constant 384 : i32
          %add3A_1304 = arith.addi %add3A_1302, %add3A_1303 : i32
          %select_n3A_1305 = arith.select %eq3A_1155, %get3A_620, %get3A_572 : vector<16xi1>, vector<16xf32>
          %swap3A_1306 = arith.index_cast %add3A_1304 : i32 to index
          %swap3A_1307 = tpu.vector_load %arg8[%swap3A_1306] {strides = array<i32>} : memref<98304xf32, #tpu.memory_space<vmem>>, vector<16xf32>,
          %swap3A_1308 = vector.shape_cast %swap3A_1307 : vector<16xf32> to vector<16xf32>
          %swap3A_1309 = vector.shape_cast %select_n3A_1305 : vector<16xf32> to vector<16xf32>
          tpu.vector_store %arg8[%swap3A_1306], %swap3A_1309 {strides = array<i32>} : memref<98304xf32, #tpu.memory_space<vmem>>, vector<16xf32>,
          %add3A_1310 = arith.constant 8192 : i32
          %add3A_1311 = arith.addi %add3A_1201, %add3A_1310 : i32
          %add3A_1312 = arith.constant 512 : i32
          %add3A_1313 = arith.addi %add3A_1311, %add3A_1312 : i32
          %select_n3A_1314 = arith.select %eq3A_1155, %get3A_623, %get3A_575 : vector<16xi1>, vector<16xf32>
          %swap3A_1315 = arith.index_cast %add3A_1313 : i32 to index
          %swap3A_1316 = tpu.vector_load %arg8[%swap3A_1315] {strides = array<i32>} : memref<98304xf32, #tpu.memory_space<vmem>>, vector<16xf32>,
          %swap3A_1317 = vector.shape_cast %swap3A_1316 : vector<16xf32> to vector<16xf32>
          %swap3A_1318 = vector.shape_cast %select_n3A_1314 : vector<16xf32> to vector<16xf32>
          tpu.vector_store %arg8[%swap3A_1315], %swap3A_1318 {strides = array<i32>} : memref<98304xf32, #tpu.memory_space<vmem>>, vector<16xf32>,
          %add3A_1319 = arith.constant 8192 : i32
          %add3A_1320 = arith.addi %add3A_1201, %add3A_1319 : i32
          %add3A_1321 = arith.constant 640 : i32
          %add3A_1322 = arith.addi %add3A_1320, %add3A_1321 : i32
          %select_n3A_1323 = arith.select %eq3A_1155, %get3A_626, %get3A_578 : vector<16xi1>, vector<16xf32>
          %swap3A_1324 = arith.index_cast %add3A_1322 : i32 to index
          %swap3A_1325 = tpu.vector_load %arg8[%swap3A_1324] {strides = array<i32>} : memref<98304xf32, #tpu.memory_space<vmem>>, vector<16xf32>,
          %swap3A_1326 = vector.shape_cast %swap3A_1325 : vector<16xf32> to vector<16xf32>
          %swap3A_1327 = vector.shape_cast %select_n3A_1323 : vector<16xf32> to vector<16xf32>
          tpu.vector_store %arg8[%swap3A_1324], %swap3A_1327 {strides = array<i32>} : memref<98304xf32, #tpu.memory_space<vmem>>, vector<16xf32>,
          %add3A_1328 = arith.constant 8192 : i32
          %add3A_1329 = arith.addi %add3A_1201, %add3A_1328 : i32
          %add3A_1330 = arith.constant 768 : i32
          %add3A_1331 = arith.addi %add3A_1329, %add3A_1330 : i32
          %select_n3A_1332 = arith.select %eq3A_1155, %get3A_629, %get3A_581 : vector<16xi1>, vector<16xf32>
          %swap3A_1333 = arith.index_cast %add3A_1331 : i32 to index
          %swap3A_1334 = tpu.vector_load %arg8[%swap3A_1333] {strides = array<i32>} : memref<98304xf32, #tpu.memory_space<vmem>>, vector<16xf32>,
          %swap3A_1335 = vector.shape_cast %swap3A_1334 : vector<16xf32> to vector<16xf32>
          %swap3A_1336 = vector.shape_cast %select_n3A_1332 : vector<16xf32> to vector<16xf32>
          tpu.vector_store %arg8[%swap3A_1333], %swap3A_1336 {strides = array<i32>} : memref<98304xf32, #tpu.memory_space<vmem>>, vector<16xf32>,
          %add3A_1337 = arith.constant 8192 : i32
          %add3A_1338 = arith.addi %add3A_1201, %add3A_1337 : i32
          %add3A_1339 = arith.constant 896 : i32
          %add3A_1340 = arith.addi %add3A_1338, %add3A_1339 : i32
          %select_n3A_1341 = arith.select %eq3A_1155, %get3A_632, %get3A_584 : vector<16xi1>, vector<16xf32>
          %swap3A_1342 = arith.index_cast %add3A_1340 : i32 to index
          %swap3A_1343 = tpu.vector_load %arg8[%swap3A_1342] {strides = array<i32>} : memref<98304xf32, #tpu.memory_space<vmem>>, vector<16xf32>,
          %swap3A_1344 = vector.shape_cast %swap3A_1343 : vector<16xf32> to vector<16xf32>
          %swap3A_1345 = vector.shape_cast %select_n3A_1341 : vector<16xf32> to vector<16xf32>
          tpu.vector_store %arg8[%swap3A_1342], %swap3A_1345 {strides = array<i32>} : memref<98304xf32, #tpu.memory_space<vmem>>, vector<16xf32>,
          %scan3A_1346 = arith.constant 3 : i32
          %scan3A_1347 = arith.addi %scan3A_747, %scan3A_1346 : i32
          %mul3A_1348 = arith.constant 16 : i32
          %mul3A_1349 = arith.muli %scan3A_1347, %mul3A_1348 : i32
          %add3A_1350 = arith.addi %mul3A_504, %mul3A_1349 : i32
          %get3A_1351 = arith.index_cast %add3A_1350 : i32 to index
          %get3A_1352 = tpu.vector_load %arg5[%get3A_1351] {strides = array<i32>} : memref<2048xi32, #tpu.memory_space<vmem>>, vector<16xi32>,
          %get3A_1353 = vector.shape_cast %get3A_1352 : vector<16xi32> to vector<16xi32>
          %eq3A_1354 = vector.broadcast %select_n3A_532 : i32 to vector<16xi32>
          %eq3A_1355 = arith.cmpi eq, %get3A_1353, %eq3A_1354 : vector<16xi32>
          %jit3A_1356 = arith.constant 8 : i32
          %div3A_1357 = arith.divsi %scan3A_1347, %jit3A_1356 : i32
          %sign3A_1358 = arith.constant 0 : i32
          %sign3A_1359 = arith.cmpi sgt, %scan3A_1347, %sign3A_1358 : i32
          %sign3A_1360 = arith.extui %sign3A_1359 : i1 to i32
          %sign3A_1361 = arith.constant 0 : i32
          %sign3A_1362 = arith.cmpi slt, %scan3A_1347, %sign3A_1361 : i32
          %sign3A_1363 = arith.extui %sign3A_1362 : i1 to i32
          %sign3A_1364 = arith.subi %sign3A_1360, %sign3A_1363 : i32
          %sign3A_1365 = arith.constant 0 : i32
          %sign3A_1366 = arith.cmpi sgt, %jit3A_1356, %sign3A_1365 : i32
          %sign3A_1367 = arith.extui %sign3A_1366 : i1 to i32
          %sign3A_1368 = arith.constant 0 : i32
          %sign3A_1369 = arith.cmpi slt, %jit3A_1356, %sign3A_1368 : i32
          %sign3A_1370 = arith.extui %sign3A_1369 : i1 to i32
          %sign3A_1371 = arith.subi %sign3A_1367, %sign3A_1370 : i32
          %ne3A_1372 = arith.cmpi ne, %sign3A_1364, %sign3A_1371 : i32
          %rem3A_1373 = arith.remsi %scan3A_1347, %jit3A_1356 : i32
          %ne3A_1374 = arith.constant 0 : i32
          %ne3A_1375 = arith.cmpi ne, %rem3A_1373, %ne3A_1374 : i32
          %and3A_1376 = arith.andi %ne3A_1372, %ne3A_1375 : i1
          %sub3A_1377 = arith.constant 1 : i32
          %sub3A_1378 = arith.subi %div3A_1357, %sub3A_1377 : i32
          %select_n3A_1379 = arith.select %and3A_1376, %sub3A_1378, %div3A_1357 : i32
          %mul3A_1380 = arith.constant 1024 : i32
          %mul3A_1381 = arith.muli %select_n3A_1379, %mul3A_1380 : i32
          %add3A_1382 = arith.addi %mul3A_536, %mul3A_1381 : i32
          %jit3A_1383 = arith.constant 8 : i32
          %eq3A_1384 = arith.constant 0 : i32
          %eq3A_1385 = arith.cmpi eq, %jit3A_1383, %eq3A_1384 : i32
          %jit3A_1386 = arith.constant 1 : i32
          %select_n3A_1387 = arith.select %eq3A_1385, %jit3A_1386, %jit3A_1383 : i32
          %rem3A_1388 = arith.remsi %scan3A_1347, %select_n3A_1387 : i32
          %ne3A_1389 = arith.constant 0 : i32
          %ne3A_1390 = arith.cmpi ne, %rem3A_1388, %ne3A_1389 : i32
          %lt3A_1391 = arith.constant 0 : i32
          %lt3A_1392 = arith.cmpi slt, %rem3A_1388, %lt3A_1391 : i32
          %lt3A_1393 = arith.constant 0 : i32
          %lt3A_1394 = arith.cmpi slt, %select_n3A_1387, %lt3A_1393 : i32
          %ne3A_1395 = arith.xori %lt3A_1392, %lt3A_1394 : i1
          %and3A_1396 = arith.andi %ne3A_1395, %ne3A_1390 : i1
          %add3A_1397 = arith.addi %rem3A_1388, %select_n3A_1387 : i32
          %select_n3A_1398 = arith.select %and3A_1396, %add3A_1397, %rem3A_1388 : i32
          %mul3A_1399 = arith.constant 16 : i32
          %mul3A_1400 = arith.muli %select_n3A_1398, %mul3A_1399 : i32
          %add3A_1401 = arith.addi %add3A_1382, %mul3A_1400 : i32
          %add3A_1402 = arith.constant 0 : i32
          %add3A_1403 = arith.addi %add3A_1401, %add3A_1402 : i32
          %add3A_1404 = arith.constant 0 : i32
          %add3A_1405 = arith.addi %add3A_1403, %add3A_1404 : i32
          %select_n3A_1406 = arith.select %eq3A_1355, %get3A_587, %get3A_539 : vector<16xi1>, vector<16xf32>
          %swap3A_1407 = arith.index_cast %add3A_1405 : i32 to index
          %swap3A_1408 = tpu.vector_load %arg8[%swap3A_1407] {strides = array<i32>} : memref<98304xf32, #tpu.memory_space<vmem>>, vector<16xf32>,
          %swap3A_1409 = vector.shape_cast %swap3A_1408 : vector<16xf32> to vector<16xf32>
          %swap3A_1410 = vector.shape_cast %select_n3A_1406 : vector<16xf32> to vector<16xf32>
          tpu.vector_store %arg8[%swap3A_1407], %swap3A_1410 {strides = array<i32>} : memref<98304xf32, #tpu.memory_space<vmem>>, vector<16xf32>,
          %add3A_1411 = arith.constant 0 : i32
          %add3A_1412 = arith.addi %add3A_1401, %add3A_1411 : i32
          %add3A_1413 = arith.constant 128 : i32
          %add3A_1414 = arith.addi %add3A_1412, %add3A_1413 : i32
          %select_n3A_1415 = arith.select %eq3A_1355, %get3A_590, %get3A_542 : vector<16xi1>, vector<16xf32>
          %swap3A_1416 = arith.index_cast %add3A_1414 : i32 to index
          %swap3A_1417 = tpu.vector_load %arg8[%swap3A_1416] {strides = array<i32>} : memref<98304xf32, #tpu.memory_space<vmem>>, vector<16xf32>,
          %swap3A_1418 = vector.shape_cast %swap3A_1417 : vector<16xf32> to vector<16xf32>
          %swap3A_1419 = vector.shape_cast %select_n3A_1415 : vector<16xf32> to vector<16xf32>
          tpu.vector_store %arg8[%swap3A_1416], %swap3A_1419 {strides = array<i32>} : memref<98304xf32, #tpu.memory_space<vmem>>, vector<16xf32>,
          %add3A_1420 = arith.constant 0 : i32
          %add3A_1421 = arith.addi %add3A_1401, %add3A_1420 : i32
          %add3A_1422 = arith.constant 256 : i32
          %add3A_1423 = arith.addi %add3A_1421, %add3A_1422 : i32
          %select_n3A_1424 = arith.select %eq3A_1355, %get3A_593, %get3A_545 : vector<16xi1>, vector<16xf32>
          %swap3A_1425 = arith.index_cast %add3A_1423 : i32 to index
          %swap3A_1426 = tpu.vector_load %arg8[%swap3A_1425] {strides = array<i32>} : memref<98304xf32, #tpu.memory_space<vmem>>, vector<16xf32>,
          %swap3A_1427 = vector.shape_cast %swap3A_1426 : vector<16xf32> to vector<16xf32>
          %swap3A_1428 = vector.shape_cast %select_n3A_1424 : vector<16xf32> to vector<16xf32>
          tpu.vector_store %arg8[%swap3A_1425], %swap3A_1428 {strides = array<i32>} : memref<98304xf32, #tpu.memory_space<vmem>>, vector<16xf32>,
          %add3A_1429 = arith.constant 0 : i32
          %add3A_1430 = arith.addi %add3A_1401, %add3A_1429 : i32
          %add3A_1431 = arith.constant 384 : i32
          %add3A_1432 = arith.addi %add3A_1430, %add3A_1431 : i32
          %select_n3A_1433 = arith.select %eq3A_1355, %get3A_596, %get3A_548 : vector<16xi1>, vector<16xf32>
          %swap3A_1434 = arith.index_cast %add3A_1432 : i32 to index
          %swap3A_1435 = tpu.vector_load %arg8[%swap3A_1434] {strides = array<i32>} : memref<98304xf32, #tpu.memory_space<vmem>>, vector<16xf32>,
          %swap3A_1436 = vector.shape_cast %swap3A_1435 : vector<16xf32> to vector<16xf32>
          %swap3A_1437 = vector.shape_cast %select_n3A_1433 : vector<16xf32> to vector<16xf32>
          tpu.vector_store %arg8[%swap3A_1434], %swap3A_1437 {strides = array<i32>} : memref<98304xf32, #tpu.memory_space<vmem>>, vector<16xf32>,
          %add3A_1438 = arith.constant 0 : i32
          %add3A_1439 = arith.addi %add3A_1401, %add3A_1438 : i32
          %add3A_1440 = arith.constant 512 : i32
          %add3A_1441 = arith.addi %add3A_1439, %add3A_1440 : i32
          %select_n3A_1442 = arith.select %eq3A_1355, %get3A_599, %get3A_551 : vector<16xi1>, vector<16xf32>
          %swap3A_1443 = arith.index_cast %add3A_1441 : i32 to index
          %swap3A_1444 = tpu.vector_load %arg8[%swap3A_1443] {strides = array<i32>} : memref<98304xf32, #tpu.memory_space<vmem>>, vector<16xf32>,
          %swap3A_1445 = vector.shape_cast %swap3A_1444 : vector<16xf32> to vector<16xf32>
          %swap3A_1446 = vector.shape_cast %select_n3A_1442 : vector<16xf32> to vector<16xf32>
          tpu.vector_store %arg8[%swap3A_1443], %swap3A_1446 {strides = array<i32>} : memref<98304xf32, #tpu.memory_space<vmem>>, vector<16xf32>,
          %add3A_1447 = arith.constant 0 : i32
          %add3A_1448 = arith.addi %add3A_1401, %add3A_1447 : i32
          %add3A_1449 = arith.constant 640 : i32
          %add3A_1450 = arith.addi %add3A_1448, %add3A_1449 : i32
          %select_n3A_1451 = arith.select %eq3A_1355, %get3A_602, %get3A_554 : vector<16xi1>, vector<16xf32>
          %swap3A_1452 = arith.index_cast %add3A_1450 : i32 to index
          %swap3A_1453 = tpu.vector_load %arg8[%swap3A_1452] {strides = array<i32>} : memref<98304xf32, #tpu.memory_space<vmem>>, vector<16xf32>,
          %swap3A_1454 = vector.shape_cast %swap3A_1453 : vector<16xf32> to vector<16xf32>
          %swap3A_1455 = vector.shape_cast %select_n3A_1451 : vector<16xf32> to vector<16xf32>
          tpu.vector_store %arg8[%swap3A_1452], %swap3A_1455 {strides = array<i32>} : memref<98304xf32, #tpu.memory_space<vmem>>, vector<16xf32>,
          %add3A_1456 = arith.constant 0 : i32
          %add3A_1457 = arith.addi %add3A_1401, %add3A_1456 : i32
          %add3A_1458 = arith.constant 768 : i32
          %add3A_1459 = arith.addi %add3A_1457, %add3A_1458 : i32
          %select_n3A_1460 = arith.select %eq3A_1355, %get3A_605, %get3A_557 : vector<16xi1>, vector<16xf32>
          %swap3A_1461 = arith.index_cast %add3A_1459 : i32 to index
          %swap3A_1462 = tpu.vector_load %arg8[%swap3A_1461] {strides = array<i32>} : memref<98304xf32, #tpu.memory_space<vmem>>, vector<16xf32>,
          %swap3A_1463 = vector.shape_cast %swap3A_1462 : vector<16xf32> to vector<16xf32>
          %swap3A_1464 = vector.shape_cast %select_n3A_1460 : vector<16xf32> to vector<16xf32>
          tpu.vector_store %arg8[%swap3A_1461], %swap3A_1464 {strides = array<i32>} : memref<98304xf32, #tpu.memory_space<vmem>>, vector<16xf32>,
          %add3A_1465 = arith.constant 0 : i32
          %add3A_1466 = arith.addi %add3A_1401, %add3A_1465 : i32
          %add3A_1467 = arith.constant 896 : i32
          %add3A_1468 = arith.addi %add3A_1466, %add3A_1467 : i32
          %select_n3A_1469 = arith.select %eq3A_1355, %get3A_608, %get3A_560 : vector<16xi1>, vector<16xf32>
          %swap3A_1470 = arith.index_cast %add3A_1468 : i32 to index
          %swap3A_1471 = tpu.vector_load %arg8[%swap3A_1470] {strides = array<i32>} : memref<98304xf32, #tpu.memory_space<vmem>>, vector<16xf32>,
          %swap3A_1472 = vector.shape_cast %swap3A_1471 : vector<16xf32> to vector<16xf32>
          %swap3A_1473 = vector.shape_cast %select_n3A_1469 : vector<16xf32> to vector<16xf32>
          tpu.vector_store %arg8[%swap3A_1470], %swap3A_1473 {strides = array<i32>} : memref<98304xf32, #tpu.memory_space<vmem>>, vector<16xf32>,
          %add3A_1474 = arith.constant 8192 : i32
          %add3A_1475 = arith.addi %add3A_1401, %add3A_1474 : i32
          %add3A_1476 = arith.constant 0 : i32
          %add3A_1477 = arith.addi %add3A_1475, %add3A_1476 : i32
          %select_n3A_1478 = arith.select %eq3A_1355, %get3A_611, %get3A_563 : vector<16xi1>, vector<16xf32>
          %swap3A_1479 = arith.index_cast %add3A_1477 : i32 to index
          %swap3A_1480 = tpu.vector_load %arg8[%swap3A_1479] {strides = array<i32>} : memref<98304xf32, #tpu.memory_space<vmem>>, vector<16xf32>,
          %swap3A_1481 = vector.shape_cast %swap3A_1480 : vector<16xf32> to vector<16xf32>
          %swap3A_1482 = vector.shape_cast %select_n3A_1478 : vector<16xf32> to vector<16xf32>
          tpu.vector_store %arg8[%swap3A_1479], %swap3A_1482 {strides = array<i32>} : memref<98304xf32, #tpu.memory_space<vmem>>, vector<16xf32>,
          %add3A_1483 = arith.constant 8192 : i32
          %add3A_1484 = arith.addi %add3A_1401, %add3A_1483 : i32
          %add3A_1485 = arith.constant 128 : i32
          %add3A_1486 = arith.addi %add3A_1484, %add3A_1485 : i32
          %select_n3A_1487 = arith.select %eq3A_1355, %get3A_614, %get3A_566 : vector<16xi1>, vector<16xf32>
          %swap3A_1488 = arith.index_cast %add3A_1486 : i32 to index
          %swap3A_1489 = tpu.vector_load %arg8[%swap3A_1488] {strides = array<i32>} : memref<98304xf32, #tpu.memory_space<vmem>>, vector<16xf32>,
          %swap3A_1490 = vector.shape_cast %swap3A_1489 : vector<16xf32> to vector<16xf32>
          %swap3A_1491 = vector.shape_cast %select_n3A_1487 : vector<16xf32> to vector<16xf32>
          tpu.vector_store %arg8[%swap3A_1488], %swap3A_1491 {strides = array<i32>} : memref<98304xf32, #tpu.memory_space<vmem>>, vector<16xf32>,
          %add3A_1492 = arith.constant 8192 : i32
          %add3A_1493 = arith.addi %add3A_1401, %add3A_1492 : i32
          %add3A_1494 = arith.constant 256 : i32
          %add3A_1495 = arith.addi %add3A_1493, %add3A_1494 : i32
          %select_n3A_1496 = arith.select %eq3A_1355, %get3A_617, %get3A_569 : vector<16xi1>, vector<16xf32>
          %swap3A_1497 = arith.index_cast %add3A_1495 : i32 to index
          %swap3A_1498 = tpu.vector_load %arg8[%swap3A_1497] {strides = array<i32>} : memref<98304xf32, #tpu.memory_space<vmem>>, vector<16xf32>,
          %swap3A_1499 = vector.shape_cast %swap3A_1498 : vector<16xf32> to vector<16xf32>
          %swap3A_1500 = vector.shape_cast %select_n3A_1496 : vector<16xf32> to vector<16xf32>
          tpu.vector_store %arg8[%swap3A_1497], %swap3A_1500 {strides = array<i32>} : memref<98304xf32, #tpu.memory_space<vmem>>, vector<16xf32>,
          %add3A_1501 = arith.constant 8192 : i32
          %add3A_1502 = arith.addi %add3A_1401, %add3A_1501 : i32
          %add3A_1503 = arith.constant 384 : i32
          %add3A_1504 = arith.addi %add3A_1502, %add3A_1503 : i32
          %select_n3A_1505 = arith.select %eq3A_1355, %get3A_620, %get3A_572 : vector<16xi1>, vector<16xf32>
          %swap3A_1506 = arith.index_cast %add3A_1504 : i32 to index
          %swap3A_1507 = tpu.vector_load %arg8[%swap3A_1506] {strides = array<i32>} : memref<98304xf32, #tpu.memory_space<vmem>>, vector<16xf32>,
          %swap3A_1508 = vector.shape_cast %swap3A_1507 : vector<16xf32> to vector<16xf32>
          %swap3A_1509 = vector.shape_cast %select_n3A_1505 : vector<16xf32> to vector<16xf32>
          tpu.vector_store %arg8[%swap3A_1506], %swap3A_1509 {strides = array<i32>} : memref<98304xf32, #tpu.memory_space<vmem>>, vector<16xf32>,
          %add3A_1510 = arith.constant 8192 : i32
          %add3A_1511 = arith.addi %add3A_1401, %add3A_1510 : i32
          %add3A_1512 = arith.constant 512 : i32
          %add3A_1513 = arith.addi %add3A_1511, %add3A_1512 : i32
          %select_n3A_1514 = arith.select %eq3A_1355, %get3A_623, %get3A_575 : vector<16xi1>, vector<16xf32>
          %swap3A_1515 = arith.index_cast %add3A_1513 : i32 to index
          %swap3A_1516 = tpu.vector_load %arg8[%swap3A_1515] {strides = array<i32>} : memref<98304xf32, #tpu.memory_space<vmem>>, vector<16xf32>,
          %swap3A_1517 = vector.shape_cast %swap3A_1516 : vector<16xf32> to vector<16xf32>
          %swap3A_1518 = vector.shape_cast %select_n3A_1514 : vector<16xf32> to vector<16xf32>
          tpu.vector_store %arg8[%swap3A_1515], %swap3A_1518 {strides = array<i32>} : memref<98304xf32, #tpu.memory_space<vmem>>, vector<16xf32>,
          %add3A_1519 = arith.constant 8192 : i32
          %add3A_1520 = arith.addi %add3A_1401, %add3A_1519 : i32
          %add3A_1521 = arith.constant 640 : i32
          %add3A_1522 = arith.addi %add3A_1520, %add3A_1521 : i32
          %select_n3A_1523 = arith.select %eq3A_1355, %get3A_626, %get3A_578 : vector<16xi1>, vector<16xf32>
          %swap3A_1524 = arith.index_cast %add3A_1522 : i32 to index
          %swap3A_1525 = tpu.vector_load %arg8[%swap3A_1524] {strides = array<i32>} : memref<98304xf32, #tpu.memory_space<vmem>>, vector<16xf32>,
          %swap3A_1526 = vector.shape_cast %swap3A_1525 : vector<16xf32> to vector<16xf32>
          %swap3A_1527 = vector.shape_cast %select_n3A_1523 : vector<16xf32> to vector<16xf32>
          tpu.vector_store %arg8[%swap3A_1524], %swap3A_1527 {strides = array<i32>} : memref<98304xf32, #tpu.memory_space<vmem>>, vector<16xf32>,
          %add3A_1528 = arith.constant 8192 : i32
          %add3A_1529 = arith.addi %add3A_1401, %add3A_1528 : i32
          %add3A_1530 = arith.constant 768 : i32
          %add3A_1531 = arith.addi %add3A_1529, %add3A_1530 : i32
          %select_n3A_1532 = arith.select %eq3A_1355, %get3A_629, %get3A_581 : vector<16xi1>, vector<16xf32>
          %swap3A_1533 = arith.index_cast %add3A_1531 : i32 to index
          %swap3A_1534 = tpu.vector_load %arg8[%swap3A_1533] {strides = array<i32>} : memref<98304xf32, #tpu.memory_space<vmem>>, vector<16xf32>,
          %swap3A_1535 = vector.shape_cast %swap3A_1534 : vector<16xf32> to vector<16xf32>
          %swap3A_1536 = vector.shape_cast %select_n3A_1532 : vector<16xf32> to vector<16xf32>
          tpu.vector_store %arg8[%swap3A_1533], %swap3A_1536 {strides = array<i32>} : memref<98304xf32, #tpu.memory_space<vmem>>, vector<16xf32>,
          %add3A_1537 = arith.constant 8192 : i32
          %add3A_1538 = arith.addi %add3A_1401, %add3A_1537 : i32
          %add3A_1539 = arith.constant 896 : i32
          %add3A_1540 = arith.addi %add3A_1538, %add3A_1539 : i32
          %select_n3A_1541 = arith.select %eq3A_1355, %get3A_632, %get3A_584 : vector<16xi1>, vector<16xf32>
          %swap3A_1542 = arith.index_cast %add3A_1540 : i32 to index
          %swap3A_1543 = tpu.vector_load %arg8[%swap3A_1542] {strides = array<i32>} : memref<98304xf32, #tpu.memory_space<vmem>>, vector<16xf32>,
          %swap3A_1544 = vector.shape_cast %swap3A_1543 : vector<16xf32> to vector<16xf32>
          %swap3A_1545 = vector.shape_cast %select_n3A_1541 : vector<16xf32> to vector<16xf32>
          tpu.vector_store %arg8[%swap3A_1542], %swap3A_1545 {strides = array<i32>} : memref<98304xf32, #tpu.memory_space<vmem>>, vector<16xf32>,
          %scan3A_1546 = arith.constant 4 : i32
          %scan3A_1547 = arith.addi %scan3A_747, %scan3A_1546 : i32
          %mul3A_1548 = arith.constant 16 : i32
          %mul3A_1549 = arith.muli %scan3A_1547, %mul3A_1548 : i32
          %add3A_1550 = arith.addi %mul3A_504, %mul3A_1549 : i32
          %get3A_1551 = arith.index_cast %add3A_1550 : i32 to index
          %get3A_1552 = tpu.vector_load %arg5[%get3A_1551] {strides = array<i32>} : memref<2048xi32, #tpu.memory_space<vmem>>, vector<16xi32>,
          %get3A_1553 = vector.shape_cast %get3A_1552 : vector<16xi32> to vector<16xi32>
          %eq3A_1554 = vector.broadcast %select_n3A_532 : i32 to vector<16xi32>
          %eq3A_1555 = arith.cmpi eq, %get3A_1553, %eq3A_1554 : vector<16xi32>
          %jit3A_1556 = arith.constant 8 : i32
          %div3A_1557 = arith.divsi %scan3A_1547, %jit3A_1556 : i32
          %sign3A_1558 = arith.constant 0 : i32
          %sign3A_1559 = arith.cmpi sgt, %scan3A_1547, %sign3A_1558 : i32
          %sign3A_1560 = arith.extui %sign3A_1559 : i1 to i32
          %sign3A_1561 = arith.constant 0 : i32
          %sign3A_1562 = arith.cmpi slt, %scan3A_1547, %sign3A_1561 : i32
          %sign3A_1563 = arith.extui %sign3A_1562 : i1 to i32
          %sign3A_1564 = arith.subi %sign3A_1560, %sign3A_1563 : i32
          %sign3A_1565 = arith.constant 0 : i32
          %sign3A_1566 = arith.cmpi sgt, %jit3A_1556, %sign3A_1565 : i32
          %sign3A_1567 = arith.extui %sign3A_1566 : i1 to i32
          %sign3A_1568 = arith.constant 0 : i32
          %sign3A_1569 = arith.cmpi slt, %jit3A_1556, %sign3A_1568 : i32
          %sign3A_1570 = arith.extui %sign3A_1569 : i1 to i32
          %sign3A_1571 = arith.subi %sign3A_1567, %sign3A_1570 : i32
          %ne3A_1572 = arith.cmpi ne, %sign3A_1564, %sign3A_1571 : i32
          %rem3A_1573 = arith.remsi %scan3A_1547, %jit3A_1556 : i32
          %ne3A_1574 = arith.constant 0 : i32
          %ne3A_1575 = arith.cmpi ne, %rem3A_1573, %ne3A_1574 : i32
          %and3A_1576 = arith.andi %ne3A_1572, %ne3A_1575 : i1
          %sub3A_1577 = arith.constant 1 : i32
          %sub3A_1578 = arith.subi %div3A_1557, %sub3A_1577 : i32
          %select_n3A_1579 = arith.select %and3A_1576, %sub3A_1578, %div3A_1557 : i32
          %mul3A_1580 = arith.constant 1024 : i32
          %mul3A_1581 = arith.muli %select_n3A_1579, %mul3A_1580 : i32
          %add3A_1582 = arith.addi %mul3A_536, %mul3A_1581 : i32
          %jit3A_1583 = arith.constant 8 : i32
          %eq3A_1584 = arith.constant 0 : i32
          %eq3A_1585 = arith.cmpi eq, %jit3A_1583, %eq3A_1584 : i32
          %jit3A_1586 = arith.constant 1 : i32
          %select_n3A_1587 = arith.select %eq3A_1585, %jit3A_1586, %jit3A_1583 : i32
          %rem3A_1588 = arith.remsi %scan3A_1547, %select_n3A_1587 : i32
          %ne3A_1589 = arith.constant 0 : i32
          %ne3A_1590 = arith.cmpi ne, %rem3A_1588, %ne3A_1589 : i32
          %lt3A_1591 = arith.constant 0 : i32
          %lt3A_1592 = arith.cmpi slt, %rem3A_1588, %lt3A_1591 : i32
          %lt3A_1593 = arith.constant 0 : i32
          %lt3A_1594 = arith.cmpi slt, %select_n3A_1587, %lt3A_1593 : i32
          %ne3A_1595 = arith.xori %lt3A_1592, %lt3A_1594 : i1
          %and3A_1596 = arith.andi %ne3A_1595, %ne3A_1590 : i1
          %add3A_1597 = arith.addi %rem3A_1588, %select_n3A_1587 : i32
          %select_n3A_1598 = arith.select %and3A_1596, %add3A_1597, %rem3A_1588 : i32
          %mul3A_1599 = arith.constant 16 : i32
          %mul3A_1600 = arith.muli %select_n3A_1598, %mul3A_1599 : i32
          %add3A_1601 = arith.addi %add3A_1582, %mul3A_1600 : i32
          %add3A_1602 = arith.constant 0 : i32
          %add3A_1603 = arith.addi %add3A_1601, %add3A_1602 : i32
          %add3A_1604 = arith.constant 0 : i32
          %add3A_1605 = arith.addi %add3A_1603, %add3A_1604 : i32
          %select_n3A_1606 = arith.select %eq3A_1555, %get3A_587, %get3A_539 : vector<16xi1>, vector<16xf32>
          %swap3A_1607 = arith.index_cast %add3A_1605 : i32 to index
          %swap3A_1608 = tpu.vector_load %arg8[%swap3A_1607] {strides = array<i32>} : memref<98304xf32, #tpu.memory_space<vmem>>, vector<16xf32>,
          %swap3A_1609 = vector.shape_cast %swap3A_1608 : vector<16xf32> to vector<16xf32>
          %swap3A_1610 = vector.shape_cast %select_n3A_1606 : vector<16xf32> to vector<16xf32>
          tpu.vector_store %arg8[%swap3A_1607], %swap3A_1610 {strides = array<i32>} : memref<98304xf32, #tpu.memory_space<vmem>>, vector<16xf32>,
          %add3A_1611 = arith.constant 0 : i32
          %add3A_1612 = arith.addi %add3A_1601, %add3A_1611 : i32
          %add3A_1613 = arith.constant 128 : i32
          %add3A_1614 = arith.addi %add3A_1612, %add3A_1613 : i32
          %select_n3A_1615 = arith.select %eq3A_1555, %get3A_590, %get3A_542 : vector<16xi1>, vector<16xf32>
          %swap3A_1616 = arith.index_cast %add3A_1614 : i32 to index
          %swap3A_1617 = tpu.vector_load %arg8[%swap3A_1616] {strides = array<i32>} : memref<98304xf32, #tpu.memory_space<vmem>>, vector<16xf32>,
          %swap3A_1618 = vector.shape_cast %swap3A_1617 : vector<16xf32> to vector<16xf32>
          %swap3A_1619 = vector.shape_cast %select_n3A_1615 : vector<16xf32> to vector<16xf32>
          tpu.vector_store %arg8[%swap3A_1616], %swap3A_1619 {strides = array<i32>} : memref<98304xf32, #tpu.memory_space<vmem>>, vector<16xf32>,
          %add3A_1620 = arith.constant 0 : i32
          %add3A_1621 = arith.addi %add3A_1601, %add3A_1620 : i32
          %add3A_1622 = arith.constant 256 : i32
          %add3A_1623 = arith.addi %add3A_1621, %add3A_1622 : i32
          %select_n3A_1624 = arith.select %eq3A_1555, %get3A_593, %get3A_545 : vector<16xi1>, vector<16xf32>
          %swap3A_1625 = arith.index_cast %add3A_1623 : i32 to index
          %swap3A_1626 = tpu.vector_load %arg8[%swap3A_1625] {strides = array<i32>} : memref<98304xf32, #tpu.memory_space<vmem>>, vector<16xf32>,
          %swap3A_1627 = vector.shape_cast %swap3A_1626 : vector<16xf32> to vector<16xf32>
          %swap3A_1628 = vector.shape_cast %select_n3A_1624 : vector<16xf32> to vector<16xf32>
          tpu.vector_store %arg8[%swap3A_1625], %swap3A_1628 {strides = array<i32>} : memref<98304xf32, #tpu.memory_space<vmem>>, vector<16xf32>,
          %add3A_1629 = arith.constant 0 : i32
          %add3A_1630 = arith.addi %add3A_1601, %add3A_1629 : i32
          %add3A_1631 = arith.constant 384 : i32
          %add3A_1632 = arith.addi %add3A_1630, %add3A_1631 : i32
          %select_n3A_1633 = arith.select %eq3A_1555, %get3A_596, %get3A_548 : vector<16xi1>, vector<16xf32>
          %swap3A_1634 = arith.index_cast %add3A_1632 : i32 to index
          %swap3A_1635 = tpu.vector_load %arg8[%swap3A_1634] {strides = array<i32>} : memref<98304xf32, #tpu.memory_space<vmem>>, vector<16xf32>,
          %swap3A_1636 = vector.shape_cast %swap3A_1635 : vector<16xf32> to vector<16xf32>
          %swap3A_1637 = vector.shape_cast %select_n3A_1633 : vector<16xf32> to vector<16xf32>
          tpu.vector_store %arg8[%swap3A_1634], %swap3A_1637 {strides = array<i32>} : memref<98304xf32, #tpu.memory_space<vmem>>, vector<16xf32>,
          %add3A_1638 = arith.constant 0 : i32
          %add3A_1639 = arith.addi %add3A_1601, %add3A_1638 : i32
          %add3A_1640 = arith.constant 512 : i32
          %add3A_1641 = arith.addi %add3A_1639, %add3A_1640 : i32
          %select_n3A_1642 = arith.select %eq3A_1555, %get3A_599, %get3A_551 : vector<16xi1>, vector<16xf32>
          %swap3A_1643 = arith.index_cast %add3A_1641 : i32 to index
          %swap3A_1644 = tpu.vector_load %arg8[%swap3A_1643] {strides = array<i32>} : memref<98304xf32, #tpu.memory_space<vmem>>, vector<16xf32>,
          %swap3A_1645 = vector.shape_cast %swap3A_1644 : vector<16xf32> to vector<16xf32>
          %swap3A_1646 = vector.shape_cast %select_n3A_1642 : vector<16xf32> to vector<16xf32>
          tpu.vector_store %arg8[%swap3A_1643], %swap3A_1646 {strides = array<i32>} : memref<98304xf32, #tpu.memory_space<vmem>>, vector<16xf32>,
          %add3A_1647 = arith.constant 0 : i32
          %add3A_1648 = arith.addi %add3A_1601, %add3A_1647 : i32
          %add3A_1649 = arith.constant 640 : i32
          %add3A_1650 = arith.addi %add3A_1648, %add3A_1649 : i32
          %select_n3A_1651 = arith.select %eq3A_1555, %get3A_602, %get3A_554 : vector<16xi1>, vector<16xf32>
          %swap3A_1652 = arith.index_cast %add3A_1650 : i32 to index
          %swap3A_1653 = tpu.vector_load %arg8[%swap3A_1652] {strides = array<i32>} : memref<98304xf32, #tpu.memory_space<vmem>>, vector<16xf32>,
          %swap3A_1654 = vector.shape_cast %swap3A_1653 : vector<16xf32> to vector<16xf32>
          %swap3A_1655 = vector.shape_cast %select_n3A_1651 : vector<16xf32> to vector<16xf32>
          tpu.vector_store %arg8[%swap3A_1652], %swap3A_1655 {strides = array<i32>} : memref<98304xf32, #tpu.memory_space<vmem>>, vector<16xf32>,
          %add3A_1656 = arith.constant 0 : i32
          %add3A_1657 = arith.addi %add3A_1601, %add3A_1656 : i32
          %add3A_1658 = arith.constant 768 : i32
          %add3A_1659 = arith.addi %add3A_1657, %add3A_1658 : i32
          %select_n3A_1660 = arith.select %eq3A_1555, %get3A_605, %get3A_557 : vector<16xi1>, vector<16xf32>
          %swap3A_1661 = arith.index_cast %add3A_1659 : i32 to index
          %swap3A_1662 = tpu.vector_load %arg8[%swap3A_1661] {strides = array<i32>} : memref<98304xf32, #tpu.memory_space<vmem>>, vector<16xf32>,
          %swap3A_1663 = vector.shape_cast %swap3A_1662 : vector<16xf32> to vector<16xf32>
          %swap3A_1664 = vector.shape_cast %select_n3A_1660 : vector<16xf32> to vector<16xf32>
          tpu.vector_store %arg8[%swap3A_1661], %swap3A_1664 {strides = array<i32>} : memref<98304xf32, #tpu.memory_space<vmem>>, vector<16xf32>,
          %add3A_1665 = arith.constant 0 : i32
          %add3A_1666 = arith.addi %add3A_1601, %add3A_1665 : i32
          %add3A_1667 = arith.constant 896 : i32
          %add3A_1668 = arith.addi %add3A_1666, %add3A_1667 : i32
          %select_n3A_1669 = arith.select %eq3A_1555, %get3A_608, %get3A_560 : vector<16xi1>, vector<16xf32>
          %swap3A_1670 = arith.index_cast %add3A_1668 : i32 to index
          %swap3A_1671 = tpu.vector_load %arg8[%swap3A_1670] {strides = array<i32>} : memref<98304xf32, #tpu.memory_space<vmem>>, vector<16xf32>,
          %swap3A_1672 = vector.shape_cast %swap3A_1671 : vector<16xf32> to vector<16xf32>
          %swap3A_1673 = vector.shape_cast %select_n3A_1669 : vector<16xf32> to vector<16xf32>
          tpu.vector_store %arg8[%swap3A_1670], %swap3A_1673 {strides = array<i32>} : memref<98304xf32, #tpu.memory_space<vmem>>, vector<16xf32>,
          %add3A_1674 = arith.constant 8192 : i32
          %add3A_1675 = arith.addi %add3A_1601, %add3A_1674 : i32
          %add3A_1676 = arith.constant 0 : i32
          %add3A_1677 = arith.addi %add3A_1675, %add3A_1676 : i32
          %select_n3A_1678 = arith.select %eq3A_1555, %get3A_611, %get3A_563 : vector<16xi1>, vector<16xf32>
          %swap3A_1679 = arith.index_cast %add3A_1677 : i32 to index
          %swap3A_1680 = tpu.vector_load %arg8[%swap3A_1679] {strides = array<i32>} : memref<98304xf32, #tpu.memory_space<vmem>>, vector<16xf32>,
          %swap3A_1681 = vector.shape_cast %swap3A_1680 : vector<16xf32> to vector<16xf32>
          %swap3A_1682 = vector.shape_cast %select_n3A_1678 : vector<16xf32> to vector<16xf32>
          tpu.vector_store %arg8[%swap3A_1679], %swap3A_1682 {strides = array<i32>} : memref<98304xf32, #tpu.memory_space<vmem>>, vector<16xf32>,
          %add3A_1683 = arith.constant 8192 : i32
          %add3A_1684 = arith.addi %add3A_1601, %add3A_1683 : i32
          %add3A_1685 = arith.constant 128 : i32
          %add3A_1686 = arith.addi %add3A_1684, %add3A_1685 : i32
          %select_n3A_1687 = arith.select %eq3A_1555, %get3A_614, %get3A_566 : vector<16xi1>, vector<16xf32>
          %swap3A_1688 = arith.index_cast %add3A_1686 : i32 to index
          %swap3A_1689 = tpu.vector_load %arg8[%swap3A_1688] {strides = array<i32>} : memref<98304xf32, #tpu.memory_space<vmem>>, vector<16xf32>,
          %swap3A_1690 = vector.shape_cast %swap3A_1689 : vector<16xf32> to vector<16xf32>
          %swap3A_1691 = vector.shape_cast %select_n3A_1687 : vector<16xf32> to vector<16xf32>
          tpu.vector_store %arg8[%swap3A_1688], %swap3A_1691 {strides = array<i32>} : memref<98304xf32, #tpu.memory_space<vmem>>, vector<16xf32>,
          %add3A_1692 = arith.constant 8192 : i32
          %add3A_1693 = arith.addi %add3A_1601, %add3A_1692 : i32
          %add3A_1694 = arith.constant 256 : i32
          %add3A_1695 = arith.addi %add3A_1693, %add3A_1694 : i32
          %select_n3A_1696 = arith.select %eq3A_1555, %get3A_617, %get3A_569 : vector<16xi1>, vector<16xf32>
          %swap3A_1697 = arith.index_cast %add3A_1695 : i32 to index
          %swap3A_1698 = tpu.vector_load %arg8[%swap3A_1697] {strides = array<i32>} : memref<98304xf32, #tpu.memory_space<vmem>>, vector<16xf32>,
          %swap3A_1699 = vector.shape_cast %swap3A_1698 : vector<16xf32> to vector<16xf32>
          %swap3A_1700 = vector.shape_cast %select_n3A_1696 : vector<16xf32> to vector<16xf32>
          tpu.vector_store %arg8[%swap3A_1697], %swap3A_1700 {strides = array<i32>} : memref<98304xf32, #tpu.memory_space<vmem>>, vector<16xf32>,
          %add3A_1701 = arith.constant 8192 : i32
          %add3A_1702 = arith.addi %add3A_1601, %add3A_1701 : i32
          %add3A_1703 = arith.constant 384 : i32
          %add3A_1704 = arith.addi %add3A_1702, %add3A_1703 : i32
          %select_n3A_1705 = arith.select %eq3A_1555, %get3A_620, %get3A_572 : vector<16xi1>, vector<16xf32>
          %swap3A_1706 = arith.index_cast %add3A_1704 : i32 to index
          %swap3A_1707 = tpu.vector_load %arg8[%swap3A_1706] {strides = array<i32>} : memref<98304xf32, #tpu.memory_space<vmem>>, vector<16xf32>,
          %swap3A_1708 = vector.shape_cast %swap3A_1707 : vector<16xf32> to vector<16xf32>
          %swap3A_1709 = vector.shape_cast %select_n3A_1705 : vector<16xf32> to vector<16xf32>
          tpu.vector_store %arg8[%swap3A_1706], %swap3A_1709 {strides = array<i32>} : memref<98304xf32, #tpu.memory_space<vmem>>, vector<16xf32>,
          %add3A_1710 = arith.constant 8192 : i32
          %add3A_1711 = arith.addi %add3A_1601, %add3A_1710 : i32
          %add3A_1712 = arith.constant 512 : i32
          %add3A_1713 = arith.addi %add3A_1711, %add3A_1712 : i32
          %select_n3A_1714 = arith.select %eq3A_1555, %get3A_623, %get3A_575 : vector<16xi1>, vector<16xf32>
          %swap3A_1715 = arith.index_cast %add3A_1713 : i32 to index
          %swap3A_1716 = tpu.vector_load %arg8[%swap3A_1715] {strides = array<i32>} : memref<98304xf32, #tpu.memory_space<vmem>>, vector<16xf32>,
          %swap3A_1717 = vector.shape_cast %swap3A_1716 : vector<16xf32> to vector<16xf32>
          %swap3A_1718 = vector.shape_cast %select_n3A_1714 : vector<16xf32> to vector<16xf32>
          tpu.vector_store %arg8[%swap3A_1715], %swap3A_1718 {strides = array<i32>} : memref<98304xf32, #tpu.memory_space<vmem>>, vector<16xf32>,
          %add3A_1719 = arith.constant 8192 : i32
          %add3A_1720 = arith.addi %add3A_1601, %add3A_1719 : i32
          %add3A_1721 = arith.constant 640 : i32
          %add3A_1722 = arith.addi %add3A_1720, %add3A_1721 : i32
          %select_n3A_1723 = arith.select %eq3A_1555, %get3A_626, %get3A_578 : vector<16xi1>, vector<16xf32>
          %swap3A_1724 = arith.index_cast %add3A_1722 : i32 to index
          %swap3A_1725 = tpu.vector_load %arg8[%swap3A_1724] {strides = array<i32>} : memref<98304xf32, #tpu.memory_space<vmem>>, vector<16xf32>,
          %swap3A_1726 = vector.shape_cast %swap3A_1725 : vector<16xf32> to vector<16xf32>
          %swap3A_1727 = vector.shape_cast %select_n3A_1723 : vector<16xf32> to vector<16xf32>
          tpu.vector_store %arg8[%swap3A_1724], %swap3A_1727 {strides = array<i32>} : memref<98304xf32, #tpu.memory_space<vmem>>, vector<16xf32>,
          %add3A_1728 = arith.constant 8192 : i32
          %add3A_1729 = arith.addi %add3A_1601, %add3A_1728 : i32
          %add3A_1730 = arith.constant 768 : i32
          %add3A_1731 = arith.addi %add3A_1729, %add3A_1730 : i32
          %select_n3A_1732 = arith.select %eq3A_1555, %get3A_629, %get3A_581 : vector<16xi1>, vector<16xf32>
          %swap3A_1733 = arith.index_cast %add3A_1731 : i32 to index
          %swap3A_1734 = tpu.vector_load %arg8[%swap3A_1733] {strides = array<i32>} : memref<98304xf32, #tpu.memory_space<vmem>>, vector<16xf32>,
          %swap3A_1735 = vector.shape_cast %swap3A_1734 : vector<16xf32> to vector<16xf32>
          %swap3A_1736 = vector.shape_cast %select_n3A_1732 : vector<16xf32> to vector<16xf32>
          tpu.vector_store %arg8[%swap3A_1733], %swap3A_1736 {strides = array<i32>} : memref<98304xf32, #tpu.memory_space<vmem>>, vector<16xf32>,
          %add3A_1737 = arith.constant 8192 : i32
          %add3A_1738 = arith.addi %add3A_1601, %add3A_1737 : i32
          %add3A_1739 = arith.constant 896 : i32
          %add3A_1740 = arith.addi %add3A_1738, %add3A_1739 : i32
          %select_n3A_1741 = arith.select %eq3A_1555, %get3A_632, %get3A_584 : vector<16xi1>, vector<16xf32>
          %swap3A_1742 = arith.index_cast %add3A_1740 : i32 to index
          %swap3A_1743 = tpu.vector_load %arg8[%swap3A_1742] {strides = array<i32>} : memref<98304xf32, #tpu.memory_space<vmem>>, vector<16xf32>,
          %swap3A_1744 = vector.shape_cast %swap3A_1743 : vector<16xf32> to vector<16xf32>
          %swap3A_1745 = vector.shape_cast %select_n3A_1741 : vector<16xf32> to vector<16xf32>
          tpu.vector_store %arg8[%swap3A_1742], %swap3A_1745 {strides = array<i32>} : memref<98304xf32, #tpu.memory_space<vmem>>, vector<16xf32>,
          %scan3A_1746 = arith.constant 5 : i32
          %scan3A_1747 = arith.addi %scan3A_747, %scan3A_1746 : i32
          %mul3A_1748 = arith.constant 16 : i32
          %mul3A_1749 = arith.muli %scan3A_1747, %mul3A_1748 : i32
          %add3A_1750 = arith.addi %mul3A_504, %mul3A_1749 : i32
          %get3A_1751 = arith.index_cast %add3A_1750 : i32 to index
          %get3A_1752 = tpu.vector_load %arg5[%get3A_1751] {strides = array<i32>} : memref<2048xi32, #tpu.memory_space<vmem>>, vector<16xi32>,
          %get3A_1753 = vector.shape_cast %get3A_1752 : vector<16xi32> to vector<16xi32>
          %eq3A_1754 = vector.broadcast %select_n3A_532 : i32 to vector<16xi32>
          %eq3A_1755 = arith.cmpi eq, %get3A_1753, %eq3A_1754 : vector<16xi32>
          %jit3A_1756 = arith.constant 8 : i32
          %div3A_1757 = arith.divsi %scan3A_1747, %jit3A_1756 : i32
          %sign3A_1758 = arith.constant 0 : i32
          %sign3A_1759 = arith.cmpi sgt, %scan3A_1747, %sign3A_1758 : i32
          %sign3A_1760 = arith.extui %sign3A_1759 : i1 to i32
          %sign3A_1761 = arith.constant 0 : i32
          %sign3A_1762 = arith.cmpi slt, %scan3A_1747, %sign3A_1761 : i32
          %sign3A_1763 = arith.extui %sign3A_1762 : i1 to i32
          %sign3A_1764 = arith.subi %sign3A_1760, %sign3A_1763 : i32
          %sign3A_1765 = arith.constant 0 : i32
          %sign3A_1766 = arith.cmpi sgt, %jit3A_1756, %sign3A_1765 : i32
          %sign3A_1767 = arith.extui %sign3A_1766 : i1 to i32
          %sign3A_1768 = arith.constant 0 : i32
          %sign3A_1769 = arith.cmpi slt, %jit3A_1756, %sign3A_1768 : i32
          %sign3A_1770 = arith.extui %sign3A_1769 : i1 to i32
          %sign3A_1771 = arith.subi %sign3A_1767, %sign3A_1770 : i32
          %ne3A_1772 = arith.cmpi ne, %sign3A_1764, %sign3A_1771 : i32
          %rem3A_1773 = arith.remsi %scan3A_1747, %jit3A_1756 : i32
          %ne3A_1774 = arith.constant 0 : i32
          %ne3A_1775 = arith.cmpi ne, %rem3A_1773, %ne3A_1774 : i32
          %and3A_1776 = arith.andi %ne3A_1772, %ne3A_1775 : i1
          %sub3A_1777 = arith.constant 1 : i32
          %sub3A_1778 = arith.subi %div3A_1757, %sub3A_1777 : i32
          %select_n3A_1779 = arith.select %and3A_1776, %sub3A_1778, %div3A_1757 : i32
          %mul3A_1780 = arith.constant 1024 : i32
          %mul3A_1781 = arith.muli %select_n3A_1779, %mul3A_1780 : i32
          %add3A_1782 = arith.addi %mul3A_536, %mul3A_1781 : i32
          %jit3A_1783 = arith.constant 8 : i32
          %eq3A_1784 = arith.constant 0 : i32
          %eq3A_1785 = arith.cmpi eq, %jit3A_1783, %eq3A_1784 : i32
          %jit3A_1786 = arith.constant 1 : i32
          %select_n3A_1787 = arith.select %eq3A_1785, %jit3A_1786, %jit3A_1783 : i32
          %rem3A_1788 = arith.remsi %scan3A_1747, %select_n3A_1787 : i32
          %ne3A_1789 = arith.constant 0 : i32
          %ne3A_1790 = arith.cmpi ne, %rem3A_1788, %ne3A_1789 : i32
          %lt3A_1791 = arith.constant 0 : i32
          %lt3A_1792 = arith.cmpi slt, %rem3A_1788, %lt3A_1791 : i32
          %lt3A_1793 = arith.constant 0 : i32
          %lt3A_1794 = arith.cmpi slt, %select_n3A_1787, %lt3A_1793 : i32
          %ne3A_1795 = arith.xori %lt3A_1792, %lt3A_1794 : i1
          %and3A_1796 = arith.andi %ne3A_1795, %ne3A_1790 : i1
          %add3A_1797 = arith.addi %rem3A_1788, %select_n3A_1787 : i32
          %select_n3A_1798 = arith.select %and3A_1796, %add3A_1797, %rem3A_1788 : i32
          %mul3A_1799 = arith.constant 16 : i32
          %mul3A_1800 = arith.muli %select_n3A_1798, %mul3A_1799 : i32
          %add3A_1801 = arith.addi %add3A_1782, %mul3A_1800 : i32
          %add3A_1802 = arith.constant 0 : i32
          %add3A_1803 = arith.addi %add3A_1801, %add3A_1802 : i32
          %add3A_1804 = arith.constant 0 : i32
          %add3A_1805 = arith.addi %add3A_1803, %add3A_1804 : i32
          %select_n3A_1806 = arith.select %eq3A_1755, %get3A_587, %get3A_539 : vector<16xi1>, vector<16xf32>
          %swap3A_1807 = arith.index_cast %add3A_1805 : i32 to index
          %swap3A_1808 = tpu.vector_load %arg8[%swap3A_1807] {strides = array<i32>} : memref<98304xf32, #tpu.memory_space<vmem>>, vector<16xf32>,
          %swap3A_1809 = vector.shape_cast %swap3A_1808 : vector<16xf32> to vector<16xf32>
          %swap3A_1810 = vector.shape_cast %select_n3A_1806 : vector<16xf32> to vector<16xf32>
          tpu.vector_store %arg8[%swap3A_1807], %swap3A_1810 {strides = array<i32>} : memref<98304xf32, #tpu.memory_space<vmem>>, vector<16xf32>,
          %add3A_1811 = arith.constant 0 : i32
          %add3A_1812 = arith.addi %add3A_1801, %add3A_1811 : i32
          %add3A_1813 = arith.constant 128 : i32
          %add3A_1814 = arith.addi %add3A_1812, %add3A_1813 : i32
          %select_n3A_1815 = arith.select %eq3A_1755, %get3A_590, %get3A_542 : vector<16xi1>, vector<16xf32>
          %swap3A_1816 = arith.index_cast %add3A_1814 : i32 to index
          %swap3A_1817 = tpu.vector_load %arg8[%swap3A_1816] {strides = array<i32>} : memref<98304xf32, #tpu.memory_space<vmem>>, vector<16xf32>,
          %swap3A_1818 = vector.shape_cast %swap3A_1817 : vector<16xf32> to vector<16xf32>
          %swap3A_1819 = vector.shape_cast %select_n3A_1815 : vector<16xf32> to vector<16xf32>
          tpu.vector_store %arg8[%swap3A_1816], %swap3A_1819 {strides = array<i32>} : memref<98304xf32, #tpu.memory_space<vmem>>, vector<16xf32>,
          %add3A_1820 = arith.constant 0 : i32
          %add3A_1821 = arith.addi %add3A_1801, %add3A_1820 : i32
          %add3A_1822 = arith.constant 256 : i32
          %add3A_1823 = arith.addi %add3A_1821, %add3A_1822 : i32
          %select_n3A_1824 = arith.select %eq3A_1755, %get3A_593, %get3A_545 : vector<16xi1>, vector<16xf32>
          %swap3A_1825 = arith.index_cast %add3A_1823 : i32 to index
          %swap3A_1826 = tpu.vector_load %arg8[%swap3A_1825] {strides = array<i32>} : memref<98304xf32, #tpu.memory_space<vmem>>, vector<16xf32>,
          %swap3A_1827 = vector.shape_cast %swap3A_1826 : vector<16xf32> to vector<16xf32>
          %swap3A_1828 = vector.shape_cast %select_n3A_1824 : vector<16xf32> to vector<16xf32>
          tpu.vector_store %arg8[%swap3A_1825], %swap3A_1828 {strides = array<i32>} : memref<98304xf32, #tpu.memory_space<vmem>>, vector<16xf32>,
          %add3A_1829 = arith.constant 0 : i32
          %add3A_1830 = arith.addi %add3A_1801, %add3A_1829 : i32
          %add3A_1831 = arith.constant 384 : i32
          %add3A_1832 = arith.addi %add3A_1830, %add3A_1831 : i32
          %select_n3A_1833 = arith.select %eq3A_1755, %get3A_596, %get3A_548 : vector<16xi1>, vector<16xf32>
          %swap3A_1834 = arith.index_cast %add3A_1832 : i32 to index
          %swap3A_1835 = tpu.vector_load %arg8[%swap3A_1834] {strides = array<i32>} : memref<98304xf32, #tpu.memory_space<vmem>>, vector<16xf32>,
          %swap3A_1836 = vector.shape_cast %swap3A_1835 : vector<16xf32> to vector<16xf32>
          %swap3A_1837 = vector.shape_cast %select_n3A_1833 : vector<16xf32> to vector<16xf32>
          tpu.vector_store %arg8[%swap3A_1834], %swap3A_1837 {strides = array<i32>} : memref<98304xf32, #tpu.memory_space<vmem>>, vector<16xf32>,
          %add3A_1838 = arith.constant 0 : i32
          %add3A_1839 = arith.addi %add3A_1801, %add3A_1838 : i32
          %add3A_1840 = arith.constant 512 : i32
          %add3A_1841 = arith.addi %add3A_1839, %add3A_1840 : i32
          %select_n3A_1842 = arith.select %eq3A_1755, %get3A_599, %get3A_551 : vector<16xi1>, vector<16xf32>
          %swap3A_1843 = arith.index_cast %add3A_1841 : i32 to index
          %swap3A_1844 = tpu.vector_load %arg8[%swap3A_1843] {strides = array<i32>} : memref<98304xf32, #tpu.memory_space<vmem>>, vector<16xf32>,
          %swap3A_1845 = vector.shape_cast %swap3A_1844 : vector<16xf32> to vector<16xf32>
          %swap3A_1846 = vector.shape_cast %select_n3A_1842 : vector<16xf32> to vector<16xf32>
          tpu.vector_store %arg8[%swap3A_1843], %swap3A_1846 {strides = array<i32>} : memref<98304xf32, #tpu.memory_space<vmem>>, vector<16xf32>,
          %add3A_1847 = arith.constant 0 : i32
          %add3A_1848 = arith.addi %add3A_1801, %add3A_1847 : i32
          %add3A_1849 = arith.constant 640 : i32
          %add3A_1850 = arith.addi %add3A_1848, %add3A_1849 : i32
          %select_n3A_1851 = arith.select %eq3A_1755, %get3A_602, %get3A_554 : vector<16xi1>, vector<16xf32>
          %swap3A_1852 = arith.index_cast %add3A_1850 : i32 to index
          %swap3A_1853 = tpu.vector_load %arg8[%swap3A_1852] {strides = array<i32>} : memref<98304xf32, #tpu.memory_space<vmem>>, vector<16xf32>,
          %swap3A_1854 = vector.shape_cast %swap3A_1853 : vector<16xf32> to vector<16xf32>
          %swap3A_1855 = vector.shape_cast %select_n3A_1851 : vector<16xf32> to vector<16xf32>
          tpu.vector_store %arg8[%swap3A_1852], %swap3A_1855 {strides = array<i32>} : memref<98304xf32, #tpu.memory_space<vmem>>, vector<16xf32>,
          %add3A_1856 = arith.constant 0 : i32
          %add3A_1857 = arith.addi %add3A_1801, %add3A_1856 : i32
          %add3A_1858 = arith.constant 768 : i32
          %add3A_1859 = arith.addi %add3A_1857, %add3A_1858 : i32
          %select_n3A_1860 = arith.select %eq3A_1755, %get3A_605, %get3A_557 : vector<16xi1>, vector<16xf32>
          %swap3A_1861 = arith.index_cast %add3A_1859 : i32 to index
          %swap3A_1862 = tpu.vector_load %arg8[%swap3A_1861] {strides = array<i32>} : memref<98304xf32, #tpu.memory_space<vmem>>, vector<16xf32>,
          %swap3A_1863 = vector.shape_cast %swap3A_1862 : vector<16xf32> to vector<16xf32>
          %swap3A_1864 = vector.shape_cast %select_n3A_1860 : vector<16xf32> to vector<16xf32>
          tpu.vector_store %arg8[%swap3A_1861], %swap3A_1864 {strides = array<i32>} : memref<98304xf32, #tpu.memory_space<vmem>>, vector<16xf32>,
          %add3A_1865 = arith.constant 0 : i32
          %add3A_1866 = arith.addi %add3A_1801, %add3A_1865 : i32
          %add3A_1867 = arith.constant 896 : i32
          %add3A_1868 = arith.addi %add3A_1866, %add3A_1867 : i32
          %select_n3A_1869 = arith.select %eq3A_1755, %get3A_608, %get3A_560 : vector<16xi1>, vector<16xf32>
          %swap3A_1870 = arith.index_cast %add3A_1868 : i32 to index
          %swap3A_1871 = tpu.vector_load %arg8[%swap3A_1870] {strides = array<i32>} : memref<98304xf32, #tpu.memory_space<vmem>>, vector<16xf32>,
          %swap3A_1872 = vector.shape_cast %swap3A_1871 : vector<16xf32> to vector<16xf32>
          %swap3A_1873 = vector.shape_cast %select_n3A_1869 : vector<16xf32> to vector<16xf32>
          tpu.vector_store %arg8[%swap3A_1870], %swap3A_1873 {strides = array<i32>} : memref<98304xf32, #tpu.memory_space<vmem>>, vector<16xf32>,
          %add3A_1874 = arith.constant 8192 : i32
          %add3A_1875 = arith.addi %add3A_1801, %add3A_1874 : i32
          %add3A_1876 = arith.constant 0 : i32
          %add3A_1877 = arith.addi %add3A_1875, %add3A_1876 : i32
          %select_n3A_1878 = arith.select %eq3A_1755, %get3A_611, %get3A_563 : vector<16xi1>, vector<16xf32>
          %swap3A_1879 = arith.index_cast %add3A_1877 : i32 to index
          %swap3A_1880 = tpu.vector_load %arg8[%swap3A_1879] {strides = array<i32>} : memref<98304xf32, #tpu.memory_space<vmem>>, vector<16xf32>,
          %swap3A_1881 = vector.shape_cast %swap3A_1880 : vector<16xf32> to vector<16xf32>
          %swap3A_1882 = vector.shape_cast %select_n3A_1878 : vector<16xf32> to vector<16xf32>
          tpu.vector_store %arg8[%swap3A_1879], %swap3A_1882 {strides = array<i32>} : memref<98304xf32, #tpu.memory_space<vmem>>, vector<16xf32>,
          %add3A_1883 = arith.constant 8192 : i32
          %add3A_1884 = arith.addi %add3A_1801, %add3A_1883 : i32
          %add3A_1885 = arith.constant 128 : i32
          %add3A_1886 = arith.addi %add3A_1884, %add3A_1885 : i32
          %select_n3A_1887 = arith.select %eq3A_1755, %get3A_614, %get3A_566 : vector<16xi1>, vector<16xf32>
          %swap3A_1888 = arith.index_cast %add3A_1886 : i32 to index
          %swap3A_1889 = tpu.vector_load %arg8[%swap3A_1888] {strides = array<i32>} : memref<98304xf32, #tpu.memory_space<vmem>>, vector<16xf32>,
          %swap3A_1890 = vector.shape_cast %swap3A_1889 : vector<16xf32> to vector<16xf32>
          %swap3A_1891 = vector.shape_cast %select_n3A_1887 : vector<16xf32> to vector<16xf32>
          tpu.vector_store %arg8[%swap3A_1888], %swap3A_1891 {strides = array<i32>} : memref<98304xf32, #tpu.memory_space<vmem>>, vector<16xf32>,
          %add3A_1892 = arith.constant 8192 : i32
          %add3A_1893 = arith.addi %add3A_1801, %add3A_1892 : i32
          %add3A_1894 = arith.constant 256 : i32
          %add3A_1895 = arith.addi %add3A_1893, %add3A_1894 : i32
          %select_n3A_1896 = arith.select %eq3A_1755, %get3A_617, %get3A_569 : vector<16xi1>, vector<16xf32>
          %swap3A_1897 = arith.index_cast %add3A_1895 : i32 to index
          %swap3A_1898 = tpu.vector_load %arg8[%swap3A_1897] {strides = array<i32>} : memref<98304xf32, #tpu.memory_space<vmem>>, vector<16xf32>,
          %swap3A_1899 = vector.shape_cast %swap3A_1898 : vector<16xf32> to vector<16xf32>
          %swap3A_1900 = vector.shape_cast %select_n3A_1896 : vector<16xf32> to vector<16xf32>
          tpu.vector_store %arg8[%swap3A_1897], %swap3A_1900 {strides = array<i32>} : memref<98304xf32, #tpu.memory_space<vmem>>, vector<16xf32>,
          %add3A_1901 = arith.constant 8192 : i32
          %add3A_1902 = arith.addi %add3A_1801, %add3A_1901 : i32
          %add3A_1903 = arith.constant 384 : i32
          %add3A_1904 = arith.addi %add3A_1902, %add3A_1903 : i32
          %select_n3A_1905 = arith.select %eq3A_1755, %get3A_620, %get3A_572 : vector<16xi1>, vector<16xf32>
          %swap3A_1906 = arith.index_cast %add3A_1904 : i32 to index
          %swap3A_1907 = tpu.vector_load %arg8[%swap3A_1906] {strides = array<i32>} : memref<98304xf32, #tpu.memory_space<vmem>>, vector<16xf32>,
          %swap3A_1908 = vector.shape_cast %swap3A_1907 : vector<16xf32> to vector<16xf32>
          %swap3A_1909 = vector.shape_cast %select_n3A_1905 : vector<16xf32> to vector<16xf32>
          tpu.vector_store %arg8[%swap3A_1906], %swap3A_1909 {strides = array<i32>} : memref<98304xf32, #tpu.memory_space<vmem>>, vector<16xf32>,
          %add3A_1910 = arith.constant 8192 : i32
          %add3A_1911 = arith.addi %add3A_1801, %add3A_1910 : i32
          %add3A_1912 = arith.constant 512 : i32
          %add3A_1913 = arith.addi %add3A_1911, %add3A_1912 : i32
          %select_n3A_1914 = arith.select %eq3A_1755, %get3A_623, %get3A_575 : vector<16xi1>, vector<16xf32>
          %swap3A_1915 = arith.index_cast %add3A_1913 : i32 to index
          %swap3A_1916 = tpu.vector_load %arg8[%swap3A_1915] {strides = array<i32>} : memref<98304xf32, #tpu.memory_space<vmem>>, vector<16xf32>,
          %swap3A_1917 = vector.shape_cast %swap3A_1916 : vector<16xf32> to vector<16xf32>
          %swap3A_1918 = vector.shape_cast %select_n3A_1914 : vector<16xf32> to vector<16xf32>
          tpu.vector_store %arg8[%swap3A_1915], %swap3A_1918 {strides = array<i32>} : memref<98304xf32, #tpu.memory_space<vmem>>, vector<16xf32>,
          %add3A_1919 = arith.constant 8192 : i32
          %add3A_1920 = arith.addi %add3A_1801, %add3A_1919 : i32
          %add3A_1921 = arith.constant 640 : i32
          %add3A_1922 = arith.addi %add3A_1920, %add3A_1921 : i32
          %select_n3A_1923 = arith.select %eq3A_1755, %get3A_626, %get3A_578 : vector<16xi1>, vector<16xf32>
          %swap3A_1924 = arith.index_cast %add3A_1922 : i32 to index
          %swap3A_1925 = tpu.vector_load %arg8[%swap3A_1924] {strides = array<i32>} : memref<98304xf32, #tpu.memory_space<vmem>>, vector<16xf32>,
          %swap3A_1926 = vector.shape_cast %swap3A_1925 : vector<16xf32> to vector<16xf32>
          %swap3A_1927 = vector.shape_cast %select_n3A_1923 : vector<16xf32> to vector<16xf32>
          tpu.vector_store %arg8[%swap3A_1924], %swap3A_1927 {strides = array<i32>} : memref<98304xf32, #tpu.memory_space<vmem>>, vector<16xf32>,
          %add3A_1928 = arith.constant 8192 : i32
          %add3A_1929 = arith.addi %add3A_1801, %add3A_1928 : i32
          %add3A_1930 = arith.constant 768 : i32
          %add3A_1931 = arith.addi %add3A_1929, %add3A_1930 : i32
          %select_n3A_1932 = arith.select %eq3A_1755, %get3A_629, %get3A_581 : vector<16xi1>, vector<16xf32>
          %swap3A_1933 = arith.index_cast %add3A_1931 : i32 to index
          %swap3A_1934 = tpu.vector_load %arg8[%swap3A_1933] {strides = array<i32>} : memref<98304xf32, #tpu.memory_space<vmem>>, vector<16xf32>,
          %swap3A_1935 = vector.shape_cast %swap3A_1934 : vector<16xf32> to vector<16xf32>
          %swap3A_1936 = vector.shape_cast %select_n3A_1932 : vector<16xf32> to vector<16xf32>
          tpu.vector_store %arg8[%swap3A_1933], %swap3A_1936 {strides = array<i32>} : memref<98304xf32, #tpu.memory_space<vmem>>, vector<16xf32>,
          %add3A_1937 = arith.constant 8192 : i32
          %add3A_1938 = arith.addi %add3A_1801, %add3A_1937 : i32
          %add3A_1939 = arith.constant 896 : i32
          %add3A_1940 = arith.addi %add3A_1938, %add3A_1939 : i32
          %select_n3A_1941 = arith.select %eq3A_1755, %get3A_632, %get3A_584 : vector<16xi1>, vector<16xf32>
          %swap3A_1942 = arith.index_cast %add3A_1940 : i32 to index
          %swap3A_1943 = tpu.vector_load %arg8[%swap3A_1942] {strides = array<i32>} : memref<98304xf32, #tpu.memory_space<vmem>>, vector<16xf32>,
          %swap3A_1944 = vector.shape_cast %swap3A_1943 : vector<16xf32> to vector<16xf32>
          %swap3A_1945 = vector.shape_cast %select_n3A_1941 : vector<16xf32> to vector<16xf32>
          tpu.vector_store %arg8[%swap3A_1942], %swap3A_1945 {strides = array<i32>} : memref<98304xf32, #tpu.memory_space<vmem>>, vector<16xf32>,
          %scan3A_1946 = arith.constant 6 : i32
          %scan3A_1947 = arith.addi %scan3A_747, %scan3A_1946 : i32
          %mul3A_1948 = arith.constant 16 : i32
          %mul3A_1949 = arith.muli %scan3A_1947, %mul3A_1948 : i32
          %add3A_1950 = arith.addi %mul3A_504, %mul3A_1949 : i32
          %get3A_1951 = arith.index_cast %add3A_1950 : i32 to index
          %get3A_1952 = tpu.vector_load %arg5[%get3A_1951] {strides = array<i32>} : memref<2048xi32, #tpu.memory_space<vmem>>, vector<16xi32>,
          %get3A_1953 = vector.shape_cast %get3A_1952 : vector<16xi32> to vector<16xi32>
          %eq3A_1954 = vector.broadcast %select_n3A_532 : i32 to vector<16xi32>
          %eq3A_1955 = arith.cmpi eq, %get3A_1953, %eq3A_1954 : vector<16xi32>
          %jit3A_1956 = arith.constant 8 : i32
          %div3A_1957 = arith.divsi %scan3A_1947, %jit3A_1956 : i32
          %sign3A_1958 = arith.constant 0 : i32
          %sign3A_1959 = arith.cmpi sgt, %scan3A_1947, %sign3A_1958 : i32
          %sign3A_1960 = arith.extui %sign3A_1959 : i1 to i32
          %sign3A_1961 = arith.constant 0 : i32
          %sign3A_1962 = arith.cmpi slt, %scan3A_1947, %sign3A_1961 : i32
          %sign3A_1963 = arith.extui %sign3A_1962 : i1 to i32
          %sign3A_1964 = arith.subi %sign3A_1960, %sign3A_1963 : i32
          %sign3A_1965 = arith.constant 0 : i32
          %sign3A_1966 = arith.cmpi sgt, %jit3A_1956, %sign3A_1965 : i32
          %sign3A_1967 = arith.extui %sign3A_1966 : i1 to i32
          %sign3A_1968 = arith.constant 0 : i32
          %sign3A_1969 = arith.cmpi slt, %jit3A_1956, %sign3A_1968 : i32
          %sign3A_1970 = arith.extui %sign3A_1969 : i1 to i32
          %sign3A_1971 = arith.subi %sign3A_1967, %sign3A_1970 : i32
          %ne3A_1972 = arith.cmpi ne, %sign3A_1964, %sign3A_1971 : i32
          %rem3A_1973 = arith.remsi %scan3A_1947, %jit3A_1956 : i32
          %ne3A_1974 = arith.constant 0 : i32
          %ne3A_1975 = arith.cmpi ne, %rem3A_1973, %ne3A_1974 : i32
          %and3A_1976 = arith.andi %ne3A_1972, %ne3A_1975 : i1
          %sub3A_1977 = arith.constant 1 : i32
          %sub3A_1978 = arith.subi %div3A_1957, %sub3A_1977 : i32
          %select_n3A_1979 = arith.select %and3A_1976, %sub3A_1978, %div3A_1957 : i32
          %mul3A_1980 = arith.constant 1024 : i32
          %mul3A_1981 = arith.muli %select_n3A_1979, %mul3A_1980 : i32
          %add3A_1982 = arith.addi %mul3A_536, %mul3A_1981 : i32
          %jit3A_1983 = arith.constant 8 : i32
          %eq3A_1984 = arith.constant 0 : i32
          %eq3A_1985 = arith.cmpi eq, %jit3A_1983, %eq3A_1984 : i32
          %jit3A_1986 = arith.constant 1 : i32
          %select_n3A_1987 = arith.select %eq3A_1985, %jit3A_1986, %jit3A_1983 : i32
          %rem3A_1988 = arith.remsi %scan3A_1947, %select_n3A_1987 : i32
          %ne3A_1989 = arith.constant 0 : i32
          %ne3A_1990 = arith.cmpi ne, %rem3A_1988, %ne3A_1989 : i32
          %lt3A_1991 = arith.constant 0 : i32
          %lt3A_1992 = arith.cmpi slt, %rem3A_1988, %lt3A_1991 : i32
          %lt3A_1993 = arith.constant 0 : i32
          %lt3A_1994 = arith.cmpi slt, %select_n3A_1987, %lt3A_1993 : i32
          %ne3A_1995 = arith.xori %lt3A_1992, %lt3A_1994 : i1
          %and3A_1996 = arith.andi %ne3A_1995, %ne3A_1990 : i1
          %add3A_1997 = arith.addi %rem3A_1988, %select_n3A_1987 : i32
          %select_n3A_1998 = arith.select %and3A_1996, %add3A_1997, %rem3A_1988 : i32
          %mul3A_1999 = arith.constant 16 : i32
          %mul3A_2000 = arith.muli %select_n3A_1998, %mul3A_1999 : i32
          %add3A_2001 = arith.addi %add3A_1982, %mul3A_2000 : i32
          %add3A_2002 = arith.constant 0 : i32
          %add3A_2003 = arith.addi %add3A_2001, %add3A_2002 : i32
          %add3A_2004 = arith.constant 0 : i32
          %add3A_2005 = arith.addi %add3A_2003, %add3A_2004 : i32
          %select_n3A_2006 = arith.select %eq3A_1955, %get3A_587, %get3A_539 : vector<16xi1>, vector<16xf32>
          %swap3A_2007 = arith.index_cast %add3A_2005 : i32 to index
          %swap3A_2008 = tpu.vector_load %arg8[%swap3A_2007] {strides = array<i32>} : memref<98304xf32, #tpu.memory_space<vmem>>, vector<16xf32>,
          %swap3A_2009 = vector.shape_cast %swap3A_2008 : vector<16xf32> to vector<16xf32>
          %swap3A_2010 = vector.shape_cast %select_n3A_2006 : vector<16xf32> to vector<16xf32>
          tpu.vector_store %arg8[%swap3A_2007], %swap3A_2010 {strides = array<i32>} : memref<98304xf32, #tpu.memory_space<vmem>>, vector<16xf32>,
          %add3A_2011 = arith.constant 0 : i32
          %add3A_2012 = arith.addi %add3A_2001, %add3A_2011 : i32
          %add3A_2013 = arith.constant 128 : i32
          %add3A_2014 = arith.addi %add3A_2012, %add3A_2013 : i32
          %select_n3A_2015 = arith.select %eq3A_1955, %get3A_590, %get3A_542 : vector<16xi1>, vector<16xf32>
          %swap3A_2016 = arith.index_cast %add3A_2014 : i32 to index
          %swap3A_2017 = tpu.vector_load %arg8[%swap3A_2016] {strides = array<i32>} : memref<98304xf32, #tpu.memory_space<vmem>>, vector<16xf32>,
          %swap3A_2018 = vector.shape_cast %swap3A_2017 : vector<16xf32> to vector<16xf32>
          %swap3A_2019 = vector.shape_cast %select_n3A_2015 : vector<16xf32> to vector<16xf32>
          tpu.vector_store %arg8[%swap3A_2016], %swap3A_2019 {strides = array<i32>} : memref<98304xf32, #tpu.memory_space<vmem>>, vector<16xf32>,
          %add3A_2020 = arith.constant 0 : i32
          %add3A_2021 = arith.addi %add3A_2001, %add3A_2020 : i32
          %add3A_2022 = arith.constant 256 : i32
          %add3A_2023 = arith.addi %add3A_2021, %add3A_2022 : i32
          %select_n3A_2024 = arith.select %eq3A_1955, %get3A_593, %get3A_545 : vector<16xi1>, vector<16xf32>
          %swap3A_2025 = arith.index_cast %add3A_2023 : i32 to index
          %swap3A_2026 = tpu.vector_load %arg8[%swap3A_2025] {strides = array<i32>} : memref<98304xf32, #tpu.memory_space<vmem>>, vector<16xf32>,
          %swap3A_2027 = vector.shape_cast %swap3A_2026 : vector<16xf32> to vector<16xf32>
          %swap3A_2028 = vector.shape_cast %select_n3A_2024 : vector<16xf32> to vector<16xf32>
          tpu.vector_store %arg8[%swap3A_2025], %swap3A_2028 {strides = array<i32>} : memref<98304xf32, #tpu.memory_space<vmem>>, vector<16xf32>,
          %add3A_2029 = arith.constant 0 : i32
          %add3A_2030 = arith.addi %add3A_2001, %add3A_2029 : i32
          %add3A_2031 = arith.constant 384 : i32
          %add3A_2032 = arith.addi %add3A_2030, %add3A_2031 : i32
          %select_n3A_2033 = arith.select %eq3A_1955, %get3A_596, %get3A_548 : vector<16xi1>, vector<16xf32>
          %swap3A_2034 = arith.index_cast %add3A_2032 : i32 to index
          %swap3A_2035 = tpu.vector_load %arg8[%swap3A_2034] {strides = array<i32>} : memref<98304xf32, #tpu.memory_space<vmem>>, vector<16xf32>,
          %swap3A_2036 = vector.shape_cast %swap3A_2035 : vector<16xf32> to vector<16xf32>
          %swap3A_2037 = vector.shape_cast %select_n3A_2033 : vector<16xf32> to vector<16xf32>
          tpu.vector_store %arg8[%swap3A_2034], %swap3A_2037 {strides = array<i32>} : memref<98304xf32, #tpu.memory_space<vmem>>, vector<16xf32>,
          %add3A_2038 = arith.constant 0 : i32
          %add3A_2039 = arith.addi %add3A_2001, %add3A_2038 : i32
          %add3A_2040 = arith.constant 512 : i32
          %add3A_2041 = arith.addi %add3A_2039, %add3A_2040 : i32
          %select_n3A_2042 = arith.select %eq3A_1955, %get3A_599, %get3A_551 : vector<16xi1>, vector<16xf32>
          %swap3A_2043 = arith.index_cast %add3A_2041 : i32 to index
          %swap3A_2044 = tpu.vector_load %arg8[%swap3A_2043] {strides = array<i32>} : memref<98304xf32, #tpu.memory_space<vmem>>, vector<16xf32>,
          %swap3A_2045 = vector.shape_cast %swap3A_2044 : vector<16xf32> to vector<16xf32>
          %swap3A_2046 = vector.shape_cast %select_n3A_2042 : vector<16xf32> to vector<16xf32>
          tpu.vector_store %arg8[%swap3A_2043], %swap3A_2046 {strides = array<i32>} : memref<98304xf32, #tpu.memory_space<vmem>>, vector<16xf32>,
          %add3A_2047 = arith.constant 0 : i32
          %add3A_2048 = arith.addi %add3A_2001, %add3A_2047 : i32
          %add3A_2049 = arith.constant 640 : i32
          %add3A_2050 = arith.addi %add3A_2048, %add3A_2049 : i32
          %select_n3A_2051 = arith.select %eq3A_1955, %get3A_602, %get3A_554 : vector<16xi1>, vector<16xf32>
          %swap3A_2052 = arith.index_cast %add3A_2050 : i32 to index
          %swap3A_2053 = tpu.vector_load %arg8[%swap3A_2052] {strides = array<i32>} : memref<98304xf32, #tpu.memory_space<vmem>>, vector<16xf32>,
          %swap3A_2054 = vector.shape_cast %swap3A_2053 : vector<16xf32> to vector<16xf32>
          %swap3A_2055 = vector.shape_cast %select_n3A_2051 : vector<16xf32> to vector<16xf32>
          tpu.vector_store %arg8[%swap3A_2052], %swap3A_2055 {strides = array<i32>} : memref<98304xf32, #tpu.memory_space<vmem>>, vector<16xf32>,
          %add3A_2056 = arith.constant 0 : i32
          %add3A_2057 = arith.addi %add3A_2001, %add3A_2056 : i32
          %add3A_2058 = arith.constant 768 : i32
          %add3A_2059 = arith.addi %add3A_2057, %add3A_2058 : i32
          %select_n3A_2060 = arith.select %eq3A_1955, %get3A_605, %get3A_557 : vector<16xi1>, vector<16xf32>
          %swap3A_2061 = arith.index_cast %add3A_2059 : i32 to index
          %swap3A_2062 = tpu.vector_load %arg8[%swap3A_2061] {strides = array<i32>} : memref<98304xf32, #tpu.memory_space<vmem>>, vector<16xf32>,
          %swap3A_2063 = vector.shape_cast %swap3A_2062 : vector<16xf32> to vector<16xf32>
          %swap3A_2064 = vector.shape_cast %select_n3A_2060 : vector<16xf32> to vector<16xf32>
          tpu.vector_store %arg8[%swap3A_2061], %swap3A_2064 {strides = array<i32>} : memref<98304xf32, #tpu.memory_space<vmem>>, vector<16xf32>,
          %add3A_2065 = arith.constant 0 : i32
          %add3A_2066 = arith.addi %add3A_2001, %add3A_2065 : i32
          %add3A_2067 = arith.constant 896 : i32
          %add3A_2068 = arith.addi %add3A_2066, %add3A_2067 : i32
          %select_n3A_2069 = arith.select %eq3A_1955, %get3A_608, %get3A_560 : vector<16xi1>, vector<16xf32>
          %swap3A_2070 = arith.index_cast %add3A_2068 : i32 to index
          %swap3A_2071 = tpu.vector_load %arg8[%swap3A_2070] {strides = array<i32>} : memref<98304xf32, #tpu.memory_space<vmem>>, vector<16xf32>,
          %swap3A_2072 = vector.shape_cast %swap3A_2071 : vector<16xf32> to vector<16xf32>
          %swap3A_2073 = vector.shape_cast %select_n3A_2069 : vector<16xf32> to vector<16xf32>
          tpu.vector_store %arg8[%swap3A_2070], %swap3A_2073 {strides = array<i32>} : memref<98304xf32, #tpu.memory_space<vmem>>, vector<16xf32>,
          %add3A_2074 = arith.constant 8192 : i32
          %add3A_2075 = arith.addi %add3A_2001, %add3A_2074 : i32
          %add3A_2076 = arith.constant 0 : i32
          %add3A_2077 = arith.addi %add3A_2075, %add3A_2076 : i32
          %select_n3A_2078 = arith.select %eq3A_1955, %get3A_611, %get3A_563 : vector<16xi1>, vector<16xf32>
          %swap3A_2079 = arith.index_cast %add3A_2077 : i32 to index
          %swap3A_2080 = tpu.vector_load %arg8[%swap3A_2079] {strides = array<i32>} : memref<98304xf32, #tpu.memory_space<vmem>>, vector<16xf32>,
          %swap3A_2081 = vector.shape_cast %swap3A_2080 : vector<16xf32> to vector<16xf32>
          %swap3A_2082 = vector.shape_cast %select_n3A_2078 : vector<16xf32> to vector<16xf32>
          tpu.vector_store %arg8[%swap3A_2079], %swap3A_2082 {strides = array<i32>} : memref<98304xf32, #tpu.memory_space<vmem>>, vector<16xf32>,
          %add3A_2083 = arith.constant 8192 : i32
          %add3A_2084 = arith.addi %add3A_2001, %add3A_2083 : i32
          %add3A_2085 = arith.constant 128 : i32
          %add3A_2086 = arith.addi %add3A_2084, %add3A_2085 : i32
          %select_n3A_2087 = arith.select %eq3A_1955, %get3A_614, %get3A_566 : vector<16xi1>, vector<16xf32>
          %swap3A_2088 = arith.index_cast %add3A_2086 : i32 to index
          %swap3A_2089 = tpu.vector_load %arg8[%swap3A_2088] {strides = array<i32>} : memref<98304xf32, #tpu.memory_space<vmem>>, vector<16xf32>,
          %swap3A_2090 = vector.shape_cast %swap3A_2089 : vector<16xf32> to vector<16xf32>
          %swap3A_2091 = vector.shape_cast %select_n3A_2087 : vector<16xf32> to vector<16xf32>
          tpu.vector_store %arg8[%swap3A_2088], %swap3A_2091 {strides = array<i32>} : memref<98304xf32, #tpu.memory_space<vmem>>, vector<16xf32>,
          %add3A_2092 = arith.constant 8192 : i32
          %add3A_2093 = arith.addi %add3A_2001, %add3A_2092 : i32
          %add3A_2094 = arith.constant 256 : i32
          %add3A_2095 = arith.addi %add3A_2093, %add3A_2094 : i32
          %select_n3A_2096 = arith.select %eq3A_1955, %get3A_617, %get3A_569 : vector<16xi1>, vector<16xf32>
          %swap3A_2097 = arith.index_cast %add3A_2095 : i32 to index
          %swap3A_2098 = tpu.vector_load %arg8[%swap3A_2097] {strides = array<i32>} : memref<98304xf32, #tpu.memory_space<vmem>>, vector<16xf32>,
          %swap3A_2099 = vector.shape_cast %swap3A_2098 : vector<16xf32> to vector<16xf32>
          %swap3A_2100 = vector.shape_cast %select_n3A_2096 : vector<16xf32> to vector<16xf32>
          tpu.vector_store %arg8[%swap3A_2097], %swap3A_2100 {strides = array<i32>} : memref<98304xf32, #tpu.memory_space<vmem>>, vector<16xf32>,
          %add3A_2101 = arith.constant 8192 : i32
          %add3A_2102 = arith.addi %add3A_2001, %add3A_2101 : i32
          %add3A_2103 = arith.constant 384 : i32
          %add3A_2104 = arith.addi %add3A_2102, %add3A_2103 : i32
          %select_n3A_2105 = arith.select %eq3A_1955, %get3A_620, %get3A_572 : vector<16xi1>, vector<16xf32>
          %swap3A_2106 = arith.index_cast %add3A_2104 : i32 to index
          %swap3A_2107 = tpu.vector_load %arg8[%swap3A_2106] {strides = array<i32>} : memref<98304xf32, #tpu.memory_space<vmem>>, vector<16xf32>,
          %swap3A_2108 = vector.shape_cast %swap3A_2107 : vector<16xf32> to vector<16xf32>
          %swap3A_2109 = vector.shape_cast %select_n3A_2105 : vector<16xf32> to vector<16xf32>
          tpu.vector_store %arg8[%swap3A_2106], %swap3A_2109 {strides = array<i32>} : memref<98304xf32, #tpu.memory_space<vmem>>, vector<16xf32>,
          %add3A_2110 = arith.constant 8192 : i32
          %add3A_2111 = arith.addi %add3A_2001, %add3A_2110 : i32
          %add3A_2112 = arith.constant 512 : i32
          %add3A_2113 = arith.addi %add3A_2111, %add3A_2112 : i32
          %select_n3A_2114 = arith.select %eq3A_1955, %get3A_623, %get3A_575 : vector<16xi1>, vector<16xf32>
          %swap3A_2115 = arith.index_cast %add3A_2113 : i32 to index
          %swap3A_2116 = tpu.vector_load %arg8[%swap3A_2115] {strides = array<i32>} : memref<98304xf32, #tpu.memory_space<vmem>>, vector<16xf32>,
          %swap3A_2117 = vector.shape_cast %swap3A_2116 : vector<16xf32> to vector<16xf32>
          %swap3A_2118 = vector.shape_cast %select_n3A_2114 : vector<16xf32> to vector<16xf32>
          tpu.vector_store %arg8[%swap3A_2115], %swap3A_2118 {strides = array<i32>} : memref<98304xf32, #tpu.memory_space<vmem>>, vector<16xf32>,
          %add3A_2119 = arith.constant 8192 : i32
          %add3A_2120 = arith.addi %add3A_2001, %add3A_2119 : i32
          %add3A_2121 = arith.constant 640 : i32
          %add3A_2122 = arith.addi %add3A_2120, %add3A_2121 : i32
          %select_n3A_2123 = arith.select %eq3A_1955, %get3A_626, %get3A_578 : vector<16xi1>, vector<16xf32>
          %swap3A_2124 = arith.index_cast %add3A_2122 : i32 to index
          %swap3A_2125 = tpu.vector_load %arg8[%swap3A_2124] {strides = array<i32>} : memref<98304xf32, #tpu.memory_space<vmem>>, vector<16xf32>,
          %swap3A_2126 = vector.shape_cast %swap3A_2125 : vector<16xf32> to vector<16xf32>
          %swap3A_2127 = vector.shape_cast %select_n3A_2123 : vector<16xf32> to vector<16xf32>
          tpu.vector_store %arg8[%swap3A_2124], %swap3A_2127 {strides = array<i32>} : memref<98304xf32, #tpu.memory_space<vmem>>, vector<16xf32>,
          %add3A_2128 = arith.constant 8192 : i32
          %add3A_2129 = arith.addi %add3A_2001, %add3A_2128 : i32
          %add3A_2130 = arith.constant 768 : i32
          %add3A_2131 = arith.addi %add3A_2129, %add3A_2130 : i32
          %select_n3A_2132 = arith.select %eq3A_1955, %get3A_629, %get3A_581 : vector<16xi1>, vector<16xf32>
          %swap3A_2133 = arith.index_cast %add3A_2131 : i32 to index
          %swap3A_2134 = tpu.vector_load %arg8[%swap3A_2133] {strides = array<i32>} : memref<98304xf32, #tpu.memory_space<vmem>>, vector<16xf32>,
          %swap3A_2135 = vector.shape_cast %swap3A_2134 : vector<16xf32> to vector<16xf32>
          %swap3A_2136 = vector.shape_cast %select_n3A_2132 : vector<16xf32> to vector<16xf32>
          tpu.vector_store %arg8[%swap3A_2133], %swap3A_2136 {strides = array<i32>} : memref<98304xf32, #tpu.memory_space<vmem>>, vector<16xf32>,
          %add3A_2137 = arith.constant 8192 : i32
          %add3A_2138 = arith.addi %add3A_2001, %add3A_2137 : i32
          %add3A_2139 = arith.constant 896 : i32
          %add3A_2140 = arith.addi %add3A_2138, %add3A_2139 : i32
          %select_n3A_2141 = arith.select %eq3A_1955, %get3A_632, %get3A_584 : vector<16xi1>, vector<16xf32>
          %swap3A_2142 = arith.index_cast %add3A_2140 : i32 to index
          %swap3A_2143 = tpu.vector_load %arg8[%swap3A_2142] {strides = array<i32>} : memref<98304xf32, #tpu.memory_space<vmem>>, vector<16xf32>,
          %swap3A_2144 = vector.shape_cast %swap3A_2143 : vector<16xf32> to vector<16xf32>
          %swap3A_2145 = vector.shape_cast %select_n3A_2141 : vector<16xf32> to vector<16xf32>
          tpu.vector_store %arg8[%swap3A_2142], %swap3A_2145 {strides = array<i32>} : memref<98304xf32, #tpu.memory_space<vmem>>, vector<16xf32>,
          %scan3A_2146 = arith.constant 7 : i32
          %scan3A_2147 = arith.addi %scan3A_747, %scan3A_2146 : i32
          %mul3A_2148 = arith.constant 16 : i32
          %mul3A_2149 = arith.muli %scan3A_2147, %mul3A_2148 : i32
          %add3A_2150 = arith.addi %mul3A_504, %mul3A_2149 : i32
          %get3A_2151 = arith.index_cast %add3A_2150 : i32 to index
          %get3A_2152 = tpu.vector_load %arg5[%get3A_2151] {strides = array<i32>} : memref<2048xi32, #tpu.memory_space<vmem>>, vector<16xi32>,
          %get3A_2153 = vector.shape_cast %get3A_2152 : vector<16xi32> to vector<16xi32>
          %eq3A_2154 = vector.broadcast %select_n3A_532 : i32 to vector<16xi32>
          %eq3A_2155 = arith.cmpi eq, %get3A_2153, %eq3A_2154 : vector<16xi32>
          %jit3A_2156 = arith.constant 8 : i32
          %div3A_2157 = arith.divsi %scan3A_2147, %jit3A_2156 : i32
          %sign3A_2158 = arith.constant 0 : i32
          %sign3A_2159 = arith.cmpi sgt, %scan3A_2147, %sign3A_2158 : i32
          %sign3A_2160 = arith.extui %sign3A_2159 : i1 to i32
          %sign3A_2161 = arith.constant 0 : i32
          %sign3A_2162 = arith.cmpi slt, %scan3A_2147, %sign3A_2161 : i32
          %sign3A_2163 = arith.extui %sign3A_2162 : i1 to i32
          %sign3A_2164 = arith.subi %sign3A_2160, %sign3A_2163 : i32
          %sign3A_2165 = arith.constant 0 : i32
          %sign3A_2166 = arith.cmpi sgt, %jit3A_2156, %sign3A_2165 : i32
          %sign3A_2167 = arith.extui %sign3A_2166 : i1 to i32
          %sign3A_2168 = arith.constant 0 : i32
          %sign3A_2169 = arith.cmpi slt, %jit3A_2156, %sign3A_2168 : i32
          %sign3A_2170 = arith.extui %sign3A_2169 : i1 to i32
          %sign3A_2171 = arith.subi %sign3A_2167, %sign3A_2170 : i32
          %ne3A_2172 = arith.cmpi ne, %sign3A_2164, %sign3A_2171 : i32
          %rem3A_2173 = arith.remsi %scan3A_2147, %jit3A_2156 : i32
          %ne3A_2174 = arith.constant 0 : i32
          %ne3A_2175 = arith.cmpi ne, %rem3A_2173, %ne3A_2174 : i32
          %and3A_2176 = arith.andi %ne3A_2172, %ne3A_2175 : i1
          %sub3A_2177 = arith.constant 1 : i32
          %sub3A_2178 = arith.subi %div3A_2157, %sub3A_2177 : i32
          %select_n3A_2179 = arith.select %and3A_2176, %sub3A_2178, %div3A_2157 : i32
          %mul3A_2180 = arith.constant 1024 : i32
          %mul3A_2181 = arith.muli %select_n3A_2179, %mul3A_2180 : i32
          %add3A_2182 = arith.addi %mul3A_536, %mul3A_2181 : i32
          %jit3A_2183 = arith.constant 8 : i32
          %eq3A_2184 = arith.constant 0 : i32
          %eq3A_2185 = arith.cmpi eq, %jit3A_2183, %eq3A_2184 : i32
          %jit3A_2186 = arith.constant 1 : i32
          %select_n3A_2187 = arith.select %eq3A_2185, %jit3A_2186, %jit3A_2183 : i32
          %rem3A_2188 = arith.remsi %scan3A_2147, %select_n3A_2187 : i32
          %ne3A_2189 = arith.constant 0 : i32
          %ne3A_2190 = arith.cmpi ne, %rem3A_2188, %ne3A_2189 : i32
          %lt3A_2191 = arith.constant 0 : i32
          %lt3A_2192 = arith.cmpi slt, %rem3A_2188, %lt3A_2191 : i32
          %lt3A_2193 = arith.constant 0 : i32
          %lt3A_2194 = arith.cmpi slt, %select_n3A_2187, %lt3A_2193 : i32
          %ne3A_2195 = arith.xori %lt3A_2192, %lt3A_2194 : i1
          %and3A_2196 = arith.andi %ne3A_2195, %ne3A_2190 : i1
          %add3A_2197 = arith.addi %rem3A_2188, %select_n3A_2187 : i32
          %select_n3A_2198 = arith.select %and3A_2196, %add3A_2197, %rem3A_2188 : i32
          %mul3A_2199 = arith.constant 16 : i32
          %mul3A_2200 = arith.muli %select_n3A_2198, %mul3A_2199 : i32
          %add3A_2201 = arith.addi %add3A_2182, %mul3A_2200 : i32
          %add3A_2202 = arith.constant 0 : i32
          %add3A_2203 = arith.addi %add3A_2201, %add3A_2202 : i32
          %add3A_2204 = arith.constant 0 : i32
          %add3A_2205 = arith.addi %add3A_2203, %add3A_2204 : i32
          %select_n3A_2206 = arith.select %eq3A_2155, %get3A_587, %get3A_539 : vector<16xi1>, vector<16xf32>
          %swap3A_2207 = arith.index_cast %add3A_2205 : i32 to index
          %swap3A_2208 = tpu.vector_load %arg8[%swap3A_2207] {strides = array<i32>} : memref<98304xf32, #tpu.memory_space<vmem>>, vector<16xf32>,
          %swap3A_2209 = vector.shape_cast %swap3A_2208 : vector<16xf32> to vector<16xf32>
          %swap3A_2210 = vector.shape_cast %select_n3A_2206 : vector<16xf32> to vector<16xf32>
          tpu.vector_store %arg8[%swap3A_2207], %swap3A_2210 {strides = array<i32>} : memref<98304xf32, #tpu.memory_space<vmem>>, vector<16xf32>,
          %add3A_2211 = arith.constant 0 : i32
          %add3A_2212 = arith.addi %add3A_2201, %add3A_2211 : i32
          %add3A_2213 = arith.constant 128 : i32
          %add3A_2214 = arith.addi %add3A_2212, %add3A_2213 : i32
          %select_n3A_2215 = arith.select %eq3A_2155, %get3A_590, %get3A_542 : vector<16xi1>, vector<16xf32>
          %swap3A_2216 = arith.index_cast %add3A_2214 : i32 to index
          %swap3A_2217 = tpu.vector_load %arg8[%swap3A_2216] {strides = array<i32>} : memref<98304xf32, #tpu.memory_space<vmem>>, vector<16xf32>,
          %swap3A_2218 = vector.shape_cast %swap3A_2217 : vector<16xf32> to vector<16xf32>
          %swap3A_2219 = vector.shape_cast %select_n3A_2215 : vector<16xf32> to vector<16xf32>
          tpu.vector_store %arg8[%swap3A_2216], %swap3A_2219 {strides = array<i32>} : memref<98304xf32, #tpu.memory_space<vmem>>, vector<16xf32>,
          %add3A_2220 = arith.constant 0 : i32
          %add3A_2221 = arith.addi %add3A_2201, %add3A_2220 : i32
          %add3A_2222 = arith.constant 256 : i32
          %add3A_2223 = arith.addi %add3A_2221, %add3A_2222 : i32
          %select_n3A_2224 = arith.select %eq3A_2155, %get3A_593, %get3A_545 : vector<16xi1>, vector<16xf32>
          %swap3A_2225 = arith.index_cast %add3A_2223 : i32 to index
          %swap3A_2226 = tpu.vector_load %arg8[%swap3A_2225] {strides = array<i32>} : memref<98304xf32, #tpu.memory_space<vmem>>, vector<16xf32>,
          %swap3A_2227 = vector.shape_cast %swap3A_2226 : vector<16xf32> to vector<16xf32>
          %swap3A_2228 = vector.shape_cast %select_n3A_2224 : vector<16xf32> to vector<16xf32>
          tpu.vector_store %arg8[%swap3A_2225], %swap3A_2228 {strides = array<i32>} : memref<98304xf32, #tpu.memory_space<vmem>>, vector<16xf32>,
          %add3A_2229 = arith.constant 0 : i32
          %add3A_2230 = arith.addi %add3A_2201, %add3A_2229 : i32
          %add3A_2231 = arith.constant 384 : i32
          %add3A_2232 = arith.addi %add3A_2230, %add3A_2231 : i32
          %select_n3A_2233 = arith.select %eq3A_2155, %get3A_596, %get3A_548 : vector<16xi1>, vector<16xf32>
          %swap3A_2234 = arith.index_cast %add3A_2232 : i32 to index
          %swap3A_2235 = tpu.vector_load %arg8[%swap3A_2234] {strides = array<i32>} : memref<98304xf32, #tpu.memory_space<vmem>>, vector<16xf32>,
          %swap3A_2236 = vector.shape_cast %swap3A_2235 : vector<16xf32> to vector<16xf32>
          %swap3A_2237 = vector.shape_cast %select_n3A_2233 : vector<16xf32> to vector<16xf32>
          tpu.vector_store %arg8[%swap3A_2234], %swap3A_2237 {strides = array<i32>} : memref<98304xf32, #tpu.memory_space<vmem>>, vector<16xf32>,
          %add3A_2238 = arith.constant 0 : i32
          %add3A_2239 = arith.addi %add3A_2201, %add3A_2238 : i32
          %add3A_2240 = arith.constant 512 : i32
          %add3A_2241 = arith.addi %add3A_2239, %add3A_2240 : i32
          %select_n3A_2242 = arith.select %eq3A_2155, %get3A_599, %get3A_551 : vector<16xi1>, vector<16xf32>
          %swap3A_2243 = arith.index_cast %add3A_2241 : i32 to index
          %swap3A_2244 = tpu.vector_load %arg8[%swap3A_2243] {strides = array<i32>} : memref<98304xf32, #tpu.memory_space<vmem>>, vector<16xf32>,
          %swap3A_2245 = vector.shape_cast %swap3A_2244 : vector<16xf32> to vector<16xf32>
          %swap3A_2246 = vector.shape_cast %select_n3A_2242 : vector<16xf32> to vector<16xf32>
          tpu.vector_store %arg8[%swap3A_2243], %swap3A_2246 {strides = array<i32>} : memref<98304xf32, #tpu.memory_space<vmem>>, vector<16xf32>,
          %add3A_2247 = arith.constant 0 : i32
          %add3A_2248 = arith.addi %add3A_2201, %add3A_2247 : i32
          %add3A_2249 = arith.constant 640 : i32
          %add3A_2250 = arith.addi %add3A_2248, %add3A_2249 : i32
          %select_n3A_2251 = arith.select %eq3A_2155, %get3A_602, %get3A_554 : vector<16xi1>, vector<16xf32>
          %swap3A_2252 = arith.index_cast %add3A_2250 : i32 to index
          %swap3A_2253 = tpu.vector_load %arg8[%swap3A_2252] {strides = array<i32>} : memref<98304xf32, #tpu.memory_space<vmem>>, vector<16xf32>,
          %swap3A_2254 = vector.shape_cast %swap3A_2253 : vector<16xf32> to vector<16xf32>
          %swap3A_2255 = vector.shape_cast %select_n3A_2251 : vector<16xf32> to vector<16xf32>
          tpu.vector_store %arg8[%swap3A_2252], %swap3A_2255 {strides = array<i32>} : memref<98304xf32, #tpu.memory_space<vmem>>, vector<16xf32>,
          %add3A_2256 = arith.constant 0 : i32
          %add3A_2257 = arith.addi %add3A_2201, %add3A_2256 : i32
          %add3A_2258 = arith.constant 768 : i32
          %add3A_2259 = arith.addi %add3A_2257, %add3A_2258 : i32
          %select_n3A_2260 = arith.select %eq3A_2155, %get3A_605, %get3A_557 : vector<16xi1>, vector<16xf32>
          %swap3A_2261 = arith.index_cast %add3A_2259 : i32 to index
          %swap3A_2262 = tpu.vector_load %arg8[%swap3A_2261] {strides = array<i32>} : memref<98304xf32, #tpu.memory_space<vmem>>, vector<16xf32>,
          %swap3A_2263 = vector.shape_cast %swap3A_2262 : vector<16xf32> to vector<16xf32>
          %swap3A_2264 = vector.shape_cast %select_n3A_2260 : vector<16xf32> to vector<16xf32>
          tpu.vector_store %arg8[%swap3A_2261], %swap3A_2264 {strides = array<i32>} : memref<98304xf32, #tpu.memory_space<vmem>>, vector<16xf32>,
          %add3A_2265 = arith.constant 0 : i32
          %add3A_2266 = arith.addi %add3A_2201, %add3A_2265 : i32
          %add3A_2267 = arith.constant 896 : i32
          %add3A_2268 = arith.addi %add3A_2266, %add3A_2267 : i32
          %select_n3A_2269 = arith.select %eq3A_2155, %get3A_608, %get3A_560 : vector<16xi1>, vector<16xf32>
          %swap3A_2270 = arith.index_cast %add3A_2268 : i32 to index
          %swap3A_2271 = tpu.vector_load %arg8[%swap3A_2270] {strides = array<i32>} : memref<98304xf32, #tpu.memory_space<vmem>>, vector<16xf32>,
          %swap3A_2272 = vector.shape_cast %swap3A_2271 : vector<16xf32> to vector<16xf32>
          %swap3A_2273 = vector.shape_cast %select_n3A_2269 : vector<16xf32> to vector<16xf32>
          tpu.vector_store %arg8[%swap3A_2270], %swap3A_2273 {strides = array<i32>} : memref<98304xf32, #tpu.memory_space<vmem>>, vector<16xf32>,
          %add3A_2274 = arith.constant 8192 : i32
          %add3A_2275 = arith.addi %add3A_2201, %add3A_2274 : i32
          %add3A_2276 = arith.constant 0 : i32
          %add3A_2277 = arith.addi %add3A_2275, %add3A_2276 : i32
          %select_n3A_2278 = arith.select %eq3A_2155, %get3A_611, %get3A_563 : vector<16xi1>, vector<16xf32>
          %swap3A_2279 = arith.index_cast %add3A_2277 : i32 to index
          %swap3A_2280 = tpu.vector_load %arg8[%swap3A_2279] {strides = array<i32>} : memref<98304xf32, #tpu.memory_space<vmem>>, vector<16xf32>,
          %swap3A_2281 = vector.shape_cast %swap3A_2280 : vector<16xf32> to vector<16xf32>
          %swap3A_2282 = vector.shape_cast %select_n3A_2278 : vector<16xf32> to vector<16xf32>
          tpu.vector_store %arg8[%swap3A_2279], %swap3A_2282 {strides = array<i32>} : memref<98304xf32, #tpu.memory_space<vmem>>, vector<16xf32>,
          %add3A_2283 = arith.constant 8192 : i32
          %add3A_2284 = arith.addi %add3A_2201, %add3A_2283 : i32
          %add3A_2285 = arith.constant 128 : i32
          %add3A_2286 = arith.addi %add3A_2284, %add3A_2285 : i32
          %select_n3A_2287 = arith.select %eq3A_2155, %get3A_614, %get3A_566 : vector<16xi1>, vector<16xf32>
          %swap3A_2288 = arith.index_cast %add3A_2286 : i32 to index
          %swap3A_2289 = tpu.vector_load %arg8[%swap3A_2288] {strides = array<i32>} : memref<98304xf32, #tpu.memory_space<vmem>>, vector<16xf32>,
          %swap3A_2290 = vector.shape_cast %swap3A_2289 : vector<16xf32> to vector<16xf32>
          %swap3A_2291 = vector.shape_cast %select_n3A_2287 : vector<16xf32> to vector<16xf32>
          tpu.vector_store %arg8[%swap3A_2288], %swap3A_2291 {strides = array<i32>} : memref<98304xf32, #tpu.memory_space<vmem>>, vector<16xf32>,
          %add3A_2292 = arith.constant 8192 : i32
          %add3A_2293 = arith.addi %add3A_2201, %add3A_2292 : i32
          %add3A_2294 = arith.constant 256 : i32
          %add3A_2295 = arith.addi %add3A_2293, %add3A_2294 : i32
          %select_n3A_2296 = arith.select %eq3A_2155, %get3A_617, %get3A_569 : vector<16xi1>, vector<16xf32>
          %swap3A_2297 = arith.index_cast %add3A_2295 : i32 to index
          %swap3A_2298 = tpu.vector_load %arg8[%swap3A_2297] {strides = array<i32>} : memref<98304xf32, #tpu.memory_space<vmem>>, vector<16xf32>,
          %swap3A_2299 = vector.shape_cast %swap3A_2298 : vector<16xf32> to vector<16xf32>
          %swap3A_2300 = vector.shape_cast %select_n3A_2296 : vector<16xf32> to vector<16xf32>
          tpu.vector_store %arg8[%swap3A_2297], %swap3A_2300 {strides = array<i32>} : memref<98304xf32, #tpu.memory_space<vmem>>, vector<16xf32>,
          %add3A_2301 = arith.constant 8192 : i32
          %add3A_2302 = arith.addi %add3A_2201, %add3A_2301 : i32
          %add3A_2303 = arith.constant 384 : i32
          %add3A_2304 = arith.addi %add3A_2302, %add3A_2303 : i32
          %select_n3A_2305 = arith.select %eq3A_2155, %get3A_620, %get3A_572 : vector<16xi1>, vector<16xf32>
          %swap3A_2306 = arith.index_cast %add3A_2304 : i32 to index
          %swap3A_2307 = tpu.vector_load %arg8[%swap3A_2306] {strides = array<i32>} : memref<98304xf32, #tpu.memory_space<vmem>>, vector<16xf32>,
          %swap3A_2308 = vector.shape_cast %swap3A_2307 : vector<16xf32> to vector<16xf32>
          %swap3A_2309 = vector.shape_cast %select_n3A_2305 : vector<16xf32> to vector<16xf32>
          tpu.vector_store %arg8[%swap3A_2306], %swap3A_2309 {strides = array<i32>} : memref<98304xf32, #tpu.memory_space<vmem>>, vector<16xf32>,
          %add3A_2310 = arith.constant 8192 : i32
          %add3A_2311 = arith.addi %add3A_2201, %add3A_2310 : i32
          %add3A_2312 = arith.constant 512 : i32
          %add3A_2313 = arith.addi %add3A_2311, %add3A_2312 : i32
          %select_n3A_2314 = arith.select %eq3A_2155, %get3A_623, %get3A_575 : vector<16xi1>, vector<16xf32>
          %swap3A_2315 = arith.index_cast %add3A_2313 : i32 to index
          %swap3A_2316 = tpu.vector_load %arg8[%swap3A_2315] {strides = array<i32>} : memref<98304xf32, #tpu.memory_space<vmem>>, vector<16xf32>,
          %swap3A_2317 = vector.shape_cast %swap3A_2316 : vector<16xf32> to vector<16xf32>
          %swap3A_2318 = vector.shape_cast %select_n3A_2314 : vector<16xf32> to vector<16xf32>
          tpu.vector_store %arg8[%swap3A_2315], %swap3A_2318 {strides = array<i32>} : memref<98304xf32, #tpu.memory_space<vmem>>, vector<16xf32>,
          %add3A_2319 = arith.constant 8192 : i32
          %add3A_2320 = arith.addi %add3A_2201, %add3A_2319 : i32
          %add3A_2321 = arith.constant 640 : i32
          %add3A_2322 = arith.addi %add3A_2320, %add3A_2321 : i32
          %select_n3A_2323 = arith.select %eq3A_2155, %get3A_626, %get3A_578 : vector<16xi1>, vector<16xf32>
          %swap3A_2324 = arith.index_cast %add3A_2322 : i32 to index
          %swap3A_2325 = tpu.vector_load %arg8[%swap3A_2324] {strides = array<i32>} : memref<98304xf32, #tpu.memory_space<vmem>>, vector<16xf32>,
          %swap3A_2326 = vector.shape_cast %swap3A_2325 : vector<16xf32> to vector<16xf32>
          %swap3A_2327 = vector.shape_cast %select_n3A_2323 : vector<16xf32> to vector<16xf32>
          tpu.vector_store %arg8[%swap3A_2324], %swap3A_2327 {strides = array<i32>} : memref<98304xf32, #tpu.memory_space<vmem>>, vector<16xf32>,
          %add3A_2328 = arith.constant 8192 : i32
          %add3A_2329 = arith.addi %add3A_2201, %add3A_2328 : i32
          %add3A_2330 = arith.constant 768 : i32
          %add3A_2331 = arith.addi %add3A_2329, %add3A_2330 : i32
          %select_n3A_2332 = arith.select %eq3A_2155, %get3A_629, %get3A_581 : vector<16xi1>, vector<16xf32>
          %swap3A_2333 = arith.index_cast %add3A_2331 : i32 to index
          %swap3A_2334 = tpu.vector_load %arg8[%swap3A_2333] {strides = array<i32>} : memref<98304xf32, #tpu.memory_space<vmem>>, vector<16xf32>,
          %swap3A_2335 = vector.shape_cast %swap3A_2334 : vector<16xf32> to vector<16xf32>
          %swap3A_2336 = vector.shape_cast %select_n3A_2332 : vector<16xf32> to vector<16xf32>
          tpu.vector_store %arg8[%swap3A_2333], %swap3A_2336 {strides = array<i32>} : memref<98304xf32, #tpu.memory_space<vmem>>, vector<16xf32>,
          %add3A_2337 = arith.constant 8192 : i32
          %add3A_2338 = arith.addi %add3A_2201, %add3A_2337 : i32
          %add3A_2339 = arith.constant 896 : i32
          %add3A_2340 = arith.addi %add3A_2338, %add3A_2339 : i32
          %select_n3A_2341 = arith.select %eq3A_2155, %get3A_632, %get3A_584 : vector<16xi1>, vector<16xf32>
          %swap3A_2342 = arith.index_cast %add3A_2340 : i32 to index
          %swap3A_2343 = tpu.vector_load %arg8[%swap3A_2342] {strides = array<i32>} : memref<98304xf32, #tpu.memory_space<vmem>>, vector<16xf32>,
          %swap3A_2344 = vector.shape_cast %swap3A_2343 : vector<16xf32> to vector<16xf32>
          %swap3A_2345 = vector.shape_cast %select_n3A_2341 : vector<16xf32> to vector<16xf32>
          tpu.vector_store %arg8[%swap3A_2342], %swap3A_2345 {strides = array<i32>} : memref<98304xf32, #tpu.memory_space<vmem>>, vector<16xf32>,
        }
        %scan3A_637 = arith.constant 64 : i32
        %get3A_638 = arith.constant 256 : index
        %get3A_639 = tpu.vector_load %arg7[%get3A_638] {strides = array<i32>} : memref<1024xf32, #tpu.memory_space<vmem>>, vector<16xf32>,
        %get3A_640 = vector.shape_cast %get3A_639 : vector<16xf32> to vector<16xf32>
        %get3A_641 = arith.constant 272 : index
        %get3A_642 = tpu.vector_load %arg7[%get3A_641] {strides = array<i32>} : memref<1024xf32, #tpu.memory_space<vmem>>, vector<16xf32>,
        %get3A_643 = vector.shape_cast %get3A_642 : vector<16xf32> to vector<16xf32>
        %get3A_644 = arith.constant 288 : index
        %get3A_645 = tpu.vector_load %arg7[%get3A_644] {strides = array<i32>} : memref<1024xf32, #tpu.memory_space<vmem>>, vector<16xf32>,
        %get3A_646 = vector.shape_cast %get3A_645 : vector<16xf32> to vector<16xf32>
        %get3A_647 = arith.constant 304 : index
        %get3A_648 = tpu.vector_load %arg7[%get3A_647] {strides = array<i32>} : memref<1024xf32, #tpu.memory_space<vmem>>, vector<16xf32>,
        %get3A_649 = vector.shape_cast %get3A_648 : vector<16xf32> to vector<16xf32>
        %get3A_650 = arith.constant 320 : index
        %get3A_651 = tpu.vector_load %arg7[%get3A_650] {strides = array<i32>} : memref<1024xf32, #tpu.memory_space<vmem>>, vector<16xf32>,
        %get3A_652 = vector.shape_cast %get3A_651 : vector<16xf32> to vector<16xf32>
        %get3A_653 = arith.constant 336 : index
        %get3A_654 = tpu.vector_load %arg7[%get3A_653] {strides = array<i32>} : memref<1024xf32, #tpu.memory_space<vmem>>, vector<16xf32>,
        %get3A_655 = vector.shape_cast %get3A_654 : vector<16xf32> to vector<16xf32>
        %get3A_656 = arith.constant 352 : index
        %get3A_657 = tpu.vector_load %arg7[%get3A_656] {strides = array<i32>} : memref<1024xf32, #tpu.memory_space<vmem>>, vector<16xf32>,
        %get3A_658 = vector.shape_cast %get3A_657 : vector<16xf32> to vector<16xf32>
        %get3A_659 = arith.constant 368 : index
        %get3A_660 = tpu.vector_load %arg7[%get3A_659] {strides = array<i32>} : memref<1024xf32, #tpu.memory_space<vmem>>, vector<16xf32>,
        %get3A_661 = vector.shape_cast %get3A_660 : vector<16xf32> to vector<16xf32>
        %get3A_662 = arith.constant 384 : index
        %get3A_663 = tpu.vector_load %arg7[%get3A_662] {strides = array<i32>} : memref<1024xf32, #tpu.memory_space<vmem>>, vector<16xf32>,
        %get3A_664 = vector.shape_cast %get3A_663 : vector<16xf32> to vector<16xf32>
        %get3A_665 = arith.constant 400 : index
        %get3A_666 = tpu.vector_load %arg7[%get3A_665] {strides = array<i32>} : memref<1024xf32, #tpu.memory_space<vmem>>, vector<16xf32>,
        %get3A_667 = vector.shape_cast %get3A_666 : vector<16xf32> to vector<16xf32>
        %get3A_668 = arith.constant 416 : index
        %get3A_669 = tpu.vector_load %arg7[%get3A_668] {strides = array<i32>} : memref<1024xf32, #tpu.memory_space<vmem>>, vector<16xf32>,
        %get3A_670 = vector.shape_cast %get3A_669 : vector<16xf32> to vector<16xf32>
        %get3A_671 = arith.constant 432 : index
        %get3A_672 = tpu.vector_load %arg7[%get3A_671] {strides = array<i32>} : memref<1024xf32, #tpu.memory_space<vmem>>, vector<16xf32>,
        %get3A_673 = vector.shape_cast %get3A_672 : vector<16xf32> to vector<16xf32>
        %get3A_674 = arith.constant 448 : index
        %get3A_675 = tpu.vector_load %arg7[%get3A_674] {strides = array<i32>} : memref<1024xf32, #tpu.memory_space<vmem>>, vector<16xf32>,
        %get3A_676 = vector.shape_cast %get3A_675 : vector<16xf32> to vector<16xf32>
        %get3A_677 = arith.constant 464 : index
        %get3A_678 = tpu.vector_load %arg7[%get3A_677] {strides = array<i32>} : memref<1024xf32, #tpu.memory_space<vmem>>, vector<16xf32>,
        %get3A_679 = vector.shape_cast %get3A_678 : vector<16xf32> to vector<16xf32>
        %get3A_680 = arith.constant 480 : index
        %get3A_681 = tpu.vector_load %arg7[%get3A_680] {strides = array<i32>} : memref<1024xf32, #tpu.memory_space<vmem>>, vector<16xf32>,
        %get3A_682 = vector.shape_cast %get3A_681 : vector<16xf32> to vector<16xf32>
        %get3A_683 = arith.constant 496 : index
        %get3A_684 = tpu.vector_load %arg7[%get3A_683] {strides = array<i32>} : memref<1024xf32, #tpu.memory_space<vmem>>, vector<16xf32>,
        %get3A_685 = vector.shape_cast %get3A_684 : vector<16xf32> to vector<16xf32>
        %get3A_686 = arith.constant 768 : index
        %get3A_687 = tpu.vector_load %arg7[%get3A_686] {strides = array<i32>} : memref<1024xf32, #tpu.memory_space<vmem>>, vector<16xf32>,
        %get3A_688 = vector.shape_cast %get3A_687 : vector<16xf32> to vector<16xf32>
        %get3A_689 = arith.constant 784 : index
        %get3A_690 = tpu.vector_load %arg7[%get3A_689] {strides = array<i32>} : memref<1024xf32, #tpu.memory_space<vmem>>, vector<16xf32>,
        %get3A_691 = vector.shape_cast %get3A_690 : vector<16xf32> to vector<16xf32>
        %get3A_692 = arith.constant 800 : index
        %get3A_693 = tpu.vector_load %arg7[%get3A_692] {strides = array<i32>} : memref<1024xf32, #tpu.memory_space<vmem>>, vector<16xf32>,
        %get3A_694 = vector.shape_cast %get3A_693 : vector<16xf32> to vector<16xf32>
        %get3A_695 = arith.constant 816 : index
        %get3A_696 = tpu.vector_load %arg7[%get3A_695] {strides = array<i32>} : memref<1024xf32, #tpu.memory_space<vmem>>, vector<16xf32>,
        %get3A_697 = vector.shape_cast %get3A_696 : vector<16xf32> to vector<16xf32>
        %get3A_698 = arith.constant 832 : index
        %get3A_699 = tpu.vector_load %arg7[%get3A_698] {strides = array<i32>} : memref<1024xf32, #tpu.memory_space<vmem>>, vector<16xf32>,
        %get3A_700 = vector.shape_cast %get3A_699 : vector<16xf32> to vector<16xf32>
        %get3A_701 = arith.constant 848 : index
        %get3A_702 = tpu.vector_load %arg7[%get3A_701] {strides = array<i32>} : memref<1024xf32, #tpu.memory_space<vmem>>, vector<16xf32>,
        %get3A_703 = vector.shape_cast %get3A_702 : vector<16xf32> to vector<16xf32>
        %get3A_704 = arith.constant 864 : index
        %get3A_705 = tpu.vector_load %arg7[%get3A_704] {strides = array<i32>} : memref<1024xf32, #tpu.memory_space<vmem>>, vector<16xf32>,
        %get3A_706 = vector.shape_cast %get3A_705 : vector<16xf32> to vector<16xf32>
        %get3A_707 = arith.constant 880 : index
        %get3A_708 = tpu.vector_load %arg7[%get3A_707] {strides = array<i32>} : memref<1024xf32, #tpu.memory_space<vmem>>, vector<16xf32>,
        %get3A_709 = vector.shape_cast %get3A_708 : vector<16xf32> to vector<16xf32>
        %get3A_710 = arith.constant 896 : index
        %get3A_711 = tpu.vector_load %arg7[%get3A_710] {strides = array<i32>} : memref<1024xf32, #tpu.memory_space<vmem>>, vector<16xf32>,
        %get3A_712 = vector.shape_cast %get3A_711 : vector<16xf32> to vector<16xf32>
        %get3A_713 = arith.constant 912 : index
        %get3A_714 = tpu.vector_load %arg7[%get3A_713] {strides = array<i32>} : memref<1024xf32, #tpu.memory_space<vmem>>, vector<16xf32>,
        %get3A_715 = vector.shape_cast %get3A_714 : vector<16xf32> to vector<16xf32>
        %get3A_716 = arith.constant 928 : index
        %get3A_717 = tpu.vector_load %arg7[%get3A_716] {strides = array<i32>} : memref<1024xf32, #tpu.memory_space<vmem>>, vector<16xf32>,
        %get3A_718 = vector.shape_cast %get3A_717 : vector<16xf32> to vector<16xf32>
        %get3A_719 = arith.constant 944 : index
        %get3A_720 = tpu.vector_load %arg7[%get3A_719] {strides = array<i32>} : memref<1024xf32, #tpu.memory_space<vmem>>, vector<16xf32>,
        %get3A_721 = vector.shape_cast %get3A_720 : vector<16xf32> to vector<16xf32>
        %get3A_722 = arith.constant 960 : index
        %get3A_723 = tpu.vector_load %arg7[%get3A_722] {strides = array<i32>} : memref<1024xf32, #tpu.memory_space<vmem>>, vector<16xf32>,
        %get3A_724 = vector.shape_cast %get3A_723 : vector<16xf32> to vector<16xf32>
        %get3A_725 = arith.constant 976 : index
        %get3A_726 = tpu.vector_load %arg7[%get3A_725] {strides = array<i32>} : memref<1024xf32, #tpu.memory_space<vmem>>, vector<16xf32>,
        %get3A_727 = vector.shape_cast %get3A_726 : vector<16xf32> to vector<16xf32>
        %get3A_728 = arith.constant 992 : index
        %get3A_729 = tpu.vector_load %arg7[%get3A_728] {strides = array<i32>} : memref<1024xf32, #tpu.memory_space<vmem>>, vector<16xf32>,
        %get3A_730 = vector.shape_cast %get3A_729 : vector<16xf32> to vector<16xf32>
        %get3A_731 = arith.constant 1008 : index
        %get3A_732 = tpu.vector_load %arg7[%get3A_731] {strides = array<i32>} : memref<1024xf32, #tpu.memory_space<vmem>>, vector<16xf32>,
        %get3A_733 = vector.shape_cast %get3A_732 : vector<16xf32> to vector<16xf32>
        %scan3A_734 = arith.constant 0 : i32
        %scan3A_735 = arith.constant 64 : i32
        %scan3A_736 = arith.addi %scan3A_734, %scan3A_735 : i32
        %scan3A_737 = arith.constant 8 : i32
        scf.for %scan3A_747 = %scan3A_734 to %scan3A_736 step %scan3A_737  : i32 {
          %mul3A_748 = arith.constant 16 : i32
          %mul3A_749 = arith.muli %scan3A_747, %mul3A_748 : i32
          %add3A_750 = arith.addi %mul3A_504, %mul3A_749 : i32
          %get3A_751 = arith.index_cast %add3A_750 : i32 to index
          %get3A_752 = tpu.vector_load %arg5[%get3A_751] {strides = array<i32>} : memref<2048xi32, #tpu.memory_space<vmem>>, vector<16xi32>,
          %get3A_753 = vector.shape_cast %get3A_752 : vector<16xi32> to vector<16xi32>
          %eq3A_754 = vector.broadcast %select_n3A_532 : i32 to vector<16xi32>
          %eq3A_755 = arith.cmpi eq, %get3A_753, %eq3A_754 : vector<16xi32>
          %jit3A_756 = arith.constant 8 : i32
          %div3A_757 = arith.divsi %scan3A_747, %jit3A_756 : i32
          %sign3A_758 = arith.constant 0 : i32
          %sign3A_759 = arith.cmpi sgt, %scan3A_747, %sign3A_758 : i32
          %sign3A_760 = arith.extui %sign3A_759 : i1 to i32
          %sign3A_761 = arith.constant 0 : i32
          %sign3A_762 = arith.cmpi slt, %scan3A_747, %sign3A_761 : i32
          %sign3A_763 = arith.extui %sign3A_762 : i1 to i32
          %sign3A_764 = arith.subi %sign3A_760, %sign3A_763 : i32
          %sign3A_765 = arith.constant 0 : i32
          %sign3A_766 = arith.cmpi sgt, %jit3A_756, %sign3A_765 : i32
          %sign3A_767 = arith.extui %sign3A_766 : i1 to i32
          %sign3A_768 = arith.constant 0 : i32
          %sign3A_769 = arith.cmpi slt, %jit3A_756, %sign3A_768 : i32
          %sign3A_770 = arith.extui %sign3A_769 : i1 to i32
          %sign3A_771 = arith.subi %sign3A_767, %sign3A_770 : i32
          %ne3A_772 = arith.cmpi ne, %sign3A_764, %sign3A_771 : i32
          %rem3A_773 = arith.remsi %scan3A_747, %jit3A_756 : i32
          %ne3A_774 = arith.constant 0 : i32
          %ne3A_775 = arith.cmpi ne, %rem3A_773, %ne3A_774 : i32
          %and3A_776 = arith.andi %ne3A_772, %ne3A_775 : i1
          %sub3A_777 = arith.constant 1 : i32
          %sub3A_778 = arith.subi %div3A_757, %sub3A_777 : i32
          %select_n3A_779 = arith.select %and3A_776, %sub3A_778, %div3A_757 : i32
          %mul3A_780 = arith.constant 1024 : i32
          %mul3A_781 = arith.muli %select_n3A_779, %mul3A_780 : i32
          %add3A_782 = arith.addi %mul3A_536, %mul3A_781 : i32
          %jit3A_783 = arith.constant 8 : i32
          %eq3A_784 = arith.constant 0 : i32
          %eq3A_785 = arith.cmpi eq, %jit3A_783, %eq3A_784 : i32
          %jit3A_786 = arith.constant 1 : i32
          %select_n3A_787 = arith.select %eq3A_785, %jit3A_786, %jit3A_783 : i32
          %rem3A_788 = arith.remsi %scan3A_747, %select_n3A_787 : i32
          %ne3A_789 = arith.constant 0 : i32
          %ne3A_790 = arith.cmpi ne, %rem3A_788, %ne3A_789 : i32
          %lt3A_791 = arith.constant 0 : i32
          %lt3A_792 = arith.cmpi slt, %rem3A_788, %lt3A_791 : i32
          %lt3A_793 = arith.constant 0 : i32
          %lt3A_794 = arith.cmpi slt, %select_n3A_787, %lt3A_793 : i32
          %ne3A_795 = arith.xori %lt3A_792, %lt3A_794 : i1
          %and3A_796 = arith.andi %ne3A_795, %ne3A_790 : i1
          %add3A_797 = arith.addi %rem3A_788, %select_n3A_787 : i32
          %select_n3A_798 = arith.select %and3A_796, %add3A_797, %rem3A_788 : i32
          %mul3A_799 = arith.constant 16 : i32
          %mul3A_800 = arith.muli %select_n3A_798, %mul3A_799 : i32
          %add3A_801 = arith.addi %add3A_782, %mul3A_800 : i32
          %add3A_802 = arith.constant 16384 : i32
          %add3A_803 = arith.addi %add3A_801, %add3A_802 : i32
          %add3A_804 = arith.constant 0 : i32
          %add3A_805 = arith.addi %add3A_803, %add3A_804 : i32
          %select_n3A_806 = arith.select %eq3A_755, %get3A_688, %get3A_640 : vector<16xi1>, vector<16xf32>
          %swap3A_807 = arith.index_cast %add3A_805 : i32 to index
          %swap3A_808 = tpu.vector_load %arg8[%swap3A_807] {strides = array<i32>} : memref<98304xf32, #tpu.memory_space<vmem>>, vector<16xf32>,
          %swap3A_809 = vector.shape_cast %swap3A_808 : vector<16xf32> to vector<16xf32>
          %swap3A_810 = vector.shape_cast %select_n3A_806 : vector<16xf32> to vector<16xf32>
          tpu.vector_store %arg8[%swap3A_807], %swap3A_810 {strides = array<i32>} : memref<98304xf32, #tpu.memory_space<vmem>>, vector<16xf32>,
          %add3A_811 = arith.constant 16384 : i32
          %add3A_812 = arith.addi %add3A_801, %add3A_811 : i32
          %add3A_813 = arith.constant 128 : i32
          %add3A_814 = arith.addi %add3A_812, %add3A_813 : i32
          %select_n3A_815 = arith.select %eq3A_755, %get3A_691, %get3A_643 : vector<16xi1>, vector<16xf32>
          %swap3A_816 = arith.index_cast %add3A_814 : i32 to index
          %swap3A_817 = tpu.vector_load %arg8[%swap3A_816] {strides = array<i32>} : memref<98304xf32, #tpu.memory_space<vmem>>, vector<16xf32>,
          %swap3A_818 = vector.shape_cast %swap3A_817 : vector<16xf32> to vector<16xf32>
          %swap3A_819 = vector.shape_cast %select_n3A_815 : vector<16xf32> to vector<16xf32>
          tpu.vector_store %arg8[%swap3A_816], %swap3A_819 {strides = array<i32>} : memref<98304xf32, #tpu.memory_space<vmem>>, vector<16xf32>,
          %add3A_820 = arith.constant 16384 : i32
          %add3A_821 = arith.addi %add3A_801, %add3A_820 : i32
          %add3A_822 = arith.constant 256 : i32
          %add3A_823 = arith.addi %add3A_821, %add3A_822 : i32
          %select_n3A_824 = arith.select %eq3A_755, %get3A_694, %get3A_646 : vector<16xi1>, vector<16xf32>
          %swap3A_825 = arith.index_cast %add3A_823 : i32 to index
          %swap3A_826 = tpu.vector_load %arg8[%swap3A_825] {strides = array<i32>} : memref<98304xf32, #tpu.memory_space<vmem>>, vector<16xf32>,
          %swap3A_827 = vector.shape_cast %swap3A_826 : vector<16xf32> to vector<16xf32>
          %swap3A_828 = vector.shape_cast %select_n3A_824 : vector<16xf32> to vector<16xf32>
          tpu.vector_store %arg8[%swap3A_825], %swap3A_828 {strides = array<i32>} : memref<98304xf32, #tpu.memory_space<vmem>>, vector<16xf32>,
          %add3A_829 = arith.constant 16384 : i32
          %add3A_830 = arith.addi %add3A_801, %add3A_829 : i32
          %add3A_831 = arith.constant 384 : i32
          %add3A_832 = arith.addi %add3A_830, %add3A_831 : i32
          %select_n3A_833 = arith.select %eq3A_755, %get3A_697, %get3A_649 : vector<16xi1>, vector<16xf32>
          %swap3A_834 = arith.index_cast %add3A_832 : i32 to index
          %swap3A_835 = tpu.vector_load %arg8[%swap3A_834] {strides = array<i32>} : memref<98304xf32, #tpu.memory_space<vmem>>, vector<16xf32>,
          %swap3A_836 = vector.shape_cast %swap3A_835 : vector<16xf32> to vector<16xf32>
          %swap3A_837 = vector.shape_cast %select_n3A_833 : vector<16xf32> to vector<16xf32>
          tpu.vector_store %arg8[%swap3A_834], %swap3A_837 {strides = array<i32>} : memref<98304xf32, #tpu.memory_space<vmem>>, vector<16xf32>,
          %add3A_838 = arith.constant 16384 : i32
          %add3A_839 = arith.addi %add3A_801, %add3A_838 : i32
          %add3A_840 = arith.constant 512 : i32
          %add3A_841 = arith.addi %add3A_839, %add3A_840 : i32
          %select_n3A_842 = arith.select %eq3A_755, %get3A_700, %get3A_652 : vector<16xi1>, vector<16xf32>
          %swap3A_843 = arith.index_cast %add3A_841 : i32 to index
          %swap3A_844 = tpu.vector_load %arg8[%swap3A_843] {strides = array<i32>} : memref<98304xf32, #tpu.memory_space<vmem>>, vector<16xf32>,
          %swap3A_845 = vector.shape_cast %swap3A_844 : vector<16xf32> to vector<16xf32>
          %swap3A_846 = vector.shape_cast %select_n3A_842 : vector<16xf32> to vector<16xf32>
          tpu.vector_store %arg8[%swap3A_843], %swap3A_846 {strides = array<i32>} : memref<98304xf32, #tpu.memory_space<vmem>>, vector<16xf32>,
          %add3A_847 = arith.constant 16384 : i32
          %add3A_848 = arith.addi %add3A_801, %add3A_847 : i32
          %add3A_849 = arith.constant 640 : i32
          %add3A_850 = arith.addi %add3A_848, %add3A_849 : i32
          %select_n3A_851 = arith.select %eq3A_755, %get3A_703, %get3A_655 : vector<16xi1>, vector<16xf32>
          %swap3A_852 = arith.index_cast %add3A_850 : i32 to index
          %swap3A_853 = tpu.vector_load %arg8[%swap3A_852] {strides = array<i32>} : memref<98304xf32, #tpu.memory_space<vmem>>, vector<16xf32>,
          %swap3A_854 = vector.shape_cast %swap3A_853 : vector<16xf32> to vector<16xf32>
          %swap3A_855 = vector.shape_cast %select_n3A_851 : vector<16xf32> to vector<16xf32>
          tpu.vector_store %arg8[%swap3A_852], %swap3A_855 {strides = array<i32>} : memref<98304xf32, #tpu.memory_space<vmem>>, vector<16xf32>,
          %add3A_856 = arith.constant 16384 : i32
          %add3A_857 = arith.addi %add3A_801, %add3A_856 : i32
          %add3A_858 = arith.constant 768 : i32
          %add3A_859 = arith.addi %add3A_857, %add3A_858 : i32
          %select_n3A_860 = arith.select %eq3A_755, %get3A_706, %get3A_658 : vector<16xi1>, vector<16xf32>
          %swap3A_861 = arith.index_cast %add3A_859 : i32 to index
          %swap3A_862 = tpu.vector_load %arg8[%swap3A_861] {strides = array<i32>} : memref<98304xf32, #tpu.memory_space<vmem>>, vector<16xf32>,
          %swap3A_863 = vector.shape_cast %swap3A_862 : vector<16xf32> to vector<16xf32>
          %swap3A_864 = vector.shape_cast %select_n3A_860 : vector<16xf32> to vector<16xf32>
          tpu.vector_store %arg8[%swap3A_861], %swap3A_864 {strides = array<i32>} : memref<98304xf32, #tpu.memory_space<vmem>>, vector<16xf32>,
          %add3A_865 = arith.constant 16384 : i32
          %add3A_866 = arith.addi %add3A_801, %add3A_865 : i32
          %add3A_867 = arith.constant 896 : i32
          %add3A_868 = arith.addi %add3A_866, %add3A_867 : i32
          %select_n3A_869 = arith.select %eq3A_755, %get3A_709, %get3A_661 : vector<16xi1>, vector<16xf32>
          %swap3A_870 = arith.index_cast %add3A_868 : i32 to index
          %swap3A_871 = tpu.vector_load %arg8[%swap3A_870] {strides = array<i32>} : memref<98304xf32, #tpu.memory_space<vmem>>, vector<16xf32>,
          %swap3A_872 = vector.shape_cast %swap3A_871 : vector<16xf32> to vector<16xf32>
          %swap3A_873 = vector.shape_cast %select_n3A_869 : vector<16xf32> to vector<16xf32>
          tpu.vector_store %arg8[%swap3A_870], %swap3A_873 {strides = array<i32>} : memref<98304xf32, #tpu.memory_space<vmem>>, vector<16xf32>,
          %add3A_874 = arith.constant 24576 : i32
          %add3A_875 = arith.addi %add3A_801, %add3A_874 : i32
          %add3A_876 = arith.constant 0 : i32
          %add3A_877 = arith.addi %add3A_875, %add3A_876 : i32
          %select_n3A_878 = arith.select %eq3A_755, %get3A_712, %get3A_664 : vector<16xi1>, vector<16xf32>
          %swap3A_879 = arith.index_cast %add3A_877 : i32 to index
          %swap3A_880 = tpu.vector_load %arg8[%swap3A_879] {strides = array<i32>} : memref<98304xf32, #tpu.memory_space<vmem>>, vector<16xf32>,
          %swap3A_881 = vector.shape_cast %swap3A_880 : vector<16xf32> to vector<16xf32>
          %swap3A_882 = vector.shape_cast %select_n3A_878 : vector<16xf32> to vector<16xf32>
          tpu.vector_store %arg8[%swap3A_879], %swap3A_882 {strides = array<i32>} : memref<98304xf32, #tpu.memory_space<vmem>>, vector<16xf32>,
          %add3A_883 = arith.constant 24576 : i32
          %add3A_884 = arith.addi %add3A_801, %add3A_883 : i32
          %add3A_885 = arith.constant 128 : i32
          %add3A_886 = arith.addi %add3A_884, %add3A_885 : i32
          %select_n3A_887 = arith.select %eq3A_755, %get3A_715, %get3A_667 : vector<16xi1>, vector<16xf32>
          %swap3A_888 = arith.index_cast %add3A_886 : i32 to index
          %swap3A_889 = tpu.vector_load %arg8[%swap3A_888] {strides = array<i32>} : memref<98304xf32, #tpu.memory_space<vmem>>, vector<16xf32>,
          %swap3A_890 = vector.shape_cast %swap3A_889 : vector<16xf32> to vector<16xf32>
          %swap3A_891 = vector.shape_cast %select_n3A_887 : vector<16xf32> to vector<16xf32>
          tpu.vector_store %arg8[%swap3A_888], %swap3A_891 {strides = array<i32>} : memref<98304xf32, #tpu.memory_space<vmem>>, vector<16xf32>,
          %add3A_892 = arith.constant 24576 : i32
          %add3A_893 = arith.addi %add3A_801, %add3A_892 : i32
          %add3A_894 = arith.constant 256 : i32
          %add3A_895 = arith.addi %add3A_893, %add3A_894 : i32
          %select_n3A_896 = arith.select %eq3A_755, %get3A_718, %get3A_670 : vector<16xi1>, vector<16xf32>
          %swap3A_897 = arith.index_cast %add3A_895 : i32 to index
          %swap3A_898 = tpu.vector_load %arg8[%swap3A_897] {strides = array<i32>} : memref<98304xf32, #tpu.memory_space<vmem>>, vector<16xf32>,
          %swap3A_899 = vector.shape_cast %swap3A_898 : vector<16xf32> to vector<16xf32>
          %swap3A_900 = vector.shape_cast %select_n3A_896 : vector<16xf32> to vector<16xf32>
          tpu.vector_store %arg8[%swap3A_897], %swap3A_900 {strides = array<i32>} : memref<98304xf32, #tpu.memory_space<vmem>>, vector<16xf32>,
          %add3A_901 = arith.constant 24576 : i32
          %add3A_902 = arith.addi %add3A_801, %add3A_901 : i32
          %add3A_903 = arith.constant 384 : i32
          %add3A_904 = arith.addi %add3A_902, %add3A_903 : i32
          %select_n3A_905 = arith.select %eq3A_755, %get3A_721, %get3A_673 : vector<16xi1>, vector<16xf32>
          %swap3A_906 = arith.index_cast %add3A_904 : i32 to index
          %swap3A_907 = tpu.vector_load %arg8[%swap3A_906] {strides = array<i32>} : memref<98304xf32, #tpu.memory_space<vmem>>, vector<16xf32>,
          %swap3A_908 = vector.shape_cast %swap3A_907 : vector<16xf32> to vector<16xf32>
          %swap3A_909 = vector.shape_cast %select_n3A_905 : vector<16xf32> to vector<16xf32>
          tpu.vector_store %arg8[%swap3A_906], %swap3A_909 {strides = array<i32>} : memref<98304xf32, #tpu.memory_space<vmem>>, vector<16xf32>,
          %add3A_910 = arith.constant 24576 : i32
          %add3A_911 = arith.addi %add3A_801, %add3A_910 : i32
          %add3A_912 = arith.constant 512 : i32
          %add3A_913 = arith.addi %add3A_911, %add3A_912 : i32
          %select_n3A_914 = arith.select %eq3A_755, %get3A_724, %get3A_676 : vector<16xi1>, vector<16xf32>
          %swap3A_915 = arith.index_cast %add3A_913 : i32 to index
          %swap3A_916 = tpu.vector_load %arg8[%swap3A_915] {strides = array<i32>} : memref<98304xf32, #tpu.memory_space<vmem>>, vector<16xf32>,
          %swap3A_917 = vector.shape_cast %swap3A_916 : vector<16xf32> to vector<16xf32>
          %swap3A_918 = vector.shape_cast %select_n3A_914 : vector<16xf32> to vector<16xf32>
          tpu.vector_store %arg8[%swap3A_915], %swap3A_918 {strides = array<i32>} : memref<98304xf32, #tpu.memory_space<vmem>>, vector<16xf32>,
          %add3A_919 = arith.constant 24576 : i32
          %add3A_920 = arith.addi %add3A_801, %add3A_919 : i32
          %add3A_921 = arith.constant 640 : i32
          %add3A_922 = arith.addi %add3A_920, %add3A_921 : i32
          %select_n3A_923 = arith.select %eq3A_755, %get3A_727, %get3A_679 : vector<16xi1>, vector<16xf32>
          %swap3A_924 = arith.index_cast %add3A_922 : i32 to index
          %swap3A_925 = tpu.vector_load %arg8[%swap3A_924] {strides = array<i32>} : memref<98304xf32, #tpu.memory_space<vmem>>, vector<16xf32>,
          %swap3A_926 = vector.shape_cast %swap3A_925 : vector<16xf32> to vector<16xf32>
          %swap3A_927 = vector.shape_cast %select_n3A_923 : vector<16xf32> to vector<16xf32>
          tpu.vector_store %arg8[%swap3A_924], %swap3A_927 {strides = array<i32>} : memref<98304xf32, #tpu.memory_space<vmem>>, vector<16xf32>,
          %add3A_928 = arith.constant 24576 : i32
          %add3A_929 = arith.addi %add3A_801, %add3A_928 : i32
          %add3A_930 = arith.constant 768 : i32
          %add3A_931 = arith.addi %add3A_929, %add3A_930 : i32
          %select_n3A_932 = arith.select %eq3A_755, %get3A_730, %get3A_682 : vector<16xi1>, vector<16xf32>
          %swap3A_933 = arith.index_cast %add3A_931 : i32 to index
          %swap3A_934 = tpu.vector_load %arg8[%swap3A_933] {strides = array<i32>} : memref<98304xf32, #tpu.memory_space<vmem>>, vector<16xf32>,
          %swap3A_935 = vector.shape_cast %swap3A_934 : vector<16xf32> to vector<16xf32>
          %swap3A_936 = vector.shape_cast %select_n3A_932 : vector<16xf32> to vector<16xf32>
          tpu.vector_store %arg8[%swap3A_933], %swap3A_936 {strides = array<i32>} : memref<98304xf32, #tpu.memory_space<vmem>>, vector<16xf32>,
          %add3A_937 = arith.constant 24576 : i32
          %add3A_938 = arith.addi %add3A_801, %add3A_937 : i32
          %add3A_939 = arith.constant 896 : i32
          %add3A_940 = arith.addi %add3A_938, %add3A_939 : i32
          %select_n3A_941 = arith.select %eq3A_755, %get3A_733, %get3A_685 : vector<16xi1>, vector<16xf32>
          %swap3A_942 = arith.index_cast %add3A_940 : i32 to index
          %swap3A_943 = tpu.vector_load %arg8[%swap3A_942] {strides = array<i32>} : memref<98304xf32, #tpu.memory_space<vmem>>, vector<16xf32>,
          %swap3A_944 = vector.shape_cast %swap3A_943 : vector<16xf32> to vector<16xf32>
          %swap3A_945 = vector.shape_cast %select_n3A_941 : vector<16xf32> to vector<16xf32>
          tpu.vector_store %arg8[%swap3A_942], %swap3A_945 {strides = array<i32>} : memref<98304xf32, #tpu.memory_space<vmem>>, vector<16xf32>,
          %scan3A_946 = arith.constant 1 : i32
          %scan3A_947 = arith.addi %scan3A_747, %scan3A_946 : i32
          %mul3A_948 = arith.constant 16 : i32
          %mul3A_949 = arith.muli %scan3A_947, %mul3A_948 : i32
          %add3A_950 = arith.addi %mul3A_504, %mul3A_949 : i32
          %get3A_951 = arith.index_cast %add3A_950 : i32 to index
          %get3A_952 = tpu.vector_load %arg5[%get3A_951] {strides = array<i32>} : memref<2048xi32, #tpu.memory_space<vmem>>, vector<16xi32>,
          %get3A_953 = vector.shape_cast %get3A_952 : vector<16xi32> to vector<16xi32>
          %eq3A_954 = vector.broadcast %select_n3A_532 : i32 to vector<16xi32>
          %eq3A_955 = arith.cmpi eq, %get3A_953, %eq3A_954 : vector<16xi32>
          %jit3A_956 = arith.constant 8 : i32
          %div3A_957 = arith.divsi %scan3A_947, %jit3A_956 : i32
          %sign3A_958 = arith.constant 0 : i32
          %sign3A_959 = arith.cmpi sgt, %scan3A_947, %sign3A_958 : i32
          %sign3A_960 = arith.extui %sign3A_959 : i1 to i32
          %sign3A_961 = arith.constant 0 : i32
          %sign3A_962 = arith.cmpi slt, %scan3A_947, %sign3A_961 : i32
          %sign3A_963 = arith.extui %sign3A_962 : i1 to i32
          %sign3A_964 = arith.subi %sign3A_960, %sign3A_963 : i32
          %sign3A_965 = arith.constant 0 : i32
          %sign3A_966 = arith.cmpi sgt, %jit3A_956, %sign3A_965 : i32
          %sign3A_967 = arith.extui %sign3A_966 : i1 to i32
          %sign3A_968 = arith.constant 0 : i32
          %sign3A_969 = arith.cmpi slt, %jit3A_956, %sign3A_968 : i32
          %sign3A_970 = arith.extui %sign3A_969 : i1 to i32
          %sign3A_971 = arith.subi %sign3A_967, %sign3A_970 : i32
          %ne3A_972 = arith.cmpi ne, %sign3A_964, %sign3A_971 : i32
          %rem3A_973 = arith.remsi %scan3A_947, %jit3A_956 : i32
          %ne3A_974 = arith.constant 0 : i32
          %ne3A_975 = arith.cmpi ne, %rem3A_973, %ne3A_974 : i32
          %and3A_976 = arith.andi %ne3A_972, %ne3A_975 : i1
          %sub3A_977 = arith.constant 1 : i32
          %sub3A_978 = arith.subi %div3A_957, %sub3A_977 : i32
          %select_n3A_979 = arith.select %and3A_976, %sub3A_978, %div3A_957 : i32
          %mul3A_980 = arith.constant 1024 : i32
          %mul3A_981 = arith.muli %select_n3A_979, %mul3A_980 : i32
          %add3A_982 = arith.addi %mul3A_536, %mul3A_981 : i32
          %jit3A_983 = arith.constant 8 : i32
          %eq3A_984 = arith.constant 0 : i32
          %eq3A_985 = arith.cmpi eq, %jit3A_983, %eq3A_984 : i32
          %jit3A_986 = arith.constant 1 : i32
          %select_n3A_987 = arith.select %eq3A_985, %jit3A_986, %jit3A_983 : i32
          %rem3A_988 = arith.remsi %scan3A_947, %select_n3A_987 : i32
          %ne3A_989 = arith.constant 0 : i32
          %ne3A_990 = arith.cmpi ne, %rem3A_988, %ne3A_989 : i32
          %lt3A_991 = arith.constant 0 : i32
          %lt3A_992 = arith.cmpi slt, %rem3A_988, %lt3A_991 : i32
          %lt3A_993 = arith.constant 0 : i32
          %lt3A_994 = arith.cmpi slt, %select_n3A_987, %lt3A_993 : i32
          %ne3A_995 = arith.xori %lt3A_992, %lt3A_994 : i1
          %and3A_996 = arith.andi %ne3A_995, %ne3A_990 : i1
          %add3A_997 = arith.addi %rem3A_988, %select_n3A_987 : i32
          %select_n3A_998 = arith.select %and3A_996, %add3A_997, %rem3A_988 : i32
          %mul3A_999 = arith.constant 16 : i32
          %mul3A_1000 = arith.muli %select_n3A_998, %mul3A_999 : i32
          %add3A_1001 = arith.addi %add3A_982, %mul3A_1000 : i32
          %add3A_1002 = arith.constant 16384 : i32
          %add3A_1003 = arith.addi %add3A_1001, %add3A_1002 : i32
          %add3A_1004 = arith.constant 0 : i32
          %add3A_1005 = arith.addi %add3A_1003, %add3A_1004 : i32
          %select_n3A_1006 = arith.select %eq3A_955, %get3A_688, %get3A_640 : vector<16xi1>, vector<16xf32>
          %swap3A_1007 = arith.index_cast %add3A_1005 : i32 to index
          %swap3A_1008 = tpu.vector_load %arg8[%swap3A_1007] {strides = array<i32>} : memref<98304xf32, #tpu.memory_space<vmem>>, vector<16xf32>,
          %swap3A_1009 = vector.shape_cast %swap3A_1008 : vector<16xf32> to vector<16xf32>
          %swap3A_1010 = vector.shape_cast %select_n3A_1006 : vector<16xf32> to vector<16xf32>
          tpu.vector_store %arg8[%swap3A_1007], %swap3A_1010 {strides = array<i32>} : memref<98304xf32, #tpu.memory_space<vmem>>, vector<16xf32>,
          %add3A_1011 = arith.constant 16384 : i32
          %add3A_1012 = arith.addi %add3A_1001, %add3A_1011 : i32
          %add3A_1013 = arith.constant 128 : i32
          %add3A_1014 = arith.addi %add3A_1012, %add3A_1013 : i32
          %select_n3A_1015 = arith.select %eq3A_955, %get3A_691, %get3A_643 : vector<16xi1>, vector<16xf32>
          %swap3A_1016 = arith.index_cast %add3A_1014 : i32 to index
          %swap3A_1017 = tpu.vector_load %arg8[%swap3A_1016] {strides = array<i32>} : memref<98304xf32, #tpu.memory_space<vmem>>, vector<16xf32>,
          %swap3A_1018 = vector.shape_cast %swap3A_1017 : vector<16xf32> to vector<16xf32>
          %swap3A_1019 = vector.shape_cast %select_n3A_1015 : vector<16xf32> to vector<16xf32>
          tpu.vector_store %arg8[%swap3A_1016], %swap3A_1019 {strides = array<i32>} : memref<98304xf32, #tpu.memory_space<vmem>>, vector<16xf32>,
          %add3A_1020 = arith.constant 16384 : i32
          %add3A_1021 = arith.addi %add3A_1001, %add3A_1020 : i32
          %add3A_1022 = arith.constant 256 : i32
          %add3A_1023 = arith.addi %add3A_1021, %add3A_1022 : i32
          %select_n3A_1024 = arith.select %eq3A_955, %get3A_694, %get3A_646 : vector<16xi1>, vector<16xf32>
          %swap3A_1025 = arith.index_cast %add3A_1023 : i32 to index
          %swap3A_1026 = tpu.vector_load %arg8[%swap3A_1025] {strides = array<i32>} : memref<98304xf32, #tpu.memory_space<vmem>>, vector<16xf32>,
          %swap3A_1027 = vector.shape_cast %swap3A_1026 : vector<16xf32> to vector<16xf32>
          %swap3A_1028 = vector.shape_cast %select_n3A_1024 : vector<16xf32> to vector<16xf32>
          tpu.vector_store %arg8[%swap3A_1025], %swap3A_1028 {strides = array<i32>} : memref<98304xf32, #tpu.memory_space<vmem>>, vector<16xf32>,
          %add3A_1029 = arith.constant 16384 : i32
          %add3A_1030 = arith.addi %add3A_1001, %add3A_1029 : i32
          %add3A_1031 = arith.constant 384 : i32
          %add3A_1032 = arith.addi %add3A_1030, %add3A_1031 : i32
          %select_n3A_1033 = arith.select %eq3A_955, %get3A_697, %get3A_649 : vector<16xi1>, vector<16xf32>
          %swap3A_1034 = arith.index_cast %add3A_1032 : i32 to index
          %swap3A_1035 = tpu.vector_load %arg8[%swap3A_1034] {strides = array<i32>} : memref<98304xf32, #tpu.memory_space<vmem>>, vector<16xf32>,
          %swap3A_1036 = vector.shape_cast %swap3A_1035 : vector<16xf32> to vector<16xf32>
          %swap3A_1037 = vector.shape_cast %select_n3A_1033 : vector<16xf32> to vector<16xf32>
          tpu.vector_store %arg8[%swap3A_1034], %swap3A_1037 {strides = array<i32>} : memref<98304xf32, #tpu.memory_space<vmem>>, vector<16xf32>,
          %add3A_1038 = arith.constant 16384 : i32
          %add3A_1039 = arith.addi %add3A_1001, %add3A_1038 : i32
          %add3A_1040 = arith.constant 512 : i32
          %add3A_1041 = arith.addi %add3A_1039, %add3A_1040 : i32
          %select_n3A_1042 = arith.select %eq3A_955, %get3A_700, %get3A_652 : vector<16xi1>, vector<16xf32>
          %swap3A_1043 = arith.index_cast %add3A_1041 : i32 to index
          %swap3A_1044 = tpu.vector_load %arg8[%swap3A_1043] {strides = array<i32>} : memref<98304xf32, #tpu.memory_space<vmem>>, vector<16xf32>,
          %swap3A_1045 = vector.shape_cast %swap3A_1044 : vector<16xf32> to vector<16xf32>
          %swap3A_1046 = vector.shape_cast %select_n3A_1042 : vector<16xf32> to vector<16xf32>
          tpu.vector_store %arg8[%swap3A_1043], %swap3A_1046 {strides = array<i32>} : memref<98304xf32, #tpu.memory_space<vmem>>, vector<16xf32>,
          %add3A_1047 = arith.constant 16384 : i32
          %add3A_1048 = arith.addi %add3A_1001, %add3A_1047 : i32
          %add3A_1049 = arith.constant 640 : i32
          %add3A_1050 = arith.addi %add3A_1048, %add3A_1049 : i32
          %select_n3A_1051 = arith.select %eq3A_955, %get3A_703, %get3A_655 : vector<16xi1>, vector<16xf32>
          %swap3A_1052 = arith.index_cast %add3A_1050 : i32 to index
          %swap3A_1053 = tpu.vector_load %arg8[%swap3A_1052] {strides = array<i32>} : memref<98304xf32, #tpu.memory_space<vmem>>, vector<16xf32>,
          %swap3A_1054 = vector.shape_cast %swap3A_1053 : vector<16xf32> to vector<16xf32>
          %swap3A_1055 = vector.shape_cast %select_n3A_1051 : vector<16xf32> to vector<16xf32>
          tpu.vector_store %arg8[%swap3A_1052], %swap3A_1055 {strides = array<i32>} : memref<98304xf32, #tpu.memory_space<vmem>>, vector<16xf32>,
          %add3A_1056 = arith.constant 16384 : i32
          %add3A_1057 = arith.addi %add3A_1001, %add3A_1056 : i32
          %add3A_1058 = arith.constant 768 : i32
          %add3A_1059 = arith.addi %add3A_1057, %add3A_1058 : i32
          %select_n3A_1060 = arith.select %eq3A_955, %get3A_706, %get3A_658 : vector<16xi1>, vector<16xf32>
          %swap3A_1061 = arith.index_cast %add3A_1059 : i32 to index
          %swap3A_1062 = tpu.vector_load %arg8[%swap3A_1061] {strides = array<i32>} : memref<98304xf32, #tpu.memory_space<vmem>>, vector<16xf32>,
          %swap3A_1063 = vector.shape_cast %swap3A_1062 : vector<16xf32> to vector<16xf32>
          %swap3A_1064 = vector.shape_cast %select_n3A_1060 : vector<16xf32> to vector<16xf32>
          tpu.vector_store %arg8[%swap3A_1061], %swap3A_1064 {strides = array<i32>} : memref<98304xf32, #tpu.memory_space<vmem>>, vector<16xf32>,
          %add3A_1065 = arith.constant 16384 : i32
          %add3A_1066 = arith.addi %add3A_1001, %add3A_1065 : i32
          %add3A_1067 = arith.constant 896 : i32
          %add3A_1068 = arith.addi %add3A_1066, %add3A_1067 : i32
          %select_n3A_1069 = arith.select %eq3A_955, %get3A_709, %get3A_661 : vector<16xi1>, vector<16xf32>
          %swap3A_1070 = arith.index_cast %add3A_1068 : i32 to index
          %swap3A_1071 = tpu.vector_load %arg8[%swap3A_1070] {strides = array<i32>} : memref<98304xf32, #tpu.memory_space<vmem>>, vector<16xf32>,
          %swap3A_1072 = vector.shape_cast %swap3A_1071 : vector<16xf32> to vector<16xf32>
          %swap3A_1073 = vector.shape_cast %select_n3A_1069 : vector<16xf32> to vector<16xf32>
          tpu.vector_store %arg8[%swap3A_1070], %swap3A_1073 {strides = array<i32>} : memref<98304xf32, #tpu.memory_space<vmem>>, vector<16xf32>,
          %add3A_1074 = arith.constant 24576 : i32
          %add3A_1075 = arith.addi %add3A_1001, %add3A_1074 : i32
          %add3A_1076 = arith.constant 0 : i32
          %add3A_1077 = arith.addi %add3A_1075, %add3A_1076 : i32
          %select_n3A_1078 = arith.select %eq3A_955, %get3A_712, %get3A_664 : vector<16xi1>, vector<16xf32>
          %swap3A_1079 = arith.index_cast %add3A_1077 : i32 to index
          %swap3A_1080 = tpu.vector_load %arg8[%swap3A_1079] {strides = array<i32>} : memref<98304xf32, #tpu.memory_space<vmem>>, vector<16xf32>,
          %swap3A_1081 = vector.shape_cast %swap3A_1080 : vector<16xf32> to vector<16xf32>
          %swap3A_1082 = vector.shape_cast %select_n3A_1078 : vector<16xf32> to vector<16xf32>
          tpu.vector_store %arg8[%swap3A_1079], %swap3A_1082 {strides = array<i32>} : memref<98304xf32, #tpu.memory_space<vmem>>, vector<16xf32>,
          %add3A_1083 = arith.constant 24576 : i32
          %add3A_1084 = arith.addi %add3A_1001, %add3A_1083 : i32
          %add3A_1085 = arith.constant 128 : i32
          %add3A_1086 = arith.addi %add3A_1084, %add3A_1085 : i32
          %select_n3A_1087 = arith.select %eq3A_955, %get3A_715, %get3A_667 : vector<16xi1>, vector<16xf32>
          %swap3A_1088 = arith.index_cast %add3A_1086 : i32 to index
          %swap3A_1089 = tpu.vector_load %arg8[%swap3A_1088] {strides = array<i32>} : memref<98304xf32, #tpu.memory_space<vmem>>, vector<16xf32>,
          %swap3A_1090 = vector.shape_cast %swap3A_1089 : vector<16xf32> to vector<16xf32>
          %swap3A_1091 = vector.shape_cast %select_n3A_1087 : vector<16xf32> to vector<16xf32>
          tpu.vector_store %arg8[%swap3A_1088], %swap3A_1091 {strides = array<i32>} : memref<98304xf32, #tpu.memory_space<vmem>>, vector<16xf32>,
          %add3A_1092 = arith.constant 24576 : i32
          %add3A_1093 = arith.addi %add3A_1001, %add3A_1092 : i32
          %add3A_1094 = arith.constant 256 : i32
          %add3A_1095 = arith.addi %add3A_1093, %add3A_1094 : i32
          %select_n3A_1096 = arith.select %eq3A_955, %get3A_718, %get3A_670 : vector<16xi1>, vector<16xf32>
          %swap3A_1097 = arith.index_cast %add3A_1095 : i32 to index
          %swap3A_1098 = tpu.vector_load %arg8[%swap3A_1097] {strides = array<i32>} : memref<98304xf32, #tpu.memory_space<vmem>>, vector<16xf32>,
          %swap3A_1099 = vector.shape_cast %swap3A_1098 : vector<16xf32> to vector<16xf32>
          %swap3A_1100 = vector.shape_cast %select_n3A_1096 : vector<16xf32> to vector<16xf32>
          tpu.vector_store %arg8[%swap3A_1097], %swap3A_1100 {strides = array<i32>} : memref<98304xf32, #tpu.memory_space<vmem>>, vector<16xf32>,
          %add3A_1101 = arith.constant 24576 : i32
          %add3A_1102 = arith.addi %add3A_1001, %add3A_1101 : i32
          %add3A_1103 = arith.constant 384 : i32
          %add3A_1104 = arith.addi %add3A_1102, %add3A_1103 : i32
          %select_n3A_1105 = arith.select %eq3A_955, %get3A_721, %get3A_673 : vector<16xi1>, vector<16xf32>
          %swap3A_1106 = arith.index_cast %add3A_1104 : i32 to index
          %swap3A_1107 = tpu.vector_load %arg8[%swap3A_1106] {strides = array<i32>} : memref<98304xf32, #tpu.memory_space<vmem>>, vector<16xf32>,
          %swap3A_1108 = vector.shape_cast %swap3A_1107 : vector<16xf32> to vector<16xf32>
          %swap3A_1109 = vector.shape_cast %select_n3A_1105 : vector<16xf32> to vector<16xf32>
          tpu.vector_store %arg8[%swap3A_1106], %swap3A_1109 {strides = array<i32>} : memref<98304xf32, #tpu.memory_space<vmem>>, vector<16xf32>,
          %add3A_1110 = arith.constant 24576 : i32
          %add3A_1111 = arith.addi %add3A_1001, %add3A_1110 : i32
          %add3A_1112 = arith.constant 512 : i32
          %add3A_1113 = arith.addi %add3A_1111, %add3A_1112 : i32
          %select_n3A_1114 = arith.select %eq3A_955, %get3A_724, %get3A_676 : vector<16xi1>, vector<16xf32>
          %swap3A_1115 = arith.index_cast %add3A_1113 : i32 to index
          %swap3A_1116 = tpu.vector_load %arg8[%swap3A_1115] {strides = array<i32>} : memref<98304xf32, #tpu.memory_space<vmem>>, vector<16xf32>,
          %swap3A_1117 = vector.shape_cast %swap3A_1116 : vector<16xf32> to vector<16xf32>
          %swap3A_1118 = vector.shape_cast %select_n3A_1114 : vector<16xf32> to vector<16xf32>
          tpu.vector_store %arg8[%swap3A_1115], %swap3A_1118 {strides = array<i32>} : memref<98304xf32, #tpu.memory_space<vmem>>, vector<16xf32>,
          %add3A_1119 = arith.constant 24576 : i32
          %add3A_1120 = arith.addi %add3A_1001, %add3A_1119 : i32
          %add3A_1121 = arith.constant 640 : i32
          %add3A_1122 = arith.addi %add3A_1120, %add3A_1121 : i32
          %select_n3A_1123 = arith.select %eq3A_955, %get3A_727, %get3A_679 : vector<16xi1>, vector<16xf32>
          %swap3A_1124 = arith.index_cast %add3A_1122 : i32 to index
          %swap3A_1125 = tpu.vector_load %arg8[%swap3A_1124] {strides = array<i32>} : memref<98304xf32, #tpu.memory_space<vmem>>, vector<16xf32>,
          %swap3A_1126 = vector.shape_cast %swap3A_1125 : vector<16xf32> to vector<16xf32>
          %swap3A_1127 = vector.shape_cast %select_n3A_1123 : vector<16xf32> to vector<16xf32>
          tpu.vector_store %arg8[%swap3A_1124], %swap3A_1127 {strides = array<i32>} : memref<98304xf32, #tpu.memory_space<vmem>>, vector<16xf32>,
          %add3A_1128 = arith.constant 24576 : i32
          %add3A_1129 = arith.addi %add3A_1001, %add3A_1128 : i32
          %add3A_1130 = arith.constant 768 : i32
          %add3A_1131 = arith.addi %add3A_1129, %add3A_1130 : i32
          %select_n3A_1132 = arith.select %eq3A_955, %get3A_730, %get3A_682 : vector<16xi1>, vector<16xf32>
          %swap3A_1133 = arith.index_cast %add3A_1131 : i32 to index
          %swap3A_1134 = tpu.vector_load %arg8[%swap3A_1133] {strides = array<i32>} : memref<98304xf32, #tpu.memory_space<vmem>>, vector<16xf32>,
          %swap3A_1135 = vector.shape_cast %swap3A_1134 : vector<16xf32> to vector<16xf32>
          %swap3A_1136 = vector.shape_cast %select_n3A_1132 : vector<16xf32> to vector<16xf32>
          tpu.vector_store %arg8[%swap3A_1133], %swap3A_1136 {strides = array<i32>} : memref<98304xf32, #tpu.memory_space<vmem>>, vector<16xf32>,
          %add3A_1137 = arith.constant 24576 : i32
          %add3A_1138 = arith.addi %add3A_1001, %add3A_1137 : i32
          %add3A_1139 = arith.constant 896 : i32
          %add3A_1140 = arith.addi %add3A_1138, %add3A_1139 : i32
          %select_n3A_1141 = arith.select %eq3A_955, %get3A_733, %get3A_685 : vector<16xi1>, vector<16xf32>
          %swap3A_1142 = arith.index_cast %add3A_1140 : i32 to index
          %swap3A_1143 = tpu.vector_load %arg8[%swap3A_1142] {strides = array<i32>} : memref<98304xf32, #tpu.memory_space<vmem>>, vector<16xf32>,
          %swap3A_1144 = vector.shape_cast %swap3A_1143 : vector<16xf32> to vector<16xf32>
          %swap3A_1145 = vector.shape_cast %select_n3A_1141 : vector<16xf32> to vector<16xf32>
          tpu.vector_store %arg8[%swap3A_1142], %swap3A_1145 {strides = array<i32>} : memref<98304xf32, #tpu.memory_space<vmem>>, vector<16xf32>,
          %scan3A_1146 = arith.constant 2 : i32
          %scan3A_1147 = arith.addi %scan3A_747, %scan3A_1146 : i32
          %mul3A_1148 = arith.constant 16 : i32
          %mul3A_1149 = arith.muli %scan3A_1147, %mul3A_1148 : i32
          %add3A_1150 = arith.addi %mul3A_504, %mul3A_1149 : i32
          %get3A_1151 = arith.index_cast %add3A_1150 : i32 to index
          %get3A_1152 = tpu.vector_load %arg5[%get3A_1151] {strides = array<i32>} : memref<2048xi32, #tpu.memory_space<vmem>>, vector<16xi32>,
          %get3A_1153 = vector.shape_cast %get3A_1152 : vector<16xi32> to vector<16xi32>
          %eq3A_1154 = vector.broadcast %select_n3A_532 : i32 to vector<16xi32>
          %eq3A_1155 = arith.cmpi eq, %get3A_1153, %eq3A_1154 : vector<16xi32>
          %jit3A_1156 = arith.constant 8 : i32
          %div3A_1157 = arith.divsi %scan3A_1147, %jit3A_1156 : i32
          %sign3A_1158 = arith.constant 0 : i32
          %sign3A_1159 = arith.cmpi sgt, %scan3A_1147, %sign3A_1158 : i32
          %sign3A_1160 = arith.extui %sign3A_1159 : i1 to i32
          %sign3A_1161 = arith.constant 0 : i32
          %sign3A_1162 = arith.cmpi slt, %scan3A_1147, %sign3A_1161 : i32
          %sign3A_1163 = arith.extui %sign3A_1162 : i1 to i32
          %sign3A_1164 = arith.subi %sign3A_1160, %sign3A_1163 : i32
          %sign3A_1165 = arith.constant 0 : i32
          %sign3A_1166 = arith.cmpi sgt, %jit3A_1156, %sign3A_1165 : i32
          %sign3A_1167 = arith.extui %sign3A_1166 : i1 to i32
          %sign3A_1168 = arith.constant 0 : i32
          %sign3A_1169 = arith.cmpi slt, %jit3A_1156, %sign3A_1168 : i32
          %sign3A_1170 = arith.extui %sign3A_1169 : i1 to i32
          %sign3A_1171 = arith.subi %sign3A_1167, %sign3A_1170 : i32
          %ne3A_1172 = arith.cmpi ne, %sign3A_1164, %sign3A_1171 : i32
          %rem3A_1173 = arith.remsi %scan3A_1147, %jit3A_1156 : i32
          %ne3A_1174 = arith.constant 0 : i32
          %ne3A_1175 = arith.cmpi ne, %rem3A_1173, %ne3A_1174 : i32
          %and3A_1176 = arith.andi %ne3A_1172, %ne3A_1175 : i1
          %sub3A_1177 = arith.constant 1 : i32
          %sub3A_1178 = arith.subi %div3A_1157, %sub3A_1177 : i32
          %select_n3A_1179 = arith.select %and3A_1176, %sub3A_1178, %div3A_1157 : i32
          %mul3A_1180 = arith.constant 1024 : i32
          %mul3A_1181 = arith.muli %select_n3A_1179, %mul3A_1180 : i32
          %add3A_1182 = arith.addi %mul3A_536, %mul3A_1181 : i32
          %jit3A_1183 = arith.constant 8 : i32
          %eq3A_1184 = arith.constant 0 : i32
          %eq3A_1185 = arith.cmpi eq, %jit3A_1183, %eq3A_1184 : i32
          %jit3A_1186 = arith.constant 1 : i32
          %select_n3A_1187 = arith.select %eq3A_1185, %jit3A_1186, %jit3A_1183 : i32
          %rem3A_1188 = arith.remsi %scan3A_1147, %select_n3A_1187 : i32
          %ne3A_1189 = arith.constant 0 : i32
          %ne3A_1190 = arith.cmpi ne, %rem3A_1188, %ne3A_1189 : i32
          %lt3A_1191 = arith.constant 0 : i32
          %lt3A_1192 = arith.cmpi slt, %rem3A_1188, %lt3A_1191 : i32
          %lt3A_1193 = arith.constant 0 : i32
          %lt3A_1194 = arith.cmpi slt, %select_n3A_1187, %lt3A_1193 : i32
          %ne3A_1195 = arith.xori %lt3A_1192, %lt3A_1194 : i1
          %and3A_1196 = arith.andi %ne3A_1195, %ne3A_1190 : i1
          %add3A_1197 = arith.addi %rem3A_1188, %select_n3A_1187 : i32
          %select_n3A_1198 = arith.select %and3A_1196, %add3A_1197, %rem3A_1188 : i32
          %mul3A_1199 = arith.constant 16 : i32
          %mul3A_1200 = arith.muli %select_n3A_1198, %mul3A_1199 : i32
          %add3A_1201 = arith.addi %add3A_1182, %mul3A_1200 : i32
          %add3A_1202 = arith.constant 16384 : i32
          %add3A_1203 = arith.addi %add3A_1201, %add3A_1202 : i32
          %add3A_1204 = arith.constant 0 : i32
          %add3A_1205 = arith.addi %add3A_1203, %add3A_1204 : i32
          %select_n3A_1206 = arith.select %eq3A_1155, %get3A_688, %get3A_640 : vector<16xi1>, vector<16xf32>
          %swap3A_1207 = arith.index_cast %add3A_1205 : i32 to index
          %swap3A_1208 = tpu.vector_load %arg8[%swap3A_1207] {strides = array<i32>} : memref<98304xf32, #tpu.memory_space<vmem>>, vector<16xf32>,
          %swap3A_1209 = vector.shape_cast %swap3A_1208 : vector<16xf32> to vector<16xf32>
          %swap3A_1210 = vector.shape_cast %select_n3A_1206 : vector<16xf32> to vector<16xf32>
          tpu.vector_store %arg8[%swap3A_1207], %swap3A_1210 {strides = array<i32>} : memref<98304xf32, #tpu.memory_space<vmem>>, vector<16xf32>,
          %add3A_1211 = arith.constant 16384 : i32
          %add3A_1212 = arith.addi %add3A_1201, %add3A_1211 : i32
          %add3A_1213 = arith.constant 128 : i32
          %add3A_1214 = arith.addi %add3A_1212, %add3A_1213 : i32
          %select_n3A_1215 = arith.select %eq3A_1155, %get3A_691, %get3A_643 : vector<16xi1>, vector<16xf32>
          %swap3A_1216 = arith.index_cast %add3A_1214 : i32 to index
          %swap3A_1217 = tpu.vector_load %arg8[%swap3A_1216] {strides = array<i32>} : memref<98304xf32, #tpu.memory_space<vmem>>, vector<16xf32>,
          %swap3A_1218 = vector.shape_cast %swap3A_1217 : vector<16xf32> to vector<16xf32>
          %swap3A_1219 = vector.shape_cast %select_n3A_1215 : vector<16xf32> to vector<16xf32>
          tpu.vector_store %arg8[%swap3A_1216], %swap3A_1219 {strides = array<i32>} : memref<98304xf32, #tpu.memory_space<vmem>>, vector<16xf32>,
          %add3A_1220 = arith.constant 16384 : i32
          %add3A_1221 = arith.addi %add3A_1201, %add3A_1220 : i32
          %add3A_1222 = arith.constant 256 : i32
          %add3A_1223 = arith.addi %add3A_1221, %add3A_1222 : i32
          %select_n3A_1224 = arith.select %eq3A_1155, %get3A_694, %get3A_646 : vector<16xi1>, vector<16xf32>
          %swap3A_1225 = arith.index_cast %add3A_1223 : i32 to index
          %swap3A_1226 = tpu.vector_load %arg8[%swap3A_1225] {strides = array<i32>} : memref<98304xf32, #tpu.memory_space<vmem>>, vector<16xf32>,
          %swap3A_1227 = vector.shape_cast %swap3A_1226 : vector<16xf32> to vector<16xf32>
          %swap3A_1228 = vector.shape_cast %select_n3A_1224 : vector<16xf32> to vector<16xf32>
          tpu.vector_store %arg8[%swap3A_1225], %swap3A_1228 {strides = array<i32>} : memref<98304xf32, #tpu.memory_space<vmem>>, vector<16xf32>,
          %add3A_1229 = arith.constant 16384 : i32
          %add3A_1230 = arith.addi %add3A_1201, %add3A_1229 : i32
          %add3A_1231 = arith.constant 384 : i32
          %add3A_1232 = arith.addi %add3A_1230, %add3A_1231 : i32
          %select_n3A_1233 = arith.select %eq3A_1155, %get3A_697, %get3A_649 : vector<16xi1>, vector<16xf32>
          %swap3A_1234 = arith.index_cast %add3A_1232 : i32 to index
          %swap3A_1235 = tpu.vector_load %arg8[%swap3A_1234] {strides = array<i32>} : memref<98304xf32, #tpu.memory_space<vmem>>, vector<16xf32>,
          %swap3A_1236 = vector.shape_cast %swap3A_1235 : vector<16xf32> to vector<16xf32>
          %swap3A_1237 = vector.shape_cast %select_n3A_1233 : vector<16xf32> to vector<16xf32>
          tpu.vector_store %arg8[%swap3A_1234], %swap3A_1237 {strides = array<i32>} : memref<98304xf32, #tpu.memory_space<vmem>>, vector<16xf32>,
          %add3A_1238 = arith.constant 16384 : i32
          %add3A_1239 = arith.addi %add3A_1201, %add3A_1238 : i32
          %add3A_1240 = arith.constant 512 : i32
          %add3A_1241 = arith.addi %add3A_1239, %add3A_1240 : i32
          %select_n3A_1242 = arith.select %eq3A_1155, %get3A_700, %get3A_652 : vector<16xi1>, vector<16xf32>
          %swap3A_1243 = arith.index_cast %add3A_1241 : i32 to index
          %swap3A_1244 = tpu.vector_load %arg8[%swap3A_1243] {strides = array<i32>} : memref<98304xf32, #tpu.memory_space<vmem>>, vector<16xf32>,
          %swap3A_1245 = vector.shape_cast %swap3A_1244 : vector<16xf32> to vector<16xf32>
          %swap3A_1246 = vector.shape_cast %select_n3A_1242 : vector<16xf32> to vector<16xf32>
          tpu.vector_store %arg8[%swap3A_1243], %swap3A_1246 {strides = array<i32>} : memref<98304xf32, #tpu.memory_space<vmem>>, vector<16xf32>,
          %add3A_1247 = arith.constant 16384 : i32
          %add3A_1248 = arith.addi %add3A_1201, %add3A_1247 : i32
          %add3A_1249 = arith.constant 640 : i32
          %add3A_1250 = arith.addi %add3A_1248, %add3A_1249 : i32
          %select_n3A_1251 = arith.select %eq3A_1155, %get3A_703, %get3A_655 : vector<16xi1>, vector<16xf32>
          %swap3A_1252 = arith.index_cast %add3A_1250 : i32 to index
          %swap3A_1253 = tpu.vector_load %arg8[%swap3A_1252] {strides = array<i32>} : memref<98304xf32, #tpu.memory_space<vmem>>, vector<16xf32>,
          %swap3A_1254 = vector.shape_cast %swap3A_1253 : vector<16xf32> to vector<16xf32>
          %swap3A_1255 = vector.shape_cast %select_n3A_1251 : vector<16xf32> to vector<16xf32>
          tpu.vector_store %arg8[%swap3A_1252], %swap3A_1255 {strides = array<i32>} : memref<98304xf32, #tpu.memory_space<vmem>>, vector<16xf32>,
          %add3A_1256 = arith.constant 16384 : i32
          %add3A_1257 = arith.addi %add3A_1201, %add3A_1256 : i32
          %add3A_1258 = arith.constant 768 : i32
          %add3A_1259 = arith.addi %add3A_1257, %add3A_1258 : i32
          %select_n3A_1260 = arith.select %eq3A_1155, %get3A_706, %get3A_658 : vector<16xi1>, vector<16xf32>
          %swap3A_1261 = arith.index_cast %add3A_1259 : i32 to index
          %swap3A_1262 = tpu.vector_load %arg8[%swap3A_1261] {strides = array<i32>} : memref<98304xf32, #tpu.memory_space<vmem>>, vector<16xf32>,
          %swap3A_1263 = vector.shape_cast %swap3A_1262 : vector<16xf32> to vector<16xf32>
          %swap3A_1264 = vector.shape_cast %select_n3A_1260 : vector<16xf32> to vector<16xf32>
          tpu.vector_store %arg8[%swap3A_1261], %swap3A_1264 {strides = array<i32>} : memref<98304xf32, #tpu.memory_space<vmem>>, vector<16xf32>,
          %add3A_1265 = arith.constant 16384 : i32
          %add3A_1266 = arith.addi %add3A_1201, %add3A_1265 : i32
          %add3A_1267 = arith.constant 896 : i32
          %add3A_1268 = arith.addi %add3A_1266, %add3A_1267 : i32
          %select_n3A_1269 = arith.select %eq3A_1155, %get3A_709, %get3A_661 : vector<16xi1>, vector<16xf32>
          %swap3A_1270 = arith.index_cast %add3A_1268 : i32 to index
          %swap3A_1271 = tpu.vector_load %arg8[%swap3A_1270] {strides = array<i32>} : memref<98304xf32, #tpu.memory_space<vmem>>, vector<16xf32>,
          %swap3A_1272 = vector.shape_cast %swap3A_1271 : vector<16xf32> to vector<16xf32>
          %swap3A_1273 = vector.shape_cast %select_n3A_1269 : vector<16xf32> to vector<16xf32>
          tpu.vector_store %arg8[%swap3A_1270], %swap3A_1273 {strides = array<i32>} : memref<98304xf32, #tpu.memory_space<vmem>>, vector<16xf32>,
          %add3A_1274 = arith.constant 24576 : i32
          %add3A_1275 = arith.addi %add3A_1201, %add3A_1274 : i32
          %add3A_1276 = arith.constant 0 : i32
          %add3A_1277 = arith.addi %add3A_1275, %add3A_1276 : i32
          %select_n3A_1278 = arith.select %eq3A_1155, %get3A_712, %get3A_664 : vector<16xi1>, vector<16xf32>
          %swap3A_1279 = arith.index_cast %add3A_1277 : i32 to index
          %swap3A_1280 = tpu.vector_load %arg8[%swap3A_1279] {strides = array<i32>} : memref<98304xf32, #tpu.memory_space<vmem>>, vector<16xf32>,
          %swap3A_1281 = vector.shape_cast %swap3A_1280 : vector<16xf32> to vector<16xf32>
          %swap3A_1282 = vector.shape_cast %select_n3A_1278 : vector<16xf32> to vector<16xf32>
          tpu.vector_store %arg8[%swap3A_1279], %swap3A_1282 {strides = array<i32>} : memref<98304xf32, #tpu.memory_space<vmem>>, vector<16xf32>,
          %add3A_1283 = arith.constant 24576 : i32
          %add3A_1284 = arith.addi %add3A_1201, %add3A_1283 : i32
          %add3A_1285 = arith.constant 128 : i32
          %add3A_1286 = arith.addi %add3A_1284, %add3A_1285 : i32
          %select_n3A_1287 = arith.select %eq3A_1155, %get3A_715, %get3A_667 : vector<16xi1>, vector<16xf32>
          %swap3A_1288 = arith.index_cast %add3A_1286 : i32 to index
          %swap3A_1289 = tpu.vector_load %arg8[%swap3A_1288] {strides = array<i32>} : memref<98304xf32, #tpu.memory_space<vmem>>, vector<16xf32>,
          %swap3A_1290 = vector.shape_cast %swap3A_1289 : vector<16xf32> to vector<16xf32>
          %swap3A_1291 = vector.shape_cast %select_n3A_1287 : vector<16xf32> to vector<16xf32>
          tpu.vector_store %arg8[%swap3A_1288], %swap3A_1291 {strides = array<i32>} : memref<98304xf32, #tpu.memory_space<vmem>>, vector<16xf32>,
          %add3A_1292 = arith.constant 24576 : i32
          %add3A_1293 = arith.addi %add3A_1201, %add3A_1292 : i32
          %add3A_1294 = arith.constant 256 : i32
          %add3A_1295 = arith.addi %add3A_1293, %add3A_1294 : i32
          %select_n3A_1296 = arith.select %eq3A_1155, %get3A_718, %get3A_670 : vector<16xi1>, vector<16xf32>
          %swap3A_1297 = arith.index_cast %add3A_1295 : i32 to index
          %swap3A_1298 = tpu.vector_load %arg8[%swap3A_1297] {strides = array<i32>} : memref<98304xf32, #tpu.memory_space<vmem>>, vector<16xf32>,
          %swap3A_1299 = vector.shape_cast %swap3A_1298 : vector<16xf32> to vector<16xf32>
          %swap3A_1300 = vector.shape_cast %select_n3A_1296 : vector<16xf32> to vector<16xf32>
          tpu.vector_store %arg8[%swap3A_1297], %swap3A_1300 {strides = array<i32>} : memref<98304xf32, #tpu.memory_space<vmem>>, vector<16xf32>,
          %add3A_1301 = arith.constant 24576 : i32
          %add3A_1302 = arith.addi %add3A_1201, %add3A_1301 : i32
          %add3A_1303 = arith.constant 384 : i32
          %add3A_1304 = arith.addi %add3A_1302, %add3A_1303 : i32
          %select_n3A_1305 = arith.select %eq3A_1155, %get3A_721, %get3A_673 : vector<16xi1>, vector<16xf32>
          %swap3A_1306 = arith.index_cast %add3A_1304 : i32 to index
          %swap3A_1307 = tpu.vector_load %arg8[%swap3A_1306] {strides = array<i32>} : memref<98304xf32, #tpu.memory_space<vmem>>, vector<16xf32>,
          %swap3A_1308 = vector.shape_cast %swap3A_1307 : vector<16xf32> to vector<16xf32>
          %swap3A_1309 = vector.shape_cast %select_n3A_1305 : vector<16xf32> to vector<16xf32>
          tpu.vector_store %arg8[%swap3A_1306], %swap3A_1309 {strides = array<i32>} : memref<98304xf32, #tpu.memory_space<vmem>>, vector<16xf32>,
          %add3A_1310 = arith.constant 24576 : i32
          %add3A_1311 = arith.addi %add3A_1201, %add3A_1310 : i32
          %add3A_1312 = arith.constant 512 : i32
          %add3A_1313 = arith.addi %add3A_1311, %add3A_1312 : i32
          %select_n3A_1314 = arith.select %eq3A_1155, %get3A_724, %get3A_676 : vector<16xi1>, vector<16xf32>
          %swap3A_1315 = arith.index_cast %add3A_1313 : i32 to index
          %swap3A_1316 = tpu.vector_load %arg8[%swap3A_1315] {strides = array<i32>} : memref<98304xf32, #tpu.memory_space<vmem>>, vector<16xf32>,
          %swap3A_1317 = vector.shape_cast %swap3A_1316 : vector<16xf32> to vector<16xf32>
          %swap3A_1318 = vector.shape_cast %select_n3A_1314 : vector<16xf32> to vector<16xf32>
          tpu.vector_store %arg8[%swap3A_1315], %swap3A_1318 {strides = array<i32>} : memref<98304xf32, #tpu.memory_space<vmem>>, vector<16xf32>,
          %add3A_1319 = arith.constant 24576 : i32
          %add3A_1320 = arith.addi %add3A_1201, %add3A_1319 : i32
          %add3A_1321 = arith.constant 640 : i32
          %add3A_1322 = arith.addi %add3A_1320, %add3A_1321 : i32
          %select_n3A_1323 = arith.select %eq3A_1155, %get3A_727, %get3A_679 : vector<16xi1>, vector<16xf32>
          %swap3A_1324 = arith.index_cast %add3A_1322 : i32 to index
          %swap3A_1325 = tpu.vector_load %arg8[%swap3A_1324] {strides = array<i32>} : memref<98304xf32, #tpu.memory_space<vmem>>, vector<16xf32>,
          %swap3A_1326 = vector.shape_cast %swap3A_1325 : vector<16xf32> to vector<16xf32>
          %swap3A_1327 = vector.shape_cast %select_n3A_1323 : vector<16xf32> to vector<16xf32>
          tpu.vector_store %arg8[%swap3A_1324], %swap3A_1327 {strides = array<i32>} : memref<98304xf32, #tpu.memory_space<vmem>>, vector<16xf32>,
          %add3A_1328 = arith.constant 24576 : i32
          %add3A_1329 = arith.addi %add3A_1201, %add3A_1328 : i32
          %add3A_1330 = arith.constant 768 : i32
          %add3A_1331 = arith.addi %add3A_1329, %add3A_1330 : i32
          %select_n3A_1332 = arith.select %eq3A_1155, %get3A_730, %get3A_682 : vector<16xi1>, vector<16xf32>
          %swap3A_1333 = arith.index_cast %add3A_1331 : i32 to index
          %swap3A_1334 = tpu.vector_load %arg8[%swap3A_1333] {strides = array<i32>} : memref<98304xf32, #tpu.memory_space<vmem>>, vector<16xf32>,
          %swap3A_1335 = vector.shape_cast %swap3A_1334 : vector<16xf32> to vector<16xf32>
          %swap3A_1336 = vector.shape_cast %select_n3A_1332 : vector<16xf32> to vector<16xf32>
          tpu.vector_store %arg8[%swap3A_1333], %swap3A_1336 {strides = array<i32>} : memref<98304xf32, #tpu.memory_space<vmem>>, vector<16xf32>,
          %add3A_1337 = arith.constant 24576 : i32
          %add3A_1338 = arith.addi %add3A_1201, %add3A_1337 : i32
          %add3A_1339 = arith.constant 896 : i32
          %add3A_1340 = arith.addi %add3A_1338, %add3A_1339 : i32
          %select_n3A_1341 = arith.select %eq3A_1155, %get3A_733, %get3A_685 : vector<16xi1>, vector<16xf32>
          %swap3A_1342 = arith.index_cast %add3A_1340 : i32 to index
          %swap3A_1343 = tpu.vector_load %arg8[%swap3A_1342] {strides = array<i32>} : memref<98304xf32, #tpu.memory_space<vmem>>, vector<16xf32>,
          %swap3A_1344 = vector.shape_cast %swap3A_1343 : vector<16xf32> to vector<16xf32>
          %swap3A_1345 = vector.shape_cast %select_n3A_1341 : vector<16xf32> to vector<16xf32>
          tpu.vector_store %arg8[%swap3A_1342], %swap3A_1345 {strides = array<i32>} : memref<98304xf32, #tpu.memory_space<vmem>>, vector<16xf32>,
          %scan3A_1346 = arith.constant 3 : i32
          %scan3A_1347 = arith.addi %scan3A_747, %scan3A_1346 : i32
          %mul3A_1348 = arith.constant 16 : i32
          %mul3A_1349 = arith.muli %scan3A_1347, %mul3A_1348 : i32
          %add3A_1350 = arith.addi %mul3A_504, %mul3A_1349 : i32
          %get3A_1351 = arith.index_cast %add3A_1350 : i32 to index
          %get3A_1352 = tpu.vector_load %arg5[%get3A_1351] {strides = array<i32>} : memref<2048xi32, #tpu.memory_space<vmem>>, vector<16xi32>,
          %get3A_1353 = vector.shape_cast %get3A_1352 : vector<16xi32> to vector<16xi32>
          %eq3A_1354 = vector.broadcast %select_n3A_532 : i32 to vector<16xi32>
          %eq3A_1355 = arith.cmpi eq, %get3A_1353, %eq3A_1354 : vector<16xi32>
          %jit3A_1356 = arith.constant 8 : i32
          %div3A_1357 = arith.divsi %scan3A_1347, %jit3A_1356 : i32
          %sign3A_1358 = arith.constant 0 : i32
          %sign3A_1359 = arith.cmpi sgt, %scan3A_1347, %sign3A_1358 : i32
          %sign3A_1360 = arith.extui %sign3A_1359 : i1 to i32
          %sign3A_1361 = arith.constant 0 : i32
          %sign3A_1362 = arith.cmpi slt, %scan3A_1347, %sign3A_1361 : i32
          %sign3A_1363 = arith.extui %sign3A_1362 : i1 to i32
          %sign3A_1364 = arith.subi %sign3A_1360, %sign3A_1363 : i32
          %sign3A_1365 = arith.constant 0 : i32
          %sign3A_1366 = arith.cmpi sgt, %jit3A_1356, %sign3A_1365 : i32
          %sign3A_1367 = arith.extui %sign3A_1366 : i1 to i32
          %sign3A_1368 = arith.constant 0 : i32
          %sign3A_1369 = arith.cmpi slt, %jit3A_1356, %sign3A_1368 : i32
          %sign3A_1370 = arith.extui %sign3A_1369 : i1 to i32
          %sign3A_1371 = arith.subi %sign3A_1367, %sign3A_1370 : i32
          %ne3A_1372 = arith.cmpi ne, %sign3A_1364, %sign3A_1371 : i32
          %rem3A_1373 = arith.remsi %scan3A_1347, %jit3A_1356 : i32
          %ne3A_1374 = arith.constant 0 : i32
          %ne3A_1375 = arith.cmpi ne, %rem3A_1373, %ne3A_1374 : i32
          %and3A_1376 = arith.andi %ne3A_1372, %ne3A_1375 : i1
          %sub3A_1377 = arith.constant 1 : i32
          %sub3A_1378 = arith.subi %div3A_1357, %sub3A_1377 : i32
          %select_n3A_1379 = arith.select %and3A_1376, %sub3A_1378, %div3A_1357 : i32
          %mul3A_1380 = arith.constant 1024 : i32
          %mul3A_1381 = arith.muli %select_n3A_1379, %mul3A_1380 : i32
          %add3A_1382 = arith.addi %mul3A_536, %mul3A_1381 : i32
          %jit3A_1383 = arith.constant 8 : i32
          %eq3A_1384 = arith.constant 0 : i32
          %eq3A_1385 = arith.cmpi eq, %jit3A_1383, %eq3A_1384 : i32
          %jit3A_1386 = arith.constant 1 : i32
          %select_n3A_1387 = arith.select %eq3A_1385, %jit3A_1386, %jit3A_1383 : i32
          %rem3A_1388 = arith.remsi %scan3A_1347, %select_n3A_1387 : i32
          %ne3A_1389 = arith.constant 0 : i32
          %ne3A_1390 = arith.cmpi ne, %rem3A_1388, %ne3A_1389 : i32
          %lt3A_1391 = arith.constant 0 : i32
          %lt3A_1392 = arith.cmpi slt, %rem3A_1388, %lt3A_1391 : i32
          %lt3A_1393 = arith.constant 0 : i32
          %lt3A_1394 = arith.cmpi slt, %select_n3A_1387, %lt3A_1393 : i32
          %ne3A_1395 = arith.xori %lt3A_1392, %lt3A_1394 : i1
          %and3A_1396 = arith.andi %ne3A_1395, %ne3A_1390 : i1
          %add3A_1397 = arith.addi %rem3A_1388, %select_n3A_1387 : i32
          %select_n3A_1398 = arith.select %and3A_1396, %add3A_1397, %rem3A_1388 : i32
          %mul3A_1399 = arith.constant 16 : i32
          %mul3A_1400 = arith.muli %select_n3A_1398, %mul3A_1399 : i32
          %add3A_1401 = arith.addi %add3A_1382, %mul3A_1400 : i32
          %add3A_1402 = arith.constant 16384 : i32
          %add3A_1403 = arith.addi %add3A_1401, %add3A_1402 : i32
          %add3A_1404 = arith.constant 0 : i32
          %add3A_1405 = arith.addi %add3A_1403, %add3A_1404 : i32
          %select_n3A_1406 = arith.select %eq3A_1355, %get3A_688, %get3A_640 : vector<16xi1>, vector<16xf32>
          %swap3A_1407 = arith.index_cast %add3A_1405 : i32 to index
          %swap3A_1408 = tpu.vector_load %arg8[%swap3A_1407] {strides = array<i32>} : memref<98304xf32, #tpu.memory_space<vmem>>, vector<16xf32>,
          %swap3A_1409 = vector.shape_cast %swap3A_1408 : vector<16xf32> to vector<16xf32>
          %swap3A_1410 = vector.shape_cast %select_n3A_1406 : vector<16xf32> to vector<16xf32>
          tpu.vector_store %arg8[%swap3A_1407], %swap3A_1410 {strides = array<i32>} : memref<98304xf32, #tpu.memory_space<vmem>>, vector<16xf32>,
          %add3A_1411 = arith.constant 16384 : i32
          %add3A_1412 = arith.addi %add3A_1401, %add3A_1411 : i32
          %add3A_1413 = arith.constant 128 : i32
          %add3A_1414 = arith.addi %add3A_1412, %add3A_1413 : i32
          %select_n3A_1415 = arith.select %eq3A_1355, %get3A_691, %get3A_643 : vector<16xi1>, vector<16xf32>
          %swap3A_1416 = arith.index_cast %add3A_1414 : i32 to index
          %swap3A_1417 = tpu.vector_load %arg8[%swap3A_1416] {strides = array<i32>} : memref<98304xf32, #tpu.memory_space<vmem>>, vector<16xf32>,
          %swap3A_1418 = vector.shape_cast %swap3A_1417 : vector<16xf32> to vector<16xf32>
          %swap3A_1419 = vector.shape_cast %select_n3A_1415 : vector<16xf32> to vector<16xf32>
          tpu.vector_store %arg8[%swap3A_1416], %swap3A_1419 {strides = array<i32>} : memref<98304xf32, #tpu.memory_space<vmem>>, vector<16xf32>,
          %add3A_1420 = arith.constant 16384 : i32
          %add3A_1421 = arith.addi %add3A_1401, %add3A_1420 : i32
          %add3A_1422 = arith.constant 256 : i32
          %add3A_1423 = arith.addi %add3A_1421, %add3A_1422 : i32
          %select_n3A_1424 = arith.select %eq3A_1355, %get3A_694, %get3A_646 : vector<16xi1>, vector<16xf32>
          %swap3A_1425 = arith.index_cast %add3A_1423 : i32 to index
          %swap3A_1426 = tpu.vector_load %arg8[%swap3A_1425] {strides = array<i32>} : memref<98304xf32, #tpu.memory_space<vmem>>, vector<16xf32>,
          %swap3A_1427 = vector.shape_cast %swap3A_1426 : vector<16xf32> to vector<16xf32>
          %swap3A_1428 = vector.shape_cast %select_n3A_1424 : vector<16xf32> to vector<16xf32>
          tpu.vector_store %arg8[%swap3A_1425], %swap3A_1428 {strides = array<i32>} : memref<98304xf32, #tpu.memory_space<vmem>>, vector<16xf32>,
          %add3A_1429 = arith.constant 16384 : i32
          %add3A_1430 = arith.addi %add3A_1401, %add3A_1429 : i32
          %add3A_1431 = arith.constant 384 : i32
          %add3A_1432 = arith.addi %add3A_1430, %add3A_1431 : i32
          %select_n3A_1433 = arith.select %eq3A_1355, %get3A_697, %get3A_649 : vector<16xi1>, vector<16xf32>
          %swap3A_1434 = arith.index_cast %add3A_1432 : i32 to index
          %swap3A_1435 = tpu.vector_load %arg8[%swap3A_1434] {strides = array<i32>} : memref<98304xf32, #tpu.memory_space<vmem>>, vector<16xf32>,
          %swap3A_1436 = vector.shape_cast %swap3A_1435 : vector<16xf32> to vector<16xf32>
          %swap3A_1437 = vector.shape_cast %select_n3A_1433 : vector<16xf32> to vector<16xf32>
          tpu.vector_store %arg8[%swap3A_1434], %swap3A_1437 {strides = array<i32>} : memref<98304xf32, #tpu.memory_space<vmem>>, vector<16xf32>,
          %add3A_1438 = arith.constant 16384 : i32
          %add3A_1439 = arith.addi %add3A_1401, %add3A_1438 : i32
          %add3A_1440 = arith.constant 512 : i32
          %add3A_1441 = arith.addi %add3A_1439, %add3A_1440 : i32
          %select_n3A_1442 = arith.select %eq3A_1355, %get3A_700, %get3A_652 : vector<16xi1>, vector<16xf32>
          %swap3A_1443 = arith.index_cast %add3A_1441 : i32 to index
          %swap3A_1444 = tpu.vector_load %arg8[%swap3A_1443] {strides = array<i32>} : memref<98304xf32, #tpu.memory_space<vmem>>, vector<16xf32>,
          %swap3A_1445 = vector.shape_cast %swap3A_1444 : vector<16xf32> to vector<16xf32>
          %swap3A_1446 = vector.shape_cast %select_n3A_1442 : vector<16xf32> to vector<16xf32>
          tpu.vector_store %arg8[%swap3A_1443], %swap3A_1446 {strides = array<i32>} : memref<98304xf32, #tpu.memory_space<vmem>>, vector<16xf32>,
          %add3A_1447 = arith.constant 16384 : i32
          %add3A_1448 = arith.addi %add3A_1401, %add3A_1447 : i32
          %add3A_1449 = arith.constant 640 : i32
          %add3A_1450 = arith.addi %add3A_1448, %add3A_1449 : i32
          %select_n3A_1451 = arith.select %eq3A_1355, %get3A_703, %get3A_655 : vector<16xi1>, vector<16xf32>
          %swap3A_1452 = arith.index_cast %add3A_1450 : i32 to index
          %swap3A_1453 = tpu.vector_load %arg8[%swap3A_1452] {strides = array<i32>} : memref<98304xf32, #tpu.memory_space<vmem>>, vector<16xf32>,
          %swap3A_1454 = vector.shape_cast %swap3A_1453 : vector<16xf32> to vector<16xf32>
          %swap3A_1455 = vector.shape_cast %select_n3A_1451 : vector<16xf32> to vector<16xf32>
          tpu.vector_store %arg8[%swap3A_1452], %swap3A_1455 {strides = array<i32>} : memref<98304xf32, #tpu.memory_space<vmem>>, vector<16xf32>,
          %add3A_1456 = arith.constant 16384 : i32
          %add3A_1457 = arith.addi %add3A_1401, %add3A_1456 : i32
          %add3A_1458 = arith.constant 768 : i32
          %add3A_1459 = arith.addi %add3A_1457, %add3A_1458 : i32
          %select_n3A_1460 = arith.select %eq3A_1355, %get3A_706, %get3A_658 : vector<16xi1>, vector<16xf32>
          %swap3A_1461 = arith.index_cast %add3A_1459 : i32 to index
          %swap3A_1462 = tpu.vector_load %arg8[%swap3A_1461] {strides = array<i32>} : memref<98304xf32, #tpu.memory_space<vmem>>, vector<16xf32>,
          %swap3A_1463 = vector.shape_cast %swap3A_1462 : vector<16xf32> to vector<16xf32>
          %swap3A_1464 = vector.shape_cast %select_n3A_1460 : vector<16xf32> to vector<16xf32>
          tpu.vector_store %arg8[%swap3A_1461], %swap3A_1464 {strides = array<i32>} : memref<98304xf32, #tpu.memory_space<vmem>>, vector<16xf32>,
          %add3A_1465 = arith.constant 16384 : i32
          %add3A_1466 = arith.addi %add3A_1401, %add3A_1465 : i32
          %add3A_1467 = arith.constant 896 : i32
          %add3A_1468 = arith.addi %add3A_1466, %add3A_1467 : i32
          %select_n3A_1469 = arith.select %eq3A_1355, %get3A_709, %get3A_661 : vector<16xi1>, vector<16xf32>
          %swap3A_1470 = arith.index_cast %add3A_1468 : i32 to index
          %swap3A_1471 = tpu.vector_load %arg8[%swap3A_1470] {strides = array<i32>} : memref<98304xf32, #tpu.memory_space<vmem>>, vector<16xf32>,
          %swap3A_1472 = vector.shape_cast %swap3A_1471 : vector<16xf32> to vector<16xf32>
          %swap3A_1473 = vector.shape_cast %select_n3A_1469 : vector<16xf32> to vector<16xf32>
          tpu.vector_store %arg8[%swap3A_1470], %swap3A_1473 {strides = array<i32>} : memref<98304xf32, #tpu.memory_space<vmem>>, vector<16xf32>,
          %add3A_1474 = arith.constant 24576 : i32
          %add3A_1475 = arith.addi %add3A_1401, %add3A_1474 : i32
          %add3A_1476 = arith.constant 0 : i32
          %add3A_1477 = arith.addi %add3A_1475, %add3A_1476 : i32
          %select_n3A_1478 = arith.select %eq3A_1355, %get3A_712, %get3A_664 : vector<16xi1>, vector<16xf32>
          %swap3A_1479 = arith.index_cast %add3A_1477 : i32 to index
          %swap3A_1480 = tpu.vector_load %arg8[%swap3A_1479] {strides = array<i32>} : memref<98304xf32, #tpu.memory_space<vmem>>, vector<16xf32>,
          %swap3A_1481 = vector.shape_cast %swap3A_1480 : vector<16xf32> to vector<16xf32>
          %swap3A_1482 = vector.shape_cast %select_n3A_1478 : vector<16xf32> to vector<16xf32>
          tpu.vector_store %arg8[%swap3A_1479], %swap3A_1482 {strides = array<i32>} : memref<98304xf32, #tpu.memory_space<vmem>>, vector<16xf32>,
          %add3A_1483 = arith.constant 24576 : i32
          %add3A_1484 = arith.addi %add3A_1401, %add3A_1483 : i32
          %add3A_1485 = arith.constant 128 : i32
          %add3A_1486 = arith.addi %add3A_1484, %add3A_1485 : i32
          %select_n3A_1487 = arith.select %eq3A_1355, %get3A_715, %get3A_667 : vector<16xi1>, vector<16xf32>
          %swap3A_1488 = arith.index_cast %add3A_1486 : i32 to index
          %swap3A_1489 = tpu.vector_load %arg8[%swap3A_1488] {strides = array<i32>} : memref<98304xf32, #tpu.memory_space<vmem>>, vector<16xf32>,
          %swap3A_1490 = vector.shape_cast %swap3A_1489 : vector<16xf32> to vector<16xf32>
          %swap3A_1491 = vector.shape_cast %select_n3A_1487 : vector<16xf32> to vector<16xf32>
          tpu.vector_store %arg8[%swap3A_1488], %swap3A_1491 {strides = array<i32>} : memref<98304xf32, #tpu.memory_space<vmem>>, vector<16xf32>,
          %add3A_1492 = arith.constant 24576 : i32
          %add3A_1493 = arith.addi %add3A_1401, %add3A_1492 : i32
          %add3A_1494 = arith.constant 256 : i32
          %add3A_1495 = arith.addi %add3A_1493, %add3A_1494 : i32
          %select_n3A_1496 = arith.select %eq3A_1355, %get3A_718, %get3A_670 : vector<16xi1>, vector<16xf32>
          %swap3A_1497 = arith.index_cast %add3A_1495 : i32 to index
          %swap3A_1498 = tpu.vector_load %arg8[%swap3A_1497] {strides = array<i32>} : memref<98304xf32, #tpu.memory_space<vmem>>, vector<16xf32>,
          %swap3A_1499 = vector.shape_cast %swap3A_1498 : vector<16xf32> to vector<16xf32>
          %swap3A_1500 = vector.shape_cast %select_n3A_1496 : vector<16xf32> to vector<16xf32>
          tpu.vector_store %arg8[%swap3A_1497], %swap3A_1500 {strides = array<i32>} : memref<98304xf32, #tpu.memory_space<vmem>>, vector<16xf32>,
          %add3A_1501 = arith.constant 24576 : i32
          %add3A_1502 = arith.addi %add3A_1401, %add3A_1501 : i32
          %add3A_1503 = arith.constant 384 : i32
          %add3A_1504 = arith.addi %add3A_1502, %add3A_1503 : i32
          %select_n3A_1505 = arith.select %eq3A_1355, %get3A_721, %get3A_673 : vector<16xi1>, vector<16xf32>
          %swap3A_1506 = arith.index_cast %add3A_1504 : i32 to index
          %swap3A_1507 = tpu.vector_load %arg8[%swap3A_1506] {strides = array<i32>} : memref<98304xf32, #tpu.memory_space<vmem>>, vector<16xf32>,
          %swap3A_1508 = vector.shape_cast %swap3A_1507 : vector<16xf32> to vector<16xf32>
          %swap3A_1509 = vector.shape_cast %select_n3A_1505 : vector<16xf32> to vector<16xf32>
          tpu.vector_store %arg8[%swap3A_1506], %swap3A_1509 {strides = array<i32>} : memref<98304xf32, #tpu.memory_space<vmem>>, vector<16xf32>,
          %add3A_1510 = arith.constant 24576 : i32
          %add3A_1511 = arith.addi %add3A_1401, %add3A_1510 : i32
          %add3A_1512 = arith.constant 512 : i32
          %add3A_1513 = arith.addi %add3A_1511, %add3A_1512 : i32
          %select_n3A_1514 = arith.select %eq3A_1355, %get3A_724, %get3A_676 : vector<16xi1>, vector<16xf32>
          %swap3A_1515 = arith.index_cast %add3A_1513 : i32 to index
          %swap3A_1516 = tpu.vector_load %arg8[%swap3A_1515] {strides = array<i32>} : memref<98304xf32, #tpu.memory_space<vmem>>, vector<16xf32>,
          %swap3A_1517 = vector.shape_cast %swap3A_1516 : vector<16xf32> to vector<16xf32>
          %swap3A_1518 = vector.shape_cast %select_n3A_1514 : vector<16xf32> to vector<16xf32>
          tpu.vector_store %arg8[%swap3A_1515], %swap3A_1518 {strides = array<i32>} : memref<98304xf32, #tpu.memory_space<vmem>>, vector<16xf32>,
          %add3A_1519 = arith.constant 24576 : i32
          %add3A_1520 = arith.addi %add3A_1401, %add3A_1519 : i32
          %add3A_1521 = arith.constant 640 : i32
          %add3A_1522 = arith.addi %add3A_1520, %add3A_1521 : i32
          %select_n3A_1523 = arith.select %eq3A_1355, %get3A_727, %get3A_679 : vector<16xi1>, vector<16xf32>
          %swap3A_1524 = arith.index_cast %add3A_1522 : i32 to index
          %swap3A_1525 = tpu.vector_load %arg8[%swap3A_1524] {strides = array<i32>} : memref<98304xf32, #tpu.memory_space<vmem>>, vector<16xf32>,
          %swap3A_1526 = vector.shape_cast %swap3A_1525 : vector<16xf32> to vector<16xf32>
          %swap3A_1527 = vector.shape_cast %select_n3A_1523 : vector<16xf32> to vector<16xf32>
          tpu.vector_store %arg8[%swap3A_1524], %swap3A_1527 {strides = array<i32>} : memref<98304xf32, #tpu.memory_space<vmem>>, vector<16xf32>,
          %add3A_1528 = arith.constant 24576 : i32
          %add3A_1529 = arith.addi %add3A_1401, %add3A_1528 : i32
          %add3A_1530 = arith.constant 768 : i32
          %add3A_1531 = arith.addi %add3A_1529, %add3A_1530 : i32
          %select_n3A_1532 = arith.select %eq3A_1355, %get3A_730, %get3A_682 : vector<16xi1>, vector<16xf32>
          %swap3A_1533 = arith.index_cast %add3A_1531 : i32 to index
          %swap3A_1534 = tpu.vector_load %arg8[%swap3A_1533] {strides = array<i32>} : memref<98304xf32, #tpu.memory_space<vmem>>, vector<16xf32>,
          %swap3A_1535 = vector.shape_cast %swap3A_1534 : vector<16xf32> to vector<16xf32>
          %swap3A_1536 = vector.shape_cast %select_n3A_1532 : vector<16xf32> to vector<16xf32>
          tpu.vector_store %arg8[%swap3A_1533], %swap3A_1536 {strides = array<i32>} : memref<98304xf32, #tpu.memory_space<vmem>>, vector<16xf32>,
          %add3A_1537 = arith.constant 24576 : i32
          %add3A_1538 = arith.addi %add3A_1401, %add3A_1537 : i32
          %add3A_1539 = arith.constant 896 : i32
          %add3A_1540 = arith.addi %add3A_1538, %add3A_1539 : i32
          %select_n3A_1541 = arith.select %eq3A_1355, %get3A_733, %get3A_685 : vector<16xi1>, vector<16xf32>
          %swap3A_1542 = arith.index_cast %add3A_1540 : i32 to index
          %swap3A_1543 = tpu.vector_load %arg8[%swap3A_1542] {strides = array<i32>} : memref<98304xf32, #tpu.memory_space<vmem>>, vector<16xf32>,
          %swap3A_1544 = vector.shape_cast %swap3A_1543 : vector<16xf32> to vector<16xf32>
          %swap3A_1545 = vector.shape_cast %select_n3A_1541 : vector<16xf32> to vector<16xf32>
          tpu.vector_store %arg8[%swap3A_1542], %swap3A_1545 {strides = array<i32>} : memref<98304xf32, #tpu.memory_space<vmem>>, vector<16xf32>,
          %scan3A_1546 = arith.constant 4 : i32
          %scan3A_1547 = arith.addi %scan3A_747, %scan3A_1546 : i32
          %mul3A_1548 = arith.constant 16 : i32
          %mul3A_1549 = arith.muli %scan3A_1547, %mul3A_1548 : i32
          %add3A_1550 = arith.addi %mul3A_504, %mul3A_1549 : i32
          %get3A_1551 = arith.index_cast %add3A_1550 : i32 to index
          %get3A_1552 = tpu.vector_load %arg5[%get3A_1551] {strides = array<i32>} : memref<2048xi32, #tpu.memory_space<vmem>>, vector<16xi32>,
          %get3A_1553 = vector.shape_cast %get3A_1552 : vector<16xi32> to vector<16xi32>
          %eq3A_1554 = vector.broadcast %select_n3A_532 : i32 to vector<16xi32>
          %eq3A_1555 = arith.cmpi eq, %get3A_1553, %eq3A_1554 : vector<16xi32>
          %jit3A_1556 = arith.constant 8 : i32
          %div3A_1557 = arith.divsi %scan3A_1547, %jit3A_1556 : i32
          %sign3A_1558 = arith.constant 0 : i32
          %sign3A_1559 = arith.cmpi sgt, %scan3A_1547, %sign3A_1558 : i32
          %sign3A_1560 = arith.extui %sign3A_1559 : i1 to i32
          %sign3A_1561 = arith.constant 0 : i32
          %sign3A_1562 = arith.cmpi slt, %scan3A_1547, %sign3A_1561 : i32
          %sign3A_1563 = arith.extui %sign3A_1562 : i1 to i32
          %sign3A_1564 = arith.subi %sign3A_1560, %sign3A_1563 : i32
          %sign3A_1565 = arith.constant 0 : i32
          %sign3A_1566 = arith.cmpi sgt, %jit3A_1556, %sign3A_1565 : i32
          %sign3A_1567 = arith.extui %sign3A_1566 : i1 to i32
          %sign3A_1568 = arith.constant 0 : i32
          %sign3A_1569 = arith.cmpi slt, %jit3A_1556, %sign3A_1568 : i32
          %sign3A_1570 = arith.extui %sign3A_1569 : i1 to i32
          %sign3A_1571 = arith.subi %sign3A_1567, %sign3A_1570 : i32
          %ne3A_1572 = arith.cmpi ne, %sign3A_1564, %sign3A_1571 : i32
          %rem3A_1573 = arith.remsi %scan3A_1547, %jit3A_1556 : i32
          %ne3A_1574 = arith.constant 0 : i32
          %ne3A_1575 = arith.cmpi ne, %rem3A_1573, %ne3A_1574 : i32
          %and3A_1576 = arith.andi %ne3A_1572, %ne3A_1575 : i1
          %sub3A_1577 = arith.constant 1 : i32
          %sub3A_1578 = arith.subi %div3A_1557, %sub3A_1577 : i32
          %select_n3A_1579 = arith.select %and3A_1576, %sub3A_1578, %div3A_1557 : i32
          %mul3A_1580 = arith.constant 1024 : i32
          %mul3A_1581 = arith.muli %select_n3A_1579, %mul3A_1580 : i32
          %add3A_1582 = arith.addi %mul3A_536, %mul3A_1581 : i32
          %jit3A_1583 = arith.constant 8 : i32
          %eq3A_1584 = arith.constant 0 : i32
          %eq3A_1585 = arith.cmpi eq, %jit3A_1583, %eq3A_1584 : i32
          %jit3A_1586 = arith.constant 1 : i32
          %select_n3A_1587 = arith.select %eq3A_1585, %jit3A_1586, %jit3A_1583 : i32
          %rem3A_1588 = arith.remsi %scan3A_1547, %select_n3A_1587 : i32
          %ne3A_1589 = arith.constant 0 : i32
          %ne3A_1590 = arith.cmpi ne, %rem3A_1588, %ne3A_1589 : i32
          %lt3A_1591 = arith.constant 0 : i32
          %lt3A_1592 = arith.cmpi slt, %rem3A_1588, %lt3A_1591 : i32
          %lt3A_1593 = arith.constant 0 : i32
          %lt3A_1594 = arith.cmpi slt, %select_n3A_1587, %lt3A_1593 : i32
          %ne3A_1595 = arith.xori %lt3A_1592, %lt3A_1594 : i1
          %and3A_1596 = arith.andi %ne3A_1595, %ne3A_1590 : i1
          %add3A_1597 = arith.addi %rem3A_1588, %select_n3A_1587 : i32
          %select_n3A_1598 = arith.select %and3A_1596, %add3A_1597, %rem3A_1588 : i32
          %mul3A_1599 = arith.constant 16 : i32
          %mul3A_1600 = arith.muli %select_n3A_1598, %mul3A_1599 : i32
          %add3A_1601 = arith.addi %add3A_1582, %mul3A_1600 : i32
          %add3A_1602 = arith.constant 16384 : i32
          %add3A_1603 = arith.addi %add3A_1601, %add3A_1602 : i32
          %add3A_1604 = arith.constant 0 : i32
          %add3A_1605 = arith.addi %add3A_1603, %add3A_1604 : i32
          %select_n3A_1606 = arith.select %eq3A_1555, %get3A_688, %get3A_640 : vector<16xi1>, vector<16xf32>
          %swap3A_1607 = arith.index_cast %add3A_1605 : i32 to index
          %swap3A_1608 = tpu.vector_load %arg8[%swap3A_1607] {strides = array<i32>} : memref<98304xf32, #tpu.memory_space<vmem>>, vector<16xf32>,
          %swap3A_1609 = vector.shape_cast %swap3A_1608 : vector<16xf32> to vector<16xf32>
          %swap3A_1610 = vector.shape_cast %select_n3A_1606 : vector<16xf32> to vector<16xf32>
          tpu.vector_store %arg8[%swap3A_1607], %swap3A_1610 {strides = array<i32>} : memref<98304xf32, #tpu.memory_space<vmem>>, vector<16xf32>,
          %add3A_1611 = arith.constant 16384 : i32
          %add3A_1612 = arith.addi %add3A_1601, %add3A_1611 : i32
          %add3A_1613 = arith.constant 128 : i32
          %add3A_1614 = arith.addi %add3A_1612, %add3A_1613 : i32
          %select_n3A_1615 = arith.select %eq3A_1555, %get3A_691, %get3A_643 : vector<16xi1>, vector<16xf32>
          %swap3A_1616 = arith.index_cast %add3A_1614 : i32 to index
          %swap3A_1617 = tpu.vector_load %arg8[%swap3A_1616] {strides = array<i32>} : memref<98304xf32, #tpu.memory_space<vmem>>, vector<16xf32>,
          %swap3A_1618 = vector.shape_cast %swap3A_1617 : vector<16xf32> to vector<16xf32>
          %swap3A_1619 = vector.shape_cast %select_n3A_1615 : vector<16xf32> to vector<16xf32>
          tpu.vector_store %arg8[%swap3A_1616], %swap3A_1619 {strides = array<i32>} : memref<98304xf32, #tpu.memory_space<vmem>>, vector<16xf32>,
          %add3A_1620 = arith.constant 16384 : i32
          %add3A_1621 = arith.addi %add3A_1601, %add3A_1620 : i32
          %add3A_1622 = arith.constant 256 : i32
          %add3A_1623 = arith.addi %add3A_1621, %add3A_1622 : i32
          %select_n3A_1624 = arith.select %eq3A_1555, %get3A_694, %get3A_646 : vector<16xi1>, vector<16xf32>
          %swap3A_1625 = arith.index_cast %add3A_1623 : i32 to index
          %swap3A_1626 = tpu.vector_load %arg8[%swap3A_1625] {strides = array<i32>} : memref<98304xf32, #tpu.memory_space<vmem>>, vector<16xf32>,
          %swap3A_1627 = vector.shape_cast %swap3A_1626 : vector<16xf32> to vector<16xf32>
          %swap3A_1628 = vector.shape_cast %select_n3A_1624 : vector<16xf32> to vector<16xf32>
          tpu.vector_store %arg8[%swap3A_1625], %swap3A_1628 {strides = array<i32>} : memref<98304xf32, #tpu.memory_space<vmem>>, vector<16xf32>,
          %add3A_1629 = arith.constant 16384 : i32
          %add3A_1630 = arith.addi %add3A_1601, %add3A_1629 : i32
          %add3A_1631 = arith.constant 384 : i32
          %add3A_1632 = arith.addi %add3A_1630, %add3A_1631 : i32
          %select_n3A_1633 = arith.select %eq3A_1555, %get3A_697, %get3A_649 : vector<16xi1>, vector<16xf32>
          %swap3A_1634 = arith.index_cast %add3A_1632 : i32 to index
          %swap3A_1635 = tpu.vector_load %arg8[%swap3A_1634] {strides = array<i32>} : memref<98304xf32, #tpu.memory_space<vmem>>, vector<16xf32>,
          %swap3A_1636 = vector.shape_cast %swap3A_1635 : vector<16xf32> to vector<16xf32>
          %swap3A_1637 = vector.shape_cast %select_n3A_1633 : vector<16xf32> to vector<16xf32>
          tpu.vector_store %arg8[%swap3A_1634], %swap3A_1637 {strides = array<i32>} : memref<98304xf32, #tpu.memory_space<vmem>>, vector<16xf32>,
          %add3A_1638 = arith.constant 16384 : i32
          %add3A_1639 = arith.addi %add3A_1601, %add3A_1638 : i32
          %add3A_1640 = arith.constant 512 : i32
          %add3A_1641 = arith.addi %add3A_1639, %add3A_1640 : i32
          %select_n3A_1642 = arith.select %eq3A_1555, %get3A_700, %get3A_652 : vector<16xi1>, vector<16xf32>
          %swap3A_1643 = arith.index_cast %add3A_1641 : i32 to index
          %swap3A_1644 = tpu.vector_load %arg8[%swap3A_1643] {strides = array<i32>} : memref<98304xf32, #tpu.memory_space<vmem>>, vector<16xf32>,
          %swap3A_1645 = vector.shape_cast %swap3A_1644 : vector<16xf32> to vector<16xf32>
          %swap3A_1646 = vector.shape_cast %select_n3A_1642 : vector<16xf32> to vector<16xf32>
          tpu.vector_store %arg8[%swap3A_1643], %swap3A_1646 {strides = array<i32>} : memref<98304xf32, #tpu.memory_space<vmem>>, vector<16xf32>,
          %add3A_1647 = arith.constant 16384 : i32
          %add3A_1648 = arith.addi %add3A_1601, %add3A_1647 : i32
          %add3A_1649 = arith.constant 640 : i32
          %add3A_1650 = arith.addi %add3A_1648, %add3A_1649 : i32
          %select_n3A_1651 = arith.select %eq3A_1555, %get3A_703, %get3A_655 : vector<16xi1>, vector<16xf32>
          %swap3A_1652 = arith.index_cast %add3A_1650 : i32 to index
          %swap3A_1653 = tpu.vector_load %arg8[%swap3A_1652] {strides = array<i32>} : memref<98304xf32, #tpu.memory_space<vmem>>, vector<16xf32>,
          %swap3A_1654 = vector.shape_cast %swap3A_1653 : vector<16xf32> to vector<16xf32>
          %swap3A_1655 = vector.shape_cast %select_n3A_1651 : vector<16xf32> to vector<16xf32>
          tpu.vector_store %arg8[%swap3A_1652], %swap3A_1655 {strides = array<i32>} : memref<98304xf32, #tpu.memory_space<vmem>>, vector<16xf32>,
          %add3A_1656 = arith.constant 16384 : i32
          %add3A_1657 = arith.addi %add3A_1601, %add3A_1656 : i32
          %add3A_1658 = arith.constant 768 : i32
          %add3A_1659 = arith.addi %add3A_1657, %add3A_1658 : i32
          %select_n3A_1660 = arith.select %eq3A_1555, %get3A_706, %get3A_658 : vector<16xi1>, vector<16xf32>
          %swap3A_1661 = arith.index_cast %add3A_1659 : i32 to index
          %swap3A_1662 = tpu.vector_load %arg8[%swap3A_1661] {strides = array<i32>} : memref<98304xf32, #tpu.memory_space<vmem>>, vector<16xf32>,
          %swap3A_1663 = vector.shape_cast %swap3A_1662 : vector<16xf32> to vector<16xf32>
          %swap3A_1664 = vector.shape_cast %select_n3A_1660 : vector<16xf32> to vector<16xf32>
          tpu.vector_store %arg8[%swap3A_1661], %swap3A_1664 {strides = array<i32>} : memref<98304xf32, #tpu.memory_space<vmem>>, vector<16xf32>,
          %add3A_1665 = arith.constant 16384 : i32
          %add3A_1666 = arith.addi %add3A_1601, %add3A_1665 : i32
          %add3A_1667 = arith.constant 896 : i32
          %add3A_1668 = arith.addi %add3A_1666, %add3A_1667 : i32
          %select_n3A_1669 = arith.select %eq3A_1555, %get3A_709, %get3A_661 : vector<16xi1>, vector<16xf32>
          %swap3A_1670 = arith.index_cast %add3A_1668 : i32 to index
          %swap3A_1671 = tpu.vector_load %arg8[%swap3A_1670] {strides = array<i32>} : memref<98304xf32, #tpu.memory_space<vmem>>, vector<16xf32>,
          %swap3A_1672 = vector.shape_cast %swap3A_1671 : vector<16xf32> to vector<16xf32>
          %swap3A_1673 = vector.shape_cast %select_n3A_1669 : vector<16xf32> to vector<16xf32>
          tpu.vector_store %arg8[%swap3A_1670], %swap3A_1673 {strides = array<i32>} : memref<98304xf32, #tpu.memory_space<vmem>>, vector<16xf32>,
          %add3A_1674 = arith.constant 24576 : i32
          %add3A_1675 = arith.addi %add3A_1601, %add3A_1674 : i32
          %add3A_1676 = arith.constant 0 : i32
          %add3A_1677 = arith.addi %add3A_1675, %add3A_1676 : i32
          %select_n3A_1678 = arith.select %eq3A_1555, %get3A_712, %get3A_664 : vector<16xi1>, vector<16xf32>
          %swap3A_1679 = arith.index_cast %add3A_1677 : i32 to index
          %swap3A_1680 = tpu.vector_load %arg8[%swap3A_1679] {strides = array<i32>} : memref<98304xf32, #tpu.memory_space<vmem>>, vector<16xf32>,
          %swap3A_1681 = vector.shape_cast %swap3A_1680 : vector<16xf32> to vector<16xf32>
          %swap3A_1682 = vector.shape_cast %select_n3A_1678 : vector<16xf32> to vector<16xf32>
          tpu.vector_store %arg8[%swap3A_1679], %swap3A_1682 {strides = array<i32>} : memref<98304xf32, #tpu.memory_space<vmem>>, vector<16xf32>,
          %add3A_1683 = arith.constant 24576 : i32
          %add3A_1684 = arith.addi %add3A_1601, %add3A_1683 : i32
          %add3A_1685 = arith.constant 128 : i32
          %add3A_1686 = arith.addi %add3A_1684, %add3A_1685 : i32
          %select_n3A_1687 = arith.select %eq3A_1555, %get3A_715, %get3A_667 : vector<16xi1>, vector<16xf32>
          %swap3A_1688 = arith.index_cast %add3A_1686 : i32 to index
          %swap3A_1689 = tpu.vector_load %arg8[%swap3A_1688] {strides = array<i32>} : memref<98304xf32, #tpu.memory_space<vmem>>, vector<16xf32>,
          %swap3A_1690 = vector.shape_cast %swap3A_1689 : vector<16xf32> to vector<16xf32>
          %swap3A_1691 = vector.shape_cast %select_n3A_1687 : vector<16xf32> to vector<16xf32>
          tpu.vector_store %arg8[%swap3A_1688], %swap3A_1691 {strides = array<i32>} : memref<98304xf32, #tpu.memory_space<vmem>>, vector<16xf32>,
          %add3A_1692 = arith.constant 24576 : i32
          %add3A_1693 = arith.addi %add3A_1601, %add3A_1692 : i32
          %add3A_1694 = arith.constant 256 : i32
          %add3A_1695 = arith.addi %add3A_1693, %add3A_1694 : i32
          %select_n3A_1696 = arith.select %eq3A_1555, %get3A_718, %get3A_670 : vector<16xi1>, vector<16xf32>
          %swap3A_1697 = arith.index_cast %add3A_1695 : i32 to index
          %swap3A_1698 = tpu.vector_load %arg8[%swap3A_1697] {strides = array<i32>} : memref<98304xf32, #tpu.memory_space<vmem>>, vector<16xf32>,
          %swap3A_1699 = vector.shape_cast %swap3A_1698 : vector<16xf32> to vector<16xf32>
          %swap3A_1700 = vector.shape_cast %select_n3A_1696 : vector<16xf32> to vector<16xf32>
          tpu.vector_store %arg8[%swap3A_1697], %swap3A_1700 {strides = array<i32>} : memref<98304xf32, #tpu.memory_space<vmem>>, vector<16xf32>,
          %add3A_1701 = arith.constant 24576 : i32
          %add3A_1702 = arith.addi %add3A_1601, %add3A_1701 : i32
          %add3A_1703 = arith.constant 384 : i32
          %add3A_1704 = arith.addi %add3A_1702, %add3A_1703 : i32
          %select_n3A_1705 = arith.select %eq3A_1555, %get3A_721, %get3A_673 : vector<16xi1>, vector<16xf32>
          %swap3A_1706 = arith.index_cast %add3A_1704 : i32 to index
          %swap3A_1707 = tpu.vector_load %arg8[%swap3A_1706] {strides = array<i32>} : memref<98304xf32, #tpu.memory_space<vmem>>, vector<16xf32>,
          %swap3A_1708 = vector.shape_cast %swap3A_1707 : vector<16xf32> to vector<16xf32>
          %swap3A_1709 = vector.shape_cast %select_n3A_1705 : vector<16xf32> to vector<16xf32>
          tpu.vector_store %arg8[%swap3A_1706], %swap3A_1709 {strides = array<i32>} : memref<98304xf32, #tpu.memory_space<vmem>>, vector<16xf32>,
          %add3A_1710 = arith.constant 24576 : i32
          %add3A_1711 = arith.addi %add3A_1601, %add3A_1710 : i32
          %add3A_1712 = arith.constant 512 : i32
          %add3A_1713 = arith.addi %add3A_1711, %add3A_1712 : i32
          %select_n3A_1714 = arith.select %eq3A_1555, %get3A_724, %get3A_676 : vector<16xi1>, vector<16xf32>
          %swap3A_1715 = arith.index_cast %add3A_1713 : i32 to index
          %swap3A_1716 = tpu.vector_load %arg8[%swap3A_1715] {strides = array<i32>} : memref<98304xf32, #tpu.memory_space<vmem>>, vector<16xf32>,
          %swap3A_1717 = vector.shape_cast %swap3A_1716 : vector<16xf32> to vector<16xf32>
          %swap3A_1718 = vector.shape_cast %select_n3A_1714 : vector<16xf32> to vector<16xf32>
          tpu.vector_store %arg8[%swap3A_1715], %swap3A_1718 {strides = array<i32>} : memref<98304xf32, #tpu.memory_space<vmem>>, vector<16xf32>,
          %add3A_1719 = arith.constant 24576 : i32
          %add3A_1720 = arith.addi %add3A_1601, %add3A_1719 : i32
          %add3A_1721 = arith.constant 640 : i32
          %add3A_1722 = arith.addi %add3A_1720, %add3A_1721 : i32
          %select_n3A_1723 = arith.select %eq3A_1555, %get3A_727, %get3A_679 : vector<16xi1>, vector<16xf32>
          %swap3A_1724 = arith.index_cast %add3A_1722 : i32 to index
          %swap3A_1725 = tpu.vector_load %arg8[%swap3A_1724] {strides = array<i32>} : memref<98304xf32, #tpu.memory_space<vmem>>, vector<16xf32>,
          %swap3A_1726 = vector.shape_cast %swap3A_1725 : vector<16xf32> to vector<16xf32>
          %swap3A_1727 = vector.shape_cast %select_n3A_1723 : vector<16xf32> to vector<16xf32>
          tpu.vector_store %arg8[%swap3A_1724], %swap3A_1727 {strides = array<i32>} : memref<98304xf32, #tpu.memory_space<vmem>>, vector<16xf32>,
          %add3A_1728 = arith.constant 24576 : i32
          %add3A_1729 = arith.addi %add3A_1601, %add3A_1728 : i32
          %add3A_1730 = arith.constant 768 : i32
          %add3A_1731 = arith.addi %add3A_1729, %add3A_1730 : i32
          %select_n3A_1732 = arith.select %eq3A_1555, %get3A_730, %get3A_682 : vector<16xi1>, vector<16xf32>
          %swap3A_1733 = arith.index_cast %add3A_1731 : i32 to index
          %swap3A_1734 = tpu.vector_load %arg8[%swap3A_1733] {strides = array<i32>} : memref<98304xf32, #tpu.memory_space<vmem>>, vector<16xf32>,
          %swap3A_1735 = vector.shape_cast %swap3A_1734 : vector<16xf32> to vector<16xf32>
          %swap3A_1736 = vector.shape_cast %select_n3A_1732 : vector<16xf32> to vector<16xf32>
          tpu.vector_store %arg8[%swap3A_1733], %swap3A_1736 {strides = array<i32>} : memref<98304xf32, #tpu.memory_space<vmem>>, vector<16xf32>,
          %add3A_1737 = arith.constant 24576 : i32
          %add3A_1738 = arith.addi %add3A_1601, %add3A_1737 : i32
          %add3A_1739 = arith.constant 896 : i32
          %add3A_1740 = arith.addi %add3A_1738, %add3A_1739 : i32
          %select_n3A_1741 = arith.select %eq3A_1555, %get3A_733, %get3A_685 : vector<16xi1>, vector<16xf32>
          %swap3A_1742 = arith.index_cast %add3A_1740 : i32 to index
          %swap3A_1743 = tpu.vector_load %arg8[%swap3A_1742] {strides = array<i32>} : memref<98304xf32, #tpu.memory_space<vmem>>, vector<16xf32>,
          %swap3A_1744 = vector.shape_cast %swap3A_1743 : vector<16xf32> to vector<16xf32>
          %swap3A_1745 = vector.shape_cast %select_n3A_1741 : vector<16xf32> to vector<16xf32>
          tpu.vector_store %arg8[%swap3A_1742], %swap3A_1745 {strides = array<i32>} : memref<98304xf32, #tpu.memory_space<vmem>>, vector<16xf32>,
          %scan3A_1746 = arith.constant 5 : i32
          %scan3A_1747 = arith.addi %scan3A_747, %scan3A_1746 : i32
          %mul3A_1748 = arith.constant 16 : i32
          %mul3A_1749 = arith.muli %scan3A_1747, %mul3A_1748 : i32
          %add3A_1750 = arith.addi %mul3A_504, %mul3A_1749 : i32
          %get3A_1751 = arith.index_cast %add3A_1750 : i32 to index
          %get3A_1752 = tpu.vector_load %arg5[%get3A_1751] {strides = array<i32>} : memref<2048xi32, #tpu.memory_space<vmem>>, vector<16xi32>,
          %get3A_1753 = vector.shape_cast %get3A_1752 : vector<16xi32> to vector<16xi32>
          %eq3A_1754 = vector.broadcast %select_n3A_532 : i32 to vector<16xi32>
          %eq3A_1755 = arith.cmpi eq, %get3A_1753, %eq3A_1754 : vector<16xi32>
          %jit3A_1756 = arith.constant 8 : i32
          %div3A_1757 = arith.divsi %scan3A_1747, %jit3A_1756 : i32
          %sign3A_1758 = arith.constant 0 : i32
          %sign3A_1759 = arith.cmpi sgt, %scan3A_1747, %sign3A_1758 : i32
          %sign3A_1760 = arith.extui %sign3A_1759 : i1 to i32
          %sign3A_1761 = arith.constant 0 : i32
          %sign3A_1762 = arith.cmpi slt, %scan3A_1747, %sign3A_1761 : i32
          %sign3A_1763 = arith.extui %sign3A_1762 : i1 to i32
          %sign3A_1764 = arith.subi %sign3A_1760, %sign3A_1763 : i32
          %sign3A_1765 = arith.constant 0 : i32
          %sign3A_1766 = arith.cmpi sgt, %jit3A_1756, %sign3A_1765 : i32
          %sign3A_1767 = arith.extui %sign3A_1766 : i1 to i32
          %sign3A_1768 = arith.constant 0 : i32
          %sign3A_1769 = arith.cmpi slt, %jit3A_1756, %sign3A_1768 : i32
          %sign3A_1770 = arith.extui %sign3A_1769 : i1 to i32
          %sign3A_1771 = arith.subi %sign3A_1767, %sign3A_1770 : i32
          %ne3A_1772 = arith.cmpi ne, %sign3A_1764, %sign3A_1771 : i32
          %rem3A_1773 = arith.remsi %scan3A_1747, %jit3A_1756 : i32
          %ne3A_1774 = arith.constant 0 : i32
          %ne3A_1775 = arith.cmpi ne, %rem3A_1773, %ne3A_1774 : i32
          %and3A_1776 = arith.andi %ne3A_1772, %ne3A_1775 : i1
          %sub3A_1777 = arith.constant 1 : i32
          %sub3A_1778 = arith.subi %div3A_1757, %sub3A_1777 : i32
          %select_n3A_1779 = arith.select %and3A_1776, %sub3A_1778, %div3A_1757 : i32
          %mul3A_1780 = arith.constant 1024 : i32
          %mul3A_1781 = arith.muli %select_n3A_1779, %mul3A_1780 : i32
          %add3A_1782 = arith.addi %mul3A_536, %mul3A_1781 : i32
          %jit3A_1783 = arith.constant 8 : i32
          %eq3A_1784 = arith.constant 0 : i32
          %eq3A_1785 = arith.cmpi eq, %jit3A_1783, %eq3A_1784 : i32
          %jit3A_1786 = arith.constant 1 : i32
          %select_n3A_1787 = arith.select %eq3A_1785, %jit3A_1786, %jit3A_1783 : i32
          %rem3A_1788 = arith.remsi %scan3A_1747, %select_n3A_1787 : i32
          %ne3A_1789 = arith.constant 0 : i32
          %ne3A_1790 = arith.cmpi ne, %rem3A_1788, %ne3A_1789 : i32
          %lt3A_1791 = arith.constant 0 : i32
          %lt3A_1792 = arith.cmpi slt, %rem3A_1788, %lt3A_1791 : i32
          %lt3A_1793 = arith.constant 0 : i32
          %lt3A_1794 = arith.cmpi slt, %select_n3A_1787, %lt3A_1793 : i32
          %ne3A_1795 = arith.xori %lt3A_1792, %lt3A_1794 : i1
          %and3A_1796 = arith.andi %ne3A_1795, %ne3A_1790 : i1
          %add3A_1797 = arith.addi %rem3A_1788, %select_n3A_1787 : i32
          %select_n3A_1798 = arith.select %and3A_1796, %add3A_1797, %rem3A_1788 : i32
          %mul3A_1799 = arith.constant 16 : i32
          %mul3A_1800 = arith.muli %select_n3A_1798, %mul3A_1799 : i32
          %add3A_1801 = arith.addi %add3A_1782, %mul3A_1800 : i32
          %add3A_1802 = arith.constant 16384 : i32
          %add3A_1803 = arith.addi %add3A_1801, %add3A_1802 : i32
          %add3A_1804 = arith.constant 0 : i32
          %add3A_1805 = arith.addi %add3A_1803, %add3A_1804 : i32
          %select_n3A_1806 = arith.select %eq3A_1755, %get3A_688, %get3A_640 : vector<16xi1>, vector<16xf32>
          %swap3A_1807 = arith.index_cast %add3A_1805 : i32 to index
          %swap3A_1808 = tpu.vector_load %arg8[%swap3A_1807] {strides = array<i32>} : memref<98304xf32, #tpu.memory_space<vmem>>, vector<16xf32>,
          %swap3A_1809 = vector.shape_cast %swap3A_1808 : vector<16xf32> to vector<16xf32>
          %swap3A_1810 = vector.shape_cast %select_n3A_1806 : vector<16xf32> to vector<16xf32>
          tpu.vector_store %arg8[%swap3A_1807], %swap3A_1810 {strides = array<i32>} : memref<98304xf32, #tpu.memory_space<vmem>>, vector<16xf32>,
          %add3A_1811 = arith.constant 16384 : i32
          %add3A_1812 = arith.addi %add3A_1801, %add3A_1811 : i32
          %add3A_1813 = arith.constant 128 : i32
          %add3A_1814 = arith.addi %add3A_1812, %add3A_1813 : i32
          %select_n3A_1815 = arith.select %eq3A_1755, %get3A_691, %get3A_643 : vector<16xi1>, vector<16xf32>
          %swap3A_1816 = arith.index_cast %add3A_1814 : i32 to index
          %swap3A_1817 = tpu.vector_load %arg8[%swap3A_1816] {strides = array<i32>} : memref<98304xf32, #tpu.memory_space<vmem>>, vector<16xf32>,
          %swap3A_1818 = vector.shape_cast %swap3A_1817 : vector<16xf32> to vector<16xf32>
          %swap3A_1819 = vector.shape_cast %select_n3A_1815 : vector<16xf32> to vector<16xf32>
          tpu.vector_store %arg8[%swap3A_1816], %swap3A_1819 {strides = array<i32>} : memref<98304xf32, #tpu.memory_space<vmem>>, vector<16xf32>,
          %add3A_1820 = arith.constant 16384 : i32
          %add3A_1821 = arith.addi %add3A_1801, %add3A_1820 : i32
          %add3A_1822 = arith.constant 256 : i32
          %add3A_1823 = arith.addi %add3A_1821, %add3A_1822 : i32
          %select_n3A_1824 = arith.select %eq3A_1755, %get3A_694, %get3A_646 : vector<16xi1>, vector<16xf32>
          %swap3A_1825 = arith.index_cast %add3A_1823 : i32 to index
          %swap3A_1826 = tpu.vector_load %arg8[%swap3A_1825] {strides = array<i32>} : memref<98304xf32, #tpu.memory_space<vmem>>, vector<16xf32>,
          %swap3A_1827 = vector.shape_cast %swap3A_1826 : vector<16xf32> to vector<16xf32>
          %swap3A_1828 = vector.shape_cast %select_n3A_1824 : vector<16xf32> to vector<16xf32>
          tpu.vector_store %arg8[%swap3A_1825], %swap3A_1828 {strides = array<i32>} : memref<98304xf32, #tpu.memory_space<vmem>>, vector<16xf32>,
          %add3A_1829 = arith.constant 16384 : i32
          %add3A_1830 = arith.addi %add3A_1801, %add3A_1829 : i32
          %add3A_1831 = arith.constant 384 : i32
          %add3A_1832 = arith.addi %add3A_1830, %add3A_1831 : i32
          %select_n3A_1833 = arith.select %eq3A_1755, %get3A_697, %get3A_649 : vector<16xi1>, vector<16xf32>
          %swap3A_1834 = arith.index_cast %add3A_1832 : i32 to index
          %swap3A_1835 = tpu.vector_load %arg8[%swap3A_1834] {strides = array<i32>} : memref<98304xf32, #tpu.memory_space<vmem>>, vector<16xf32>,
          %swap3A_1836 = vector.shape_cast %swap3A_1835 : vector<16xf32> to vector<16xf32>
          %swap3A_1837 = vector.shape_cast %select_n3A_1833 : vector<16xf32> to vector<16xf32>
          tpu.vector_store %arg8[%swap3A_1834], %swap3A_1837 {strides = array<i32>} : memref<98304xf32, #tpu.memory_space<vmem>>, vector<16xf32>,
          %add3A_1838 = arith.constant 16384 : i32
          %add3A_1839 = arith.addi %add3A_1801, %add3A_1838 : i32
          %add3A_1840 = arith.constant 512 : i32
          %add3A_1841 = arith.addi %add3A_1839, %add3A_1840 : i32
          %select_n3A_1842 = arith.select %eq3A_1755, %get3A_700, %get3A_652 : vector<16xi1>, vector<16xf32>
          %swap3A_1843 = arith.index_cast %add3A_1841 : i32 to index
          %swap3A_1844 = tpu.vector_load %arg8[%swap3A_1843] {strides = array<i32>} : memref<98304xf32, #tpu.memory_space<vmem>>, vector<16xf32>,
          %swap3A_1845 = vector.shape_cast %swap3A_1844 : vector<16xf32> to vector<16xf32>
          %swap3A_1846 = vector.shape_cast %select_n3A_1842 : vector<16xf32> to vector<16xf32>
          tpu.vector_store %arg8[%swap3A_1843], %swap3A_1846 {strides = array<i32>} : memref<98304xf32, #tpu.memory_space<vmem>>, vector<16xf32>,
          %add3A_1847 = arith.constant 16384 : i32
          %add3A_1848 = arith.addi %add3A_1801, %add3A_1847 : i32
          %add3A_1849 = arith.constant 640 : i32
          %add3A_1850 = arith.addi %add3A_1848, %add3A_1849 : i32
          %select_n3A_1851 = arith.select %eq3A_1755, %get3A_703, %get3A_655 : vector<16xi1>, vector<16xf32>
          %swap3A_1852 = arith.index_cast %add3A_1850 : i32 to index
          %swap3A_1853 = tpu.vector_load %arg8[%swap3A_1852] {strides = array<i32>} : memref<98304xf32, #tpu.memory_space<vmem>>, vector<16xf32>,
          %swap3A_1854 = vector.shape_cast %swap3A_1853 : vector<16xf32> to vector<16xf32>
          %swap3A_1855 = vector.shape_cast %select_n3A_1851 : vector<16xf32> to vector<16xf32>
          tpu.vector_store %arg8[%swap3A_1852], %swap3A_1855 {strides = array<i32>} : memref<98304xf32, #tpu.memory_space<vmem>>, vector<16xf32>,
          %add3A_1856 = arith.constant 16384 : i32
          %add3A_1857 = arith.addi %add3A_1801, %add3A_1856 : i32
          %add3A_1858 = arith.constant 768 : i32
          %add3A_1859 = arith.addi %add3A_1857, %add3A_1858 : i32
          %select_n3A_1860 = arith.select %eq3A_1755, %get3A_706, %get3A_658 : vector<16xi1>, vector<16xf32>
          %swap3A_1861 = arith.index_cast %add3A_1859 : i32 to index
          %swap3A_1862 = tpu.vector_load %arg8[%swap3A_1861] {strides = array<i32>} : memref<98304xf32, #tpu.memory_space<vmem>>, vector<16xf32>,
          %swap3A_1863 = vector.shape_cast %swap3A_1862 : vector<16xf32> to vector<16xf32>
          %swap3A_1864 = vector.shape_cast %select_n3A_1860 : vector<16xf32> to vector<16xf32>
          tpu.vector_store %arg8[%swap3A_1861], %swap3A_1864 {strides = array<i32>} : memref<98304xf32, #tpu.memory_space<vmem>>, vector<16xf32>,
          %add3A_1865 = arith.constant 16384 : i32
          %add3A_1866 = arith.addi %add3A_1801, %add3A_1865 : i32
          %add3A_1867 = arith.constant 896 : i32
          %add3A_1868 = arith.addi %add3A_1866, %add3A_1867 : i32
          %select_n3A_1869 = arith.select %eq3A_1755, %get3A_709, %get3A_661 : vector<16xi1>, vector<16xf32>
          %swap3A_1870 = arith.index_cast %add3A_1868 : i32 to index
          %swap3A_1871 = tpu.vector_load %arg8[%swap3A_1870] {strides = array<i32>} : memref<98304xf32, #tpu.memory_space<vmem>>, vector<16xf32>,
          %swap3A_1872 = vector.shape_cast %swap3A_1871 : vector<16xf32> to vector<16xf32>
          %swap3A_1873 = vector.shape_cast %select_n3A_1869 : vector<16xf32> to vector<16xf32>
          tpu.vector_store %arg8[%swap3A_1870], %swap3A_1873 {strides = array<i32>} : memref<98304xf32, #tpu.memory_space<vmem>>, vector<16xf32>,
          %add3A_1874 = arith.constant 24576 : i32
          %add3A_1875 = arith.addi %add3A_1801, %add3A_1874 : i32
          %add3A_1876 = arith.constant 0 : i32
          %add3A_1877 = arith.addi %add3A_1875, %add3A_1876 : i32
          %select_n3A_1878 = arith.select %eq3A_1755, %get3A_712, %get3A_664 : vector<16xi1>, vector<16xf32>
          %swap3A_1879 = arith.index_cast %add3A_1877 : i32 to index
          %swap3A_1880 = tpu.vector_load %arg8[%swap3A_1879] {strides = array<i32>} : memref<98304xf32, #tpu.memory_space<vmem>>, vector<16xf32>,
          %swap3A_1881 = vector.shape_cast %swap3A_1880 : vector<16xf32> to vector<16xf32>
          %swap3A_1882 = vector.shape_cast %select_n3A_1878 : vector<16xf32> to vector<16xf32>
          tpu.vector_store %arg8[%swap3A_1879], %swap3A_1882 {strides = array<i32>} : memref<98304xf32, #tpu.memory_space<vmem>>, vector<16xf32>,
          %add3A_1883 = arith.constant 24576 : i32
          %add3A_1884 = arith.addi %add3A_1801, %add3A_1883 : i32
          %add3A_1885 = arith.constant 128 : i32
          %add3A_1886 = arith.addi %add3A_1884, %add3A_1885 : i32
          %select_n3A_1887 = arith.select %eq3A_1755, %get3A_715, %get3A_667 : vector<16xi1>, vector<16xf32>
          %swap3A_1888 = arith.index_cast %add3A_1886 : i32 to index
          %swap3A_1889 = tpu.vector_load %arg8[%swap3A_1888] {strides = array<i32>} : memref<98304xf32, #tpu.memory_space<vmem>>, vector<16xf32>,
          %swap3A_1890 = vector.shape_cast %swap3A_1889 : vector<16xf32> to vector<16xf32>
          %swap3A_1891 = vector.shape_cast %select_n3A_1887 : vector<16xf32> to vector<16xf32>
          tpu.vector_store %arg8[%swap3A_1888], %swap3A_1891 {strides = array<i32>} : memref<98304xf32, #tpu.memory_space<vmem>>, vector<16xf32>,
          %add3A_1892 = arith.constant 24576 : i32
          %add3A_1893 = arith.addi %add3A_1801, %add3A_1892 : i32
          %add3A_1894 = arith.constant 256 : i32
          %add3A_1895 = arith.addi %add3A_1893, %add3A_1894 : i32
          %select_n3A_1896 = arith.select %eq3A_1755, %get3A_718, %get3A_670 : vector<16xi1>, vector<16xf32>
          %swap3A_1897 = arith.index_cast %add3A_1895 : i32 to index
          %swap3A_1898 = tpu.vector_load %arg8[%swap3A_1897] {strides = array<i32>} : memref<98304xf32, #tpu.memory_space<vmem>>, vector<16xf32>,
          %swap3A_1899 = vector.shape_cast %swap3A_1898 : vector<16xf32> to vector<16xf32>
          %swap3A_1900 = vector.shape_cast %select_n3A_1896 : vector<16xf32> to vector<16xf32>
          tpu.vector_store %arg8[%swap3A_1897], %swap3A_1900 {strides = array<i32>} : memref<98304xf32, #tpu.memory_space<vmem>>, vector<16xf32>,
          %add3A_1901 = arith.constant 24576 : i32
          %add3A_1902 = arith.addi %add3A_1801, %add3A_1901 : i32
          %add3A_1903 = arith.constant 384 : i32
          %add3A_1904 = arith.addi %add3A_1902, %add3A_1903 : i32
          %select_n3A_1905 = arith.select %eq3A_1755, %get3A_721, %get3A_673 : vector<16xi1>, vector<16xf32>
          %swap3A_1906 = arith.index_cast %add3A_1904 : i32 to index
          %swap3A_1907 = tpu.vector_load %arg8[%swap3A_1906] {strides = array<i32>} : memref<98304xf32, #tpu.memory_space<vmem>>, vector<16xf32>,
          %swap3A_1908 = vector.shape_cast %swap3A_1907 : vector<16xf32> to vector<16xf32>
          %swap3A_1909 = vector.shape_cast %select_n3A_1905 : vector<16xf32> to vector<16xf32>
          tpu.vector_store %arg8[%swap3A_1906], %swap3A_1909 {strides = array<i32>} : memref<98304xf32, #tpu.memory_space<vmem>>, vector<16xf32>,
          %add3A_1910 = arith.constant 24576 : i32
          %add3A_1911 = arith.addi %add3A_1801, %add3A_1910 : i32
          %add3A_1912 = arith.constant 512 : i32
          %add3A_1913 = arith.addi %add3A_1911, %add3A_1912 : i32
          %select_n3A_1914 = arith.select %eq3A_1755, %get3A_724, %get3A_676 : vector<16xi1>, vector<16xf32>
          %swap3A_1915 = arith.index_cast %add3A_1913 : i32 to index
          %swap3A_1916 = tpu.vector_load %arg8[%swap3A_1915] {strides = array<i32>} : memref<98304xf32, #tpu.memory_space<vmem>>, vector<16xf32>,
          %swap3A_1917 = vector.shape_cast %swap3A_1916 : vector<16xf32> to vector<16xf32>
          %swap3A_1918 = vector.shape_cast %select_n3A_1914 : vector<16xf32> to vector<16xf32>
          tpu.vector_store %arg8[%swap3A_1915], %swap3A_1918 {strides = array<i32>} : memref<98304xf32, #tpu.memory_space<vmem>>, vector<16xf32>,
          %add3A_1919 = arith.constant 24576 : i32
          %add3A_1920 = arith.addi %add3A_1801, %add3A_1919 : i32
          %add3A_1921 = arith.constant 640 : i32
          %add3A_1922 = arith.addi %add3A_1920, %add3A_1921 : i32
          %select_n3A_1923 = arith.select %eq3A_1755, %get3A_727, %get3A_679 : vector<16xi1>, vector<16xf32>
          %swap3A_1924 = arith.index_cast %add3A_1922 : i32 to index
          %swap3A_1925 = tpu.vector_load %arg8[%swap3A_1924] {strides = array<i32>} : memref<98304xf32, #tpu.memory_space<vmem>>, vector<16xf32>,
          %swap3A_1926 = vector.shape_cast %swap3A_1925 : vector<16xf32> to vector<16xf32>
          %swap3A_1927 = vector.shape_cast %select_n3A_1923 : vector<16xf32> to vector<16xf32>
          tpu.vector_store %arg8[%swap3A_1924], %swap3A_1927 {strides = array<i32>} : memref<98304xf32, #tpu.memory_space<vmem>>, vector<16xf32>,
          %add3A_1928 = arith.constant 24576 : i32
          %add3A_1929 = arith.addi %add3A_1801, %add3A_1928 : i32
          %add3A_1930 = arith.constant 768 : i32
          %add3A_1931 = arith.addi %add3A_1929, %add3A_1930 : i32
          %select_n3A_1932 = arith.select %eq3A_1755, %get3A_730, %get3A_682 : vector<16xi1>, vector<16xf32>
          %swap3A_1933 = arith.index_cast %add3A_1931 : i32 to index
          %swap3A_1934 = tpu.vector_load %arg8[%swap3A_1933] {strides = array<i32>} : memref<98304xf32, #tpu.memory_space<vmem>>, vector<16xf32>,
          %swap3A_1935 = vector.shape_cast %swap3A_1934 : vector<16xf32> to vector<16xf32>
          %swap3A_1936 = vector.shape_cast %select_n3A_1932 : vector<16xf32> to vector<16xf32>
          tpu.vector_store %arg8[%swap3A_1933], %swap3A_1936 {strides = array<i32>} : memref<98304xf32, #tpu.memory_space<vmem>>, vector<16xf32>,
          %add3A_1937 = arith.constant 24576 : i32
          %add3A_1938 = arith.addi %add3A_1801, %add3A_1937 : i32
          %add3A_1939 = arith.constant 896 : i32
          %add3A_1940 = arith.addi %add3A_1938, %add3A_1939 : i32
          %select_n3A_1941 = arith.select %eq3A_1755, %get3A_733, %get3A_685 : vector<16xi1>, vector<16xf32>
          %swap3A_1942 = arith.index_cast %add3A_1940 : i32 to index
          %swap3A_1943 = tpu.vector_load %arg8[%swap3A_1942] {strides = array<i32>} : memref<98304xf32, #tpu.memory_space<vmem>>, vector<16xf32>,
          %swap3A_1944 = vector.shape_cast %swap3A_1943 : vector<16xf32> to vector<16xf32>
          %swap3A_1945 = vector.shape_cast %select_n3A_1941 : vector<16xf32> to vector<16xf32>
          tpu.vector_store %arg8[%swap3A_1942], %swap3A_1945 {strides = array<i32>} : memref<98304xf32, #tpu.memory_space<vmem>>, vector<16xf32>,
          %scan3A_1946 = arith.constant 6 : i32
          %scan3A_1947 = arith.addi %scan3A_747, %scan3A_1946 : i32
          %mul3A_1948 = arith.constant 16 : i32
          %mul3A_1949 = arith.muli %scan3A_1947, %mul3A_1948 : i32
          %add3A_1950 = arith.addi %mul3A_504, %mul3A_1949 : i32
          %get3A_1951 = arith.index_cast %add3A_1950 : i32 to index
          %get3A_1952 = tpu.vector_load %arg5[%get3A_1951] {strides = array<i32>} : memref<2048xi32, #tpu.memory_space<vmem>>, vector<16xi32>,
          %get3A_1953 = vector.shape_cast %get3A_1952 : vector<16xi32> to vector<16xi32>
          %eq3A_1954 = vector.broadcast %select_n3A_532 : i32 to vector<16xi32>
          %eq3A_1955 = arith.cmpi eq, %get3A_1953, %eq3A_1954 : vector<16xi32>
          %jit3A_1956 = arith.constant 8 : i32
          %div3A_1957 = arith.divsi %scan3A_1947, %jit3A_1956 : i32
          %sign3A_1958 = arith.constant 0 : i32
          %sign3A_1959 = arith.cmpi sgt, %scan3A_1947, %sign3A_1958 : i32
          %sign3A_1960 = arith.extui %sign3A_1959 : i1 to i32
          %sign3A_1961 = arith.constant 0 : i32
          %sign3A_1962 = arith.cmpi slt, %scan3A_1947, %sign3A_1961 : i32
          %sign3A_1963 = arith.extui %sign3A_1962 : i1 to i32
          %sign3A_1964 = arith.subi %sign3A_1960, %sign3A_1963 : i32
          %sign3A_1965 = arith.constant 0 : i32
          %sign3A_1966 = arith.cmpi sgt, %jit3A_1956, %sign3A_1965 : i32
          %sign3A_1967 = arith.extui %sign3A_1966 : i1 to i32
          %sign3A_1968 = arith.constant 0 : i32
          %sign3A_1969 = arith.cmpi slt, %jit3A_1956, %sign3A_1968 : i32
          %sign3A_1970 = arith.extui %sign3A_1969 : i1 to i32
          %sign3A_1971 = arith.subi %sign3A_1967, %sign3A_1970 : i32
          %ne3A_1972 = arith.cmpi ne, %sign3A_1964, %sign3A_1971 : i32
          %rem3A_1973 = arith.remsi %scan3A_1947, %jit3A_1956 : i32
          %ne3A_1974 = arith.constant 0 : i32
          %ne3A_1975 = arith.cmpi ne, %rem3A_1973, %ne3A_1974 : i32
          %and3A_1976 = arith.andi %ne3A_1972, %ne3A_1975 : i1
          %sub3A_1977 = arith.constant 1 : i32
          %sub3A_1978 = arith.subi %div3A_1957, %sub3A_1977 : i32
          %select_n3A_1979 = arith.select %and3A_1976, %sub3A_1978, %div3A_1957 : i32
          %mul3A_1980 = arith.constant 1024 : i32
          %mul3A_1981 = arith.muli %select_n3A_1979, %mul3A_1980 : i32
          %add3A_1982 = arith.addi %mul3A_536, %mul3A_1981 : i32
          %jit3A_1983 = arith.constant 8 : i32
          %eq3A_1984 = arith.constant 0 : i32
          %eq3A_1985 = arith.cmpi eq, %jit3A_1983, %eq3A_1984 : i32
          %jit3A_1986 = arith.constant 1 : i32
          %select_n3A_1987 = arith.select %eq3A_1985, %jit3A_1986, %jit3A_1983 : i32
          %rem3A_1988 = arith.remsi %scan3A_1947, %select_n3A_1987 : i32
          %ne3A_1989 = arith.constant 0 : i32
          %ne3A_1990 = arith.cmpi ne, %rem3A_1988, %ne3A_1989 : i32
          %lt3A_1991 = arith.constant 0 : i32
          %lt3A_1992 = arith.cmpi slt, %rem3A_1988, %lt3A_1991 : i32
          %lt3A_1993 = arith.constant 0 : i32
          %lt3A_1994 = arith.cmpi slt, %select_n3A_1987, %lt3A_1993 : i32
          %ne3A_1995 = arith.xori %lt3A_1992, %lt3A_1994 : i1
          %and3A_1996 = arith.andi %ne3A_1995, %ne3A_1990 : i1
          %add3A_1997 = arith.addi %rem3A_1988, %select_n3A_1987 : i32
          %select_n3A_1998 = arith.select %and3A_1996, %add3A_1997, %rem3A_1988 : i32
          %mul3A_1999 = arith.constant 16 : i32
          %mul3A_2000 = arith.muli %select_n3A_1998, %mul3A_1999 : i32
          %add3A_2001 = arith.addi %add3A_1982, %mul3A_2000 : i32
          %add3A_2002 = arith.constant 16384 : i32
          %add3A_2003 = arith.addi %add3A_2001, %add3A_2002 : i32
          %add3A_2004 = arith.constant 0 : i32
          %add3A_2005 = arith.addi %add3A_2003, %add3A_2004 : i32
          %select_n3A_2006 = arith.select %eq3A_1955, %get3A_688, %get3A_640 : vector<16xi1>, vector<16xf32>
          %swap3A_2007 = arith.index_cast %add3A_2005 : i32 to index
          %swap3A_2008 = tpu.vector_load %arg8[%swap3A_2007] {strides = array<i32>} : memref<98304xf32, #tpu.memory_space<vmem>>, vector<16xf32>,
          %swap3A_2009 = vector.shape_cast %swap3A_2008 : vector<16xf32> to vector<16xf32>
          %swap3A_2010 = vector.shape_cast %select_n3A_2006 : vector<16xf32> to vector<16xf32>
          tpu.vector_store %arg8[%swap3A_2007], %swap3A_2010 {strides = array<i32>} : memref<98304xf32, #tpu.memory_space<vmem>>, vector<16xf32>,
          %add3A_2011 = arith.constant 16384 : i32
          %add3A_2012 = arith.addi %add3A_2001, %add3A_2011 : i32
          %add3A_2013 = arith.constant 128 : i32
          %add3A_2014 = arith.addi %add3A_2012, %add3A_2013 : i32
          %select_n3A_2015 = arith.select %eq3A_1955, %get3A_691, %get3A_643 : vector<16xi1>, vector<16xf32>
          %swap3A_2016 = arith.index_cast %add3A_2014 : i32 to index
          %swap3A_2017 = tpu.vector_load %arg8[%swap3A_2016] {strides = array<i32>} : memref<98304xf32, #tpu.memory_space<vmem>>, vector<16xf32>,
          %swap3A_2018 = vector.shape_cast %swap3A_2017 : vector<16xf32> to vector<16xf32>
          %swap3A_2019 = vector.shape_cast %select_n3A_2015 : vector<16xf32> to vector<16xf32>
          tpu.vector_store %arg8[%swap3A_2016], %swap3A_2019 {strides = array<i32>} : memref<98304xf32, #tpu.memory_space<vmem>>, vector<16xf32>,
          %add3A_2020 = arith.constant 16384 : i32
          %add3A_2021 = arith.addi %add3A_2001, %add3A_2020 : i32
          %add3A_2022 = arith.constant 256 : i32
          %add3A_2023 = arith.addi %add3A_2021, %add3A_2022 : i32
          %select_n3A_2024 = arith.select %eq3A_1955, %get3A_694, %get3A_646 : vector<16xi1>, vector<16xf32>
          %swap3A_2025 = arith.index_cast %add3A_2023 : i32 to index
          %swap3A_2026 = tpu.vector_load %arg8[%swap3A_2025] {strides = array<i32>} : memref<98304xf32, #tpu.memory_space<vmem>>, vector<16xf32>,
          %swap3A_2027 = vector.shape_cast %swap3A_2026 : vector<16xf32> to vector<16xf32>
          %swap3A_2028 = vector.shape_cast %select_n3A_2024 : vector<16xf32> to vector<16xf32>
          tpu.vector_store %arg8[%swap3A_2025], %swap3A_2028 {strides = array<i32>} : memref<98304xf32, #tpu.memory_space<vmem>>, vector<16xf32>,
          %add3A_2029 = arith.constant 16384 : i32
          %add3A_2030 = arith.addi %add3A_2001, %add3A_2029 : i32
          %add3A_2031 = arith.constant 384 : i32
          %add3A_2032 = arith.addi %add3A_2030, %add3A_2031 : i32
          %select_n3A_2033 = arith.select %eq3A_1955, %get3A_697, %get3A_649 : vector<16xi1>, vector<16xf32>
          %swap3A_2034 = arith.index_cast %add3A_2032 : i32 to index
          %swap3A_2035 = tpu.vector_load %arg8[%swap3A_2034] {strides = array<i32>} : memref<98304xf32, #tpu.memory_space<vmem>>, vector<16xf32>,
          %swap3A_2036 = vector.shape_cast %swap3A_2035 : vector<16xf32> to vector<16xf32>
          %swap3A_2037 = vector.shape_cast %select_n3A_2033 : vector<16xf32> to vector<16xf32>
          tpu.vector_store %arg8[%swap3A_2034], %swap3A_2037 {strides = array<i32>} : memref<98304xf32, #tpu.memory_space<vmem>>, vector<16xf32>,
          %add3A_2038 = arith.constant 16384 : i32
          %add3A_2039 = arith.addi %add3A_2001, %add3A_2038 : i32
          %add3A_2040 = arith.constant 512 : i32
          %add3A_2041 = arith.addi %add3A_2039, %add3A_2040 : i32
          %select_n3A_2042 = arith.select %eq3A_1955, %get3A_700, %get3A_652 : vector<16xi1>, vector<16xf32>
          %swap3A_2043 = arith.index_cast %add3A_2041 : i32 to index
          %swap3A_2044 = tpu.vector_load %arg8[%swap3A_2043] {strides = array<i32>} : memref<98304xf32, #tpu.memory_space<vmem>>, vector<16xf32>,
          %swap3A_2045 = vector.shape_cast %swap3A_2044 : vector<16xf32> to vector<16xf32>
          %swap3A_2046 = vector.shape_cast %select_n3A_2042 : vector<16xf32> to vector<16xf32>
          tpu.vector_store %arg8[%swap3A_2043], %swap3A_2046 {strides = array<i32>} : memref<98304xf32, #tpu.memory_space<vmem>>, vector<16xf32>,
          %add3A_2047 = arith.constant 16384 : i32
          %add3A_2048 = arith.addi %add3A_2001, %add3A_2047 : i32
          %add3A_2049 = arith.constant 640 : i32
          %add3A_2050 = arith.addi %add3A_2048, %add3A_2049 : i32
          %select_n3A_2051 = arith.select %eq3A_1955, %get3A_703, %get3A_655 : vector<16xi1>, vector<16xf32>
          %swap3A_2052 = arith.index_cast %add3A_2050 : i32 to index
          %swap3A_2053 = tpu.vector_load %arg8[%swap3A_2052] {strides = array<i32>} : memref<98304xf32, #tpu.memory_space<vmem>>, vector<16xf32>,
          %swap3A_2054 = vector.shape_cast %swap3A_2053 : vector<16xf32> to vector<16xf32>
          %swap3A_2055 = vector.shape_cast %select_n3A_2051 : vector<16xf32> to vector<16xf32>
          tpu.vector_store %arg8[%swap3A_2052], %swap3A_2055 {strides = array<i32>} : memref<98304xf32, #tpu.memory_space<vmem>>, vector<16xf32>,
          %add3A_2056 = arith.constant 16384 : i32
          %add3A_2057 = arith.addi %add3A_2001, %add3A_2056 : i32
          %add3A_2058 = arith.constant 768 : i32
          %add3A_2059 = arith.addi %add3A_2057, %add3A_2058 : i32
          %select_n3A_2060 = arith.select %eq3A_1955, %get3A_706, %get3A_658 : vector<16xi1>, vector<16xf32>
          %swap3A_2061 = arith.index_cast %add3A_2059 : i32 to index
          %swap3A_2062 = tpu.vector_load %arg8[%swap3A_2061] {strides = array<i32>} : memref<98304xf32, #tpu.memory_space<vmem>>, vector<16xf32>,
          %swap3A_2063 = vector.shape_cast %swap3A_2062 : vector<16xf32> to vector<16xf32>
          %swap3A_2064 = vector.shape_cast %select_n3A_2060 : vector<16xf32> to vector<16xf32>
          tpu.vector_store %arg8[%swap3A_2061], %swap3A_2064 {strides = array<i32>} : memref<98304xf32, #tpu.memory_space<vmem>>, vector<16xf32>,
          %add3A_2065 = arith.constant 16384 : i32
          %add3A_2066 = arith.addi %add3A_2001, %add3A_2065 : i32
          %add3A_2067 = arith.constant 896 : i32
          %add3A_2068 = arith.addi %add3A_2066, %add3A_2067 : i32
          %select_n3A_2069 = arith.select %eq3A_1955, %get3A_709, %get3A_661 : vector<16xi1>, vector<16xf32>
          %swap3A_2070 = arith.index_cast %add3A_2068 : i32 to index
          %swap3A_2071 = tpu.vector_load %arg8[%swap3A_2070] {strides = array<i32>} : memref<98304xf32, #tpu.memory_space<vmem>>, vector<16xf32>,
          %swap3A_2072 = vector.shape_cast %swap3A_2071 : vector<16xf32> to vector<16xf32>
          %swap3A_2073 = vector.shape_cast %select_n3A_2069 : vector<16xf32> to vector<16xf32>
          tpu.vector_store %arg8[%swap3A_2070], %swap3A_2073 {strides = array<i32>} : memref<98304xf32, #tpu.memory_space<vmem>>, vector<16xf32>,
          %add3A_2074 = arith.constant 24576 : i32
          %add3A_2075 = arith.addi %add3A_2001, %add3A_2074 : i32
          %add3A_2076 = arith.constant 0 : i32
          %add3A_2077 = arith.addi %add3A_2075, %add3A_2076 : i32
          %select_n3A_2078 = arith.select %eq3A_1955, %get3A_712, %get3A_664 : vector<16xi1>, vector<16xf32>
          %swap3A_2079 = arith.index_cast %add3A_2077 : i32 to index
          %swap3A_2080 = tpu.vector_load %arg8[%swap3A_2079] {strides = array<i32>} : memref<98304xf32, #tpu.memory_space<vmem>>, vector<16xf32>,
          %swap3A_2081 = vector.shape_cast %swap3A_2080 : vector<16xf32> to vector<16xf32>
          %swap3A_2082 = vector.shape_cast %select_n3A_2078 : vector<16xf32> to vector<16xf32>
          tpu.vector_store %arg8[%swap3A_2079], %swap3A_2082 {strides = array<i32>} : memref<98304xf32, #tpu.memory_space<vmem>>, vector<16xf32>,
          %add3A_2083 = arith.constant 24576 : i32
          %add3A_2084 = arith.addi %add3A_2001, %add3A_2083 : i32
          %add3A_2085 = arith.constant 128 : i32
          %add3A_2086 = arith.addi %add3A_2084, %add3A_2085 : i32
          %select_n3A_2087 = arith.select %eq3A_1955, %get3A_715, %get3A_667 : vector<16xi1>, vector<16xf32>
          %swap3A_2088 = arith.index_cast %add3A_2086 : i32 to index
          %swap3A_2089 = tpu.vector_load %arg8[%swap3A_2088] {strides = array<i32>} : memref<98304xf32, #tpu.memory_space<vmem>>, vector<16xf32>,
          %swap3A_2090 = vector.shape_cast %swap3A_2089 : vector<16xf32> to vector<16xf32>
          %swap3A_2091 = vector.shape_cast %select_n3A_2087 : vector<16xf32> to vector<16xf32>
          tpu.vector_store %arg8[%swap3A_2088], %swap3A_2091 {strides = array<i32>} : memref<98304xf32, #tpu.memory_space<vmem>>, vector<16xf32>,
          %add3A_2092 = arith.constant 24576 : i32
          %add3A_2093 = arith.addi %add3A_2001, %add3A_2092 : i32
          %add3A_2094 = arith.constant 256 : i32
          %add3A_2095 = arith.addi %add3A_2093, %add3A_2094 : i32
          %select_n3A_2096 = arith.select %eq3A_1955, %get3A_718, %get3A_670 : vector<16xi1>, vector<16xf32>
          %swap3A_2097 = arith.index_cast %add3A_2095 : i32 to index
          %swap3A_2098 = tpu.vector_load %arg8[%swap3A_2097] {strides = array<i32>} : memref<98304xf32, #tpu.memory_space<vmem>>, vector<16xf32>,
          %swap3A_2099 = vector.shape_cast %swap3A_2098 : vector<16xf32> to vector<16xf32>
          %swap3A_2100 = vector.shape_cast %select_n3A_2096 : vector<16xf32> to vector<16xf32>
          tpu.vector_store %arg8[%swap3A_2097], %swap3A_2100 {strides = array<i32>} : memref<98304xf32, #tpu.memory_space<vmem>>, vector<16xf32>,
          %add3A_2101 = arith.constant 24576 : i32
          %add3A_2102 = arith.addi %add3A_2001, %add3A_2101 : i32
          %add3A_2103 = arith.constant 384 : i32
          %add3A_2104 = arith.addi %add3A_2102, %add3A_2103 : i32
          %select_n3A_2105 = arith.select %eq3A_1955, %get3A_721, %get3A_673 : vector<16xi1>, vector<16xf32>
          %swap3A_2106 = arith.index_cast %add3A_2104 : i32 to index
          %swap3A_2107 = tpu.vector_load %arg8[%swap3A_2106] {strides = array<i32>} : memref<98304xf32, #tpu.memory_space<vmem>>, vector<16xf32>,
          %swap3A_2108 = vector.shape_cast %swap3A_2107 : vector<16xf32> to vector<16xf32>
          %swap3A_2109 = vector.shape_cast %select_n3A_2105 : vector<16xf32> to vector<16xf32>
          tpu.vector_store %arg8[%swap3A_2106], %swap3A_2109 {strides = array<i32>} : memref<98304xf32, #tpu.memory_space<vmem>>, vector<16xf32>,
          %add3A_2110 = arith.constant 24576 : i32
          %add3A_2111 = arith.addi %add3A_2001, %add3A_2110 : i32
          %add3A_2112 = arith.constant 512 : i32
          %add3A_2113 = arith.addi %add3A_2111, %add3A_2112 : i32
          %select_n3A_2114 = arith.select %eq3A_1955, %get3A_724, %get3A_676 : vector<16xi1>, vector<16xf32>
          %swap3A_2115 = arith.index_cast %add3A_2113 : i32 to index
          %swap3A_2116 = tpu.vector_load %arg8[%swap3A_2115] {strides = array<i32>} : memref<98304xf32, #tpu.memory_space<vmem>>, vector<16xf32>,
          %swap3A_2117 = vector.shape_cast %swap3A_2116 : vector<16xf32> to vector<16xf32>
          %swap3A_2118 = vector.shape_cast %select_n3A_2114 : vector<16xf32> to vector<16xf32>
          tpu.vector_store %arg8[%swap3A_2115], %swap3A_2118 {strides = array<i32>} : memref<98304xf32, #tpu.memory_space<vmem>>, vector<16xf32>,
          %add3A_2119 = arith.constant 24576 : i32
          %add3A_2120 = arith.addi %add3A_2001, %add3A_2119 : i32
          %add3A_2121 = arith.constant 640 : i32
          %add3A_2122 = arith.addi %add3A_2120, %add3A_2121 : i32
          %select_n3A_2123 = arith.select %eq3A_1955, %get3A_727, %get3A_679 : vector<16xi1>, vector<16xf32>
          %swap3A_2124 = arith.index_cast %add3A_2122 : i32 to index
          %swap3A_2125 = tpu.vector_load %arg8[%swap3A_2124] {strides = array<i32>} : memref<98304xf32, #tpu.memory_space<vmem>>, vector<16xf32>,
          %swap3A_2126 = vector.shape_cast %swap3A_2125 : vector<16xf32> to vector<16xf32>
          %swap3A_2127 = vector.shape_cast %select_n3A_2123 : vector<16xf32> to vector<16xf32>
          tpu.vector_store %arg8[%swap3A_2124], %swap3A_2127 {strides = array<i32>} : memref<98304xf32, #tpu.memory_space<vmem>>, vector<16xf32>,
          %add3A_2128 = arith.constant 24576 : i32
          %add3A_2129 = arith.addi %add3A_2001, %add3A_2128 : i32
          %add3A_2130 = arith.constant 768 : i32
          %add3A_2131 = arith.addi %add3A_2129, %add3A_2130 : i32
          %select_n3A_2132 = arith.select %eq3A_1955, %get3A_730, %get3A_682 : vector<16xi1>, vector<16xf32>
          %swap3A_2133 = arith.index_cast %add3A_2131 : i32 to index
          %swap3A_2134 = tpu.vector_load %arg8[%swap3A_2133] {strides = array<i32>} : memref<98304xf32, #tpu.memory_space<vmem>>, vector<16xf32>,
          %swap3A_2135 = vector.shape_cast %swap3A_2134 : vector<16xf32> to vector<16xf32>
          %swap3A_2136 = vector.shape_cast %select_n3A_2132 : vector<16xf32> to vector<16xf32>
          tpu.vector_store %arg8[%swap3A_2133], %swap3A_2136 {strides = array<i32>} : memref<98304xf32, #tpu.memory_space<vmem>>, vector<16xf32>,
          %add3A_2137 = arith.constant 24576 : i32
          %add3A_2138 = arith.addi %add3A_2001, %add3A_2137 : i32
          %add3A_2139 = arith.constant 896 : i32
          %add3A_2140 = arith.addi %add3A_2138, %add3A_2139 : i32
          %select_n3A_2141 = arith.select %eq3A_1955, %get3A_733, %get3A_685 : vector<16xi1>, vector<16xf32>
          %swap3A_2142 = arith.index_cast %add3A_2140 : i32 to index
          %swap3A_2143 = tpu.vector_load %arg8[%swap3A_2142] {strides = array<i32>} : memref<98304xf32, #tpu.memory_space<vmem>>, vector<16xf32>,
          %swap3A_2144 = vector.shape_cast %swap3A_2143 : vector<16xf32> to vector<16xf32>
          %swap3A_2145 = vector.shape_cast %select_n3A_2141 : vector<16xf32> to vector<16xf32>
          tpu.vector_store %arg8[%swap3A_2142], %swap3A_2145 {strides = array<i32>} : memref<98304xf32, #tpu.memory_space<vmem>>, vector<16xf32>,
          %scan3A_2146 = arith.constant 7 : i32
          %scan3A_2147 = arith.addi %scan3A_747, %scan3A_2146 : i32
          %mul3A_2148 = arith.constant 16 : i32
          %mul3A_2149 = arith.muli %scan3A_2147, %mul3A_2148 : i32
          %add3A_2150 = arith.addi %mul3A_504, %mul3A_2149 : i32
          %get3A_2151 = arith.index_cast %add3A_2150 : i32 to index
          %get3A_2152 = tpu.vector_load %arg5[%get3A_2151] {strides = array<i32>} : memref<2048xi32, #tpu.memory_space<vmem>>, vector<16xi32>,
          %get3A_2153 = vector.shape_cast %get3A_2152 : vector<16xi32> to vector<16xi32>
          %eq3A_2154 = vector.broadcast %select_n3A_532 : i32 to vector<16xi32>
          %eq3A_2155 = arith.cmpi eq, %get3A_2153, %eq3A_2154 : vector<16xi32>
          %jit3A_2156 = arith.constant 8 : i32
          %div3A_2157 = arith.divsi %scan3A_2147, %jit3A_2156 : i32
          %sign3A_2158 = arith.constant 0 : i32
          %sign3A_2159 = arith.cmpi sgt, %scan3A_2147, %sign3A_2158 : i32
          %sign3A_2160 = arith.extui %sign3A_2159 : i1 to i32
          %sign3A_2161 = arith.constant 0 : i32
          %sign3A_2162 = arith.cmpi slt, %scan3A_2147, %sign3A_2161 : i32
          %sign3A_2163 = arith.extui %sign3A_2162 : i1 to i32
          %sign3A_2164 = arith.subi %sign3A_2160, %sign3A_2163 : i32
          %sign3A_2165 = arith.constant 0 : i32
          %sign3A_2166 = arith.cmpi sgt, %jit3A_2156, %sign3A_2165 : i32
          %sign3A_2167 = arith.extui %sign3A_2166 : i1 to i32
          %sign3A_2168 = arith.constant 0 : i32
          %sign3A_2169 = arith.cmpi slt, %jit3A_2156, %sign3A_2168 : i32
          %sign3A_2170 = arith.extui %sign3A_2169 : i1 to i32
          %sign3A_2171 = arith.subi %sign3A_2167, %sign3A_2170 : i32
          %ne3A_2172 = arith.cmpi ne, %sign3A_2164, %sign3A_2171 : i32
          %rem3A_2173 = arith.remsi %scan3A_2147, %jit3A_2156 : i32
          %ne3A_2174 = arith.constant 0 : i32
          %ne3A_2175 = arith.cmpi ne, %rem3A_2173, %ne3A_2174 : i32
          %and3A_2176 = arith.andi %ne3A_2172, %ne3A_2175 : i1
          %sub3A_2177 = arith.constant 1 : i32
          %sub3A_2178 = arith.subi %div3A_2157, %sub3A_2177 : i32
          %select_n3A_2179 = arith.select %and3A_2176, %sub3A_2178, %div3A_2157 : i32
          %mul3A_2180 = arith.constant 1024 : i32
          %mul3A_2181 = arith.muli %select_n3A_2179, %mul3A_2180 : i32
          %add3A_2182 = arith.addi %mul3A_536, %mul3A_2181 : i32
          %jit3A_2183 = arith.constant 8 : i32
          %eq3A_2184 = arith.constant 0 : i32
          %eq3A_2185 = arith.cmpi eq, %jit3A_2183, %eq3A_2184 : i32
          %jit3A_2186 = arith.constant 1 : i32
          %select_n3A_2187 = arith.select %eq3A_2185, %jit3A_2186, %jit3A_2183 : i32
          %rem3A_2188 = arith.remsi %scan3A_2147, %select_n3A_2187 : i32
          %ne3A_2189 = arith.constant 0 : i32
          %ne3A_2190 = arith.cmpi ne, %rem3A_2188, %ne3A_2189 : i32
          %lt3A_2191 = arith.constant 0 : i32
          %lt3A_2192 = arith.cmpi slt, %rem3A_2188, %lt3A_2191 : i32
          %lt3A_2193 = arith.constant 0 : i32
          %lt3A_2194 = arith.cmpi slt, %select_n3A_2187, %lt3A_2193 : i32
          %ne3A_2195 = arith.xori %lt3A_2192, %lt3A_2194 : i1
          %and3A_2196 = arith.andi %ne3A_2195, %ne3A_2190 : i1
          %add3A_2197 = arith.addi %rem3A_2188, %select_n3A_2187 : i32
          %select_n3A_2198 = arith.select %and3A_2196, %add3A_2197, %rem3A_2188 : i32
          %mul3A_2199 = arith.constant 16 : i32
          %mul3A_2200 = arith.muli %select_n3A_2198, %mul3A_2199 : i32
          %add3A_2201 = arith.addi %add3A_2182, %mul3A_2200 : i32
          %add3A_2202 = arith.constant 16384 : i32
          %add3A_2203 = arith.addi %add3A_2201, %add3A_2202 : i32
          %add3A_2204 = arith.constant 0 : i32
          %add3A_2205 = arith.addi %add3A_2203, %add3A_2204 : i32
          %select_n3A_2206 = arith.select %eq3A_2155, %get3A_688, %get3A_640 : vector<16xi1>, vector<16xf32>
          %swap3A_2207 = arith.index_cast %add3A_2205 : i32 to index
          %swap3A_2208 = tpu.vector_load %arg8[%swap3A_2207] {strides = array<i32>} : memref<98304xf32, #tpu.memory_space<vmem>>, vector<16xf32>,
          %swap3A_2209 = vector.shape_cast %swap3A_2208 : vector<16xf32> to vector<16xf32>
          %swap3A_2210 = vector.shape_cast %select_n3A_2206 : vector<16xf32> to vector<16xf32>
          tpu.vector_store %arg8[%swap3A_2207], %swap3A_2210 {strides = array<i32>} : memref<98304xf32, #tpu.memory_space<vmem>>, vector<16xf32>,
          %add3A_2211 = arith.constant 16384 : i32
          %add3A_2212 = arith.addi %add3A_2201, %add3A_2211 : i32
          %add3A_2213 = arith.constant 128 : i32
          %add3A_2214 = arith.addi %add3A_2212, %add3A_2213 : i32
          %select_n3A_2215 = arith.select %eq3A_2155, %get3A_691, %get3A_643 : vector<16xi1>, vector<16xf32>
          %swap3A_2216 = arith.index_cast %add3A_2214 : i32 to index
          %swap3A_2217 = tpu.vector_load %arg8[%swap3A_2216] {strides = array<i32>} : memref<98304xf32, #tpu.memory_space<vmem>>, vector<16xf32>,
          %swap3A_2218 = vector.shape_cast %swap3A_2217 : vector<16xf32> to vector<16xf32>
          %swap3A_2219 = vector.shape_cast %select_n3A_2215 : vector<16xf32> to vector<16xf32>
          tpu.vector_store %arg8[%swap3A_2216], %swap3A_2219 {strides = array<i32>} : memref<98304xf32, #tpu.memory_space<vmem>>, vector<16xf32>,
          %add3A_2220 = arith.constant 16384 : i32
          %add3A_2221 = arith.addi %add3A_2201, %add3A_2220 : i32
          %add3A_2222 = arith.constant 256 : i32
          %add3A_2223 = arith.addi %add3A_2221, %add3A_2222 : i32
          %select_n3A_2224 = arith.select %eq3A_2155, %get3A_694, %get3A_646 : vector<16xi1>, vector<16xf32>
          %swap3A_2225 = arith.index_cast %add3A_2223 : i32 to index
          %swap3A_2226 = tpu.vector_load %arg8[%swap3A_2225] {strides = array<i32>} : memref<98304xf32, #tpu.memory_space<vmem>>, vector<16xf32>,
          %swap3A_2227 = vector.shape_cast %swap3A_2226 : vector<16xf32> to vector<16xf32>
          %swap3A_2228 = vector.shape_cast %select_n3A_2224 : vector<16xf32> to vector<16xf32>
          tpu.vector_store %arg8[%swap3A_2225], %swap3A_2228 {strides = array<i32>} : memref<98304xf32, #tpu.memory_space<vmem>>, vector<16xf32>,
          %add3A_2229 = arith.constant 16384 : i32
          %add3A_2230 = arith.addi %add3A_2201, %add3A_2229 : i32
          %add3A_2231 = arith.constant 384 : i32
          %add3A_2232 = arith.addi %add3A_2230, %add3A_2231 : i32
          %select_n3A_2233 = arith.select %eq3A_2155, %get3A_697, %get3A_649 : vector<16xi1>, vector<16xf32>
          %swap3A_2234 = arith.index_cast %add3A_2232 : i32 to index
          %swap3A_2235 = tpu.vector_load %arg8[%swap3A_2234] {strides = array<i32>} : memref<98304xf32, #tpu.memory_space<vmem>>, vector<16xf32>,
          %swap3A_2236 = vector.shape_cast %swap3A_2235 : vector<16xf32> to vector<16xf32>
          %swap3A_2237 = vector.shape_cast %select_n3A_2233 : vector<16xf32> to vector<16xf32>
          tpu.vector_store %arg8[%swap3A_2234], %swap3A_2237 {strides = array<i32>} : memref<98304xf32, #tpu.memory_space<vmem>>, vector<16xf32>,
          %add3A_2238 = arith.constant 16384 : i32
          %add3A_2239 = arith.addi %add3A_2201, %add3A_2238 : i32
          %add3A_2240 = arith.constant 512 : i32
          %add3A_2241 = arith.addi %add3A_2239, %add3A_2240 : i32
          %select_n3A_2242 = arith.select %eq3A_2155, %get3A_700, %get3A_652 : vector<16xi1>, vector<16xf32>
          %swap3A_2243 = arith.index_cast %add3A_2241 : i32 to index
          %swap3A_2244 = tpu.vector_load %arg8[%swap3A_2243] {strides = array<i32>} : memref<98304xf32, #tpu.memory_space<vmem>>, vector<16xf32>,
          %swap3A_2245 = vector.shape_cast %swap3A_2244 : vector<16xf32> to vector<16xf32>
          %swap3A_2246 = vector.shape_cast %select_n3A_2242 : vector<16xf32> to vector<16xf32>
          tpu.vector_store %arg8[%swap3A_2243], %swap3A_2246 {strides = array<i32>} : memref<98304xf32, #tpu.memory_space<vmem>>, vector<16xf32>,
          %add3A_2247 = arith.constant 16384 : i32
          %add3A_2248 = arith.addi %add3A_2201, %add3A_2247 : i32
          %add3A_2249 = arith.constant 640 : i32
          %add3A_2250 = arith.addi %add3A_2248, %add3A_2249 : i32
          %select_n3A_2251 = arith.select %eq3A_2155, %get3A_703, %get3A_655 : vector<16xi1>, vector<16xf32>
          %swap3A_2252 = arith.index_cast %add3A_2250 : i32 to index
          %swap3A_2253 = tpu.vector_load %arg8[%swap3A_2252] {strides = array<i32>} : memref<98304xf32, #tpu.memory_space<vmem>>, vector<16xf32>,
          %swap3A_2254 = vector.shape_cast %swap3A_2253 : vector<16xf32> to vector<16xf32>
          %swap3A_2255 = vector.shape_cast %select_n3A_2251 : vector<16xf32> to vector<16xf32>
          tpu.vector_store %arg8[%swap3A_2252], %swap3A_2255 {strides = array<i32>} : memref<98304xf32, #tpu.memory_space<vmem>>, vector<16xf32>,
          %add3A_2256 = arith.constant 16384 : i32
          %add3A_2257 = arith.addi %add3A_2201, %add3A_2256 : i32
          %add3A_2258 = arith.constant 768 : i32
          %add3A_2259 = arith.addi %add3A_2257, %add3A_2258 : i32
          %select_n3A_2260 = arith.select %eq3A_2155, %get3A_706, %get3A_658 : vector<16xi1>, vector<16xf32>
          %swap3A_2261 = arith.index_cast %add3A_2259 : i32 to index
          %swap3A_2262 = tpu.vector_load %arg8[%swap3A_2261] {strides = array<i32>} : memref<98304xf32, #tpu.memory_space<vmem>>, vector<16xf32>,
          %swap3A_2263 = vector.shape_cast %swap3A_2262 : vector<16xf32> to vector<16xf32>
          %swap3A_2264 = vector.shape_cast %select_n3A_2260 : vector<16xf32> to vector<16xf32>
          tpu.vector_store %arg8[%swap3A_2261], %swap3A_2264 {strides = array<i32>} : memref<98304xf32, #tpu.memory_space<vmem>>, vector<16xf32>,
          %add3A_2265 = arith.constant 16384 : i32
          %add3A_2266 = arith.addi %add3A_2201, %add3A_2265 : i32
          %add3A_2267 = arith.constant 896 : i32
          %add3A_2268 = arith.addi %add3A_2266, %add3A_2267 : i32
          %select_n3A_2269 = arith.select %eq3A_2155, %get3A_709, %get3A_661 : vector<16xi1>, vector<16xf32>
          %swap3A_2270 = arith.index_cast %add3A_2268 : i32 to index
          %swap3A_2271 = tpu.vector_load %arg8[%swap3A_2270] {strides = array<i32>} : memref<98304xf32, #tpu.memory_space<vmem>>, vector<16xf32>,
          %swap3A_2272 = vector.shape_cast %swap3A_2271 : vector<16xf32> to vector<16xf32>
          %swap3A_2273 = vector.shape_cast %select_n3A_2269 : vector<16xf32> to vector<16xf32>
          tpu.vector_store %arg8[%swap3A_2270], %swap3A_2273 {strides = array<i32>} : memref<98304xf32, #tpu.memory_space<vmem>>, vector<16xf32>,
          %add3A_2274 = arith.constant 24576 : i32
          %add3A_2275 = arith.addi %add3A_2201, %add3A_2274 : i32
          %add3A_2276 = arith.constant 0 : i32
          %add3A_2277 = arith.addi %add3A_2275, %add3A_2276 : i32
          %select_n3A_2278 = arith.select %eq3A_2155, %get3A_712, %get3A_664 : vector<16xi1>, vector<16xf32>
          %swap3A_2279 = arith.index_cast %add3A_2277 : i32 to index
          %swap3A_2280 = tpu.vector_load %arg8[%swap3A_2279] {strides = array<i32>} : memref<98304xf32, #tpu.memory_space<vmem>>, vector<16xf32>,
          %swap3A_2281 = vector.shape_cast %swap3A_2280 : vector<16xf32> to vector<16xf32>
          %swap3A_2282 = vector.shape_cast %select_n3A_2278 : vector<16xf32> to vector<16xf32>
          tpu.vector_store %arg8[%swap3A_2279], %swap3A_2282 {strides = array<i32>} : memref<98304xf32, #tpu.memory_space<vmem>>, vector<16xf32>,
          %add3A_2283 = arith.constant 24576 : i32
          %add3A_2284 = arith.addi %add3A_2201, %add3A_2283 : i32
          %add3A_2285 = arith.constant 128 : i32
          %add3A_2286 = arith.addi %add3A_2284, %add3A_2285 : i32
          %select_n3A_2287 = arith.select %eq3A_2155, %get3A_715, %get3A_667 : vector<16xi1>, vector<16xf32>
          %swap3A_2288 = arith.index_cast %add3A_2286 : i32 to index
          %swap3A_2289 = tpu.vector_load %arg8[%swap3A_2288] {strides = array<i32>} : memref<98304xf32, #tpu.memory_space<vmem>>, vector<16xf32>,
          %swap3A_2290 = vector.shape_cast %swap3A_2289 : vector<16xf32> to vector<16xf32>
          %swap3A_2291 = vector.shape_cast %select_n3A_2287 : vector<16xf32> to vector<16xf32>
          tpu.vector_store %arg8[%swap3A_2288], %swap3A_2291 {strides = array<i32>} : memref<98304xf32, #tpu.memory_space<vmem>>, vector<16xf32>,
          %add3A_2292 = arith.constant 24576 : i32
          %add3A_2293 = arith.addi %add3A_2201, %add3A_2292 : i32
          %add3A_2294 = arith.constant 256 : i32
          %add3A_2295 = arith.addi %add3A_2293, %add3A_2294 : i32
          %select_n3A_2296 = arith.select %eq3A_2155, %get3A_718, %get3A_670 : vector<16xi1>, vector<16xf32>
          %swap3A_2297 = arith.index_cast %add3A_2295 : i32 to index
          %swap3A_2298 = tpu.vector_load %arg8[%swap3A_2297] {strides = array<i32>} : memref<98304xf32, #tpu.memory_space<vmem>>, vector<16xf32>,
          %swap3A_2299 = vector.shape_cast %swap3A_2298 : vector<16xf32> to vector<16xf32>
          %swap3A_2300 = vector.shape_cast %select_n3A_2296 : vector<16xf32> to vector<16xf32>
          tpu.vector_store %arg8[%swap3A_2297], %swap3A_2300 {strides = array<i32>} : memref<98304xf32, #tpu.memory_space<vmem>>, vector<16xf32>,
          %add3A_2301 = arith.constant 24576 : i32
          %add3A_2302 = arith.addi %add3A_2201, %add3A_2301 : i32
          %add3A_2303 = arith.constant 384 : i32
          %add3A_2304 = arith.addi %add3A_2302, %add3A_2303 : i32
          %select_n3A_2305 = arith.select %eq3A_2155, %get3A_721, %get3A_673 : vector<16xi1>, vector<16xf32>
          %swap3A_2306 = arith.index_cast %add3A_2304 : i32 to index
          %swap3A_2307 = tpu.vector_load %arg8[%swap3A_2306] {strides = array<i32>} : memref<98304xf32, #tpu.memory_space<vmem>>, vector<16xf32>,
          %swap3A_2308 = vector.shape_cast %swap3A_2307 : vector<16xf32> to vector<16xf32>
          %swap3A_2309 = vector.shape_cast %select_n3A_2305 : vector<16xf32> to vector<16xf32>
          tpu.vector_store %arg8[%swap3A_2306], %swap3A_2309 {strides = array<i32>} : memref<98304xf32, #tpu.memory_space<vmem>>, vector<16xf32>,
          %add3A_2310 = arith.constant 24576 : i32
          %add3A_2311 = arith.addi %add3A_2201, %add3A_2310 : i32
          %add3A_2312 = arith.constant 512 : i32
          %add3A_2313 = arith.addi %add3A_2311, %add3A_2312 : i32
          %select_n3A_2314 = arith.select %eq3A_2155, %get3A_724, %get3A_676 : vector<16xi1>, vector<16xf32>
          %swap3A_2315 = arith.index_cast %add3A_2313 : i32 to index
          %swap3A_2316 = tpu.vector_load %arg8[%swap3A_2315] {strides = array<i32>} : memref<98304xf32, #tpu.memory_space<vmem>>, vector<16xf32>,
          %swap3A_2317 = vector.shape_cast %swap3A_2316 : vector<16xf32> to vector<16xf32>
          %swap3A_2318 = vector.shape_cast %select_n3A_2314 : vector<16xf32> to vector<16xf32>
          tpu.vector_store %arg8[%swap3A_2315], %swap3A_2318 {strides = array<i32>} : memref<98304xf32, #tpu.memory_space<vmem>>, vector<16xf32>,
          %add3A_2319 = arith.constant 24576 : i32
          %add3A_2320 = arith.addi %add3A_2201, %add3A_2319 : i32
          %add3A_2321 = arith.constant 640 : i32
          %add3A_2322 = arith.addi %add3A_2320, %add3A_2321 : i32
          %select_n3A_2323 = arith.select %eq3A_2155, %get3A_727, %get3A_679 : vector<16xi1>, vector<16xf32>
          %swap3A_2324 = arith.index_cast %add3A_2322 : i32 to index
          %swap3A_2325 = tpu.vector_load %arg8[%swap3A_2324] {strides = array<i32>} : memref<98304xf32, #tpu.memory_space<vmem>>, vector<16xf32>,
          %swap3A_2326 = vector.shape_cast %swap3A_2325 : vector<16xf32> to vector<16xf32>
          %swap3A_2327 = vector.shape_cast %select_n3A_2323 : vector<16xf32> to vector<16xf32>
          tpu.vector_store %arg8[%swap3A_2324], %swap3A_2327 {strides = array<i32>} : memref<98304xf32, #tpu.memory_space<vmem>>, vector<16xf32>,
          %add3A_2328 = arith.constant 24576 : i32
          %add3A_2329 = arith.addi %add3A_2201, %add3A_2328 : i32
          %add3A_2330 = arith.constant 768 : i32
          %add3A_2331 = arith.addi %add3A_2329, %add3A_2330 : i32
          %select_n3A_2332 = arith.select %eq3A_2155, %get3A_730, %get3A_682 : vector<16xi1>, vector<16xf32>
          %swap3A_2333 = arith.index_cast %add3A_2331 : i32 to index
          %swap3A_2334 = tpu.vector_load %arg8[%swap3A_2333] {strides = array<i32>} : memref<98304xf32, #tpu.memory_space<vmem>>, vector<16xf32>,
          %swap3A_2335 = vector.shape_cast %swap3A_2334 : vector<16xf32> to vector<16xf32>
          %swap3A_2336 = vector.shape_cast %select_n3A_2332 : vector<16xf32> to vector<16xf32>
          tpu.vector_store %arg8[%swap3A_2333], %swap3A_2336 {strides = array<i32>} : memref<98304xf32, #tpu.memory_space<vmem>>, vector<16xf32>,
          %add3A_2337 = arith.constant 24576 : i32
          %add3A_2338 = arith.addi %add3A_2201, %add3A_2337 : i32
          %add3A_2339 = arith.constant 896 : i32
          %add3A_2340 = arith.addi %add3A_2338, %add3A_2339 : i32
          %select_n3A_2341 = arith.select %eq3A_2155, %get3A_733, %get3A_685 : vector<16xi1>, vector<16xf32>
          %swap3A_2342 = arith.index_cast %add3A_2340 : i32 to index
          %swap3A_2343 = tpu.vector_load %arg8[%swap3A_2342] {strides = array<i32>} : memref<98304xf32, #tpu.memory_space<vmem>>, vector<16xf32>,
          %swap3A_2344 = vector.shape_cast %swap3A_2343 : vector<16xf32> to vector<16xf32>
          %swap3A_2345 = vector.shape_cast %select_n3A_2341 : vector<16xf32> to vector<16xf32>
          tpu.vector_store %arg8[%swap3A_2342], %swap3A_2345 {strides = array<i32>} : memref<98304xf32, #tpu.memory_space<vmem>>, vector<16xf32>,
        }
        %scan3A_738 = arith.constant 64 : i32
        %mul3A_739 = arith.constant 32768 : i32
        %mul3A_740 = arith.muli %rem3A_534, %mul3A_739 : i32
        %mul3A_741 = arith.constant 32768 : i32
        %mul3A_742 = arith.muli %add3A_490, %mul3A_741 : i32
        %dma_start3A_743 = tpu.memref_slice %arg8[%mul3A_740] : memref<98304xf32, #tpu.memory_space<vmem>> -> memref<32768xf32, #tpu.memory_space<vmem>>
        %dma_start3A_744 = tpu.memref_slice %arg4[%mul3A_742] : memref<42598400xf32, #tpu.memory_space<hbm>> -> memref<32768xf32, #tpu.memory_space<hbm>>
        %dma_start3A_745 = tpu.memref_slice %arg4[%mul3A_742] : memref<42598400xf32, #tpu.memory_space<hbm>> -> memref<32768xf32, #tpu.memory_space<hbm>>
        %dma_start3A_746 = tpu.memref_slice %arg8[%mul3A_740] : memref<98304xf32, #tpu.memory_space<vmem>> -> memref<32768xf32, #tpu.memory_space<vmem>>
        tpu.enqueue_dma source(%dma_start3A_746 : memref<32768xf32, #tpu.memory_space<vmem>>) target(%dma_start3A_745 : memref<32768xf32, #tpu.memory_space<hbm>>) target_semaphore(%arg9 : memref<!tpu.dma_semaphore, #tpu.memory_space<semaphore_mem>>)
      } else {
      }
    }
    %scan3A_486 = arith.constant 44 : i32
    return
  }
}

</mosaic_0001>

<sc_bundles>
// kernel: _run.3.cloned.1.call-start
scs
__scs_entry_jumppad:
0x0: {  	(pc) =	sbr.rel $0x88, $3  }
0x1: {  	(tag) =	ssettag $0x0;
	lr =	simm.s32 $0x1  }
0x2: {  	[smem:$0x3F9F] =	sst lr;
	_ =	strace $0xD0000000  }
0x3: {  	_ = 	snop  }
0x4: {  	_ = 	snop  }
0x5: {  	_ = 	snop  }
0x6: {  	_ = 	snop  }
0x7: {  	_ = 	snop  }
__scs_overlays_trampoline_lowered:
0x8: {  	[smem:$0x3FAE] =	sst s0  }
0x9: {  	[smem:$0x3FAF] =	sst s1  }
0xa: {  	[smem:$0x3FB0] =	sst s2  }
0xb: {  	[smem:$0x3FB1] =	sst s3  }
0xc: {  	[smem:$0x3FB2] =	sst s4  }
0xd: {  	[smem:$0x3FB3] =	sst s5  }
0xe: {  	[smem:$0x3FB4] =	sst s6  }
0xf: {  	[smem:$0x3FB5] =	sst s7  }
0x10: {  	[smem:$0x3FB6] =	sst s8  }
0x11: {  	[smem:$0x3FB7] =	sst s9;
	s0 =	simm.s32 @!p0 $0x0  }
0x12: {  	s1 =	sld [smem:$0x3F9D];
	s0 =	simm.s32 @p0 $0x1  }
0x13: {  	[smem:$0x3FB8] =	sst s0;
	s0 =	simm.s32 @!p1 $0x0  }
0x14: {  	s2 =	sld [smem:$0x3F9C];
	s0 =	simm.s32 @p1 $0x1  }
0x15: {  	[smem:$0x3FB9] =	sst s0;
	s0 =	simm.s32 @!p2 $0x0  }
0x16: {  	s3 =	sld [smem:$0x3FDB];
	s0 =	simm.s32 @p2 $0x1  }
0x17: {  	s4 =	simm.s32 $0x1BF5;
	[smem:$0x3FBB] =	sst s0  }
0x18: {  	s0 =	sld [smem:$0x3F9E];
	_ =	swait.ge [sflag:s4], $0x0  }
0x19: {  	s7 =	sld [smem:$0x3F9F]  }
0x1a: {  	s8 =	sadd.s32 $0xFFFFE003, lr  }
0x1b: {  	s9 =	sadd.s32 $0xFFFFFEF7, lr;
	s5 =	simm.s32 $0xFFFFFFFF;
	p2 =	slt.u32 s8, $0xFFFFF086  }
0x1c: {  	p1 =	slt.u32 s9, $0xF7A;
	s5 =	simm.s32 @!p2 $0x0  }
0x1d: {  	s5 =	simm.s32 @p1 $0x1;
	p0 =	seq.s32 s7, s2  }
0x1e: {  	s7 =	smul.u32 @!p0 $0xF7A, s2;
	p2 =	seq.s32 @!p0 s5, $0x0  }
0x1f: {  	s9 =	smul.u32 $0xF7A, s1;
	s8 =	simm.s32 @!p0 $0x1BF5;
	p2 =	por !p2, p0  }
0x20: {  	[sflag:s8] =	ssyncset.s32 @!p0 $0xFFFFF086;
	s6 =	sadd.s32 @!p0 s3, s7;
	s7 =	simm.s32 @!p0 $0x108  }
0x21: {  	s3 =	sadd.s32 s3, s9;
	s6 =	sadd.s32 @!p0 $0x88, s6;
	s7 =	simm.s32 @p2 $0x1082  }
0x22: {  	[simem:s7], [sflag:s8] =	dma.local @!p0 [hbm:s6], $0xF7A  }
0x23: {  	s9 =	sor.u32 $0xD0000000, s2;
	s6 =	simm.s32 $0x108;
	_ =	swait.ge @!p0 [sflag:s8], $0x0  }
0x24: {  	s3 =	sadd.s32 $0x88, s3;
	s6 =	simm.s32 @!p1 $0x1082;
	[sflag:s4] =	ssyncset.s32 $0xFFFFF086  }
0x25: {  	[simem:s6], [sflag:s4] =	dma.local [hbm:s3], $0xF7A  }
0x26: {  	[smem:$0x3F9F] =	sst s1;
	(tag) =	ssettag s2;
	_ =	strace s9  }
0x27: {  	s1 =	sld [smem:$0x3FAF]  }
0x28: {  	s2 =	sld [smem:$0x3FB0]  }
0x29: {  	s4 =	sld [smem:$0x3FB2]  }
0x2a: {  	p0 =	seq.s32 s5, $0x0;
	s5 =	sld [smem:$0x3FB3]  }
0x2b: {  	s6 =	sld [smem:$0x3FB4]  }
0x2c: {  	s7 =	sld [smem:$0x3FB5]  }
0x2d: {  	s3 =	simm.s32 $0x108;
	s8 =	sld [smem:$0x3FB6]  }
0x2e: {  	s3 =	simm.s32 @!p0 $0x1082;
	s9 =	sld [smem:$0x3FB7]  }
0x2f: {  	lr =	sadd.s32 s0, s3;
	s0 =	sld [smem:$0x3FAE]  }
0x30: {  	s3 =	sld [smem:$0x3FB1]  }
0x31: {  	[smem:$0x3FBA] =	sst s10  }
0x32: {  	s10 =	sld [smem:$0x3FB8];
	_ =	sdelay $0x3  }
0x33: {  	p0 =	seq.s32 s10, $0x1;
	s10 =	sld [smem:$0x3FBA];
	_ =	sdelay $0x3  }
0x34: {  	[smem:$0x3FBA] =	sst s10  }
0x35: {  	s10 =	sld [smem:$0x3FB9];
	_ =	sdelay $0x3  }
0x36: {  	p1 =	seq.s32 s10, $0x1;
	s10 =	sld [smem:$0x3FBA];
	_ =	sdelay $0x3  }
0x37: {  	[smem:$0x3FBA] =	sst s10  }
0x38: {  	s10 =	sld [smem:$0x3FBB]  }
0x39: {  	_ = 	snop;
	(pc) =	sbr.ind lr, $3  }
0x3a: {  	_ = 	snop  }
0x3b: {  	_ = 	snop  }
0x3c: {  	p2 =	seq.s32 s10, $0x1;
	s10 =	sld [smem:$0x3FBA]  }
0x3d: {  	_ =	shalt  }
0x3e: {  	_ =	shalt  }
0x3f: {  	_ =	shalt  }
0x40: {  	_ =	shalt  }
0x41: {  	_ =	shalt  }
0x42: {  	_ =	shalt  }
0x43: {  	_ =	shalt  }
0x44: {  	_ =	shalt  }
0x45: {  	_ =	shalt  }
0x46: {  	_ =	shalt  }
0x47: {  	_ =	shalt  }
0x48: {  	_ =	shalt  }
0x49: {  	_ =	shalt  }
0x4a: {  	_ =	shalt  }
0x4b: {  	_ =	shalt  }
0x4c: {  	_ =	shalt  }
0x4d: {  	_ =	shalt  }
0x4e: {  	_ =	shalt  }
0x4f: {  	_ =	shalt  }
0x50: {  	_ =	shalt  }
0x51: {  	_ =	shalt  }
0x52: {  	_ =	shalt  }
0x53: {  	_ =	shalt  }
0x54: {  	_ =	shalt  }
0x55: {  	_ =	shalt  }
0x56: {  	_ =	shalt  }
0x57: {  	_ =	shalt  }
0x58: {  	_ =	shalt  }
0x59: {  	_ =	shalt  }
0x5a: {  	_ =	shalt  }
0x5b: {  	_ =	shalt  }
0x5c: {  	_ =	shalt  }
0x5d: {  	_ =	shalt  }
0x5e: {  	_ =	shalt  }
0x5f: {  	_ =	shalt  }
0x60: {  	_ =	shalt  }
0x61: {  	_ =	shalt  }
0x62: {  	_ =	shalt  }
0x63: {  	_ =	shalt  }
0x64: {  	_ =	shalt  }
0x65: {  	_ =	shalt  }
0x66: {  	_ =	shalt  }
0x67: {  	_ =	shalt  }
0x68: {  	_ =	shalt  }
0x69: {  	_ =	shalt  }
0x6a: {  	_ =	shalt  }
0x6b: {  	_ =	shalt  }
0x6c: {  	_ =	shalt  }
0x6d: {  	_ =	shalt  }
0x6e: {  	_ =	shalt  }
0x6f: {  	_ =	shalt  }
0x70: {  	_ =	shalt  }
0x71: {  	_ =	shalt  }
0x72: {  	_ =	shalt  }
0x73: {  	_ =	shalt  }
0x74: {  	_ =	shalt  }
0x75: {  	_ =	shalt  }
0x76: {  	_ =	shalt  }
0x77: {  	_ =	shalt  }
0x78: {  	_ =	shalt  }
0x79: {  	_ =	shalt  }
0x7a: {  	_ =	shalt  }
0x7b: {  	_ =	shalt  }
0x7c: {  	_ =	shalt  }
0x7d: {  	_ =	shalt  }
0x7e: {  	_ =	shalt  }
0x7f: {  	_ =	shalt  }
0x80: {  	_ =	shalt  }
0x81: {  	_ =	shalt  }
0x82: {  	_ =	shalt  }
0x83: {  	_ =	shalt  }
0x84: {  	_ =	shalt  }
0x85: {  	_ =	shalt  }
0x86: {  	_ =	shalt  }
0x87: {  	_ =	shalt  }
.Lfunc_end0:
.L_simem_size_0:
called_computation_lowered:
.L_overlay_start_0:
0x88: {  	s2 =	sld [smem:$0x3FD9]  }
0x89: {  	s3 =	sld [smem:$0x3FFE];
	_ =	sdelay $0x1  }
0x8a: {  	s1 =	srdreg.scid  }
0x8b: {  	s0 =	sand.u32 $0x1, s1  }
0x8c: {  	s18 =	sshll.u32 s0, $0xA;
	s2 =	sadd.s32 s3, s2  }
0x8d: {  	s2 =	sadd.s32 s2, s18  }
0x8e: {  	[smem:$0x3FC6] =	sst s2  }
0x8f: {  	_ = 	snop  }
0x90: {  	s2 =	sld [smem:$0x3FC9]  }
0x91: {  	s19 =	sld [smem:$0x3FC8]  }
0x92: {  	s4 =	sld [smem:$0x3FD0];
	(tm) =	ssettm $0x1  }
0x93: {  	s5 =	sld [smem:$0x3FFB];
	_ =	sdelay $0x3  }
0x94: {  	_ =	strace s5  }
0x95: {  	s5 =	sld [smem:$0x3FFC];
	_ =	sdelay $0x3  }
0x96: {  	_ =	strace s5  }
0x97: {  	s5 =	sld [smem:$0x3FFD];
	_ =	sdelay $0x3  }
0x98: {  	_ =	strace s5  }
0x99: {  	_ =	strace $0x8FFFFFFF  }
0x9a: {  	s20 =	sld [smem:$0x3FDB];
	_ =	sdelay $0x1  }
0x9b: {  	s6 =	simm.s32 $_scs_section_size  }
0x9c: {  	s7 =	simm.s32 $_size__tile_overlayer_lowered;
	s8 =	simm.s32 $_tile_overlayer_lowered  }
0x9d: {  	s23 =	simm.s32 $0x1BFF;
	s22 =	sshll.u32 s8, $0x1;
	s5 =	sadd.s32 s6, s20  }
0x9e: {  	s9 =	simm.s32 $0x0;
	s21 =	sshll.u32 s7, $0x1;
	s7 =	sadd.s32 s22, s5  }
0x9f: {  	[timem:s9], [sflag:s23] =	dma.local [hbm:s7], s21  }
0xa0: {  	_ =	swait.ge [sflag:s23], s21  }
0xa1: {  	s6 =	ssub.s32 $0x0, s21;
	[sflag:s23] =	ssyncset.done $0x0  }
0xa2: {  	[sflag:s23] =	ssyncadd.s32 s6;
	_ =	sdelay $0x1  }
0xa3: {  	s24 =	simm.s32 $0x1B8B  }
0xa4: {  	_ =	swait.ge [sflag:s24], $0x1  }
0xa5: {  	[sflag:s24] =	ssyncset.done $0x0  }
0xa6: {  	s25 =	simm.s32 $0x1B8E;
	[sflag:s24] =	ssyncadd.s32 $0xFFFFFFFF  }
0xa7: {  	s26 =	simm.s32 $execute0_lowered;
	[smem:$0x3FD2] =	sst s25  }
0xa8: {  	s6 =	sshll.u32 s26, $0x1;
	_ =	strace $0x80000046;
	[dreg:$0x1] =	wrdreg $0xFFFFFFFF  }
0xa9: {  	s28 =	simm.s32 $_size_execute0_lowered;
	s5 =	sadd.s32 s5, s6;
	[dreg:$0x0] =	wrdreg $0x0  }
0xaa: {  	s6 =	sshll.u32 s28, $0x1;
	[dreg:$0x2] =	wrdreg s5  }
0xab: {  	[dreg:$0x3] =	wrdreg s6  }
0xac: {  	[dreg:$0x4] =	wrdreg $0xC0  }
0xad: {  	_ =	task [dreg:s9], $0x5FFFF  }
0xae: {  	[dreg:$0x1] =	wrdreg $0xFFFFFFFF  }
0xaf: {  	[dreg:$0x0] =	wrdreg $0x60  }
0xb0: {  	[dreg:$0x2] =	wrdreg s2  }
0xb1: {  	[dreg:$0x3] =	wrdreg s19  }
0xb2: {  	[dreg:$0x4] =	wrdreg s4  }
0xb3: {  	[dreg:$0x5] =	wrdreg $0x9  }
0xb4: {  	_ =	task.clear_ibuf [dreg:s9], $0x6FFFF;
	_ =	strace $0x90000046  }
0xb5: {  	s29 =	simm.s32 $0x9;
	_ =	strace $0x80000048  }
0xb6: {  	_ =	swait.ge [sflag:s29], $0x1  }
0xb7: {  	[sflag:s29] =	ssyncadd.s32 $0xFFFFFFFF  }
0xb8: {  	_ =	strace $0x90000048  }
0xb9: {  	_ =	sfence  }
0xba: {  	s30 =	sld [smem:$0x0];
	_ =	sdelay $0x2  }
0xbb: {  	s31 =	sshll.u32 s1, $0xD;
	s1 =	sshrl.u32 s1, $0x2  }
0xbc: {  	s3 =	sand.u32 $0x4000, s31;
	s1 =	sadd.s32 s1, s30  }
0xbd: {  	s0 =	sor.u32 s3, s0;
	s1 =	sshll.u32 s1, $0x11  }
0xbe: {  	s0 =	sor.u32 s1, s0  }
0xbf: {  	s0 =	sadd.s32 $0x8F2B, s0  }
0xc0: {  	[sflag:s0] =	ssyncadd.remote.s32 $0x1  }
0xc1: {  	_ =	sfence.sel $0xFFFF  }
0xc2: {  	[dreg:$0x0] =	wrdreg $0xFFFFFFFF;
	(pc) =	sbr.abs _section_cstart, $3  }
0xc3: {  	[dreg:$0x1] =	wrdreg $0xFFFFFFFF  }
0xc4: {  	_ =	task.clear_ibuf [dreg:s9], $0x2FFFF;
	_ =	strace $0x9FFFFFFF  }
0xc5: {  	(tm) =	ssettm $0x7FFFFFFF  }
tec
execute0_lowered:
.L_overlay_start_1:
0x0: {  	(tag) =	ssettag $0x1  }
0x1: {  	s1 =	rddreg [dreg:$0x0]  }
0x2: {  	s2 =	rddreg [dreg:$0x1]  }
0x3: {  	s3 =	rddreg [dreg:$0x2]  }
0x4: {  	s4 =	srdreg.scid;
	s0 =	rddreg [dreg:$0x3]  }
0x5: {  	s5 =	simm.s32 $0x0;
	s7 =	simm.s32 $0x29;
	s10 =	simm.s32 $0x80  }
0x6: {  	s13 =	simm.s32 $0x800;
	s14 =	simm.s32 $0x3;
	s15 =	simm.s32 $0x2  }
0x7: {  	s16 =	simm.s32 $0x0;
	s6 =	sand.u32 $0x1, s4;
	[smem:$0x7FF] =	sst s5  }
.Ltmp0:
0x8: {  	s4 =	stileid.u32;
	s8 =	ssub.s32 $0x2, s6;
	(pc) =	sbr.rel .LBB2_1-.Ltmp0, $4  }
0x9: {  	p0 =	slt.u32 s4, $0xA;
	_ =	strace $0x80000047;
	s9 =	sshrl.u32 s8, $0x1  }
0xa: {  	s7 =	simm.s32 @!p0 $0x28;
	p0 =	sgt.u32 s4, $0xC;
	s12 =	ssub.s32 s8, s9  }
0xb: {  	s10 =	simm.s32 @!p0 $0x0;
	s8 =	sshll.u32 s4, $0x1;
	s11 =	sadd.s32 $0xFFFFFFFF, s7  }
0xc: {  	s9 =	sadd.s32 s1, s10;
	s10 =	sadd.s32 $0x3, s7;
	s12 =	smax.u32 s12, $0x1  }
.LBB2_9:
0xd: {  	s16 =	sadd.s32 $0x1, s16  }
0xe: {  	p0 =	sne.s32 s16, s12  }
.Ltmp1:
0xf: {  	_ = 	snop;
	(pc) =	sbr.rel @!p0 .LBB2_10-.Ltmp1, $1  }
0x10: {  	_ =	sdelay $0x3  }
.LBB2_1:
0x11: {  	[tilespmem:s13], [sflag:$0x3] =	stream.linear.gather [hbm4b:s2+s5], $0x40, $0x38;
	[tilespmem:$0x18C80] =	vst v63  }
0x12: {  	_ =	swait.ge [sflag:s14], $0x40  }
0x13: {  	[sflag:s14] =	ssyncset.done $0x0  }
0x14: {  	[sflag:s14] =	ssyncadd.s32 $0xFFFFFFC0  }
0x15: {  	v0 =	vld [tilespmem:$0x800]  }
0x16: {  	v1 =	vld [tilespmem:$0x820];
	_ =	sdelay $0x3  }
0x17: {  	v2 =	vbroadcast v0, $0x0  }
0x18: {  	v3 =	vbroadcast v1, $0x0  }
0x19: {  	v62 =	vbroadcast v0, $0x1;
	[tilespmem:$0x880] =	vst v2  }
0x1a: {  	v63 =	vbroadcast v1, $0x1;
	[tilespmem:$0xA80] =	vst v3  }
0x1b: {  	v6 =	vbroadcast v0, $0x2;
	[tilespmem:$0x890] =	vst v62  }
0x1c: {  	v7 =	vbroadcast v1, $0x2;
	[tilespmem:$0xA90] =	vst v63  }
0x1d: {  	v8 =	vbroadcast v0, $0x3;
	[tilespmem:$0x8A0] =	vst v6  }
0x1e: {  	v9 =	vbroadcast v1, $0x3;
	[tilespmem:$0xAA0] =	vst v7  }
0x1f: {  	v10 =	vbroadcast v0, $0x4;
	[tilespmem:$0x8B0] =	vst v8  }
0x20: {  	v11 =	vbroadcast v1, $0x4;
	[tilespmem:$0xAB0] =	vst v9  }
0x21: {  	v12 =	vbroadcast v0, $0x5;
	[tilespmem:$0x8C0] =	vst v10  }
0x22: {  	v13 =	vbroadcast v1, $0x5;
	[tilespmem:$0xAC0] =	vst v11  }
0x23: {  	v14 =	vbroadcast v0, $0x6;
	[tilespmem:$0x8D0] =	vst v12  }
0x24: {  	v15 =	vbroadcast v1, $0x6;
	[tilespmem:$0xAD0] =	vst v13  }
0x25: {  	v16 =	vbroadcast v0, $0x7;
	[tilespmem:$0x8E0] =	vst v14  }
0x26: {  	v17 =	vbroadcast v1, $0x7;
	[tilespmem:$0xAE0] =	vst v15  }
0x27: {  	v18 =	vbroadcast v0, $0x8;
	[tilespmem:$0x8F0] =	vst v16  }
0x28: {  	v19 =	vbroadcast v1, $0x8;
	[tilespmem:$0xAF0] =	vst v17  }
0x29: {  	v20 =	vbroadcast v0, $0x9;
	[tilespmem:$0x900] =	vst v18  }
0x2a: {  	v21 =	vbroadcast v1, $0x9;
	[tilespmem:$0xB00] =	vst v19  }
0x2b: {  	v22 =	vbroadcast v0, $0xA;
	[tilespmem:$0x910] =	vst v20  }
0x2c: {  	v23 =	vbroadcast v1, $0xA;
	[tilespmem:$0xB10] =	vst v21  }
0x2d: {  	v24 =	vbroadcast v0, $0xB;
	[tilespmem:$0x920] =	vst v22  }
0x2e: {  	v25 =	vbroadcast v1, $0xB;
	[tilespmem:$0xB20] =	vst v23  }
0x2f: {  	v26 =	vbroadcast v0, $0xC;
	[tilespmem:$0x930] =	vst v24  }
0x30: {  	v27 =	vbroadcast v1, $0xC;
	[tilespmem:$0xB30] =	vst v25  }
0x31: {  	v28 =	vbroadcast v0, $0xD;
	[tilespmem:$0x940] =	vst v26  }
0x32: {  	v4 =	vld [tilespmem:$0x810];
	v29 =	vbroadcast v1, $0xD;
	[tilespmem:$0xB40] =	vst v27  }
0x33: {  	v5 =	vld [tilespmem:$0x830];
	v30 =	vbroadcast v0, $0xE;
	[tilespmem:$0x950] =	vst v28  }
0x34: {  	v31 =	vbroadcast v1, $0xE;
	[tilespmem:$0xB50] =	vst v29  }
0x35: {  	v0 =	vbroadcast v0, $0xF;
	[tilespmem:$0x960] =	vst v30  }
0x36: {  	v1 =	vbroadcast v1, $0xF;
	[tilespmem:$0xB60] =	vst v31  }
0x37: {  	v32 =	vbroadcast v4, $0x0;
	[tilespmem:$0x970] =	vst v0  }
0x38: {  	v33 =	vbroadcast v5, $0x0;
	[tilespmem:$0xB70] =	vst v1  }
0x39: {  	v34 =	vbroadcast v4, $0x1;
	[tilespmem:$0x980] =	vst v32  }
0x3a: {  	v35 =	vbroadcast v5, $0x1;
	[tilespmem:$0xB80] =	vst v33  }
0x3b: {  	v36 =	vbroadcast v4, $0x2;
	[tilespmem:$0x990] =	vst v34  }
0x3c: {  	v37 =	vbroadcast v5, $0x2;
	[tilespmem:$0xB90] =	vst v35  }
0x3d: {  	v38 =	vbroadcast v4, $0x3;
	[tilespmem:$0x9A0] =	vst v36  }
0x3e: {  	v39 =	vbroadcast v5, $0x3;
	[tilespmem:$0xBA0] =	vst v37  }
0x3f: {  	v40 =	vbroadcast v4, $0x4;
	[tilespmem:$0x9B0] =	vst v38  }
0x40: {  	v41 =	vbroadcast v5, $0x4;
	[tilespmem:$0xBB0] =	vst v39  }
0x41: {  	v42 =	vbroadcast v4, $0x5;
	[tilespmem:$0x9C0] =	vst v40  }
0x42: {  	v43 =	vbroadcast v5, $0x5;
	[tilespmem:$0xBC0] =	vst v41  }
0x43: {  	v44 =	vbroadcast v4, $0x6;
	[tilespmem:$0x9D0] =	vst v42  }
0x44: {  	v45 =	vbroadcast v5, $0x6;
	[tilespmem:$0xBD0] =	vst v43  }
0x45: {  	v46 =	vbroadcast v4, $0x7;
	[tilespmem:$0x9E0] =	vst v44  }
0x46: {  	v47 =	vbroadcast v5, $0x7;
	[tilespmem:$0xBE0] =	vst v45  }
0x47: {  	v48 =	vbroadcast v4, $0x8;
	[tilespmem:$0x9F0] =	vst v46  }
0x48: {  	v49 =	vbroadcast v5, $0x8;
	[tilespmem:$0xBF0] =	vst v47  }
0x49: {  	v50 =	vbroadcast v4, $0x9;
	[tilespmem:$0xA00] =	vst v48  }
0x4a: {  	v51 =	vbroadcast v5, $0x9;
	[tilespmem:$0xC00] =	vst v49  }
0x4b: {  	v52 =	vbroadcast v4, $0xA;
	[tilespmem:$0xA10] =	vst v50  }
0x4c: {  	v53 =	vbroadcast v5, $0xA;
	[tilespmem:$0xC10] =	vst v51  }
0x4d: {  	v54 =	vbroadcast v4, $0xB;
	[tilespmem:$0xA20] =	vst v52  }
0x4e: {  	v55 =	vbroadcast v5, $0xB;
	[tilespmem:$0xC20] =	vst v53  }
0x4f: {  	v56 =	vbroadcast v4, $0xC;
	[tilespmem:$0xA30] =	vst v54  }
0x50: {  	v57 =	vbroadcast v5, $0xC;
	[tilespmem:$0xC30] =	vst v55  }
0x51: {  	v58 =	vbroadcast v4, $0xD;
	[tilespmem:$0xA40] =	vst v56  }
0x52: {  	v59 =	vbroadcast v5, $0xD;
	[tilespmem:$0xC40] =	vst v57  }
0x53: {  	v60 =	vbroadcast v4, $0xE;
	[tilespmem:$0xA50] =	vst v58  }
0x54: {  	v61 =	vbroadcast v5, $0xE;
	[tilespmem:$0xC50] =	vst v59  }
.Ltmp2:
0x55: {  	[tilespmem:$0xA60] =	vst v60;
	v62 =	vbroadcast v4, $0xF;
	(pc) =	sbr.rel .LBB2_2-.Ltmp2, $4  }
0x56: {  	[tilespmem:$0xC60] =	vst v61;
	v63 =	vbroadcast v5, $0xF  }
0x57: {  	s17 =	simm.s32 $0x3070;
	[tilespmem:$0xA70] =	vst v62  }
0x58: {  	p0 =	por $0x0, $0x0;
	s18 =	simm.s32 $0x7070;
	s19 =	simm.s32 $0x0;
	[tilespmem:$0xC70] =	vst v63  }
0x59: {  	[tilespmem:s5], [sflag:$0x2] =	stream.linear.gather [hbm4b:s9+s5], $0x400, $0x38;
	[tilespmem:$0x18C80] =	vst v63  }
.LBB2_8:
0x5a: {  	s19 =	sadd.s32 $0x1, s19  }
0x5b: {  	p1 =	sne.s32 s19, $0x2C  }
.Ltmp3:
0x5c: {  	_ = 	snop;
	(pc) =	sbr.rel @!p1 .LBB2_9-.Ltmp3, $2  }
0x5d: {  	_ =	sdelay $0x2  }
0x5e: {  	s17 =	sadd.s32 $0x8000, s17;
	p0 =	por !p0, !p0;
	s18 =	sadd.s32 $0x8000, s18  }
.LBB2_2:
0x5f: {  	p1 =	slt.u32 s19, $0x3  }
0x60: {  	p2 =	sge.u32 @!p1 s19, s10  }
0x61: {  	p1 =	por p2, p1;
	p2 =	sge.u32 s19, s7  }
.Ltmp4:
0x62: {  	_ = 	snop;
	(pc) =	sbr.rel @p2 .LBB2_8-.Ltmp4, $4  }
0x63: {  	s20 =	simm.s32 @!p1 $0x1  }
0x64: {  	_ =	swait.ge @!p1 [sflag:s20], $0x8000  }
0x65: {  	[sflag:s20] =	ssyncset.done @!p1 $0x0  }
0x66: {  	[sflag:s20] =	ssyncadd.s32 @!p1 $0xFFFF8000  }
0x67: {  	s20 =	sshll.u32 s19, $0x5  }
0x68: {  	p1 =	sge.u32 s19, s11;
	s20 =	sor.u32 s8, s20  }
0x69: {  	s21 =	sadd.s32 @!p1 $0x20, s20  }
0x6a: {  	s21 =	smulhi.u32 @!p1 $0x4EC4EC4F, s21  }
0x6b: {  	_ =	swait.ge [sflag:s15], $0x400  }
0x6c: {  	s22 =	sshll.u32 s19, $0xA;
	[sflag:s15] =	ssyncset.done $0x0;
	s21 =	sshll.u32 @!p1 s21, $0x4  }
0x6d: {  	s22 =	ssub.s32 @!p1 $0x400, s22;
	s23 =	simm.s32 @!p1 $0x0;
	s21 =	sand.u32 @!p1 $0x1FFFFF80, s21  }
0x6e: {  	[sflag:s15] =	ssyncadd.s32 $0xFFFFFC00;
	s22 =	sand.u32 @!p1 $0x400, s22;
	s21 =	sadd.s32 @!p1 s1, s21  }
0x6f: {  	[tilespmem:s22], [sflag:$0x2] =	stream.linear.gather @!p1 [hbm4b:s21+s23], $0x400, $0x38;
	[tilespmem:$0x18C80] =	vst v63  }
0x70: {  	v2 =	vld [tilespmem:$0x880]  }
0x71: {  	v3 =	vld [tilespmem:$0x890]  }
0x72: {  	v4 =	vld [tilespmem:$0x8A0]  }
0x73: {  	v5 =	vld [tilespmem:$0x8B0]  }
0x74: {  	v6 =	vld [tilespmem:$0x8C0]  }
0x75: {  	v7 =	vld [tilespmem:$0x8D0]  }
0x76: {  	v8 =	vld [tilespmem:$0x8E0]  }
0x77: {  	v9 =	vld [tilespmem:$0x8F0]  }
0x78: {  	v10 =	vld [tilespmem:$0x900]  }
0x79: {  	v11 =	vld [tilespmem:$0x910]  }
0x7a: {  	v12 =	vld [tilespmem:$0x920]  }
0x7b: {  	v13 =	vld [tilespmem:$0x930]  }
0x7c: {  	v14 =	vld [tilespmem:$0x940]  }
0x7d: {  	v15 =	vld [tilespmem:$0x950]  }
0x7e: {  	v16 =	vld [tilespmem:$0x960]  }
0x7f: {  	v17 =	vld [tilespmem:$0x970]  }
0x80: {  	v18 =	vld [tilespmem:$0xA80]  }
0x81: {  	v19 =	vld [tilespmem:$0xA90]  }
0x82: {  	v20 =	vld [tilespmem:$0xAA0]  }
0x83: {  	v21 =	vld [tilespmem:$0xAB0]  }
0x84: {  	v22 =	vld [tilespmem:$0xAC0]  }
0x85: {  	s26 =	smul.u32 $0xAB, s19;
	v23 =	vld [tilespmem:$0xAD0]  }
0x86: {  	s28 =	smulhi.u32 $0xAAAAAAAB, s19;
	v24 =	vld [tilespmem:$0xAE0]  }
0x87: {  	s20 =	sor.u32 s6, s20;
	v25 =	vld [tilespmem:$0xAF0]  }
0x88: {  	s29 =	smulhi.u32 $0x4EC4EC4F, s20;
	s21 =	sshrl.u32 s26, $0x9;
	s22 =	sshrl.u32 s28, $0x1;
	v26 =	vld [tilespmem:$0xB00]  }
0x89: {  	s21 =	sand.u32 $0x7F, s21;
	v27 =	vld [tilespmem:$0xB10];
	s22 =	smul.u32 $0xFFFA0000, s22  }
0x8a: {  	s24 =	simm.s32 $0x1;
	s23 =	sshrl.u32 s29, $0x3;
	v28 =	vld [tilespmem:$0xB20];
	s21 =	smul.u32 $0x3, s21  }
0x8b: {  	s24 =	simm.s32 @!p0 $0x0;
	v29 =	vld [tilespmem:$0xB30];
	s23 =	smul.u32 $0x1A, s23  }
0x8c: {  	s24 =	sshll.u32 s24, $0xA;
	v30 =	vld [tilespmem:$0xB40];
	s25 =	ssub.s32 s19, s21  }
0x8d: {  	v31 =	vld [tilespmem:$0xB50];
	s23 =	ssub.s32 s20, s23;
	s31 =	sshra.s32 s22, $0x2;
	s30 =	sand.u32 $0xFF, s25  }
0x8e: {  	v32 =	vld [tilespmem:$0xB60];
	s21 =	sor.u32 $0x40, s24;
	v0 =	vmov s23;
	s23 =	simm.s32 $0xFFFFFFF8;
	s24 =	sshll.u32 s30, $0xF  }
0x8f: {  	v33 =	vld [tilespmem:$0xB70];
	v1 =	vmov s31;
	s25 =	smov.u32 s17;
	s22 =	sor.u32 $0xC80, s24;
	s24 =	smov.u32 s21  }
.LBB2_4:
0x90: {  	v34 =	vld [tilespmem:s24+$0xFFFFFFC0];
	_ =	sdelay $0x4  }
0x91: {  	vm0 =	veq.s32 v34, v0  }
0x92: {  	v34 =	vsel vm0, v18, v2  }
0x93: {  	v56 =	vsel vm0, v19, v3;
	[tilespmem:v1+s25+$0xFFFFDC10 ss:$0x1] =	vst.idx.msk $0xffff, v34  }
0x94: {  	v57 =	vsel vm0, v20, v4;
	[tilespmem:v1+s25+$0xFFFFDC90 ss:$0x1] =	vst.idx.msk $0xffff, v56  }
0x95: {  	v58 =	vsel vm0, v21, v5;
	[tilespmem:v1+s25+$0xFFFFDD10 ss:$0x1] =	vst.idx.msk $0xffff, v57  }
0x96: {  	v59 =	vsel vm0, v22, v6;
	[tilespmem:v1+s25+$0xFFFFDD90 ss:$0x1] =	vst.idx.msk $0xffff, v58  }
0x97: {  	v60 =	vsel vm0, v23, v7;
	[tilespmem:v1+s25+$0xFFFFDE10 ss:$0x1] =	vst.idx.msk $0xffff, v59  }
0x98: {  	v61 =	vsel vm0, v24, v8;
	[tilespmem:v1+s25+$0xFFFFDE90 ss:$0x1] =	vst.idx.msk $0xffff, v60  }
0x99: {  	v62 =	vsel vm0, v25, v9;
	[tilespmem:v1+s25+$0xFFFFDF10 ss:$0x1] =	vst.idx.msk $0xffff, v61  }
0x9a: {  	v63 =	vsel vm0, v26, v10;
	[tilespmem:v1+s25+$0xFFFFDF90 ss:$0x1] =	vst.idx.msk $0xffff, v62  }
0x9b: {  	v36 =	vsel vm0, v27, v11;
	[tilespmem:v1+s25+$0xFFFFFC10 ss:$0x1] =	vst.idx.msk $0xffff, v63  }
0x9c: {  	v37 =	vsel vm0, v28, v12;
	[tilespmem:v1+s25+$0xFFFFFC90 ss:$0x1] =	vst.idx.msk $0xffff, v36  }
0x9d: {  	v38 =	vsel vm0, v29, v13;
	[tilespmem:v1+s25+$0xFFFFFD10 ss:$0x1] =	vst.idx.msk $0xffff, v37  }
0x9e: {  	v39 =	vsel vm0, v30, v14;
	[tilespmem:v1+s25+$0xFFFFFD90 ss:$0x1] =	vst.idx.msk $0xffff, v38  }
0x9f: {  	v40 =	vsel vm0, v31, v15;
	[tilespmem:v1+s25+$0xFFFFFE10 ss:$0x1] =	vst.idx.msk $0xffff, v39  }
0xa0: {  	v41 =	vsel vm0, v32, v16;
	[tilespmem:v1+s25+$0xFFFFFE90 ss:$0x1] =	vst.idx.msk $0xffff, v40  }
0xa1: {  	v42 =	vsel vm0, v33, v17;
	[tilespmem:v1+s25+$0xFFFFFF10 ss:$0x1] =	vst.idx.msk $0xffff, v41  }
0xa2: {  	[tilespmem:v1+s25+$0xFFFFFF90 ss:$0x1] =	vst.idx.msk $0xffff, v42  }
0xa3: {  	v34 =	vld [tilespmem:s24+$0xFFFFFFD0];
	_ =	sdelay $0x4  }
0xa4: {  	vm9 =	veq.s32 v34, v0  }
0xa5: {  	v34 =	vsel vm9, v18, v2  }
0xa6: {  	v43 =	vsel vm9, v19, v3;
	[tilespmem:v1+s25+$0xFFFFDC20 ss:$0x1] =	vst.idx.msk $0xffff, v34  }
0xa7: {  	v44 =	vsel vm9, v20, v4;
	[tilespmem:v1+s25+$0xFFFFDCA0 ss:$0x1] =	vst.idx.msk $0xffff, v43  }
0xa8: {  	v45 =	vsel vm9, v21, v5;
	[tilespmem:v1+s25+$0xFFFFDD20 ss:$0x1] =	vst.idx.msk $0xffff, v44  }
0xa9: {  	v46 =	vsel vm9, v22, v6;
	[tilespmem:v1+s25+$0xFFFFDDA0 ss:$0x1] =	vst.idx.msk $0xffff, v45  }
0xaa: {  	v47 =	vsel vm9, v23, v7;
	[tilespmem:v1+s25+$0xFFFFDE20 ss:$0x1] =	vst.idx.msk $0xffff, v46  }
0xab: {  	v48 =	vsel vm9, v24, v8;
	[tilespmem:v1+s25+$0xFFFFDEA0 ss:$0x1] =	vst.idx.msk $0xffff, v47  }
0xac: {  	v49 =	vsel vm9, v25, v9;
	[tilespmem:v1+s25+$0xFFFFDF20 ss:$0x1] =	vst.idx.msk $0xffff, v48  }
0xad: {  	v50 =	vsel vm9, v26, v10;
	[tilespmem:v1+s25+$0xFFFFDFA0 ss:$0x1] =	vst.idx.msk $0xffff, v49  }
0xae: {  	v51 =	vsel vm9, v27, v11;
	[tilespmem:v1+s25+$0xFFFFFC20 ss:$0x1] =	vst.idx.msk $0xffff, v50  }
0xaf: {  	v52 =	vsel vm9, v28, v12;
	[tilespmem:v1+s25+$0xFFFFFCA0 ss:$0x1] =	vst.idx.msk $0xffff, v51  }
0xb0: {  	v53 =	vsel vm9, v29, v13;
	[tilespmem:v1+s25+$0xFFFFFD20 ss:$0x1] =	vst.idx.msk $0xffff, v52  }
0xb1: {  	v54 =	vsel vm9, v30, v14;
	[tilespmem:v1+s25+$0xFFFFFDA0 ss:$0x1] =	vst.idx.msk $0xffff, v53  }
0xb2: {  	v55 =	vsel vm9, v31, v15;
	[tilespmem:v1+s25+$0xFFFFFE20 ss:$0x1] =	vst.idx.msk $0xffff, v54  }
0xb3: {  	v56 =	vsel vm9, v32, v16;
	[tilespmem:v1+s25+$0xFFFFFEA0 ss:$0x1] =	vst.idx.msk $0xffff, v55  }
0xb4: {  	v57 =	vsel vm9, v33, v17;
	[tilespmem:v1+s25+$0xFFFFFF20 ss:$0x1] =	vst.idx.msk $0xffff, v56  }
0xb5: {  	[tilespmem:v1+s25+$0xFFFFFFA0 ss:$0x1] =	vst.idx.msk $0xffff, v57  }
0xb6: {  	v34 =	vld [tilespmem:s24+$0xFFFFFFE0];
	_ =	sdelay $0x4  }
0xb7: {  	vm10 =	veq.s32 v34, v0  }
0xb8: {  	v34 =	vsel vm10, v18, v2  }
0xb9: {  	v58 =	vsel vm10, v19, v3;
	[tilespmem:v1+s25+$0xFFFFDC30 ss:$0x1] =	vst.idx.msk $0xffff, v34  }
0xba: {  	v59 =	vsel vm10, v20, v4;
	[tilespmem:v1+s25+$0xFFFFDCB0 ss:$0x1] =	vst.idx.msk $0xffff, v58  }
0xbb: {  	v60 =	vsel vm10, v21, v5;
	[tilespmem:v1+s25+$0xFFFFDD30 ss:$0x1] =	vst.idx.msk $0xffff, v59  }
0xbc: {  	v61 =	vsel vm10, v22, v6;
	[tilespmem:v1+s25+$0xFFFFDDB0 ss:$0x1] =	vst.idx.msk $0xffff, v60  }
0xbd: {  	v62 =	vsel vm10, v23, v7;
	[tilespmem:v1+s25+$0xFFFFDE30 ss:$0x1] =	vst.idx.msk $0xffff, v61  }
0xbe: {  	v63 =	vsel vm10, v24, v8;
	[tilespmem:v1+s25+$0xFFFFDEB0 ss:$0x1] =	vst.idx.msk $0xffff, v62  }
0xbf: {  	v36 =	vsel vm10, v25, v9;
	[tilespmem:v1+s25+$0xFFFFDF30 ss:$0x1] =	vst.idx.msk $0xffff, v63  }
0xc0: {  	v37 =	vsel vm10, v26, v10;
	[tilespmem:v1+s25+$0xFFFFDFB0 ss:$0x1] =	vst.idx.msk $0xffff, v36  }
0xc1: {  	v38 =	vsel vm10, v27, v11;
	[tilespmem:v1+s25+$0xFFFFFC30 ss:$0x1] =	vst.idx.msk $0xffff, v37  }
0xc2: {  	v39 =	vsel vm10, v28, v12;
	[tilespmem:v1+s25+$0xFFFFFCB0 ss:$0x1] =	vst.idx.msk $0xffff, v38  }
0xc3: {  	v40 =	vsel vm10, v29, v13;
	[tilespmem:v1+s25+$0xFFFFFD30 ss:$0x1] =	vst.idx.msk $0xffff, v39  }
0xc4: {  	v41 =	vsel vm10, v30, v14;
	[tilespmem:v1+s25+$0xFFFFFDB0 ss:$0x1] =	vst.idx.msk $0xffff, v40  }
0xc5: {  	v42 =	vsel vm10, v31, v15;
	[tilespmem:v1+s25+$0xFFFFFE30 ss:$0x1] =	vst.idx.msk $0xffff, v41  }
0xc6: {  	v43 =	vsel vm10, v32, v16;
	[tilespmem:v1+s25+$0xFFFFFEB0 ss:$0x1] =	vst.idx.msk $0xffff, v42  }
0xc7: {  	v44 =	vsel vm10, v33, v17;
	[tilespmem:v1+s25+$0xFFFFFF30 ss:$0x1] =	vst.idx.msk $0xffff, v43  }
0xc8: {  	[tilespmem:v1+s25+$0xFFFFFFB0 ss:$0x1] =	vst.idx.msk $0xffff, v44  }
0xc9: {  	v34 =	vld [tilespmem:s24+$0xFFFFFFF0];
	_ =	sdelay $0x4  }
0xca: {  	vm11 =	veq.s32 v34, v0  }
0xcb: {  	v34 =	vsel vm11, v18, v2  }
0xcc: {  	v45 =	vsel vm11, v19, v3;
	[tilespmem:v1+s25+$0xFFFFDC40 ss:$0x1] =	vst.idx.msk $0xffff, v34  }
0xcd: {  	v46 =	vsel vm11, v20, v4;
	[tilespmem:v1+s25+$0xFFFFDCC0 ss:$0x1] =	vst.idx.msk $0xffff, v45  }
0xce: {  	v47 =	vsel vm11, v21, v5;
	[tilespmem:v1+s25+$0xFFFFDD40 ss:$0x1] =	vst.idx.msk $0xffff, v46  }
0xcf: {  	v48 =	vsel vm11, v22, v6;
	[tilespmem:v1+s25+$0xFFFFDDC0 ss:$0x1] =	vst.idx.msk $0xffff, v47  }
0xd0: {  	v49 =	vsel vm11, v23, v7;
	[tilespmem:v1+s25+$0xFFFFDE40 ss:$0x1] =	vst.idx.msk $0xffff, v48  }
0xd1: {  	v50 =	vsel vm11, v24, v8;
	[tilespmem:v1+s25+$0xFFFFDEC0 ss:$0x1] =	vst.idx.msk $0xffff, v49  }
0xd2: {  	v51 =	vsel vm11, v25, v9;
	[tilespmem:v1+s25+$0xFFFFDF40 ss:$0x1] =	vst.idx.msk $0xffff, v50  }
0xd3: {  	v52 =	vsel vm11, v26, v10;
	[tilespmem:v1+s25+$0xFFFFDFC0 ss:$0x1] =	vst.idx.msk $0xffff, v51  }
0xd4: {  	v53 =	vsel vm11, v27, v11;
	[tilespmem:v1+s25+$0xFFFFFC40 ss:$0x1] =	vst.idx.msk $0xffff, v52  }
0xd5: {  	v54 =	vsel vm11, v28, v12;
	[tilespmem:v1+s25+$0xFFFFFCC0 ss:$0x1] =	vst.idx.msk $0xffff, v53  }
0xd6: {  	v55 =	vsel vm11, v29, v13;
	[tilespmem:v1+s25+$0xFFFFFD40 ss:$0x1] =	vst.idx.msk $0xffff, v54  }
0xd7: {  	v56 =	vsel vm11, v30, v14;
	[tilespmem:v1+s25+$0xFFFFFDC0 ss:$0x1] =	vst.idx.msk $0xffff, v55  }
0xd8: {  	v57 =	vsel vm11, v31, v15;
	[tilespmem:v1+s25+$0xFFFFFE40 ss:$0x1] =	vst.idx.msk $0xffff, v56  }
0xd9: {  	v58 =	vsel vm11, v32, v16;
	[tilespmem:v1+s25+$0xFFFFFEC0 ss:$0x1] =	vst.idx.msk $0xffff, v57  }
0xda: {  	v59 =	vsel vm11, v33, v17;
	[tilespmem:v1+s25+$0xFFFFFF40 ss:$0x1] =	vst.idx.msk $0xffff, v58  }
0xdb: {  	[tilespmem:v1+s25+$0xFFFFFFC0 ss:$0x1] =	vst.idx.msk $0xffff, v59  }
0xdc: {  	v34 =	vld [tilespmem:s24+$0x0];
	_ =	sdelay $0x4  }
0xdd: {  	vm12 =	veq.s32 v34, v0  }
0xde: {  	v34 =	vsel vm12, v18, v2  }
0xdf: {  	v60 =	vsel vm12, v19, v3;
	[tilespmem:v1+s25+$0xFFFFDC50 ss:$0x1] =	vst.idx.msk $0xffff, v34  }
0xe0: {  	v61 =	vsel vm12, v20, v4;
	[tilespmem:v1+s25+$0xFFFFDCD0 ss:$0x1] =	vst.idx.msk $0xffff, v60  }
0xe1: {  	v62 =	vsel vm12, v21, v5;
	[tilespmem:v1+s25+$0xFFFFDD50 ss:$0x1] =	vst.idx.msk $0xffff, v61  }
0xe2: {  	v63 =	vsel vm12, v22, v6;
	[tilespmem:v1+s25+$0xFFFFDDD0 ss:$0x1] =	vst.idx.msk $0xffff, v62  }
0xe3: {  	v36 =	vsel vm12, v23, v7;
	[tilespmem:v1+s25+$0xFFFFDE50 ss:$0x1] =	vst.idx.msk $0xffff, v63  }
0xe4: {  	v37 =	vsel vm12, v24, v8;
	[tilespmem:v1+s25+$0xFFFFDED0 ss:$0x1] =	vst.idx.msk $0xffff, v36  }
0xe5: {  	v38 =	vsel vm12, v25, v9;
	[tilespmem:v1+s25+$0xFFFFDF50 ss:$0x1] =	vst.idx.msk $0xffff, v37  }
0xe6: {  	v39 =	vsel vm12, v26, v10;
	[tilespmem:v1+s25+$0xFFFFDFD0 ss:$0x1] =	vst.idx.msk $0xffff, v38  }
0xe7: {  	v40 =	vsel vm12, v27, v11;
	[tilespmem:v1+s25+$0xFFFFFC50 ss:$0x1] =	vst.idx.msk $0xffff, v39  }
0xe8: {  	v41 =	vsel vm12, v28, v12;
	[tilespmem:v1+s25+$0xFFFFFCD0 ss:$0x1] =	vst.idx.msk $0xffff, v40  }
0xe9: {  	v42 =	vsel vm12, v29, v13;
	[tilespmem:v1+s25+$0xFFFFFD50 ss:$0x1] =	vst.idx.msk $0xffff, v41  }
0xea: {  	v43 =	vsel vm12, v30, v14;
	[tilespmem:v1+s25+$0xFFFFFDD0 ss:$0x1] =	vst.idx.msk $0xffff, v42  }
0xeb: {  	v44 =	vsel vm12, v31, v15;
	[tilespmem:v1+s25+$0xFFFFFE50 ss:$0x1] =	vst.idx.msk $0xffff, v43  }
0xec: {  	v45 =	vsel vm12, v32, v16;
	[tilespmem:v1+s25+$0xFFFFFED0 ss:$0x1] =	vst.idx.msk $0xffff, v44  }
0xed: {  	v46 =	vsel vm12, v33, v17;
	[tilespmem:v1+s25+$0xFFFFFF50 ss:$0x1] =	vst.idx.msk $0xffff, v45  }
0xee: {  	[tilespmem:v1+s25+$0xFFFFFFD0 ss:$0x1] =	vst.idx.msk $0xffff, v46  }
0xef: {  	v34 =	vld [tilespmem:s24+$0x10];
	_ =	sdelay $0x4  }
0xf0: {  	vm13 =	veq.s32 v34, v0  }
0xf1: {  	v34 =	vsel vm13, v18, v2  }
0xf2: {  	v47 =	vsel vm13, v19, v3;
	[tilespmem:v1+s25+$0xFFFFDC60 ss:$0x1] =	vst.idx.msk $0xffff, v34  }
0xf3: {  	v48 =	vsel vm13, v20, v4;
	[tilespmem:v1+s25+$0xFFFFDCE0 ss:$0x1] =	vst.idx.msk $0xffff, v47  }
0xf4: {  	v49 =	vsel vm13, v21, v5;
	[tilespmem:v1+s25+$0xFFFFDD60 ss:$0x1] =	vst.idx.msk $0xffff, v48  }
0xf5: {  	v50 =	vsel vm13, v22, v6;
	[tilespmem:v1+s25+$0xFFFFDDE0 ss:$0x1] =	vst.idx.msk $0xffff, v49  }
0xf6: {  	v51 =	vsel vm13, v23, v7;
	[tilespmem:v1+s25+$0xFFFFDE60 ss:$0x1] =	vst.idx.msk $0xffff, v50  }
0xf7: {  	v52 =	vsel vm13, v24, v8;
	[tilespmem:v1+s25+$0xFFFFDEE0 ss:$0x1] =	vst.idx.msk $0xffff, v51  }
0xf8: {  	v53 =	vsel vm13, v25, v9;
	[tilespmem:v1+s25+$0xFFFFDF60 ss:$0x1] =	vst.idx.msk $0xffff, v52  }
0xf9: {  	v54 =	vsel vm13, v26, v10;
	[tilespmem:v1+s25+$0xFFFFDFE0 ss:$0x1] =	vst.idx.msk $0xffff, v53  }
0xfa: {  	v55 =	vsel vm13, v27, v11;
	[tilespmem:v1+s25+$0xFFFFFC60 ss:$0x1] =	vst.idx.msk $0xffff, v54  }
0xfb: {  	v56 =	vsel vm13, v28, v12;
	[tilespmem:v1+s25+$0xFFFFFCE0 ss:$0x1] =	vst.idx.msk $0xffff, v55  }
0xfc: {  	v57 =	vsel vm13, v29, v13;
	[tilespmem:v1+s25+$0xFFFFFD60 ss:$0x1] =	vst.idx.msk $0xffff, v56  }
0xfd: {  	v58 =	vsel vm13, v30, v14;
	[tilespmem:v1+s25+$0xFFFFFDE0 ss:$0x1] =	vst.idx.msk $0xffff, v57  }
0xfe: {  	v59 =	vsel vm13, v31, v15;
	[tilespmem:v1+s25+$0xFFFFFE60 ss:$0x1] =	vst.idx.msk $0xffff, v58  }
0xff: {  	v60 =	vsel vm13, v32, v16;
	[tilespmem:v1+s25+$0xFFFFFEE0 ss:$0x1] =	vst.idx.msk $0xffff, v59  }
0x100: {  	v61 =	vsel vm13, v33, v17;
	[tilespmem:v1+s25+$0xFFFFFF60 ss:$0x1] =	vst.idx.msk $0xffff, v60  }
0x101: {  	[tilespmem:v1+s25+$0xFFFFFFE0 ss:$0x1] =	vst.idx.msk $0xffff, v61  }
0x102: {  	v34 =	vld [tilespmem:s24+$0x20];
	_ =	sdelay $0x4  }
0x103: {  	vm14 =	veq.s32 v34, v0  }
0x104: {  	v34 =	vsel vm14, v18, v2  }
0x105: {  	v62 =	vsel vm14, v19, v3;
	[tilespmem:v1+s25+$0xFFFFDC70 ss:$0x1] =	vst.idx.msk $0xffff, v34  }
0x106: {  	v63 =	vsel vm14, v20, v4;
	[tilespmem:v1+s25+$0xFFFFDCF0 ss:$0x1] =	vst.idx.msk $0xffff, v62  }
0x107: {  	v36 =	vsel vm14, v21, v5;
	[tilespmem:v1+s25+$0xFFFFDD70 ss:$0x1] =	vst.idx.msk $0xffff, v63  }
0x108: {  	v37 =	vsel vm14, v22, v6;
	[tilespmem:v1+s25+$0xFFFFDDF0 ss:$0x1] =	vst.idx.msk $0xffff, v36  }
0x109: {  	v38 =	vsel vm14, v23, v7;
	[tilespmem:v1+s25+$0xFFFFDE70 ss:$0x1] =	vst.idx.msk $0xffff, v37  }
0x10a: {  	v39 =	vsel vm14, v24, v8;
	[tilespmem:v1+s25+$0xFFFFDEF0 ss:$0x1] =	vst.idx.msk $0xffff, v38  }
0x10b: {  	v40 =	vsel vm14, v25, v9;
	[tilespmem:v1+s25+$0xFFFFDF70 ss:$0x1] =	vst.idx.msk $0xffff, v39  }
0x10c: {  	v41 =	vsel vm14, v26, v10;
	[tilespmem:v1+s25+$0xFFFFDFF0 ss:$0x1] =	vst.idx.msk $0xffff, v40  }
0x10d: {  	v42 =	vsel vm14, v27, v11;
	[tilespmem:v1+s25+$0xFFFFFC70 ss:$0x1] =	vst.idx.msk $0xffff, v41  }
0x10e: {  	v43 =	vsel vm14, v28, v12;
	[tilespmem:v1+s25+$0xFFFFFCF0 ss:$0x1] =	vst.idx.msk $0xffff, v42  }
0x10f: {  	v44 =	vsel vm14, v29, v13;
	[tilespmem:v1+s25+$0xFFFFFD70 ss:$0x1] =	vst.idx.msk $0xffff, v43  }
0x110: {  	v45 =	vsel vm14, v30, v14;
	[tilespmem:v1+s25+$0xFFFFFDF0 ss:$0x1] =	vst.idx.msk $0xffff, v44  }
0x111: {  	v46 =	vsel vm14, v31, v15;
	[tilespmem:v1+s25+$0xFFFFFE70 ss:$0x1] =	vst.idx.msk $0xffff, v45  }
0x112: {  	v47 =	vsel vm14, v32, v16;
	[tilespmem:v1+s25+$0xFFFFFEF0 ss:$0x1] =	vst.idx.msk $0xffff, v46  }
0x113: {  	v48 =	vsel vm14, v33, v17;
	[tilespmem:v1+s25+$0xFFFFFF70 ss:$0x1] =	vst.idx.msk $0xffff, v47  }
0x114: {  	[tilespmem:v1+s25+$0xFFFFFFF0 ss:$0x1] =	vst.idx.msk $0xffff, v48  }
0x115: {  	v34 =	vld [tilespmem:s24+$0x30];
	_ =	sdelay $0x4  }
0x116: {  	vm15 =	veq.s32 v34, v0  }
0x117: {  	v34 =	vsel vm15, v18, v2  }
0x118: {  	v49 =	vsel vm15, v19, v3;
	[tilespmem:v1+s25+$0xFFFFDC80 ss:$0x1] =	vst.idx.msk $0xffff, v34  }
0x119: {  	v50 =	vsel vm15, v20, v4;
	[tilespmem:v1+s25+$0xFFFFDD00 ss:$0x1] =	vst.idx.msk $0xffff, v49  }
0x11a: {  	v51 =	vsel vm15, v21, v5;
	[tilespmem:v1+s25+$0xFFFFDD80 ss:$0x1] =	vst.idx.msk $0xffff, v50  }
0x11b: {  	v52 =	vsel vm15, v22, v6;
	[tilespmem:v1+s25+$0xFFFFDE00 ss:$0x1] =	vst.idx.msk $0xffff, v51  }
0x11c: {  	v53 =	vsel vm15, v23, v7;
	[tilespmem:v1+s25+$0xFFFFDE80 ss:$0x1] =	vst.idx.msk $0xffff, v52  }
0x11d: {  	v54 =	vsel vm15, v24, v8;
	[tilespmem:v1+s25+$0xFFFFDF00 ss:$0x1] =	vst.idx.msk $0xffff, v53  }
0x11e: {  	v55 =	vsel vm15, v25, v9;
	[tilespmem:v1+s25+$0xFFFFDF80 ss:$0x1] =	vst.idx.msk $0xffff, v54  }
0x11f: {  	v56 =	vsel vm15, v26, v10;
	[tilespmem:v1+s25+$0xFFFFE000 ss:$0x1] =	vst.idx.msk $0xffff, v55  }
0x120: {  	v57 =	vsel vm15, v27, v11;
	[tilespmem:v1+s25+$0xFFFFFC80 ss:$0x1] =	vst.idx.msk $0xffff, v56  }
0x121: {  	s23 =	sadd.s32 $0x8, s23;
	v58 =	vsel vm15, v28, v12;
	[tilespmem:v1+s25+$0xFFFFFD00 ss:$0x1] =	vst.idx.msk $0xffff, v57  }
0x122: {  	p1 =	slt.u32 s23, $0x38;
	v59 =	vsel vm15, v29, v13;
	[tilespmem:v1+s25+$0xFFFFFD80 ss:$0x1] =	vst.idx.msk $0xffff, v58  }
.Ltmp5:
0x123: {  	v60 =	vsel vm15, v30, v14;
	[tilespmem:v1+s25+$0xFFFFFE00 ss:$0x1] =	vst.idx.msk $0xffff, v59;
	(pc) =	sbr.rel @p1 .LBB2_4-.Ltmp5, $4  }
0x124: {  	v61 =	vsel vm15, v31, v15;
	[tilespmem:v1+s25+$0xFFFFFE80 ss:$0x1] =	vst.idx.msk $0xffff, v60  }
0x125: {  	v62 =	vsel vm15, v32, v16;
	[tilespmem:v1+s25+$0xFFFFFF00 ss:$0x1] =	vst.idx.msk $0xffff, v61  }
0x126: {  	v63 =	vsel vm15, v33, v17;
	[tilespmem:v1+s25+$0xFFFFFF80 ss:$0x1] =	vst.idx.msk $0xffff, v62  }
0x127: {  	s24 =	sadd.s32 $0x80, s24;
	[tilespmem:v1+s25+$0x0 ss:$0x1] =	vst.idx.msk $0xffff, v63;
	s25 =	sadd.s32 $0x400, s25  }
0x128: {  	v2 =	vld [tilespmem:$0x980]  }
0x129: {  	v3 =	vld [tilespmem:$0x990]  }
0x12a: {  	v4 =	vld [tilespmem:$0x9A0]  }
0x12b: {  	v5 =	vld [tilespmem:$0x9B0]  }
0x12c: {  	v6 =	vld [tilespmem:$0x9C0]  }
0x12d: {  	v7 =	vld [tilespmem:$0x9D0]  }
0x12e: {  	v8 =	vld [tilespmem:$0x9E0]  }
0x12f: {  	v9 =	vld [tilespmem:$0x9F0]  }
0x130: {  	v10 =	vld [tilespmem:$0xA00]  }
0x131: {  	v11 =	vld [tilespmem:$0xA10]  }
0x132: {  	v12 =	vld [tilespmem:$0xA20]  }
0x133: {  	v13 =	vld [tilespmem:$0xA30]  }
0x134: {  	v14 =	vld [tilespmem:$0xA40]  }
0x135: {  	v15 =	vld [tilespmem:$0xA50]  }
0x136: {  	v16 =	vld [tilespmem:$0xA60]  }
0x137: {  	v17 =	vld [tilespmem:$0xA70]  }
0x138: {  	v18 =	vld [tilespmem:$0xB80]  }
0x139: {  	v19 =	vld [tilespmem:$0xB90]  }
0x13a: {  	v20 =	vld [tilespmem:$0xBA0]  }
0x13b: {  	v21 =	vld [tilespmem:$0xBB0]  }
0x13c: {  	v22 =	vld [tilespmem:$0xBC0]  }
0x13d: {  	v23 =	vld [tilespmem:$0xBD0]  }
0x13e: {  	v24 =	vld [tilespmem:$0xBE0]  }
0x13f: {  	v25 =	vld [tilespmem:$0xBF0]  }
0x140: {  	v26 =	vld [tilespmem:$0xC00]  }
0x141: {  	v27 =	vld [tilespmem:$0xC10]  }
0x142: {  	v28 =	vld [tilespmem:$0xC20]  }
0x143: {  	v29 =	vld [tilespmem:$0xC30]  }
0x144: {  	v30 =	vld [tilespmem:$0xC40]  }
0x145: {  	v31 =	vld [tilespmem:$0xC50]  }
0x146: {  	v32 =	vld [tilespmem:$0xC60]  }
0x147: {  	s23 =	simm.s32 $0xFFFFFFF8;
	v33 =	vld [tilespmem:$0xC70];
	s24 =	smov.u32 s18  }
.LBB2_6:
0x148: {  	v34 =	vld [tilespmem:s21+$0xFFFFFFC0];
	_ =	sdelay $0x4  }
0x149: {  	vm0 =	veq.s32 v34, v0  }
0x14a: {  	v34 =	vsel vm0, v18, v2  }
0x14b: {  	v56 =	vsel vm0, v19, v3;
	[tilespmem:v1+s24+$0xFFFFDC10 ss:$0x1] =	vst.idx.msk $0xffff, v34  }
0x14c: {  	v57 =	vsel vm0, v20, v4;
	[tilespmem:v1+s24+$0xFFFFDC90 ss:$0x1] =	vst.idx.msk $0xffff, v56  }
0x14d: {  	v58 =	vsel vm0, v21, v5;
	[tilespmem:v1+s24+$0xFFFFDD10 ss:$0x1] =	vst.idx.msk $0xffff, v57  }
0x14e: {  	v59 =	vsel vm0, v22, v6;
	[tilespmem:v1+s24+$0xFFFFDD90 ss:$0x1] =	vst.idx.msk $0xffff, v58  }
0x14f: {  	v60 =	vsel vm0, v23, v7;
	[tilespmem:v1+s24+$0xFFFFDE10 ss:$0x1] =	vst.idx.msk $0xffff, v59  }
0x150: {  	v61 =	vsel vm0, v24, v8;
	[tilespmem:v1+s24+$0xFFFFDE90 ss:$0x1] =	vst.idx.msk $0xffff, v60  }
0x151: {  	v62 =	vsel vm0, v25, v9;
	[tilespmem:v1+s24+$0xFFFFDF10 ss:$0x1] =	vst.idx.msk $0xffff, v61  }
0x152: {  	v63 =	vsel vm0, v26, v10;
	[tilespmem:v1+s24+$0xFFFFDF90 ss:$0x1] =	vst.idx.msk $0xffff, v62  }
0x153: {  	v36 =	vsel vm0, v27, v11;
	[tilespmem:v1+s24+$0xFFFFFC10 ss:$0x1] =	vst.idx.msk $0xffff, v63  }
0x154: {  	v37 =	vsel vm0, v28, v12;
	[tilespmem:v1+s24+$0xFFFFFC90 ss:$0x1] =	vst.idx.msk $0xffff, v36  }
0x155: {  	v38 =	vsel vm0, v29, v13;
	[tilespmem:v1+s24+$0xFFFFFD10 ss:$0x1] =	vst.idx.msk $0xffff, v37  }
0x156: {  	v39 =	vsel vm0, v30, v14;
	[tilespmem:v1+s24+$0xFFFFFD90 ss:$0x1] =	vst.idx.msk $0xffff, v38  }
0x157: {  	v40 =	vsel vm0, v31, v15;
	[tilespmem:v1+s24+$0xFFFFFE10 ss:$0x1] =	vst.idx.msk $0xffff, v39  }
0x158: {  	v41 =	vsel vm0, v32, v16;
	[tilespmem:v1+s24+$0xFFFFFE90 ss:$0x1] =	vst.idx.msk $0xffff, v40  }
0x159: {  	v42 =	vsel vm0, v33, v17;
	[tilespmem:v1+s24+$0xFFFFFF10 ss:$0x1] =	vst.idx.msk $0xffff, v41  }
0x15a: {  	[tilespmem:v1+s24+$0xFFFFFF90 ss:$0x1] =	vst.idx.msk $0xffff, v42  }
0x15b: {  	v34 =	vld [tilespmem:s21+$0xFFFFFFD0];
	_ =	sdelay $0x4  }
0x15c: {  	vm9 =	veq.s32 v34, v0  }
0x15d: {  	v34 =	vsel vm9, v18, v2  }
0x15e: {  	v43 =	vsel vm9, v19, v3;
	[tilespmem:v1+s24+$0xFFFFDC20 ss:$0x1] =	vst.idx.msk $0xffff, v34  }
0x15f: {  	v44 =	vsel vm9, v20, v4;
	[tilespmem:v1+s24+$0xFFFFDCA0 ss:$0x1] =	vst.idx.msk $0xffff, v43  }
0x160: {  	v45 =	vsel vm9, v21, v5;
	[tilespmem:v1+s24+$0xFFFFDD20 ss:$0x1] =	vst.idx.msk $0xffff, v44  }
0x161: {  	v46 =	vsel vm9, v22, v6;
	[tilespmem:v1+s24+$0xFFFFDDA0 ss:$0x1] =	vst.idx.msk $0xffff, v45  }
0x162: {  	v47 =	vsel vm9, v23, v7;
	[tilespmem:v1+s24+$0xFFFFDE20 ss:$0x1] =	vst.idx.msk $0xffff, v46  }
0x163: {  	v48 =	vsel vm9, v24, v8;
	[tilespmem:v1+s24+$0xFFFFDEA0 ss:$0x1] =	vst.idx.msk $0xffff, v47  }
0x164: {  	v49 =	vsel vm9, v25, v9;
	[tilespmem:v1+s24+$0xFFFFDF20 ss:$0x1] =	vst.idx.msk $0xffff, v48  }
0x165: {  	v50 =	vsel vm9, v26, v10;
	[tilespmem:v1+s24+$0xFFFFDFA0 ss:$0x1] =	vst.idx.msk $0xffff, v49  }
0x166: {  	v51 =	vsel vm9, v27, v11;
	[tilespmem:v1+s24+$0xFFFFFC20 ss:$0x1] =	vst.idx.msk $0xffff, v50  }
0x167: {  	v52 =	vsel vm9, v28, v12;
	[tilespmem:v1+s24+$0xFFFFFCA0 ss:$0x1] =	vst.idx.msk $0xffff, v51  }
0x168: {  	v53 =	vsel vm9, v29, v13;
	[tilespmem:v1+s24+$0xFFFFFD20 ss:$0x1] =	vst.idx.msk $0xffff, v52  }
0x169: {  	v54 =	vsel vm9, v30, v14;
	[tilespmem:v1+s24+$0xFFFFFDA0 ss:$0x1] =	vst.idx.msk $0xffff, v53  }
0x16a: {  	v55 =	vsel vm9, v31, v15;
	[tilespmem:v1+s24+$0xFFFFFE20 ss:$0x1] =	vst.idx.msk $0xffff, v54  }
0x16b: {  	v56 =	vsel vm9, v32, v16;
	[tilespmem:v1+s24+$0xFFFFFEA0 ss:$0x1] =	vst.idx.msk $0xffff, v55  }
0x16c: {  	v57 =	vsel vm9, v33, v17;
	[tilespmem:v1+s24+$0xFFFFFF20 ss:$0x1] =	vst.idx.msk $0xffff, v56  }
0x16d: {  	[tilespmem:v1+s24+$0xFFFFFFA0 ss:$0x1] =	vst.idx.msk $0xffff, v57  }
0x16e: {  	v34 =	vld [tilespmem:s21+$0xFFFFFFE0];
	_ =	sdelay $0x4  }
0x16f: {  	vm10 =	veq.s32 v34, v0  }
0x170: {  	v34 =	vsel vm10, v18, v2  }
0x171: {  	v58 =	vsel vm10, v19, v3;
	[tilespmem:v1+s24+$0xFFFFDC30 ss:$0x1] =	vst.idx.msk $0xffff, v34  }
0x172: {  	v59 =	vsel vm10, v20, v4;
	[tilespmem:v1+s24+$0xFFFFDCB0 ss:$0x1] =	vst.idx.msk $0xffff, v58  }
0x173: {  	v60 =	vsel vm10, v21, v5;
	[tilespmem:v1+s24+$0xFFFFDD30 ss:$0x1] =	vst.idx.msk $0xffff, v59  }
0x174: {  	v61 =	vsel vm10, v22, v6;
	[tilespmem:v1+s24+$0xFFFFDDB0 ss:$0x1] =	vst.idx.msk $0xffff, v60  }
0x175: {  	v62 =	vsel vm10, v23, v7;
	[tilespmem:v1+s24+$0xFFFFDE30 ss:$0x1] =	vst.idx.msk $0xffff, v61  }
0x176: {  	v63 =	vsel vm10, v24, v8;
	[tilespmem:v1+s24+$0xFFFFDEB0 ss:$0x1] =	vst.idx.msk $0xffff, v62  }
0x177: {  	v36 =	vsel vm10, v25, v9;
	[tilespmem:v1+s24+$0xFFFFDF30 ss:$0x1] =	vst.idx.msk $0xffff, v63  }
0x178: {  	v37 =	vsel vm10, v26, v10;
	[tilespmem:v1+s24+$0xFFFFDFB0 ss:$0x1] =	vst.idx.msk $0xffff, v36  }
0x179: {  	v38 =	vsel vm10, v27, v11;
	[tilespmem:v1+s24+$0xFFFFFC30 ss:$0x1] =	vst.idx.msk $0xffff, v37  }
0x17a: {  	v39 =	vsel vm10, v28, v12;
	[tilespmem:v1+s24+$0xFFFFFCB0 ss:$0x1] =	vst.idx.msk $0xffff, v38  }
0x17b: {  	v40 =	vsel vm10, v29, v13;
	[tilespmem:v1+s24+$0xFFFFFD30 ss:$0x1] =	vst.idx.msk $0xffff, v39  }
0x17c: {  	v41 =	vsel vm10, v30, v14;
	[tilespmem:v1+s24+$0xFFFFFDB0 ss:$0x1] =	vst.idx.msk $0xffff, v40  }
0x17d: {  	v42 =	vsel vm10, v31, v15;
	[tilespmem:v1+s24+$0xFFFFFE30 ss:$0x1] =	vst.idx.msk $0xffff, v41  }
0x17e: {  	v43 =	vsel vm10, v32, v16;
	[tilespmem:v1+s24+$0xFFFFFEB0 ss:$0x1] =	vst.idx.msk $0xffff, v42  }
0x17f: {  	v44 =	vsel vm10, v33, v17;
	[tilespmem:v1+s24+$0xFFFFFF30 ss:$0x1] =	vst.idx.msk $0xffff, v43  }
0x180: {  	[tilespmem:v1+s24+$0xFFFFFFB0 ss:$0x1] =	vst.idx.msk $0xffff, v44  }
0x181: {  	v34 =	vld [tilespmem:s21+$0xFFFFFFF0];
	_ =	sdelay $0x4  }
0x182: {  	vm11 =	veq.s32 v34, v0  }
0x183: {  	v34 =	vsel vm11, v18, v2  }
0x184: {  	v45 =	vsel vm11, v19, v3;
	[tilespmem:v1+s24+$0xFFFFDC40 ss:$0x1] =	vst.idx.msk $0xffff, v34  }
0x185: {  	v46 =	vsel vm11, v20, v4;
	[tilespmem:v1+s24+$0xFFFFDCC0 ss:$0x1] =	vst.idx.msk $0xffff, v45  }
0x186: {  	v47 =	vsel vm11, v21, v5;
	[tilespmem:v1+s24+$0xFFFFDD40 ss:$0x1] =	vst.idx.msk $0xffff, v46  }
0x187: {  	v48 =	vsel vm11, v22, v6;
	[tilespmem:v1+s24+$0xFFFFDDC0 ss:$0x1] =	vst.idx.msk $0xffff, v47  }
0x188: {  	v49 =	vsel vm11, v23, v7;
	[tilespmem:v1+s24+$0xFFFFDE40 ss:$0x1] =	vst.idx.msk $0xffff, v48  }
0x189: {  	v50 =	vsel vm11, v24, v8;
	[tilespmem:v1+s24+$0xFFFFDEC0 ss:$0x1] =	vst.idx.msk $0xffff, v49  }
0x18a: {  	v51 =	vsel vm11, v25, v9;
	[tilespmem:v1+s24+$0xFFFFDF40 ss:$0x1] =	vst.idx.msk $0xffff, v50  }
0x18b: {  	v52 =	vsel vm11, v26, v10;
	[tilespmem:v1+s24+$0xFFFFDFC0 ss:$0x1] =	vst.idx.msk $0xffff, v51  }
0x18c: {  	v53 =	vsel vm11, v27, v11;
	[tilespmem:v1+s24+$0xFFFFFC40 ss:$0x1] =	vst.idx.msk $0xffff, v52  }
0x18d: {  	v54 =	vsel vm11, v28, v12;
	[tilespmem:v1+s24+$0xFFFFFCC0 ss:$0x1] =	vst.idx.msk $0xffff, v53  }
0x18e: {  	v55 =	vsel vm11, v29, v13;
	[tilespmem:v1+s24+$0xFFFFFD40 ss:$0x1] =	vst.idx.msk $0xffff, v54  }
0x18f: {  	v56 =	vsel vm11, v30, v14;
	[tilespmem:v1+s24+$0xFFFFFDC0 ss:$0x1] =	vst.idx.msk $0xffff, v55  }
0x190: {  	v57 =	vsel vm11, v31, v15;
	[tilespmem:v1+s24+$0xFFFFFE40 ss:$0x1] =	vst.idx.msk $0xffff, v56  }
0x191: {  	v58 =	vsel vm11, v32, v16;
	[tilespmem:v1+s24+$0xFFFFFEC0 ss:$0x1] =	vst.idx.msk $0xffff, v57  }
0x192: {  	v59 =	vsel vm11, v33, v17;
	[tilespmem:v1+s24+$0xFFFFFF40 ss:$0x1] =	vst.idx.msk $0xffff, v58  }
0x193: {  	[tilespmem:v1+s24+$0xFFFFFFC0 ss:$0x1] =	vst.idx.msk $0xffff, v59  }
0x194: {  	v34 =	vld [tilespmem:s21+$0x0];
	_ =	sdelay $0x4  }
0x195: {  	vm12 =	veq.s32 v34, v0  }
0x196: {  	v34 =	vsel vm12, v18, v2  }
0x197: {  	v60 =	vsel vm12, v19, v3;
	[tilespmem:v1+s24+$0xFFFFDC50 ss:$0x1] =	vst.idx.msk $0xffff, v34  }
0x198: {  	v61 =	vsel vm12, v20, v4;
	[tilespmem:v1+s24+$0xFFFFDCD0 ss:$0x1] =	vst.idx.msk $0xffff, v60  }
0x199: {  	v62 =	vsel vm12, v21, v5;
	[tilespmem:v1+s24+$0xFFFFDD50 ss:$0x1] =	vst.idx.msk $0xffff, v61  }
0x19a: {  	v63 =	vsel vm12, v22, v6;
	[tilespmem:v1+s24+$0xFFFFDDD0 ss:$0x1] =	vst.idx.msk $0xffff, v62  }
0x19b: {  	v36 =	vsel vm12, v23, v7;
	[tilespmem:v1+s24+$0xFFFFDE50 ss:$0x1] =	vst.idx.msk $0xffff, v63  }
0x19c: {  	v37 =	vsel vm12, v24, v8;
	[tilespmem:v1+s24+$0xFFFFDED0 ss:$0x1] =	vst.idx.msk $0xffff, v36  }
0x19d: {  	v38 =	vsel vm12, v25, v9;
	[tilespmem:v1+s24+$0xFFFFDF50 ss:$0x1] =	vst.idx.msk $0xffff, v37  }
0x19e: {  	v39 =	vsel vm12, v26, v10;
	[tilespmem:v1+s24+$0xFFFFDFD0 ss:$0x1] =	vst.idx.msk $0xffff, v38  }
0x19f: {  	v40 =	vsel vm12, v27, v11;
	[tilespmem:v1+s24+$0xFFFFFC50 ss:$0x1] =	vst.idx.msk $0xffff, v39  }
0x1a0: {  	v41 =	vsel vm12, v28, v12;
	[tilespmem:v1+s24+$0xFFFFFCD0 ss:$0x1] =	vst.idx.msk $0xffff, v40  }
0x1a1: {  	v42 =	vsel vm12, v29, v13;
	[tilespmem:v1+s24+$0xFFFFFD50 ss:$0x1] =	vst.idx.msk $0xffff, v41  }
0x1a2: {  	v43 =	vsel vm12, v30, v14;
	[tilespmem:v1+s24+$0xFFFFFDD0 ss:$0x1] =	vst.idx.msk $0xffff, v42  }
0x1a3: {  	v44 =	vsel vm12, v31, v15;
	[tilespmem:v1+s24+$0xFFFFFE50 ss:$0x1] =	vst.idx.msk $0xffff, v43  }
0x1a4: {  	v45 =	vsel vm12, v32, v16;
	[tilespmem:v1+s24+$0xFFFFFED0 ss:$0x1] =	vst.idx.msk $0xffff, v44  }
0x1a5: {  	v46 =	vsel vm12, v33, v17;
	[tilespmem:v1+s24+$0xFFFFFF50 ss:$0x1] =	vst.idx.msk $0xffff, v45  }
0x1a6: {  	[tilespmem:v1+s24+$0xFFFFFFD0 ss:$0x1] =	vst.idx.msk $0xffff, v46  }
0x1a7: {  	v34 =	vld [tilespmem:s21+$0x10];
	_ =	sdelay $0x4  }
0x1a8: {  	vm13 =	veq.s32 v34, v0  }
0x1a9: {  	v34 =	vsel vm13, v18, v2  }
0x1aa: {  	v47 =	vsel vm13, v19, v3;
	[tilespmem:v1+s24+$0xFFFFDC60 ss:$0x1] =	vst.idx.msk $0xffff, v34  }
0x1ab: {  	v48 =	vsel vm13, v20, v4;
	[tilespmem:v1+s24+$0xFFFFDCE0 ss:$0x1] =	vst.idx.msk $0xffff, v47  }
0x1ac: {  	v49 =	vsel vm13, v21, v5;
	[tilespmem:v1+s24+$0xFFFFDD60 ss:$0x1] =	vst.idx.msk $0xffff, v48  }
0x1ad: {  	v50 =	vsel vm13, v22, v6;
	[tilespmem:v1+s24+$0xFFFFDDE0 ss:$0x1] =	vst.idx.msk $0xffff, v49  }
0x1ae: {  	v51 =	vsel vm13, v23, v7;
	[tilespmem:v1+s24+$0xFFFFDE60 ss:$0x1] =	vst.idx.msk $0xffff, v50  }
0x1af: {  	v52 =	vsel vm13, v24, v8;
	[tilespmem:v1+s24+$0xFFFFDEE0 ss:$0x1] =	vst.idx.msk $0xffff, v51  }
0x1b0: {  	v53 =	vsel vm13, v25, v9;
	[tilespmem:v1+s24+$0xFFFFDF60 ss:$0x1] =	vst.idx.msk $0xffff, v52  }
0x1b1: {  	v54 =	vsel vm13, v26, v10;
	[tilespmem:v1+s24+$0xFFFFDFE0 ss:$0x1] =	vst.idx.msk $0xffff, v53  }
0x1b2: {  	v55 =	vsel vm13, v27, v11;
	[tilespmem:v1+s24+$0xFFFFFC60 ss:$0x1] =	vst.idx.msk $0xffff, v54  }
0x1b3: {  	v56 =	vsel vm13, v28, v12;
	[tilespmem:v1+s24+$0xFFFFFCE0 ss:$0x1] =	vst.idx.msk $0xffff, v55  }
0x1b4: {  	v57 =	vsel vm13, v29, v13;
	[tilespmem:v1+s24+$0xFFFFFD60 ss:$0x1] =	vst.idx.msk $0xffff, v56  }
0x1b5: {  	v58 =	vsel vm13, v30, v14;
	[tilespmem:v1+s24+$0xFFFFFDE0 ss:$0x1] =	vst.idx.msk $0xffff, v57  }
0x1b6: {  	v59 =	vsel vm13, v31, v15;
	[tilespmem:v1+s24+$0xFFFFFE60 ss:$0x1] =	vst.idx.msk $0xffff, v58  }
0x1b7: {  	v60 =	vsel vm13, v32, v16;
	[tilespmem:v1+s24+$0xFFFFFEE0 ss:$0x1] =	vst.idx.msk $0xffff, v59  }
0x1b8: {  	v61 =	vsel vm13, v33, v17;
	[tilespmem:v1+s24+$0xFFFFFF60 ss:$0x1] =	vst.idx.msk $0xffff, v60  }
0x1b9: {  	[tilespmem:v1+s24+$0xFFFFFFE0 ss:$0x1] =	vst.idx.msk $0xffff, v61  }
0x1ba: {  	v34 =	vld [tilespmem:s21+$0x20];
	_ =	sdelay $0x4  }
0x1bb: {  	vm14 =	veq.s32 v34, v0  }
0x1bc: {  	v34 =	vsel vm14, v18, v2  }
0x1bd: {  	v62 =	vsel vm14, v19, v3;
	[tilespmem:v1+s24+$0xFFFFDC70 ss:$0x1] =	vst.idx.msk $0xffff, v34  }
0x1be: {  	v63 =	vsel vm14, v20, v4;
	[tilespmem:v1+s24+$0xFFFFDCF0 ss:$0x1] =	vst.idx.msk $0xffff, v62  }
0x1bf: {  	v36 =	vsel vm14, v21, v5;
	[tilespmem:v1+s24+$0xFFFFDD70 ss:$0x1] =	vst.idx.msk $0xffff, v63  }
0x1c0: {  	v37 =	vsel vm14, v22, v6;
	[tilespmem:v1+s24+$0xFFFFDDF0 ss:$0x1] =	vst.idx.msk $0xffff, v36  }
0x1c1: {  	v38 =	vsel vm14, v23, v7;
	[tilespmem:v1+s24+$0xFFFFDE70 ss:$0x1] =	vst.idx.msk $0xffff, v37  }
0x1c2: {  	v39 =	vsel vm14, v24, v8;
	[tilespmem:v1+s24+$0xFFFFDEF0 ss:$0x1] =	vst.idx.msk $0xffff, v38  }
0x1c3: {  	v40 =	vsel vm14, v25, v9;
	[tilespmem:v1+s24+$0xFFFFDF70 ss:$0x1] =	vst.idx.msk $0xffff, v39  }
0x1c4: {  	v41 =	vsel vm14, v26, v10;
	[tilespmem:v1+s24+$0xFFFFDFF0 ss:$0x1] =	vst.idx.msk $0xffff, v40  }
0x1c5: {  	v42 =	vsel vm14, v27, v11;
	[tilespmem:v1+s24+$0xFFFFFC70 ss:$0x1] =	vst.idx.msk $0xffff, v41  }
0x1c6: {  	v43 =	vsel vm14, v28, v12;
	[tilespmem:v1+s24+$0xFFFFFCF0 ss:$0x1] =	vst.idx.msk $0xffff, v42  }
0x1c7: {  	v44 =	vsel vm14, v29, v13;
	[tilespmem:v1+s24+$0xFFFFFD70 ss:$0x1] =	vst.idx.msk $0xffff, v43  }
0x1c8: {  	v45 =	vsel vm14, v30, v14;
	[tilespmem:v1+s24+$0xFFFFFDF0 ss:$0x1] =	vst.idx.msk $0xffff, v44  }
0x1c9: {  	v46 =	vsel vm14, v31, v15;
	[tilespmem:v1+s24+$0xFFFFFE70 ss:$0x1] =	vst.idx.msk $0xffff, v45  }
0x1ca: {  	v47 =	vsel vm14, v32, v16;
	[tilespmem:v1+s24+$0xFFFFFEF0 ss:$0x1] =	vst.idx.msk $0xffff, v46  }
0x1cb: {  	v48 =	vsel vm14, v33, v17;
	[tilespmem:v1+s24+$0xFFFFFF70 ss:$0x1] =	vst.idx.msk $0xffff, v47  }
0x1cc: {  	[tilespmem:v1+s24+$0xFFFFFFF0 ss:$0x1] =	vst.idx.msk $0xffff, v48  }
0x1cd: {  	v34 =	vld [tilespmem:s21+$0x30];
	_ =	sdelay $0x4  }
0x1ce: {  	vm15 =	veq.s32 v34, v0  }
0x1cf: {  	v34 =	vsel vm15, v18, v2  }
0x1d0: {  	v49 =	vsel vm15, v19, v3;
	[tilespmem:v1+s24+$0xFFFFDC80 ss:$0x1] =	vst.idx.msk $0xffff, v34  }
0x1d1: {  	v50 =	vsel vm15, v20, v4;
	[tilespmem:v1+s24+$0xFFFFDD00 ss:$0x1] =	vst.idx.msk $0xffff, v49  }
0x1d2: {  	v51 =	vsel vm15, v21, v5;
	[tilespmem:v1+s24+$0xFFFFDD80 ss:$0x1] =	vst.idx.msk $0xffff, v50  }
0x1d3: {  	v52 =	vsel vm15, v22, v6;
	[tilespmem:v1+s24+$0xFFFFDE00 ss:$0x1] =	vst.idx.msk $0xffff, v51  }
0x1d4: {  	v53 =	vsel vm15, v23, v7;
	[tilespmem:v1+s24+$0xFFFFDE80 ss:$0x1] =	vst.idx.msk $0xffff, v52  }
0x1d5: {  	v54 =	vsel vm15, v24, v8;
	[tilespmem:v1+s24+$0xFFFFDF00 ss:$0x1] =	vst.idx.msk $0xffff, v53  }
0x1d6: {  	v55 =	vsel vm15, v25, v9;
	[tilespmem:v1+s24+$0xFFFFDF80 ss:$0x1] =	vst.idx.msk $0xffff, v54  }
0x1d7: {  	v56 =	vsel vm15, v26, v10;
	[tilespmem:v1+s24+$0xFFFFE000 ss:$0x1] =	vst.idx.msk $0xffff, v55  }
0x1d8: {  	v57 =	vsel vm15, v27, v11;
	[tilespmem:v1+s24+$0xFFFFFC80 ss:$0x1] =	vst.idx.msk $0xffff, v56  }
0x1d9: {  	s23 =	sadd.s32 $0x8, s23;
	v58 =	vsel vm15, v28, v12;
	[tilespmem:v1+s24+$0xFFFFFD00 ss:$0x1] =	vst.idx.msk $0xffff, v57  }
0x1da: {  	p1 =	slt.u32 s23, $0x38;
	v59 =	vsel vm15, v29, v13;
	[tilespmem:v1+s24+$0xFFFFFD80 ss:$0x1] =	vst.idx.msk $0xffff, v58  }
.Ltmp6:
0x1db: {  	v60 =	vsel vm15, v30, v14;
	[tilespmem:v1+s24+$0xFFFFFE00 ss:$0x1] =	vst.idx.msk $0xffff, v59;
	(pc) =	sbr.rel @p1 .LBB2_6-.Ltmp6, $4  }
0x1dc: {  	v61 =	vsel vm15, v31, v15;
	[tilespmem:v1+s24+$0xFFFFFE80 ss:$0x1] =	vst.idx.msk $0xffff, v60  }
0x1dd: {  	v62 =	vsel vm15, v32, v16;
	[tilespmem:v1+s24+$0xFFFFFF00 ss:$0x1] =	vst.idx.msk $0xffff, v61  }
0x1de: {  	v63 =	vsel vm15, v33, v17;
	[tilespmem:v1+s24+$0xFFFFFF80 ss:$0x1] =	vst.idx.msk $0xffff, v62  }
0x1df: {  	s21 =	sadd.s32 $0x80, s21;
	[tilespmem:v1+s24+$0x0 ss:$0x1] =	vst.idx.msk $0xffff, v63;
	s24 =	sadd.s32 $0x400, s24  }
.Ltmp7:
0x1e0: {  	(pc) =	sbr.rel .LBB2_8-.Ltmp7, $4  }
0x1e1: {  	_ = 	snop  }
0x1e2: {  	s20 =	sshll.u32 s20, $0xC  }
0x1e3: {  	s20 =	sadd.s32 s3, s20  }
0x1e4: {  	[hbm4b:s20+s5] =	stream.linear.scatter [tilespmem:s22], [sflag:$0x1], $0x8000, $0x38;
	[tilespmem:$0x18C80] =	vst v63  }
.LBB2_10:
0x1e5: {  	_ =	sfence.sel $0x180000  }
0x1e6: {  	[bflag:$0x0] =	sbarrier.arrive $0xFFFF  }
0x1e7: {  	p0 =	sne.s32 s4, $0x0;
	_ =	strace $0x90000047  }
0x1e8: {  	s0 =	sadd.s32 @!p0 $0x100000, s0;
	[bflag:$0x2] =	sbarrier.arrive $0xFFFF  }
0x1e9: {  	[sflag:s0] =	ssyncadd.tile.s32 @!p0 $0x1;
	_ =	shalt  }
.Lfunc_end2:
_tile_overlayer_lowered:
.L_overlay_start_2:
0x1ea: {  	(tag) =	ssettag $0x2  }
0x1eb: {  	s0 =	rddreg [dreg:$0x0];
	s2 =	stileid.u32  }
0x1ec: {  	s1 =	rddreg [dreg:$0x1];
	p0 =	sne.s32 s2, $0x0  }
0x1ed: {  	s3 =	rddreg [dreg:$0x2];
	[bflag:$0x3] =	sbarrier.arrive $0xFFFF;
	s2 =	simm.s32 @!p0 $0x1C03  }
0x1ee: {  	[timem:s3], [sflag:s2] =	dma.local @!p0 [hbm:s0], s1  }
0x1ef: {  	s0 =	simm.s32 @!p0 $0x3  }
0x1f0: {  	_ =	swait.ge @!p0 [sflag:s0], s1  }
0x1f1: {  	s1 =	ssub.s32 @!p0 $0x0, s1;
	[sflag:s0] =	ssyncset.done @!p0 $0x0  }
0x1f2: {  	[sflag:s0] =	ssyncadd.s32 @!p0 s1  }
0x1f3: {  	[bflag:$0x3] =	sbarrier.arrive $0xFFFF  }
0x1f4: {  	_ =	shalt  }

</sc_bundles>
